<compile_context>
chip_gen: v7x
topology: tpu7x:2x2x1
jax: 0.10.2.dev20260603
libtpu: 0.0.44.dev20260713+nightly
codegen_flags: <defaults>
</compile_context>

<pallas_src>
import functools

import jax
import jax.numpy as jnp
from jax import lax
from jax.experimental import pallas as pl
from jax.experimental.pallas import tpu as pltpu
from jax.experimental.pallas import tpu_sc as plsc

_N = 10000
_E = 320000
_H = 128
_R = 16
_NC = 2
_NS = 16
_CE = 64
_NCH = 158
_EPT = _NCH * _CE
_EP = _EPT * _NS * _NC
_NROW = 10112
_ROWS_PER_TILE = _NROW // _NS
_ZCH = -(-_ROWS_PER_TILE // _CE)


def _two_mm_relu(xin, w1, b1, w2, b2):
    n = xin.shape[0]
    blk = 2000

    def body(x_ref, w1_ref, b1_ref, w2_ref, b2_ref, o1_ref, o2_ref):
        xb = x_ref[...]
        o1_ref[...] = jnp.maximum(
            jnp.dot(xb, w1_ref[...], preferred_element_type=jnp.float32)
            + b1_ref[...], 0.0)
        o2_ref[...] = jnp.maximum(
            jnp.dot(xb, w2_ref[...], preferred_element_type=jnp.float32)
            + b2_ref[...], 0.0)

    return pl.pallas_call(
        body,
        grid=(n // blk,),
        in_specs=[
            pl.BlockSpec((blk, _H), lambda i: (i, 0)),
            pl.BlockSpec((_H, _H), lambda i: (0, 0)),
            pl.BlockSpec((1, _H), lambda i: (0, 0)),
            pl.BlockSpec((_H, _H), lambda i: (0, 0)),
            pl.BlockSpec((1, _H), lambda i: (0, 0)),
        ],
        out_specs=[pl.BlockSpec((blk, _H), lambda i: (i, 0))] * 2,
        out_shape=[jax.ShapeDtypeStruct((n, _H), jnp.float32)] * 2,
    )(xin, w1, b1.reshape(1, _H), w2, b2.reshape(1, _H))


def _erbf_proj(rbf_p, w, b):
    blk = 4096

    def body(r_ref, w_ref, b_ref, o_ref):
        o_ref[...] = (
            jnp.dot(r_ref[...], w_ref[...], preferred_element_type=jnp.float32)
            + b_ref[...])

    return pl.pallas_call(
        body,
        grid=(_EP // blk,),
        in_specs=[
            pl.BlockSpec((blk, _R), lambda i: (i, 0)),
            pl.BlockSpec((_R, _H), lambda i: (0, 0)),
            pl.BlockSpec((1, _H), lambda i: (0, 0)),
        ],
        out_specs=pl.BlockSpec((blk, _H), lambda i: (i, 0)),
        out_shape=jax.ShapeDtypeStruct((_EP, _H), jnp.float32),
    )(rbf_p, w, b.reshape(1, _H))


def _sc_mesh():
    return plsc.VectorSubcoreMesh(core_axis_name="c", subcore_axis_name="s")


def _fill(buf_v, w, val16):
    @plsc.parallel_loop(0, _CE, step=1, unroll=4)
    def _(i):
        for j in range(w // 16):
            buf_v[i, pl.ds(j * 16, 16)] = val16


def _zero_accum(zbuf, acc_sh, sid):
    for k in range(_ZCH):
        start = jnp.minimum(sid * _ROWS_PER_TILE + k * _CE, _NROW - _CE)
        pltpu.sync_copy(zbuf, acc_sh.at[pl.ds(start, _CE)])


@functools.partial(
    pl.kernel,
    out_type=jax.ShapeDtypeStruct((_NC, _NROW, _H), jnp.float32),
    mesh=_sc_mesh(),
    scratch_types=[
        pltpu.VMEM((_EPT,), jnp.int32),
        pltpu.VMEM((2, _CE), jnp.int32),
        pltpu.VMEM((2, _CE, _H), jnp.float32),
        pltpu.VMEM((2, _CE, _H), jnp.float32),
        pltpu.VMEM_SHARED((_NROW, _H), jnp.float32),
        pltpu.SemaphoreType.DMA,
        pltpu.SemaphoreType.DMA,
        pltpu.SemaphoreType.DMA,
        pltpu.SemaphoreType.DMA,
    ],
)
def _sc_msg_aggr(x1_hbm, src_hbm, dst_hbm, erbf_hbm, out_hbm,
                 idx_s, idx_d, rows, erbf, acc_sh,
                 gsem0, gsem1, ssem0, ssem1):
    cid = lax.axis_index("c")
    sid = lax.axis_index("s")
    gsem = (gsem0, gsem1)
    ssem = (ssem0, ssem1)

    zero16 = jnp.zeros((16,), jnp.float32)
    _fill(rows.at[0], _H, zero16)
    _zero_accum(rows.at[0], acc_sh, sid)
    plsc.subcore_barrier()

    base_t = (cid * _NS + sid) * _EPT
    pltpu.sync_copy(src_hbm.at[pl.ds(base_t, _EPT)], idx_s)

    def start(cc, b):
        pltpu.async_copy(dst_hbm.at[pl.ds(base_t + cc * _CE, _CE)],
                         idx_d.at[b], gsem[b])
        pltpu.async_copy(
            x1_hbm.at[idx_s.at[pl.ds(cc * _CE, _CE)]], rows.at[b], gsem[b])
        pltpu.async_copy(erbf_hbm.at[pl.ds(base_t + cc * _CE, _CE)],
                         erbf.at[b], gsem[b])

    def wait_loads(cc, b):
        pltpu.make_async_copy(dst_hbm.at[pl.ds(base_t + cc * _CE, _CE)],
                              idx_d.at[b], gsem[b]).wait()
        pltpu.make_async_copy(
            x1_hbm.at[idx_s.at[pl.ds(cc * _CE, _CE)]], rows.at[b],
            gsem[b]).wait()
        pltpu.make_async_copy(erbf_hbm.at[pl.ds(base_t + cc * _CE, _CE)],
                              erbf.at[b], gsem[b]).wait()

    def start_scatter(b):
        pltpu.async_copy(rows.at[b], acc_sh.at[idx_d.at[b]], ssem[b],
                         add=True)

    def wait_scatter(b):
        pltpu.make_async_copy(rows.at[b], acc_sh.at[idx_d.at[b]],
                              ssem[b]).wait()

    def mul(b):
        rb = rows.at[b]
        eb = erbf.at[b]

        @plsc.parallel_loop(0, _CE, step=1, unroll=4)
        def _(i):
            for j in range(_H // 16):
                sl = pl.ds(j * 16, 16)
                rb[i, sl] = rb[i, sl] * eb[i, sl]

    start(0, 0)

    @pl.loop(0, _NCH, step=2)
    def _(c):
        for b in range(2):
            cc = c + b
            nb = 1 - b
            wait_loads(cc, b)

            @pl.when(cc > 0)
            def _():
                wait_scatter(nb)

            @pl.when(cc < _NCH - 1)
            def _():
                start(cc + 1, nb)

            mul(b)
            start_scatter(b)

    wait_scatter(1)
    plsc.subcore_barrier()
    start_r = sid * _ROWS_PER_TILE
    pltpu.sync_copy(acc_sh.at[pl.ds(start_r, _ROWS_PER_TILE)],
                    out_hbm.at[cid, pl.ds(start_r, _ROWS_PER_TILE)])


@functools.partial(
    pl.kernel,
    out_type=jax.ShapeDtypeStruct((_NC, _NROW, _H), jnp.float32),
    mesh=_sc_mesh(),
    scratch_types=[
        pltpu.VMEM((_EPT,), jnp.int32),
        pltpu.VMEM((_CE, _H), jnp.float32),
        pltpu.VMEM_SHARED((_NROW, _H), jnp.float32),
        pltpu.SemaphoreType.DMA,
    ],
)
def _sc_count(dst_hbm, out_hbm, idx_d, ones_v, acc_sh, csem):
    cid = lax.axis_index("c")
    sid = lax.axis_index("s")
    _fill(ones_v, _H, jnp.zeros((16,), jnp.float32))
    _zero_accum(ones_v, acc_sh, sid)
    _fill(ones_v, _H, jnp.ones((16,), jnp.float32))
    plsc.subcore_barrier()

    base_t = (cid * _NS + sid) * _EPT
    pltpu.sync_copy(dst_hbm.at[pl.ds(base_t, _EPT)], idx_d)

    @pl.loop(0, _NCH)
    def _(c):
        dsl = idx_d.at[pl.ds(c * _CE, _CE)]
        pltpu.async_copy(ones_v, acc_sh.at[dsl], csem, add=True)
        pltpu.make_async_copy(ones_v, acc_sh.at[dsl], csem).wait()

    plsc.subcore_barrier()

    start = sid * _ROWS_PER_TILE
    pltpu.sync_copy(acc_sh.at[pl.ds(start, _ROWS_PER_TILE)],
                    out_hbm.at[cid, pl.ds(start, _ROWS_PER_TILE)])


def _post(acc, cnt2, x1, x2, d, p):
    blk = 2000

    def body(a_ref, c_ref, x1_ref, x2_ref, d_ref, wl, bl, wr, br, w2, b2,
             wf, bf, o_ref):
        cnt = jnp.maximum(c_ref[0][:, :1] + c_ref[1][:, :1], 1.0)
        mean = (a_ref[0] + a_ref[1]) / cnt
        h1 = (jnp.dot(mean, wl[...], preferred_element_type=jnp.float32)
              + bl[...]
              + jnp.dot(x1_ref[...], wr[...],
                        preferred_element_type=jnp.float32)
              + br[...])
        h1 = jnp.maximum(
            jnp.dot(h1, w2[...], preferred_element_type=jnp.float32) + b2[...],
            0.0)
        h = h1 + x2_ref[...]
        o_ref[...] = (jnp.dot(h, wf[...], preferred_element_type=jnp.float32)
                      + bf[...] + d_ref[...])

    full = lambda i: (0, 0)
    return pl.pallas_call(
        body,
        grid=(_N // blk,),
        in_specs=[
            pl.BlockSpec((_NC, blk, _H), lambda i: (0, i, 0)),
            pl.BlockSpec((_NC, blk, _H), lambda i: (0, i, 0)),
            pl.BlockSpec((blk, _H), lambda i: (i, 0)),
            pl.BlockSpec((blk, _H), lambda i: (i, 0)),
            pl.BlockSpec((blk, _H), lambda i: (i, 0)),
            pl.BlockSpec((_H, _H), full),
            pl.BlockSpec((1, _H), full),
            pl.BlockSpec((_H, _H), full),
            pl.BlockSpec((1, _H), full),
            pl.BlockSpec((_H, _H), full),
            pl.BlockSpec((1, _H), full),
            pl.BlockSpec((_H, _H), full),
            pl.BlockSpec((1, _H), full),
        ],
        out_specs=pl.BlockSpec((blk, _H), lambda i: (i, 0)),
        out_shape=jax.ShapeDtypeStruct((_N, _H), jnp.float32),
    )(acc, cnt2, x1, x2, d,
      p['W_l'], p['b_l'].reshape(1, _H),
      p['W_r'], p['b_r'].reshape(1, _H),
      p['W_rbf2'], p['b_rbf2'].reshape(1, _H),
      p['W_f'], p['b_f'].reshape(1, _H))


def kernel(x, seq_features_v, edge_index, edge_attr, edge_rbf, params):
    del seq_features_v, edge_attr
    src = edge_index[0].astype(jnp.int32)
    dst = edge_index[1].astype(jnp.int32)
    pad = _EP - _E
    src_p = jnp.concatenate([src, jnp.zeros((pad,), jnp.int32)])
    dst_p = jnp.concatenate([dst, jnp.full((pad,), _N, jnp.int32)])
    rbf_p = jnp.concatenate(
        [edge_rbf.astype(jnp.float32), jnp.zeros((pad, _R), jnp.float32)],
        axis=0)

    d1, d = _two_mm_relu(x, params['W_v1'], params['b_v1'],
                         params['W_v2'], params['b_v2'])
    cnt2 = _sc_count(dst_p)
    erbfs = [_erbf_proj(rbf_p, params['blocks'][b]['W_rbf1'],
                        params['blocks'][b]['b_rbf1']) for b in range(2)]
    for b in range(2):
        p = params['blocks'][b]
        x1, x2 = _two_mm_relu(d, p['W_x1'], p['b_x1'],
                              p['W_x2'], p['b_x2'])
        acc = _sc_msg_aggr(x1, src_p, dst_p, erbfs[b])
        d = _post(acc, cnt2, x1, x2, d, p)
    return jnp.concatenate([d1, d], axis=1)

# --- scband reference (transcript-rebuilt; emitter-appended) ---
"""Pipeline reference for scband-drug-conv-17626545783638 (READ-ONLY COPY).

The authoritative reference and input builder live on the scoring server;
editing this copy changes nothing except your own understanding.
"""

import jax, jax.numpy as jnp
import numpy as np

N = 10000
E = 320000
F = 128
H = 128
A = 16
R = 16
NUM_BLOCKS = 2


def _mk_linear(key, din, dout):
    k1, k2 = jax.random.split(key)
    W = jax.random.normal(k1, (din, dout), dtype=jnp.float32) / np.sqrt(din)
    b = jax.random.normal(k2, (dout,), dtype=jnp.float32) * 0.01
    return W, b


def _make_params(key):
    ks = jax.random.split(key, 3)
    params = {}
    params['W_v1'], params['b_v1'] = _mk_linear(ks[0], F, H)
    params['W_v2'], params['b_v2'] = _mk_linear(ks[1], F, H)
    blocks = []
    bkeys = jax.random.split(ks[2], NUM_BLOCKS)
    for i in range(NUM_BLOCKS):
        kk = jax.random.split(bkeys[i], 7)
        p = {}
        p['W_x1'], p['b_x1'] = _mk_linear(kk[0], H, H)
        p['W_x2'], p['b_x2'] = _mk_linear(kk[1], H, H)
        p['W_rbf1'], p['b_rbf1'] = _mk_linear(kk[2], R, H)
        p['W_rbf2'], p['b_rbf2'] = _mk_linear(kk[3], H, H)
        p['W_l'], p['b_l'] = _mk_linear(kk[4], H, H)
        p['W_r'], p['b_r'] = _mk_linear(kk[5], H, H)
        p['W_f'], p['b_f'] = _mk_linear(kk[6], H, H)
        blocks.append(p)
    params['blocks'] = blocks
    return params


def setup_inputs(seed: int = 0) -> dict:
    key = jax.random.key(seed)
    k = jax.random.split(key, 6)
    x = jax.random.normal(k[0], (N, F), dtype=jnp.float32)
    seq_features_v = jax.random.normal(k[1], (N, F), dtype=jnp.float32)
    edge_index = jax.random.randint(k[2], (2, E), 0, N, dtype=jnp.int64)
    edge_attr = jax.random.normal(k[3], (E, A), dtype=jnp.float32)
    edge_rbf = jax.random.normal(k[4], (E, R), dtype=jnp.float32)
    params = _make_params(k[5])
    return {'x': x, 'seq_features_v': seq_features_v, 'edge_index': edge_index,
            'edge_attr': edge_attr, 'edge_rbf': edge_rbf, 'params': params}


def _mean_aggr(msgs, dst, n):
    s = jax.ops.segment_sum(msgs, dst, num_segments=n)
    cnt = jax.ops.segment_sum(jnp.ones((msgs.shape[0], 1), dtype=msgs.dtype), dst, num_segments=n)
    return s / jnp.clip(cnt, 1.0, None)


def _edge_graph_conv(x_in, src, dst, edge_weight, p):
    # message: edge_weight * x_j (Hadamard), aggregate mean at dst, then lin_l + lin_r(x)
    msgs = edge_weight * jnp.take(x_in, src, axis=0)
    out = _mean_aggr(msgs, dst, x_in.shape[0])
    out = out @ p['W_l'] + p['b_l']
    return out + x_in @ p['W_r'] + p['b_r']


def _drug_gnn_block(d, src, dst, edge_rbf, p):
    act = jax.nn.relu
    x1 = act(d @ p['W_x1'] + p['b_x1'])
    x2 = act(d @ p['W_x2'] + p['b_x2'])
    erbf = edge_rbf @ p['W_rbf1'] + p['b_rbf1']
    h1 = _edge_graph_conv(x1, src, dst, erbf, p)
    h1 = act(h1 @ p['W_rbf2'] + p['b_rbf2'])
    # dropout is identity in eval mode
    h = h1 + x2
    return h @ p['W_f'] + p['b_f']


def reference(x, seq_features_v, edge_index, edge_attr, edge_rbf, params):
    act = jax.nn.relu
    src = edge_index[0]
    dst = edge_index[1]
    d_encode1 = act(x @ params['W_v1'] + params['b_v1'])
    d_encode = act(x @ params['W_v2'] + params['b_v2'])
    for b in range(NUM_BLOCKS):
        d_encode = _drug_gnn_block(d_encode, src, dst, edge_rbf, params['blocks'][b]) + d_encode
    return jnp.concatenate([d_encode1, d_encode], axis=1)

if __name__ == "__main__":
    import jax
    _d = setup_inputs()
    print(jax.jit(kernel)(*tuple(_d.values())))

</pallas_src>

<mosaic_0001>
#map = affine_map<(d0, d1) -> (0)>
#map1 = affine_map<(d0, d1) -> (0, 0, 0)>
module attributes {stable_mosaic.version = 14 : i64} {
  func.func @_sc_count(%arg0: i32, %arg1: i32, %arg2: memref<323584xi32, #tpu.memory_space<hbm>>, %arg3: memref<2x10112x128xf32, #tpu.memory_space<hbm>>, %arg4: memref<10112xi32, #tpu.memory_space<vmem>>, %arg5: memref<64x128xf32, #tpu.memory_space<vmem>>, %arg6: memref<10112x128xf32, #tpu.memory_space<vmem_shared>>, %arg7: memref<!tpu.dma_semaphore, #tpu.memory_space<semaphore_mem>>) attributes {dimension_semantics = [#tpu.dimension_semantics<core_parallel>, #tpu.dimension_semantics<subcore_parallel>], iteration_bounds = array<i64: 2, 16>, scalar_prefetch = 0 : i64, scratch_operands = 4 : i64, tpu.core_type = #tpu.core_type<sc_vector_subcore>, window_params = [{transform_indices = #map}, {transform_indices = #map1}]} {
    %broadcast_in_dim3A = arith.constant 0.000000e+00 : f32
    %broadcast_in_dim3A_0 = vector.broadcast %broadcast_in_dim3A : f32 to vector<16xf32>
    %parallel_loop3A = arith.constant 0 : i32
    %parallel_loop3A_1 = arith.constant 64 : i32
    %parallel_loop3A_2 = arith.constant 1 : i32
    scf.for %parallel_loop3A_77 = %parallel_loop3A to %parallel_loop3A_1 step %parallel_loop3A_2  : i32 {
      %parallel_loop3A_78 = arith.index_cast %parallel_loop3A_77 : i32 to index
      %parallel_loop3A_79 = arith.constant 0 : index
      %parallel_loop3A_80 = tpu.vector_load %arg5[%parallel_loop3A_78, %parallel_loop3A_79] {strides = array<i32>} : memref<64x128xf32, #tpu.memory_space<vmem>>, vector<1x16xf32>,
      %parallel_loop3A_81 = vector.shape_cast %parallel_loop3A_80 : vector<1x16xf32> to vector<16xf32>
      %parallel_loop3A_82 = vector.shape_cast %broadcast_in_dim3A_0 : vector<16xf32> to vector<1x16xf32>
      tpu.vector_store %arg5[%parallel_loop3A_78, %parallel_loop3A_79], %parallel_loop3A_82 {strides = array<i32>} : memref<64x128xf32, #tpu.memory_space<vmem>>, vector<1x16xf32>,
      %parallel_loop3A_83 = arith.index_cast %parallel_loop3A_77 : i32 to index
      %parallel_loop3A_84 = arith.constant 16 : index
      %parallel_loop3A_85 = tpu.vector_load %arg5[%parallel_loop3A_83, %parallel_loop3A_84] {strides = array<i32>} : memref<64x128xf32, #tpu.memory_space<vmem>>, vector<1x16xf32>,
      %parallel_loop3A_86 = vector.shape_cast %parallel_loop3A_85 : vector<1x16xf32> to vector<16xf32>
      %parallel_loop3A_87 = vector.shape_cast %broadcast_in_dim3A_0 : vector<16xf32> to vector<1x16xf32>
      tpu.vector_store %arg5[%parallel_loop3A_83, %parallel_loop3A_84], %parallel_loop3A_87 {strides = array<i32>} : memref<64x128xf32, #tpu.memory_space<vmem>>, vector<1x16xf32>,
      %parallel_loop3A_88 = arith.index_cast %parallel_loop3A_77 : i32 to index
      %parallel_loop3A_89 = arith.constant 32 : index
      %parallel_loop3A_90 = tpu.vector_load %arg5[%parallel_loop3A_88, %parallel_loop3A_89] {strides = array<i32>} : memref<64x128xf32, #tpu.memory_space<vmem>>, vector<1x16xf32>,
      %parallel_loop3A_91 = vector.shape_cast %parallel_loop3A_90 : vector<1x16xf32> to vector<16xf32>
      %parallel_loop3A_92 = vector.shape_cast %broadcast_in_dim3A_0 : vector<16xf32> to vector<1x16xf32>
      tpu.vector_store %arg5[%parallel_loop3A_88, %parallel_loop3A_89], %parallel_loop3A_92 {strides = array<i32>} : memref<64x128xf32, #tpu.memory_space<vmem>>, vector<1x16xf32>,
      %parallel_loop3A_93 = arith.index_cast %parallel_loop3A_77 : i32 to index
      %parallel_loop3A_94 = arith.constant 48 : index
      %parallel_loop3A_95 = tpu.vector_load %arg5[%parallel_loop3A_93, %parallel_loop3A_94] {strides = array<i32>} : memref<64x128xf32, #tpu.memory_space<vmem>>, vector<1x16xf32>,
      %parallel_loop3A_96 = vector.shape_cast %parallel_loop3A_95 : vector<1x16xf32> to vector<16xf32>
      %parallel_loop3A_97 = vector.shape_cast %broadcast_in_dim3A_0 : vector<16xf32> to vector<1x16xf32>
      tpu.vector_store %arg5[%parallel_loop3A_93, %parallel_loop3A_94], %parallel_loop3A_97 {strides = array<i32>} : memref<64x128xf32, #tpu.memory_space<vmem>>, vector<1x16xf32>,
      %parallel_loop3A_98 = arith.index_cast %parallel_loop3A_77 : i32 to index
      %parallel_loop3A_99 = arith.constant 64 : index
      %parallel_loop3A_100 = tpu.vector_load %arg5[%parallel_loop3A_98, %parallel_loop3A_99] {strides = array<i32>} : memref<64x128xf32, #tpu.memory_space<vmem>>, vector<1x16xf32>,
      %parallel_loop3A_101 = vector.shape_cast %parallel_loop3A_100 : vector<1x16xf32> to vector<16xf32>
      %parallel_loop3A_102 = vector.shape_cast %broadcast_in_dim3A_0 : vector<16xf32> to vector<1x16xf32>
      tpu.vector_store %arg5[%parallel_loop3A_98, %parallel_loop3A_99], %parallel_loop3A_102 {strides = array<i32>} : memref<64x128xf32, #tpu.memory_space<vmem>>, vector<1x16xf32>,
      %parallel_loop3A_103 = arith.index_cast %parallel_loop3A_77 : i32 to index
      %parallel_loop3A_104 = arith.constant 80 : index
      %parallel_loop3A_105 = tpu.vector_load %arg5[%parallel_loop3A_103, %parallel_loop3A_104] {strides = array<i32>} : memref<64x128xf32, #tpu.memory_space<vmem>>, vector<1x16xf32>,
      %parallel_loop3A_106 = vector.shape_cast %parallel_loop3A_105 : vector<1x16xf32> to vector<16xf32>
      %parallel_loop3A_107 = vector.shape_cast %broadcast_in_dim3A_0 : vector<16xf32> to vector<1x16xf32>
      tpu.vector_store %arg5[%parallel_loop3A_103, %parallel_loop3A_104], %parallel_loop3A_107 {strides = array<i32>} : memref<64x128xf32, #tpu.memory_space<vmem>>, vector<1x16xf32>,
      %parallel_loop3A_108 = arith.index_cast %parallel_loop3A_77 : i32 to index
      %parallel_loop3A_109 = arith.constant 96 : index
      %parallel_loop3A_110 = tpu.vector_load %arg5[%parallel_loop3A_108, %parallel_loop3A_109] {strides = array<i32>} : memref<64x128xf32, #tpu.memory_space<vmem>>, vector<1x16xf32>,
      %parallel_loop3A_111 = vector.shape_cast %parallel_loop3A_110 : vector<1x16xf32> to vector<16xf32>
      %parallel_loop3A_112 = vector.shape_cast %broadcast_in_dim3A_0 : vector<16xf32> to vector<1x16xf32>
      tpu.vector_store %arg5[%parallel_loop3A_108, %parallel_loop3A_109], %parallel_loop3A_112 {strides = array<i32>} : memref<64x128xf32, #tpu.memory_space<vmem>>, vector<1x16xf32>,
      %parallel_loop3A_113 = arith.index_cast %parallel_loop3A_77 : i32 to index
      %parallel_loop3A_114 = arith.constant 112 : index
      %parallel_loop3A_115 = tpu.vector_load %arg5[%parallel_loop3A_113, %parallel_loop3A_114] {strides = array<i32>} : memref<64x128xf32, #tpu.memory_space<vmem>>, vector<1x16xf32>,
      %parallel_loop3A_116 = vector.shape_cast %parallel_loop3A_115 : vector<1x16xf32> to vector<16xf32>
      %parallel_loop3A_117 = vector.shape_cast %broadcast_in_dim3A_0 : vector<16xf32> to vector<1x16xf32>
      tpu.vector_store %arg5[%parallel_loop3A_113, %parallel_loop3A_114], %parallel_loop3A_117 {strides = array<i32>} : memref<64x128xf32, #tpu.memory_space<vmem>>, vector<1x16xf32>,
    } {sc.loop_unroll_factor = 4 : i64, sc.parallel_access}
    %mul3A = arith.constant 632 : i32
    %mul3A_3 = arith.muli %arg1, %mul3A : i32
    %add3A = arith.constant 0 : i32
    %add3A_4 = arith.addi %mul3A_3, %add3A : i32
    %min3A = arith.constant 10048 : i32
    %min3A_5 = arith.minsi %add3A_4, %min3A : i32
    "tpu.region"() ({
      %run_scoped3A = tpu.sem_alloc : memref<!tpu.dma_semaphore, #tpu.memory_space<semaphore_mem>>
      %dma_start3A = arith.constant 0 : i32
      %dma_start3A_77 = tpu.memref_slice %arg6[%min3A_5, %dma_start3A] : memref<10112x128xf32, #tpu.memory_space<vmem_shared>> -> memref<64x128xf32, #tpu.memory_space<vmem_shared>>
      %dma_start3A_78 = arith.constant 0 : i32
      %dma_start3A_79 = tpu.memref_slice %arg6[%min3A_5, %dma_start3A_78] : memref<10112x128xf32, #tpu.memory_space<vmem_shared>> -> memref<64x128xf32, #tpu.memory_space<vmem_shared>>
      tpu.enqueue_dma source(%arg5 : memref<64x128xf32, #tpu.memory_space<vmem>>) target(%dma_start3A_79 : memref<64x128xf32, #tpu.memory_space<vmem_shared>>) target_semaphore(%run_scoped3A : memref<!tpu.dma_semaphore, #tpu.memory_space<semaphore_mem>>)
      %dma_wait3A = arith.constant 0 : i32
      %dma_wait3A_80 = tpu.memref_slice %arg6[%min3A_5, %dma_wait3A] : memref<10112x128xf32, #tpu.memory_space<vmem_shared>> -> memref<64x128xf32, #tpu.memory_space<vmem_shared>>
      %dma_wait3A_81 = arith.constant 0 : i32
      %dma_wait3A_82 = tpu.memref_slice %arg6[%min3A_5, %dma_wait3A_81] : memref<10112x128xf32, #tpu.memory_space<vmem_shared>> -> memref<64x128xf32, #tpu.memory_space<vmem_shared>>
      tpu.wait_dma2 semaphore(%run_scoped3A : memref<!tpu.dma_semaphore, #tpu.memory_space<semaphore_mem>>) src(%arg5 : memref<64x128xf32, #tpu.memory_space<vmem>>) dst(%dma_wait3A_82 : memref<64x128xf32, #tpu.memory_space<vmem_shared>>)
      tpu.yield
    }) : () -> ()
    %mul3A_6 = arith.constant 632 : i32
    %mul3A_7 = arith.muli %arg1, %mul3A_6 : i32
    %add3A_8 = arith.constant 64 : i32
    %add3A_9 = arith.addi %mul3A_7, %add3A_8 : i32
    %min3A_10 = arith.constant 10048 : i32
    %min3A_11 = arith.minsi %add3A_9, %min3A_10 : i32
    "tpu.region"() ({
      %run_scoped3A = tpu.sem_alloc : memref<!tpu.dma_semaphore, #tpu.memory_space<semaphore_mem>>
      %dma_start3A = arith.constant 0 : i32
      %dma_start3A_77 = tpu.memref_slice %arg6[%min3A_11, %dma_start3A] : memref<10112x128xf32, #tpu.memory_space<vmem_shared>> -> memref<64x128xf32, #tpu.memory_space<vmem_shared>>
      %dma_start3A_78 = arith.constant 0 : i32
      %dma_start3A_79 = tpu.memref_slice %arg6[%min3A_11, %dma_start3A_78] : memref<10112x128xf32, #tpu.memory_space<vmem_shared>> -> memref<64x128xf32, #tpu.memory_space<vmem_shared>>
      tpu.enqueue_dma source(%arg5 : memref<64x128xf32, #tpu.memory_space<vmem>>) target(%dma_start3A_79 : memref<64x128xf32, #tpu.memory_space<vmem_shared>>) target_semaphore(%run_scoped3A : memref<!tpu.dma_semaphore, #tpu.memory_space<semaphore_mem>>)
      %dma_wait3A = arith.constant 0 : i32
      %dma_wait3A_80 = tpu.memref_slice %arg6[%min3A_11, %dma_wait3A] : memref<10112x128xf32, #tpu.memory_space<vmem_shared>> -> memref<64x128xf32, #tpu.memory_space<vmem_shared>>
      %dma_wait3A_81 = arith.constant 0 : i32
      %dma_wait3A_82 = tpu.memref_slice %arg6[%min3A_11, %dma_wait3A_81] : memref<10112x128xf32, #tpu.memory_space<vmem_shared>> -> memref<64x128xf32, #tpu.memory_space<vmem_shared>>
      tpu.wait_dma2 semaphore(%run_scoped3A : memref<!tpu.dma_semaphore, #tpu.memory_space<semaphore_mem>>) src(%arg5 : memref<64x128xf32, #tpu.memory_space<vmem>>) dst(%dma_wait3A_82 : memref<64x128xf32, #tpu.memory_space<vmem_shared>>)
      tpu.yield
    }) : () -> ()
    %mul3A_12 = arith.constant 632 : i32
    %mul3A_13 = arith.muli %arg1, %mul3A_12 : i32
    %add3A_14 = arith.constant 128 : i32
    %add3A_15 = arith.addi %mul3A_13, %add3A_14 : i32
    %min3A_16 = arith.constant 10048 : i32
    %min3A_17 = arith.minsi %add3A_15, %min3A_16 : i32
    "tpu.region"() ({
      %run_scoped3A = tpu.sem_alloc : memref<!tpu.dma_semaphore, #tpu.memory_space<semaphore_mem>>
      %dma_start3A = arith.constant 0 : i32
      %dma_start3A_77 = tpu.memref_slice %arg6[%min3A_17, %dma_start3A] : memref<10112x128xf32, #tpu.memory_space<vmem_shared>> -> memref<64x128xf32, #tpu.memory_space<vmem_shared>>
      %dma_start3A_78 = arith.constant 0 : i32
      %dma_start3A_79 = tpu.memref_slice %arg6[%min3A_17, %dma_start3A_78] : memref<10112x128xf32, #tpu.memory_space<vmem_shared>> -> memref<64x128xf32, #tpu.memory_space<vmem_shared>>
      tpu.enqueue_dma source(%arg5 : memref<64x128xf32, #tpu.memory_space<vmem>>) target(%dma_start3A_79 : memref<64x128xf32, #tpu.memory_space<vmem_shared>>) target_semaphore(%run_scoped3A : memref<!tpu.dma_semaphore, #tpu.memory_space<semaphore_mem>>)
      %dma_wait3A = arith.constant 0 : i32
      %dma_wait3A_80 = tpu.memref_slice %arg6[%min3A_17, %dma_wait3A] : memref<10112x128xf32, #tpu.memory_space<vmem_shared>> -> memref<64x128xf32, #tpu.memory_space<vmem_shared>>
      %dma_wait3A_81 = arith.constant 0 : i32
      %dma_wait3A_82 = tpu.memref_slice %arg6[%min3A_17, %dma_wait3A_81] : memref<10112x128xf32, #tpu.memory_space<vmem_shared>> -> memref<64x128xf32, #tpu.memory_space<vmem_shared>>
      tpu.wait_dma2 semaphore(%run_scoped3A : memref<!tpu.dma_semaphore, #tpu.memory_space<semaphore_mem>>) src(%arg5 : memref<64x128xf32, #tpu.memory_space<vmem>>) dst(%dma_wait3A_82 : memref<64x128xf32, #tpu.memory_space<vmem_shared>>)
      tpu.yield
    }) : () -> ()
    %mul3A_18 = arith.constant 632 : i32
    %mul3A_19 = arith.muli %arg1, %mul3A_18 : i32
    %add3A_20 = arith.constant 192 : i32
    %add3A_21 = arith.addi %mul3A_19, %add3A_20 : i32
    %min3A_22 = arith.constant 10048 : i32
    %min3A_23 = arith.minsi %add3A_21, %min3A_22 : i32
    "tpu.region"() ({
      %run_scoped3A = tpu.sem_alloc : memref<!tpu.dma_semaphore, #tpu.memory_space<semaphore_mem>>
      %dma_start3A = arith.constant 0 : i32
      %dma_start3A_77 = tpu.memref_slice %arg6[%min3A_23, %dma_start3A] : memref<10112x128xf32, #tpu.memory_space<vmem_shared>> -> memref<64x128xf32, #tpu.memory_space<vmem_shared>>
      %dma_start3A_78 = arith.constant 0 : i32
      %dma_start3A_79 = tpu.memref_slice %arg6[%min3A_23, %dma_start3A_78] : memref<10112x128xf32, #tpu.memory_space<vmem_shared>> -> memref<64x128xf32, #tpu.memory_space<vmem_shared>>
      tpu.enqueue_dma source(%arg5 : memref<64x128xf32, #tpu.memory_space<vmem>>) target(%dma_start3A_79 : memref<64x128xf32, #tpu.memory_space<vmem_shared>>) target_semaphore(%run_scoped3A : memref<!tpu.dma_semaphore, #tpu.memory_space<semaphore_mem>>)
      %dma_wait3A = arith.constant 0 : i32
      %dma_wait3A_80 = tpu.memref_slice %arg6[%min3A_23, %dma_wait3A] : memref<10112x128xf32, #tpu.memory_space<vmem_shared>> -> memref<64x128xf32, #tpu.memory_space<vmem_shared>>
      %dma_wait3A_81 = arith.constant 0 : i32
      %dma_wait3A_82 = tpu.memref_slice %arg6[%min3A_23, %dma_wait3A_81] : memref<10112x128xf32, #tpu.memory_space<vmem_shared>> -> memref<64x128xf32, #tpu.memory_space<vmem_shared>>
      tpu.wait_dma2 semaphore(%run_scoped3A : memref<!tpu.dma_semaphore, #tpu.memory_space<semaphore_mem>>) src(%arg5 : memref<64x128xf32, #tpu.memory_space<vmem>>) dst(%dma_wait3A_82 : memref<64x128xf32, #tpu.memory_space<vmem_shared>>)
      tpu.yield
    }) : () -> ()
    %mul3A_24 = arith.constant 632 : i32
    %mul3A_25 = arith.muli %arg1, %mul3A_24 : i32
    %add3A_26 = arith.constant 256 : i32
    %add3A_27 = arith.addi %mul3A_25, %add3A_26 : i32
    %min3A_28 = arith.constant 10048 : i32
    %min3A_29 = arith.minsi %add3A_27, %min3A_28 : i32
    "tpu.region"() ({
      %run_scoped3A = tpu.sem_alloc : memref<!tpu.dma_semaphore, #tpu.memory_space<semaphore_mem>>
      %dma_start3A = arith.constant 0 : i32
      %dma_start3A_77 = tpu.memref_slice %arg6[%min3A_29, %dma_start3A] : memref<10112x128xf32, #tpu.memory_space<vmem_shared>> -> memref<64x128xf32, #tpu.memory_space<vmem_shared>>
      %dma_start3A_78 = arith.constant 0 : i32
      %dma_start3A_79 = tpu.memref_slice %arg6[%min3A_29, %dma_start3A_78] : memref<10112x128xf32, #tpu.memory_space<vmem_shared>> -> memref<64x128xf32, #tpu.memory_space<vmem_shared>>
      tpu.enqueue_dma source(%arg5 : memref<64x128xf32, #tpu.memory_space<vmem>>) target(%dma_start3A_79 : memref<64x128xf32, #tpu.memory_space<vmem_shared>>) target_semaphore(%run_scoped3A : memref<!tpu.dma_semaphore, #tpu.memory_space<semaphore_mem>>)
      %dma_wait3A = arith.constant 0 : i32
      %dma_wait3A_80 = tpu.memref_slice %arg6[%min3A_29, %dma_wait3A] : memref<10112x128xf32, #tpu.memory_space<vmem_shared>> -> memref<64x128xf32, #tpu.memory_space<vmem_shared>>
      %dma_wait3A_81 = arith.constant 0 : i32
      %dma_wait3A_82 = tpu.memref_slice %arg6[%min3A_29, %dma_wait3A_81] : memref<10112x128xf32, #tpu.memory_space<vmem_shared>> -> memref<64x128xf32, #tpu.memory_space<vmem_shared>>
      tpu.wait_dma2 semaphore(%run_scoped3A : memref<!tpu.dma_semaphore, #tpu.memory_space<semaphore_mem>>) src(%arg5 : memref<64x128xf32, #tpu.memory_space<vmem>>) dst(%dma_wait3A_82 : memref<64x128xf32, #tpu.memory_space<vmem_shared>>)
      tpu.yield
    }) : () -> ()
    %mul3A_30 = arith.constant 632 : i32
    %mul3A_31 = arith.muli %arg1, %mul3A_30 : i32
    %add3A_32 = arith.constant 320 : i32
    %add3A_33 = arith.addi %mul3A_31, %add3A_32 : i32
    %min3A_34 = arith.constant 10048 : i32
    %min3A_35 = arith.minsi %add3A_33, %min3A_34 : i32
    "tpu.region"() ({
      %run_scoped3A = tpu.sem_alloc : memref<!tpu.dma_semaphore, #tpu.memory_space<semaphore_mem>>
      %dma_start3A = arith.constant 0 : i32
      %dma_start3A_77 = tpu.memref_slice %arg6[%min3A_35, %dma_start3A] : memref<10112x128xf32, #tpu.memory_space<vmem_shared>> -> memref<64x128xf32, #tpu.memory_space<vmem_shared>>
      %dma_start3A_78 = arith.constant 0 : i32
      %dma_start3A_79 = tpu.memref_slice %arg6[%min3A_35, %dma_start3A_78] : memref<10112x128xf32, #tpu.memory_space<vmem_shared>> -> memref<64x128xf32, #tpu.memory_space<vmem_shared>>
      tpu.enqueue_dma source(%arg5 : memref<64x128xf32, #tpu.memory_space<vmem>>) target(%dma_start3A_79 : memref<64x128xf32, #tpu.memory_space<vmem_shared>>) target_semaphore(%run_scoped3A : memref<!tpu.dma_semaphore, #tpu.memory_space<semaphore_mem>>)
      %dma_wait3A = arith.constant 0 : i32
      %dma_wait3A_80 = tpu.memref_slice %arg6[%min3A_35, %dma_wait3A] : memref<10112x128xf32, #tpu.memory_space<vmem_shared>> -> memref<64x128xf32, #tpu.memory_space<vmem_shared>>
      %dma_wait3A_81 = arith.constant 0 : i32
      %dma_wait3A_82 = tpu.memref_slice %arg6[%min3A_35, %dma_wait3A_81] : memref<10112x128xf32, #tpu.memory_space<vmem_shared>> -> memref<64x128xf32, #tpu.memory_space<vmem_shared>>
      tpu.wait_dma2 semaphore(%run_scoped3A : memref<!tpu.dma_semaphore, #tpu.memory_space<semaphore_mem>>) src(%arg5 : memref<64x128xf32, #tpu.memory_space<vmem>>) dst(%dma_wait3A_82 : memref<64x128xf32, #tpu.memory_space<vmem_shared>>)
      tpu.yield
    }) : () -> ()
    %mul3A_36 = arith.constant 632 : i32
    %mul3A_37 = arith.muli %arg1, %mul3A_36 : i32
    %add3A_38 = arith.constant 384 : i32
    %add3A_39 = arith.addi %mul3A_37, %add3A_38 : i32
    %min3A_40 = arith.constant 10048 : i32
    %min3A_41 = arith.minsi %add3A_39, %min3A_40 : i32
    "tpu.region"() ({
      %run_scoped3A = tpu.sem_alloc : memref<!tpu.dma_semaphore, #tpu.memory_space<semaphore_mem>>
      %dma_start3A = arith.constant 0 : i32
      %dma_start3A_77 = tpu.memref_slice %arg6[%min3A_41, %dma_start3A] : memref<10112x128xf32, #tpu.memory_space<vmem_shared>> -> memref<64x128xf32, #tpu.memory_space<vmem_shared>>
      %dma_start3A_78 = arith.constant 0 : i32
      %dma_start3A_79 = tpu.memref_slice %arg6[%min3A_41, %dma_start3A_78] : memref<10112x128xf32, #tpu.memory_space<vmem_shared>> -> memref<64x128xf32, #tpu.memory_space<vmem_shared>>
      tpu.enqueue_dma source(%arg5 : memref<64x128xf32, #tpu.memory_space<vmem>>) target(%dma_start3A_79 : memref<64x128xf32, #tpu.memory_space<vmem_shared>>) target_semaphore(%run_scoped3A : memref<!tpu.dma_semaphore, #tpu.memory_space<semaphore_mem>>)
      %dma_wait3A = arith.constant 0 : i32
      %dma_wait3A_80 = tpu.memref_slice %arg6[%min3A_41, %dma_wait3A] : memref<10112x128xf32, #tpu.memory_space<vmem_shared>> -> memref<64x128xf32, #tpu.memory_space<vmem_shared>>
      %dma_wait3A_81 = arith.constant 0 : i32
      %dma_wait3A_82 = tpu.memref_slice %arg6[%min3A_41, %dma_wait3A_81] : memref<10112x128xf32, #tpu.memory_space<vmem_shared>> -> memref<64x128xf32, #tpu.memory_space<vmem_shared>>
      tpu.wait_dma2 semaphore(%run_scoped3A : memref<!tpu.dma_semaphore, #tpu.memory_space<semaphore_mem>>) src(%arg5 : memref<64x128xf32, #tpu.memory_space<vmem>>) dst(%dma_wait3A_82 : memref<64x128xf32, #tpu.memory_space<vmem_shared>>)
      tpu.yield
    }) : () -> ()
    %mul3A_42 = arith.constant 632 : i32
    %mul3A_43 = arith.muli %arg1, %mul3A_42 : i32
    %add3A_44 = arith.constant 448 : i32
    %add3A_45 = arith.addi %mul3A_43, %add3A_44 : i32
    %min3A_46 = arith.constant 10048 : i32
    %min3A_47 = arith.minsi %add3A_45, %min3A_46 : i32
    "tpu.region"() ({
      %run_scoped3A = tpu.sem_alloc : memref<!tpu.dma_semaphore, #tpu.memory_space<semaphore_mem>>
      %dma_start3A = arith.constant 0 : i32
      %dma_start3A_77 = tpu.memref_slice %arg6[%min3A_47, %dma_start3A] : memref<10112x128xf32, #tpu.memory_space<vmem_shared>> -> memref<64x128xf32, #tpu.memory_space<vmem_shared>>
      %dma_start3A_78 = arith.constant 0 : i32
      %dma_start3A_79 = tpu.memref_slice %arg6[%min3A_47, %dma_start3A_78] : memref<10112x128xf32, #tpu.memory_space<vmem_shared>> -> memref<64x128xf32, #tpu.memory_space<vmem_shared>>
      tpu.enqueue_dma source(%arg5 : memref<64x128xf32, #tpu.memory_space<vmem>>) target(%dma_start3A_79 : memref<64x128xf32, #tpu.memory_space<vmem_shared>>) target_semaphore(%run_scoped3A : memref<!tpu.dma_semaphore, #tpu.memory_space<semaphore_mem>>)
      %dma_wait3A = arith.constant 0 : i32
      %dma_wait3A_80 = tpu.memref_slice %arg6[%min3A_47, %dma_wait3A] : memref<10112x128xf32, #tpu.memory_space<vmem_shared>> -> memref<64x128xf32, #tpu.memory_space<vmem_shared>>
      %dma_wait3A_81 = arith.constant 0 : i32
      %dma_wait3A_82 = tpu.memref_slice %arg6[%min3A_47, %dma_wait3A_81] : memref<10112x128xf32, #tpu.memory_space<vmem_shared>> -> memref<64x128xf32, #tpu.memory_space<vmem_shared>>
      tpu.wait_dma2 semaphore(%run_scoped3A : memref<!tpu.dma_semaphore, #tpu.memory_space<semaphore_mem>>) src(%arg5 : memref<64x128xf32, #tpu.memory_space<vmem>>) dst(%dma_wait3A_82 : memref<64x128xf32, #tpu.memory_space<vmem_shared>>)
      tpu.yield
    }) : () -> ()
    %mul3A_48 = arith.constant 632 : i32
    %mul3A_49 = arith.muli %arg1, %mul3A_48 : i32
    %add3A_50 = arith.constant 512 : i32
    %add3A_51 = arith.addi %mul3A_49, %add3A_50 : i32
    %min3A_52 = arith.constant 10048 : i32
    %min3A_53 = arith.minsi %add3A_51, %min3A_52 : i32
    "tpu.region"() ({
      %run_scoped3A = tpu.sem_alloc : memref<!tpu.dma_semaphore, #tpu.memory_space<semaphore_mem>>
      %dma_start3A = arith.constant 0 : i32
      %dma_start3A_77 = tpu.memref_slice %arg6[%min3A_53, %dma_start3A] : memref<10112x128xf32, #tpu.memory_space<vmem_shared>> -> memref<64x128xf32, #tpu.memory_space<vmem_shared>>
      %dma_start3A_78 = arith.constant 0 : i32
      %dma_start3A_79 = tpu.memref_slice %arg6[%min3A_53, %dma_start3A_78] : memref<10112x128xf32, #tpu.memory_space<vmem_shared>> -> memref<64x128xf32, #tpu.memory_space<vmem_shared>>
      tpu.enqueue_dma source(%arg5 : memref<64x128xf32, #tpu.memory_space<vmem>>) target(%dma_start3A_79 : memref<64x128xf32, #tpu.memory_space<vmem_shared>>) target_semaphore(%run_scoped3A : memref<!tpu.dma_semaphore, #tpu.memory_space<semaphore_mem>>)
      %dma_wait3A = arith.constant 0 : i32
      %dma_wait3A_80 = tpu.memref_slice %arg6[%min3A_53, %dma_wait3A] : memref<10112x128xf32, #tpu.memory_space<vmem_shared>> -> memref<64x128xf32, #tpu.memory_space<vmem_shared>>
      %dma_wait3A_81 = arith.constant 0 : i32
      %dma_wait3A_82 = tpu.memref_slice %arg6[%min3A_53, %dma_wait3A_81] : memref<10112x128xf32, #tpu.memory_space<vmem_shared>> -> memref<64x128xf32, #tpu.memory_space<vmem_shared>>
      tpu.wait_dma2 semaphore(%run_scoped3A : memref<!tpu.dma_semaphore, #tpu.memory_space<semaphore_mem>>) src(%arg5 : memref<64x128xf32, #tpu.memory_space<vmem>>) dst(%dma_wait3A_82 : memref<64x128xf32, #tpu.memory_space<vmem_shared>>)
      tpu.yield
    }) : () -> ()
    %mul3A_54 = arith.constant 632 : i32
    %mul3A_55 = arith.muli %arg1, %mul3A_54 : i32
    %add3A_56 = arith.constant 576 : i32
    %add3A_57 = arith.addi %mul3A_55, %add3A_56 : i32
    %min3A_58 = arith.constant 10048 : i32
    %min3A_59 = arith.minsi %add3A_57, %min3A_58 : i32
    "tpu.region"() ({
      %run_scoped3A = tpu.sem_alloc : memref<!tpu.dma_semaphore, #tpu.memory_space<semaphore_mem>>
      %dma_start3A = arith.constant 0 : i32
      %dma_start3A_77 = tpu.memref_slice %arg6[%min3A_59, %dma_start3A] : memref<10112x128xf32, #tpu.memory_space<vmem_shared>> -> memref<64x128xf32, #tpu.memory_space<vmem_shared>>
      %dma_start3A_78 = arith.constant 0 : i32
      %dma_start3A_79 = tpu.memref_slice %arg6[%min3A_59, %dma_start3A_78] : memref<10112x128xf32, #tpu.memory_space<vmem_shared>> -> memref<64x128xf32, #tpu.memory_space<vmem_shared>>
      tpu.enqueue_dma source(%arg5 : memref<64x128xf32, #tpu.memory_space<vmem>>) target(%dma_start3A_79 : memref<64x128xf32, #tpu.memory_space<vmem_shared>>) target_semaphore(%run_scoped3A : memref<!tpu.dma_semaphore, #tpu.memory_space<semaphore_mem>>)
      %dma_wait3A = arith.constant 0 : i32
      %dma_wait3A_80 = tpu.memref_slice %arg6[%min3A_59, %dma_wait3A] : memref<10112x128xf32, #tpu.memory_space<vmem_shared>> -> memref<64x128xf32, #tpu.memory_space<vmem_shared>>
      %dma_wait3A_81 = arith.constant 0 : i32
      %dma_wait3A_82 = tpu.memref_slice %arg6[%min3A_59, %dma_wait3A_81] : memref<10112x128xf32, #tpu.memory_space<vmem_shared>> -> memref<64x128xf32, #tpu.memory_space<vmem_shared>>
      tpu.wait_dma2 semaphore(%run_scoped3A : memref<!tpu.dma_semaphore, #tpu.memory_space<semaphore_mem>>) src(%arg5 : memref<64x128xf32, #tpu.memory_space<vmem>>) dst(%dma_wait3A_82 : memref<64x128xf32, #tpu.memory_space<vmem_shared>>)
      tpu.yield
    }) : () -> ()
    %broadcast_in_dim3A_60 = arith.constant 1.000000e+00 : f32
    %broadcast_in_dim3A_61 = vector.broadcast %broadcast_in_dim3A_60 : f32 to vector<16xf32>
    %parallel_loop3A_62 = arith.constant 0 : i32
    %parallel_loop3A_63 = arith.constant 64 : i32
    %parallel_loop3A_64 = arith.constant 1 : i32
    scf.for %parallel_loop3A_77 = %parallel_loop3A_62 to %parallel_loop3A_63 step %parallel_loop3A_64  : i32 {
      %parallel_loop3A_78 = arith.index_cast %parallel_loop3A_77 : i32 to index
      %parallel_loop3A_79 = arith.constant 0 : index
      %parallel_loop3A_80 = tpu.vector_load %arg5[%parallel_loop3A_78, %parallel_loop3A_79] {strides = array<i32>} : memref<64x128xf32, #tpu.memory_space<vmem>>, vector<1x16xf32>,
      %parallel_loop3A_81 = vector.shape_cast %parallel_loop3A_80 : vector<1x16xf32> to vector<16xf32>
      %parallel_loop3A_82 = vector.shape_cast %broadcast_in_dim3A_61 : vector<16xf32> to vector<1x16xf32>
      tpu.vector_store %arg5[%parallel_loop3A_78, %parallel_loop3A_79], %parallel_loop3A_82 {strides = array<i32>} : memref<64x128xf32, #tpu.memory_space<vmem>>, vector<1x16xf32>,
      %parallel_loop3A_83 = arith.index_cast %parallel_loop3A_77 : i32 to index
      %parallel_loop3A_84 = arith.constant 16 : index
      %parallel_loop3A_85 = tpu.vector_load %arg5[%parallel_loop3A_83, %parallel_loop3A_84] {strides = array<i32>} : memref<64x128xf32, #tpu.memory_space<vmem>>, vector<1x16xf32>,
      %parallel_loop3A_86 = vector.shape_cast %parallel_loop3A_85 : vector<1x16xf32> to vector<16xf32>
      %parallel_loop3A_87 = vector.shape_cast %broadcast_in_dim3A_61 : vector<16xf32> to vector<1x16xf32>
      tpu.vector_store %arg5[%parallel_loop3A_83, %parallel_loop3A_84], %parallel_loop3A_87 {strides = array<i32>} : memref<64x128xf32, #tpu.memory_space<vmem>>, vector<1x16xf32>,
      %parallel_loop3A_88 = arith.index_cast %parallel_loop3A_77 : i32 to index
      %parallel_loop3A_89 = arith.constant 32 : index
      %parallel_loop3A_90 = tpu.vector_load %arg5[%parallel_loop3A_88, %parallel_loop3A_89] {strides = array<i32>} : memref<64x128xf32, #tpu.memory_space<vmem>>, vector<1x16xf32>,
      %parallel_loop3A_91 = vector.shape_cast %parallel_loop3A_90 : vector<1x16xf32> to vector<16xf32>
      %parallel_loop3A_92 = vector.shape_cast %broadcast_in_dim3A_61 : vector<16xf32> to vector<1x16xf32>
      tpu.vector_store %arg5[%parallel_loop3A_88, %parallel_loop3A_89], %parallel_loop3A_92 {strides = array<i32>} : memref<64x128xf32, #tpu.memory_space<vmem>>, vector<1x16xf32>,
      %parallel_loop3A_93 = arith.index_cast %parallel_loop3A_77 : i32 to index
      %parallel_loop3A_94 = arith.constant 48 : index
      %parallel_loop3A_95 = tpu.vector_load %arg5[%parallel_loop3A_93, %parallel_loop3A_94] {strides = array<i32>} : memref<64x128xf32, #tpu.memory_space<vmem>>, vector<1x16xf32>,
      %parallel_loop3A_96 = vector.shape_cast %parallel_loop3A_95 : vector<1x16xf32> to vector<16xf32>
      %parallel_loop3A_97 = vector.shape_cast %broadcast_in_dim3A_61 : vector<16xf32> to vector<1x16xf32>
      tpu.vector_store %arg5[%parallel_loop3A_93, %parallel_loop3A_94], %parallel_loop3A_97 {strides = array<i32>} : memref<64x128xf32, #tpu.memory_space<vmem>>, vector<1x16xf32>,
      %parallel_loop3A_98 = arith.index_cast %parallel_loop3A_77 : i32 to index
      %parallel_loop3A_99 = arith.constant 64 : index
      %parallel_loop3A_100 = tpu.vector_load %arg5[%parallel_loop3A_98, %parallel_loop3A_99] {strides = array<i32>} : memref<64x128xf32, #tpu.memory_space<vmem>>, vector<1x16xf32>,
      %parallel_loop3A_101 = vector.shape_cast %parallel_loop3A_100 : vector<1x16xf32> to vector<16xf32>
      %parallel_loop3A_102 = vector.shape_cast %broadcast_in_dim3A_61 : vector<16xf32> to vector<1x16xf32>
      tpu.vector_store %arg5[%parallel_loop3A_98, %parallel_loop3A_99], %parallel_loop3A_102 {strides = array<i32>} : memref<64x128xf32, #tpu.memory_space<vmem>>, vector<1x16xf32>,
      %parallel_loop3A_103 = arith.index_cast %parallel_loop3A_77 : i32 to index
      %parallel_loop3A_104 = arith.constant 80 : index
      %parallel_loop3A_105 = tpu.vector_load %arg5[%parallel_loop3A_103, %parallel_loop3A_104] {strides = array<i32>} : memref<64x128xf32, #tpu.memory_space<vmem>>, vector<1x16xf32>,
      %parallel_loop3A_106 = vector.shape_cast %parallel_loop3A_105 : vector<1x16xf32> to vector<16xf32>
      %parallel_loop3A_107 = vector.shape_cast %broadcast_in_dim3A_61 : vector<16xf32> to vector<1x16xf32>
      tpu.vector_store %arg5[%parallel_loop3A_103, %parallel_loop3A_104], %parallel_loop3A_107 {strides = array<i32>} : memref<64x128xf32, #tpu.memory_space<vmem>>, vector<1x16xf32>,
      %parallel_loop3A_108 = arith.index_cast %parallel_loop3A_77 : i32 to index
      %parallel_loop3A_109 = arith.constant 96 : index
      %parallel_loop3A_110 = tpu.vector_load %arg5[%parallel_loop3A_108, %parallel_loop3A_109] {strides = array<i32>} : memref<64x128xf32, #tpu.memory_space<vmem>>, vector<1x16xf32>,
      %parallel_loop3A_111 = vector.shape_cast %parallel_loop3A_110 : vector<1x16xf32> to vector<16xf32>
      %parallel_loop3A_112 = vector.shape_cast %broadcast_in_dim3A_61 : vector<16xf32> to vector<1x16xf32>
      tpu.vector_store %arg5[%parallel_loop3A_108, %parallel_loop3A_109], %parallel_loop3A_112 {strides = array<i32>} : memref<64x128xf32, #tpu.memory_space<vmem>>, vector<1x16xf32>,
      %parallel_loop3A_113 = arith.index_cast %parallel_loop3A_77 : i32 to index
      %parallel_loop3A_114 = arith.constant 112 : index
      %parallel_loop3A_115 = tpu.vector_load %arg5[%parallel_loop3A_113, %parallel_loop3A_114] {strides = array<i32>} : memref<64x128xf32, #tpu.memory_space<vmem>>, vector<1x16xf32>,
      %parallel_loop3A_116 = vector.shape_cast %parallel_loop3A_115 : vector<1x16xf32> to vector<16xf32>
      %parallel_loop3A_117 = vector.shape_cast %broadcast_in_dim3A_61 : vector<16xf32> to vector<1x16xf32>
      tpu.vector_store %arg5[%parallel_loop3A_113, %parallel_loop3A_114], %parallel_loop3A_117 {strides = array<i32>} : memref<64x128xf32, #tpu.memory_space<vmem>>, vector<1x16xf32>,
    } {sc.loop_unroll_factor = 4 : i64, sc.parallel_access}
    %barrier3A = arith.constant 0 : index
    tpu.barrier barrier_id(%barrier3A)
    %mul3A_65 = arith.constant 16 : i32
    %mul3A_66 = arith.muli %arg0, %mul3A_65 : i32
    %add3A_67 = arith.addi %mul3A_66, %arg1 : i32
    %mul3A_68 = arith.constant 10112 : i32
    %mul3A_69 = arith.muli %add3A_67, %mul3A_68 : i32
    "tpu.region"() ({
      %run_scoped3A = tpu.sem_alloc : memref<!tpu.dma_semaphore, #tpu.memory_space<semaphore_mem>>
      %dma_start3A = tpu.memref_slice %arg2[%mul3A_69] : memref<323584xi32, #tpu.memory_space<hbm>> -> memref<10112xi32, #tpu.memory_space<hbm>>
      %dma_start3A_77 = tpu.memref_slice %arg2[%mul3A_69] : memref<323584xi32, #tpu.memory_space<hbm>> -> memref<10112xi32, #tpu.memory_space<hbm>>
      tpu.enqueue_dma source(%dma_start3A_77 : memref<10112xi32, #tpu.memory_space<hbm>>) target(%arg4 : memref<10112xi32, #tpu.memory_space<vmem>>) target_semaphore(%run_scoped3A : memref<!tpu.dma_semaphore, #tpu.memory_space<semaphore_mem>>)
      %dma_wait3A = tpu.memref_slice %arg2[%mul3A_69] : memref<323584xi32, #tpu.memory_space<hbm>> -> memref<10112xi32, #tpu.memory_space<hbm>>
      %dma_wait3A_78 = tpu.memref_slice %arg2[%mul3A_69] : memref<323584xi32, #tpu.memory_space<hbm>> -> memref<10112xi32, #tpu.memory_space<hbm>>
      tpu.wait_dma2 semaphore(%run_scoped3A : memref<!tpu.dma_semaphore, #tpu.memory_space<semaphore_mem>>) src(%dma_wait3A_78 : memref<10112xi32, #tpu.memory_space<hbm>>) dst(%arg4 : memref<10112xi32, #tpu.memory_space<vmem>>)
      tpu.yield
    }) : () -> ()
    %scan3A = arith.constant 0 : i32
    %scan3A_70 = arith.constant 158 : i32
    %scan3A_71 = arith.addi %scan3A, %scan3A_70 : i32
    %scan3A_72 = arith.constant 1 : i32
    scf.for %scan3A_77 = %scan3A to %scan3A_71 step %scan3A_72  : i32 {
      %mul3A_78 = arith.constant 1 : i32
      %mul3A_79 = arith.muli %scan3A_77, %mul3A_78 : i32
      %add3A_80 = arith.constant 0 : i32
      %add3A_81 = arith.addi %add3A_80, %mul3A_79 : i32
      %mul3A_82 = arith.constant 64 : i32
      %mul3A_83 = arith.muli %add3A_81, %mul3A_82 : i32
      %dma_start3A = tpu.memref_slice %arg4[%mul3A_83] : memref<10112xi32, #tpu.memory_space<vmem>> -> memref<64xi32, #tpu.memory_space<vmem>>
      %dma_start3A_84 = arith.constant 0 : i32
      %dma_start3A_85 = arith.constant 0 : i32
      %dma_start3A_86 = tpu.memref_slice %arg6[%dma_start3A_84, %dma_start3A_85] : memref<10112x128xf32, #tpu.memory_space<vmem_shared>> -> memref<10112x128xf32, #tpu.memory_space<vmem_shared>>
      tpu.enqueue_indirect_dma source(%arg5 : memref<64x128xf32, #tpu.memory_space<vmem>>) target(%dma_start3A_86 : memref<10112x128xf32, #tpu.memory_space<vmem_shared>>) offsets(%dma_start3A : memref<64xi32, #tpu.memory_space<vmem>>) semaphore(%arg7 : memref<!tpu.dma_semaphore, #tpu.memory_space<semaphore_mem>>) {add = true}
      %dma_wait3A = tpu.memref_slice %arg4[%mul3A_83] : memref<10112xi32, #tpu.memory_space<vmem>> -> memref<64xi32, #tpu.memory_space<vmem>>
      %dma_wait3A_87 = arith.constant 0 : i32
      %dma_wait3A_88 = arith.constant 0 : i32
      %dma_wait3A_89 = tpu.memref_slice %arg6[%dma_wait3A_87, %dma_wait3A_88] : memref<10112x128xf32, #tpu.memory_space<vmem_shared>> -> memref<10112x128xf32, #tpu.memory_space<vmem_shared>>
      tpu.wait_indirect_dma semaphore(%arg7 : memref<!tpu.dma_semaphore, #tpu.memory_space<semaphore_mem>>) src(%arg5 : memref<64x128xf32, #tpu.memory_space<vmem>>) dst(%dma_wait3A_89 : memref<10112x128xf32, #tpu.memory_space<vmem_shared>>)
    }
    %scan3A_73 = arith.constant 158 : i32
    %barrier3A_74 = arith.constant 0 : index
    tpu.barrier barrier_id(%barrier3A_74)
    %mul3A_75 = arith.constant 632 : i32
    %mul3A_76 = arith.muli %arg1, %mul3A_75 : i32
    "tpu.region"() ({
      %run_scoped3A = tpu.sem_alloc : memref<!tpu.dma_semaphore, #tpu.memory_space<semaphore_mem>>
      %dma_start3A = arith.constant 0 : i32
      %dma_start3A_77 = tpu.memref_slice %arg3[%arg0, %mul3A_76, %dma_start3A] : memref<2x10112x128xf32, #tpu.memory_space<hbm>> -> memref<1x632x128xf32, #tpu.memory_space<hbm>>
      %dma_start3A_78 = tpu.memref_squeeze %dma_start3A_77 : memref<1x632x128xf32, #tpu.memory_space<hbm>> -> memref<632x128xf32, #tpu.memory_space<hbm>>
      %dma_start3A_79 = arith.constant 0 : i32
      %dma_start3A_80 = tpu.memref_slice %arg6[%mul3A_76, %dma_start3A_79] : memref<10112x128xf32, #tpu.memory_space<vmem_shared>> -> memref<632x128xf32, #tpu.memory_space<vmem_shared>>
      tpu.enqueue_dma source(%dma_start3A_80 : memref<632x128xf32, #tpu.memory_space<vmem_shared>>) target(%dma_start3A_78 : memref<632x128xf32, #tpu.memory_space<hbm>>) target_semaphore(%run_scoped3A : memref<!tpu.dma_semaphore, #tpu.memory_space<semaphore_mem>>)
      %dma_wait3A = arith.constant 0 : i32
      %dma_wait3A_81 = tpu.memref_slice %arg3[%arg0, %mul3A_76, %dma_wait3A] : memref<2x10112x128xf32, #tpu.memory_space<hbm>> -> memref<1x632x128xf32, #tpu.memory_space<hbm>>
      %dma_wait3A_82 = tpu.memref_squeeze %dma_wait3A_81 : memref<1x632x128xf32, #tpu.memory_space<hbm>> -> memref<632x128xf32, #tpu.memory_space<hbm>>
      %dma_wait3A_83 = arith.constant 0 : i32
      %dma_wait3A_84 = tpu.memref_slice %arg6[%mul3A_76, %dma_wait3A_83] : memref<10112x128xf32, #tpu.memory_space<vmem_shared>> -> memref<632x128xf32, #tpu.memory_space<vmem_shared>>
      tpu.wait_dma2 semaphore(%run_scoped3A : memref<!tpu.dma_semaphore, #tpu.memory_space<semaphore_mem>>) src(%dma_wait3A_84 : memref<632x128xf32, #tpu.memory_space<vmem_shared>>) dst(%dma_wait3A_82 : memref<632x128xf32, #tpu.memory_space<hbm>>)
      tpu.yield
    }) : () -> ()
    return
  }
}

#map = affine_map<(d0, d1) -> (0, 0)>
#map1 = affine_map<(d0, d1) -> (0)>
#map2 = affine_map<(d0, d1) -> (0, 0, 0)>
module attributes {stable_mosaic.version = 14 : i64} {
  func.func @_sc_msg_aggr(%arg0: i32, %arg1: i32, %arg2: memref<10000x128xf32, #tpu.memory_space<hbm>>, %arg3: memref<323584xi32, #tpu.memory_space<hbm>>, %arg4: memref<323584xi32, #tpu.memory_space<hbm>>, %arg5: memref<323584x128xf32, #tpu.memory_space<hbm>>, %arg6: memref<2x10112x128xf32, #tpu.memory_space<hbm>>, %arg7: memref<10112xi32, #tpu.memory_space<vmem>>, %arg8: memref<2x64xi32, #tpu.memory_space<vmem>>, %arg9: memref<2x64x128xf32, #tpu.memory_space<vmem>>, %arg10: memref<2x64x128xf32, #tpu.memory_space<vmem>>, %arg11: memref<10112x128xf32, #tpu.memory_space<vmem_shared>>, %arg12: memref<!tpu.dma_semaphore, #tpu.memory_space<semaphore_mem>>, %arg13: memref<!tpu.dma_semaphore, #tpu.memory_space<semaphore_mem>>, %arg14: memref<!tpu.dma_semaphore, #tpu.memory_space<semaphore_mem>>, %arg15: memref<!tpu.dma_semaphore, #tpu.memory_space<semaphore_mem>>) attributes {dimension_semantics = [#tpu.dimension_semantics<core_parallel>, #tpu.dimension_semantics<subcore_parallel>], iteration_bounds = array<i64: 2, 16>, scalar_prefetch = 0 : i64, scratch_operands = 9 : i64, tpu.core_type = #tpu.core_type<sc_vector_subcore>, window_params = [{transform_indices = #map}, {transform_indices = #map1}, {transform_indices = #map1}, {transform_indices = #map}, {transform_indices = #map2}]} {
    %broadcast_in_dim3A = arith.constant 0.000000e+00 : f32
    %broadcast_in_dim3A_0 = vector.broadcast %broadcast_in_dim3A : f32 to vector<16xf32>
    %parallel_loop3A = arith.constant 0 : i32
    %parallel_loop3A_1 = arith.constant 64 : i32
    %parallel_loop3A_2 = arith.constant 1 : i32
    %parallel_loop3A_3 = arith.constant 0 : i32
    scf.for %parallel_loop3A_128 = %parallel_loop3A to %parallel_loop3A_1 step %parallel_loop3A_2  : i32 {
      %parallel_loop3A_129 = arith.constant 0 : i32
      %parallel_loop3A_130 = arith.constant 0 : i32
      %parallel_loop3A_131 = tpu.memref_slice %arg9[%parallel_loop3A_3, %parallel_loop3A_129, %parallel_loop3A_130] : memref<2x64x128xf32, #tpu.memory_space<vmem>> -> memref<1x64x128xf32, #tpu.memory_space<vmem>>
      %parallel_loop3A_132 = tpu.memref_squeeze %parallel_loop3A_131 : memref<1x64x128xf32, #tpu.memory_space<vmem>> -> memref<64x128xf32, #tpu.memory_space<vmem>>
      %parallel_loop3A_133 = arith.index_cast %parallel_loop3A_128 : i32 to index
      %parallel_loop3A_134 = arith.constant 0 : index
      %parallel_loop3A_135 = tpu.vector_load %parallel_loop3A_132[%parallel_loop3A_133, %parallel_loop3A_134] {strides = array<i32>} : memref<64x128xf32, #tpu.memory_space<vmem>>, vector<1x16xf32>,
      %parallel_loop3A_136 = vector.shape_cast %parallel_loop3A_135 : vector<1x16xf32> to vector<16xf32>
      %parallel_loop3A_137 = vector.shape_cast %broadcast_in_dim3A_0 : vector<16xf32> to vector<1x16xf32>
      tpu.vector_store %parallel_loop3A_132[%parallel_loop3A_133, %parallel_loop3A_134], %parallel_loop3A_137 {strides = array<i32>} : memref<64x128xf32, #tpu.memory_space<vmem>>, vector<1x16xf32>,
      %parallel_loop3A_138 = arith.constant 0 : i32
      %parallel_loop3A_139 = arith.constant 0 : i32
      %parallel_loop3A_140 = tpu.memref_slice %arg9[%parallel_loop3A_3, %parallel_loop3A_138, %parallel_loop3A_139] : memref<2x64x128xf32, #tpu.memory_space<vmem>> -> memref<1x64x128xf32, #tpu.memory_space<vmem>>
      %parallel_loop3A_141 = tpu.memref_squeeze %parallel_loop3A_140 : memref<1x64x128xf32, #tpu.memory_space<vmem>> -> memref<64x128xf32, #tpu.memory_space<vmem>>
      %parallel_loop3A_142 = arith.index_cast %parallel_loop3A_128 : i32 to index
      %parallel_loop3A_143 = arith.constant 16 : index
      %parallel_loop3A_144 = tpu.vector_load %parallel_loop3A_141[%parallel_loop3A_142, %parallel_loop3A_143] {strides = array<i32>} : memref<64x128xf32, #tpu.memory_space<vmem>>, vector<1x16xf32>,
      %parallel_loop3A_145 = vector.shape_cast %parallel_loop3A_144 : vector<1x16xf32> to vector<16xf32>
      %parallel_loop3A_146 = vector.shape_cast %broadcast_in_dim3A_0 : vector<16xf32> to vector<1x16xf32>
      tpu.vector_store %parallel_loop3A_141[%parallel_loop3A_142, %parallel_loop3A_143], %parallel_loop3A_146 {strides = array<i32>} : memref<64x128xf32, #tpu.memory_space<vmem>>, vector<1x16xf32>,
      %parallel_loop3A_147 = arith.constant 0 : i32
      %parallel_loop3A_148 = arith.constant 0 : i32
      %parallel_loop3A_149 = tpu.memref_slice %arg9[%parallel_loop3A_3, %parallel_loop3A_147, %parallel_loop3A_148] : memref<2x64x128xf32, #tpu.memory_space<vmem>> -> memref<1x64x128xf32, #tpu.memory_space<vmem>>
      %parallel_loop3A_150 = tpu.memref_squeeze %parallel_loop3A_149 : memref<1x64x128xf32, #tpu.memory_space<vmem>> -> memref<64x128xf32, #tpu.memory_space<vmem>>
      %parallel_loop3A_151 = arith.index_cast %parallel_loop3A_128 : i32 to index
      %parallel_loop3A_152 = arith.constant 32 : index
      %parallel_loop3A_153 = tpu.vector_load %parallel_loop3A_150[%parallel_loop3A_151, %parallel_loop3A_152] {strides = array<i32>} : memref<64x128xf32, #tpu.memory_space<vmem>>, vector<1x16xf32>,
      %parallel_loop3A_154 = vector.shape_cast %parallel_loop3A_153 : vector<1x16xf32> to vector<16xf32>
      %parallel_loop3A_155 = vector.shape_cast %broadcast_in_dim3A_0 : vector<16xf32> to vector<1x16xf32>
      tpu.vector_store %parallel_loop3A_150[%parallel_loop3A_151, %parallel_loop3A_152], %parallel_loop3A_155 {strides = array<i32>} : memref<64x128xf32, #tpu.memory_space<vmem>>, vector<1x16xf32>,
      %parallel_loop3A_156 = arith.constant 0 : i32
      %parallel_loop3A_157 = arith.constant 0 : i32
      %parallel_loop3A_158 = tpu.memref_slice %arg9[%parallel_loop3A_3, %parallel_loop3A_156, %parallel_loop3A_157] : memref<2x64x128xf32, #tpu.memory_space<vmem>> -> memref<1x64x128xf32, #tpu.memory_space<vmem>>
      %parallel_loop3A_159 = tpu.memref_squeeze %parallel_loop3A_158 : memref<1x64x128xf32, #tpu.memory_space<vmem>> -> memref<64x128xf32, #tpu.memory_space<vmem>>
      %parallel_loop3A_160 = arith.index_cast %parallel_loop3A_128 : i32 to index
      %parallel_loop3A_161 = arith.constant 48 : index
      %parallel_loop3A_162 = tpu.vector_load %parallel_loop3A_159[%parallel_loop3A_160, %parallel_loop3A_161] {strides = array<i32>} : memref<64x128xf32, #tpu.memory_space<vmem>>, vector<1x16xf32>,
      %parallel_loop3A_163 = vector.shape_cast %parallel_loop3A_162 : vector<1x16xf32> to vector<16xf32>
      %parallel_loop3A_164 = vector.shape_cast %broadcast_in_dim3A_0 : vector<16xf32> to vector<1x16xf32>
      tpu.vector_store %parallel_loop3A_159[%parallel_loop3A_160, %parallel_loop3A_161], %parallel_loop3A_164 {strides = array<i32>} : memref<64x128xf32, #tpu.memory_space<vmem>>, vector<1x16xf32>,
      %parallel_loop3A_165 = arith.constant 0 : i32
      %parallel_loop3A_166 = arith.constant 0 : i32
      %parallel_loop3A_167 = tpu.memref_slice %arg9[%parallel_loop3A_3, %parallel_loop3A_165, %parallel_loop3A_166] : memref<2x64x128xf32, #tpu.memory_space<vmem>> -> memref<1x64x128xf32, #tpu.memory_space<vmem>>
      %parallel_loop3A_168 = tpu.memref_squeeze %parallel_loop3A_167 : memref<1x64x128xf32, #tpu.memory_space<vmem>> -> memref<64x128xf32, #tpu.memory_space<vmem>>
      %parallel_loop3A_169 = arith.index_cast %parallel_loop3A_128 : i32 to index
      %parallel_loop3A_170 = arith.constant 64 : index
      %parallel_loop3A_171 = tpu.vector_load %parallel_loop3A_168[%parallel_loop3A_169, %parallel_loop3A_170] {strides = array<i32>} : memref<64x128xf32, #tpu.memory_space<vmem>>, vector<1x16xf32>,
      %parallel_loop3A_172 = vector.shape_cast %parallel_loop3A_171 : vector<1x16xf32> to vector<16xf32>
      %parallel_loop3A_173 = vector.shape_cast %broadcast_in_dim3A_0 : vector<16xf32> to vector<1x16xf32>
      tpu.vector_store %parallel_loop3A_168[%parallel_loop3A_169, %parallel_loop3A_170], %parallel_loop3A_173 {strides = array<i32>} : memref<64x128xf32, #tpu.memory_space<vmem>>, vector<1x16xf32>,
      %parallel_loop3A_174 = arith.constant 0 : i32
      %parallel_loop3A_175 = arith.constant 0 : i32
      %parallel_loop3A_176 = tpu.memref_slice %arg9[%parallel_loop3A_3, %parallel_loop3A_174, %parallel_loop3A_175] : memref<2x64x128xf32, #tpu.memory_space<vmem>> -> memref<1x64x128xf32, #tpu.memory_space<vmem>>
      %parallel_loop3A_177 = tpu.memref_squeeze %parallel_loop3A_176 : memref<1x64x128xf32, #tpu.memory_space<vmem>> -> memref<64x128xf32, #tpu.memory_space<vmem>>
      %parallel_loop3A_178 = arith.index_cast %parallel_loop3A_128 : i32 to index
      %parallel_loop3A_179 = arith.constant 80 : index
      %parallel_loop3A_180 = tpu.vector_load %parallel_loop3A_177[%parallel_loop3A_178, %parallel_loop3A_179] {strides = array<i32>} : memref<64x128xf32, #tpu.memory_space<vmem>>, vector<1x16xf32>,
      %parallel_loop3A_181 = vector.shape_cast %parallel_loop3A_180 : vector<1x16xf32> to vector<16xf32>
      %parallel_loop3A_182 = vector.shape_cast %broadcast_in_dim3A_0 : vector<16xf32> to vector<1x16xf32>
      tpu.vector_store %parallel_loop3A_177[%parallel_loop3A_178, %parallel_loop3A_179], %parallel_loop3A_182 {strides = array<i32>} : memref<64x128xf32, #tpu.memory_space<vmem>>, vector<1x16xf32>,
      %parallel_loop3A_183 = arith.constant 0 : i32
      %parallel_loop3A_184 = arith.constant 0 : i32
      %parallel_loop3A_185 = tpu.memref_slice %arg9[%parallel_loop3A_3, %parallel_loop3A_183, %parallel_loop3A_184] : memref<2x64x128xf32, #tpu.memory_space<vmem>> -> memref<1x64x128xf32, #tpu.memory_space<vmem>>
      %parallel_loop3A_186 = tpu.memref_squeeze %parallel_loop3A_185 : memref<1x64x128xf32, #tpu.memory_space<vmem>> -> memref<64x128xf32, #tpu.memory_space<vmem>>
      %parallel_loop3A_187 = arith.index_cast %parallel_loop3A_128 : i32 to index
      %parallel_loop3A_188 = arith.constant 96 : index
      %parallel_loop3A_189 = tpu.vector_load %parallel_loop3A_186[%parallel_loop3A_187, %parallel_loop3A_188] {strides = array<i32>} : memref<64x128xf32, #tpu.memory_space<vmem>>, vector<1x16xf32>,
      %parallel_loop3A_190 = vector.shape_cast %parallel_loop3A_189 : vector<1x16xf32> to vector<16xf32>
      %parallel_loop3A_191 = vector.shape_cast %broadcast_in_dim3A_0 : vector<16xf32> to vector<1x16xf32>
      tpu.vector_store %parallel_loop3A_186[%parallel_loop3A_187, %parallel_loop3A_188], %parallel_loop3A_191 {strides = array<i32>} : memref<64x128xf32, #tpu.memory_space<vmem>>, vector<1x16xf32>,
      %parallel_loop3A_192 = arith.constant 0 : i32
      %parallel_loop3A_193 = arith.constant 0 : i32
      %parallel_loop3A_194 = tpu.memref_slice %arg9[%parallel_loop3A_3, %parallel_loop3A_192, %parallel_loop3A_193] : memref<2x64x128xf32, #tpu.memory_space<vmem>> -> memref<1x64x128xf32, #tpu.memory_space<vmem>>
      %parallel_loop3A_195 = tpu.memref_squeeze %parallel_loop3A_194 : memref<1x64x128xf32, #tpu.memory_space<vmem>> -> memref<64x128xf32, #tpu.memory_space<vmem>>
      %parallel_loop3A_196 = arith.index_cast %parallel_loop3A_128 : i32 to index
      %parallel_loop3A_197 = arith.constant 112 : index
      %parallel_loop3A_198 = tpu.vector_load %parallel_loop3A_195[%parallel_loop3A_196, %parallel_loop3A_197] {strides = array<i32>} : memref<64x128xf32, #tpu.memory_space<vmem>>, vector<1x16xf32>,
      %parallel_loop3A_199 = vector.shape_cast %parallel_loop3A_198 : vector<1x16xf32> to vector<16xf32>
      %parallel_loop3A_200 = vector.shape_cast %broadcast_in_dim3A_0 : vector<16xf32> to vector<1x16xf32>
      tpu.vector_store %parallel_loop3A_195[%parallel_loop3A_196, %parallel_loop3A_197], %parallel_loop3A_200 {strides = array<i32>} : memref<64x128xf32, #tpu.memory_space<vmem>>, vector<1x16xf32>,
    } {sc.loop_unroll_factor = 4 : i64, sc.parallel_access}
    %mul3A = arith.constant 632 : i32
    %mul3A_4 = arith.muli %arg1, %mul3A : i32
    %add3A = arith.constant 0 : i32
    %add3A_5 = arith.addi %mul3A_4, %add3A : i32
    %min3A = arith.constant 10048 : i32
    %min3A_6 = arith.minsi %add3A_5, %min3A : i32
    %run_scoped3A = arith.constant 0 : i32
    "tpu.region"() ({
      %run_scoped3A_128 = tpu.sem_alloc : memref<!tpu.dma_semaphore, #tpu.memory_space<semaphore_mem>>
      %dma_start3A_129 = arith.constant 0 : i32
      %dma_start3A_130 = arith.constant 0 : i32
      %dma_start3A_131 = tpu.memref_slice %arg9[%run_scoped3A, %dma_start3A_129, %dma_start3A_130] : memref<2x64x128xf32, #tpu.memory_space<vmem>> -> memref<1x64x128xf32, #tpu.memory_space<vmem>>
      %dma_start3A_132 = tpu.memref_squeeze %dma_start3A_131 : memref<1x64x128xf32, #tpu.memory_space<vmem>> -> memref<64x128xf32, #tpu.memory_space<vmem>>
      %dma_start3A_133 = arith.constant 0 : i32
      %dma_start3A_134 = tpu.memref_slice %arg11[%min3A_6, %dma_start3A_133] : memref<10112x128xf32, #tpu.memory_space<vmem_shared>> -> memref<64x128xf32, #tpu.memory_space<vmem_shared>>
      %dma_start3A_135 = arith.constant 0 : i32
      %dma_start3A_136 = tpu.memref_slice %arg11[%min3A_6, %dma_start3A_135] : memref<10112x128xf32, #tpu.memory_space<vmem_shared>> -> memref<64x128xf32, #tpu.memory_space<vmem_shared>>
      %dma_start3A_137 = arith.constant 0 : i32
      %dma_start3A_138 = arith.constant 0 : i32
      %dma_start3A_139 = tpu.memref_slice %arg9[%run_scoped3A, %dma_start3A_137, %dma_start3A_138] : memref<2x64x128xf32, #tpu.memory_space<vmem>> -> memref<1x64x128xf32, #tpu.memory_space<vmem>>
      %dma_start3A_140 = tpu.memref_squeeze %dma_start3A_139 : memref<1x64x128xf32, #tpu.memory_space<vmem>> -> memref<64x128xf32, #tpu.memory_space<vmem>>
      tpu.enqueue_dma source(%dma_start3A_140 : memref<64x128xf32, #tpu.memory_space<vmem>>) target(%dma_start3A_136 : memref<64x128xf32, #tpu.memory_space<vmem_shared>>) target_semaphore(%run_scoped3A_128 : memref<!tpu.dma_semaphore, #tpu.memory_space<semaphore_mem>>)
      %dma_wait3A_141 = arith.constant 0 : i32
      %dma_wait3A_142 = arith.constant 0 : i32
      %dma_wait3A_143 = tpu.memref_slice %arg9[%run_scoped3A, %dma_wait3A_141, %dma_wait3A_142] : memref<2x64x128xf32, #tpu.memory_space<vmem>> -> memref<1x64x128xf32, #tpu.memory_space<vmem>>
      %dma_wait3A_144 = tpu.memref_squeeze %dma_wait3A_143 : memref<1x64x128xf32, #tpu.memory_space<vmem>> -> memref<64x128xf32, #tpu.memory_space<vmem>>
      %dma_wait3A_145 = arith.constant 0 : i32
      %dma_wait3A_146 = tpu.memref_slice %arg11[%min3A_6, %dma_wait3A_145] : memref<10112x128xf32, #tpu.memory_space<vmem_shared>> -> memref<64x128xf32, #tpu.memory_space<vmem_shared>>
      %dma_wait3A_147 = arith.constant 0 : i32
      %dma_wait3A_148 = tpu.memref_slice %arg11[%min3A_6, %dma_wait3A_147] : memref<10112x128xf32, #tpu.memory_space<vmem_shared>> -> memref<64x128xf32, #tpu.memory_space<vmem_shared>>
      %dma_wait3A_149 = arith.constant 0 : i32
      %dma_wait3A_150 = arith.constant 0 : i32
      %dma_wait3A_151 = tpu.memref_slice %arg9[%run_scoped3A, %dma_wait3A_149, %dma_wait3A_150] : memref<2x64x128xf32, #tpu.memory_space<vmem>> -> memref<1x64x128xf32, #tpu.memory_space<vmem>>
      %dma_wait3A_152 = tpu.memref_squeeze %dma_wait3A_151 : memref<1x64x128xf32, #tpu.memory_space<vmem>> -> memref<64x128xf32, #tpu.memory_space<vmem>>
      tpu.wait_dma2 semaphore(%run_scoped3A_128 : memref<!tpu.dma_semaphore, #tpu.memory_space<semaphore_mem>>) src(%dma_wait3A_152 : memref<64x128xf32, #tpu.memory_space<vmem>>) dst(%dma_wait3A_148 : memref<64x128xf32, #tpu.memory_space<vmem_shared>>)
      tpu.yield
    }) : () -> ()
    %mul3A_7 = arith.constant 632 : i32
    %mul3A_8 = arith.muli %arg1, %mul3A_7 : i32
    %add3A_9 = arith.constant 64 : i32
    %add3A_10 = arith.addi %mul3A_8, %add3A_9 : i32
    %min3A_11 = arith.constant 10048 : i32
    %min3A_12 = arith.minsi %add3A_10, %min3A_11 : i32
    %run_scoped3A_13 = arith.constant 0 : i32
    "tpu.region"() ({
      %run_scoped3A_128 = tpu.sem_alloc : memref<!tpu.dma_semaphore, #tpu.memory_space<semaphore_mem>>
      %dma_start3A_129 = arith.constant 0 : i32
      %dma_start3A_130 = arith.constant 0 : i32
      %dma_start3A_131 = tpu.memref_slice %arg9[%run_scoped3A_13, %dma_start3A_129, %dma_start3A_130] : memref<2x64x128xf32, #tpu.memory_space<vmem>> -> memref<1x64x128xf32, #tpu.memory_space<vmem>>
      %dma_start3A_132 = tpu.memref_squeeze %dma_start3A_131 : memref<1x64x128xf32, #tpu.memory_space<vmem>> -> memref<64x128xf32, #tpu.memory_space<vmem>>
      %dma_start3A_133 = arith.constant 0 : i32
      %dma_start3A_134 = tpu.memref_slice %arg11[%min3A_12, %dma_start3A_133] : memref<10112x128xf32, #tpu.memory_space<vmem_shared>> -> memref<64x128xf32, #tpu.memory_space<vmem_shared>>
      %dma_start3A_135 = arith.constant 0 : i32
      %dma_start3A_136 = tpu.memref_slice %arg11[%min3A_12, %dma_start3A_135] : memref<10112x128xf32, #tpu.memory_space<vmem_shared>> -> memref<64x128xf32, #tpu.memory_space<vmem_shared>>
      %dma_start3A_137 = arith.constant 0 : i32
      %dma_start3A_138 = arith.constant 0 : i32
      %dma_start3A_139 = tpu.memref_slice %arg9[%run_scoped3A_13, %dma_start3A_137, %dma_start3A_138] : memref<2x64x128xf32, #tpu.memory_space<vmem>> -> memref<1x64x128xf32, #tpu.memory_space<vmem>>
      %dma_start3A_140 = tpu.memref_squeeze %dma_start3A_139 : memref<1x64x128xf32, #tpu.memory_space<vmem>> -> memref<64x128xf32, #tpu.memory_space<vmem>>
      tpu.enqueue_dma source(%dma_start3A_140 : memref<64x128xf32, #tpu.memory_space<vmem>>) target(%dma_start3A_136 : memref<64x128xf32, #tpu.memory_space<vmem_shared>>) target_semaphore(%run_scoped3A_128 : memref<!tpu.dma_semaphore, #tpu.memory_space<semaphore_mem>>)
      %dma_wait3A_141 = arith.constant 0 : i32
      %dma_wait3A_142 = arith.constant 0 : i32
      %dma_wait3A_143 = tpu.memref_slice %arg9[%run_scoped3A_13, %dma_wait3A_141, %dma_wait3A_142] : memref<2x64x128xf32, #tpu.memory_space<vmem>> -> memref<1x64x128xf32, #tpu.memory_space<vmem>>
      %dma_wait3A_144 = tpu.memref_squeeze %dma_wait3A_143 : memref<1x64x128xf32, #tpu.memory_space<vmem>> -> memref<64x128xf32, #tpu.memory_space<vmem>>
      %dma_wait3A_145 = arith.constant 0 : i32
      %dma_wait3A_146 = tpu.memref_slice %arg11[%min3A_12, %dma_wait3A_145] : memref<10112x128xf32, #tpu.memory_space<vmem_shared>> -> memref<64x128xf32, #tpu.memory_space<vmem_shared>>
      %dma_wait3A_147 = arith.constant 0 : i32
      %dma_wait3A_148 = tpu.memref_slice %arg11[%min3A_12, %dma_wait3A_147] : memref<10112x128xf32, #tpu.memory_space<vmem_shared>> -> memref<64x128xf32, #tpu.memory_space<vmem_shared>>
      %dma_wait3A_149 = arith.constant 0 : i32
      %dma_wait3A_150 = arith.constant 0 : i32
      %dma_wait3A_151 = tpu.memref_slice %arg9[%run_scoped3A_13, %dma_wait3A_149, %dma_wait3A_150] : memref<2x64x128xf32, #tpu.memory_space<vmem>> -> memref<1x64x128xf32, #tpu.memory_space<vmem>>
      %dma_wait3A_152 = tpu.memref_squeeze %dma_wait3A_151 : memref<1x64x128xf32, #tpu.memory_space<vmem>> -> memref<64x128xf32, #tpu.memory_space<vmem>>
      tpu.wait_dma2 semaphore(%run_scoped3A_128 : memref<!tpu.dma_semaphore, #tpu.memory_space<semaphore_mem>>) src(%dma_wait3A_152 : memref<64x128xf32, #tpu.memory_space<vmem>>) dst(%dma_wait3A_148 : memref<64x128xf32, #tpu.memory_space<vmem_shared>>)
      tpu.yield
    }) : () -> ()
    %mul3A_14 = arith.constant 632 : i32
    %mul3A_15 = arith.muli %arg1, %mul3A_14 : i32
    %add3A_16 = arith.constant 128 : i32
    %add3A_17 = arith.addi %mul3A_15, %add3A_16 : i32
    %min3A_18 = arith.constant 10048 : i32
    %min3A_19 = arith.minsi %add3A_17, %min3A_18 : i32
    %run_scoped3A_20 = arith.constant 0 : i32
    "tpu.region"() ({
      %run_scoped3A_128 = tpu.sem_alloc : memref<!tpu.dma_semaphore, #tpu.memory_space<semaphore_mem>>
      %dma_start3A_129 = arith.constant 0 : i32
      %dma_start3A_130 = arith.constant 0 : i32
      %dma_start3A_131 = tpu.memref_slice %arg9[%run_scoped3A_20, %dma_start3A_129, %dma_start3A_130] : memref<2x64x128xf32, #tpu.memory_space<vmem>> -> memref<1x64x128xf32, #tpu.memory_space<vmem>>
      %dma_start3A_132 = tpu.memref_squeeze %dma_start3A_131 : memref<1x64x128xf32, #tpu.memory_space<vmem>> -> memref<64x128xf32, #tpu.memory_space<vmem>>
      %dma_start3A_133 = arith.constant 0 : i32
      %dma_start3A_134 = tpu.memref_slice %arg11[%min3A_19, %dma_start3A_133] : memref<10112x128xf32, #tpu.memory_space<vmem_shared>> -> memref<64x128xf32, #tpu.memory_space<vmem_shared>>
      %dma_start3A_135 = arith.constant 0 : i32
      %dma_start3A_136 = tpu.memref_slice %arg11[%min3A_19, %dma_start3A_135] : memref<10112x128xf32, #tpu.memory_space<vmem_shared>> -> memref<64x128xf32, #tpu.memory_space<vmem_shared>>
      %dma_start3A_137 = arith.constant 0 : i32
      %dma_start3A_138 = arith.constant 0 : i32
      %dma_start3A_139 = tpu.memref_slice %arg9[%run_scoped3A_20, %dma_start3A_137, %dma_start3A_138] : memref<2x64x128xf32, #tpu.memory_space<vmem>> -> memref<1x64x128xf32, #tpu.memory_space<vmem>>
      %dma_start3A_140 = tpu.memref_squeeze %dma_start3A_139 : memref<1x64x128xf32, #tpu.memory_space<vmem>> -> memref<64x128xf32, #tpu.memory_space<vmem>>
      tpu.enqueue_dma source(%dma_start3A_140 : memref<64x128xf32, #tpu.memory_space<vmem>>) target(%dma_start3A_136 : memref<64x128xf32, #tpu.memory_space<vmem_shared>>) target_semaphore(%run_scoped3A_128 : memref<!tpu.dma_semaphore, #tpu.memory_space<semaphore_mem>>)
      %dma_wait3A_141 = arith.constant 0 : i32
      %dma_wait3A_142 = arith.constant 0 : i32
      %dma_wait3A_143 = tpu.memref_slice %arg9[%run_scoped3A_20, %dma_wait3A_141, %dma_wait3A_142] : memref<2x64x128xf32, #tpu.memory_space<vmem>> -> memref<1x64x128xf32, #tpu.memory_space<vmem>>
      %dma_wait3A_144 = tpu.memref_squeeze %dma_wait3A_143 : memref<1x64x128xf32, #tpu.memory_space<vmem>> -> memref<64x128xf32, #tpu.memory_space<vmem>>
      %dma_wait3A_145 = arith.constant 0 : i32
      %dma_wait3A_146 = tpu.memref_slice %arg11[%min3A_19, %dma_wait3A_145] : memref<10112x128xf32, #tpu.memory_space<vmem_shared>> -> memref<64x128xf32, #tpu.memory_space<vmem_shared>>
      %dma_wait3A_147 = arith.constant 0 : i32
      %dma_wait3A_148 = tpu.memref_slice %arg11[%min3A_19, %dma_wait3A_147] : memref<10112x128xf32, #tpu.memory_space<vmem_shared>> -> memref<64x128xf32, #tpu.memory_space<vmem_shared>>
      %dma_wait3A_149 = arith.constant 0 : i32
      %dma_wait3A_150 = arith.constant 0 : i32
      %dma_wait3A_151 = tpu.memref_slice %arg9[%run_scoped3A_20, %dma_wait3A_149, %dma_wait3A_150] : memref<2x64x128xf32, #tpu.memory_space<vmem>> -> memref<1x64x128xf32, #tpu.memory_space<vmem>>
      %dma_wait3A_152 = tpu.memref_squeeze %dma_wait3A_151 : memref<1x64x128xf32, #tpu.memory_space<vmem>> -> memref<64x128xf32, #tpu.memory_space<vmem>>
      tpu.wait_dma2 semaphore(%run_scoped3A_128 : memref<!tpu.dma_semaphore, #tpu.memory_space<semaphore_mem>>) src(%dma_wait3A_152 : memref<64x128xf32, #tpu.memory_space<vmem>>) dst(%dma_wait3A_148 : memref<64x128xf32, #tpu.memory_space<vmem_shared>>)
      tpu.yield
    }) : () -> ()
    %mul3A_21 = arith.constant 632 : i32
    %mul3A_22 = arith.muli %arg1, %mul3A_21 : i32
    %add3A_23 = arith.constant 192 : i32
    %add3A_24 = arith.addi %mul3A_22, %add3A_23 : i32
    %min3A_25 = arith.constant 10048 : i32
    %min3A_26 = arith.minsi %add3A_24, %min3A_25 : i32
    %run_scoped3A_27 = arith.constant 0 : i32
    "tpu.region"() ({
      %run_scoped3A_128 = tpu.sem_alloc : memref<!tpu.dma_semaphore, #tpu.memory_space<semaphore_mem>>
      %dma_start3A_129 = arith.constant 0 : i32
      %dma_start3A_130 = arith.constant 0 : i32
      %dma_start3A_131 = tpu.memref_slice %arg9[%run_scoped3A_27, %dma_start3A_129, %dma_start3A_130] : memref<2x64x128xf32, #tpu.memory_space<vmem>> -> memref<1x64x128xf32, #tpu.memory_space<vmem>>
      %dma_start3A_132 = tpu.memref_squeeze %dma_start3A_131 : memref<1x64x128xf32, #tpu.memory_space<vmem>> -> memref<64x128xf32, #tpu.memory_space<vmem>>
      %dma_start3A_133 = arith.constant 0 : i32
      %dma_start3A_134 = tpu.memref_slice %arg11[%min3A_26, %dma_start3A_133] : memref<10112x128xf32, #tpu.memory_space<vmem_shared>> -> memref<64x128xf32, #tpu.memory_space<vmem_shared>>
      %dma_start3A_135 = arith.constant 0 : i32
      %dma_start3A_136 = tpu.memref_slice %arg11[%min3A_26, %dma_start3A_135] : memref<10112x128xf32, #tpu.memory_space<vmem_shared>> -> memref<64x128xf32, #tpu.memory_space<vmem_shared>>
      %dma_start3A_137 = arith.constant 0 : i32
      %dma_start3A_138 = arith.constant 0 : i32
      %dma_start3A_139 = tpu.memref_slice %arg9[%run_scoped3A_27, %dma_start3A_137, %dma_start3A_138] : memref<2x64x128xf32, #tpu.memory_space<vmem>> -> memref<1x64x128xf32, #tpu.memory_space<vmem>>
      %dma_start3A_140 = tpu.memref_squeeze %dma_start3A_139 : memref<1x64x128xf32, #tpu.memory_space<vmem>> -> memref<64x128xf32, #tpu.memory_space<vmem>>
      tpu.enqueue_dma source(%dma_start3A_140 : memref<64x128xf32, #tpu.memory_space<vmem>>) target(%dma_start3A_136 : memref<64x128xf32, #tpu.memory_space<vmem_shared>>) target_semaphore(%run_scoped3A_128 : memref<!tpu.dma_semaphore, #tpu.memory_space<semaphore_mem>>)
      %dma_wait3A_141 = arith.constant 0 : i32
      %dma_wait3A_142 = arith.constant 0 : i32
      %dma_wait3A_143 = tpu.memref_slice %arg9[%run_scoped3A_27, %dma_wait3A_141, %dma_wait3A_142] : memref<2x64x128xf32, #tpu.memory_space<vmem>> -> memref<1x64x128xf32, #tpu.memory_space<vmem>>
      %dma_wait3A_144 = tpu.memref_squeeze %dma_wait3A_143 : memref<1x64x128xf32, #tpu.memory_space<vmem>> -> memref<64x128xf32, #tpu.memory_space<vmem>>
      %dma_wait3A_145 = arith.constant 0 : i32
      %dma_wait3A_146 = tpu.memref_slice %arg11[%min3A_26, %dma_wait3A_145] : memref<10112x128xf32, #tpu.memory_space<vmem_shared>> -> memref<64x128xf32, #tpu.memory_space<vmem_shared>>
      %dma_wait3A_147 = arith.constant 0 : i32
      %dma_wait3A_148 = tpu.memref_slice %arg11[%min3A_26, %dma_wait3A_147] : memref<10112x128xf32, #tpu.memory_space<vmem_shared>> -> memref<64x128xf32, #tpu.memory_space<vmem_shared>>
      %dma_wait3A_149 = arith.constant 0 : i32
      %dma_wait3A_150 = arith.constant 0 : i32
      %dma_wait3A_151 = tpu.memref_slice %arg9[%run_scoped3A_27, %dma_wait3A_149, %dma_wait3A_150] : memref<2x64x128xf32, #tpu.memory_space<vmem>> -> memref<1x64x128xf32, #tpu.memory_space<vmem>>
      %dma_wait3A_152 = tpu.memref_squeeze %dma_wait3A_151 : memref<1x64x128xf32, #tpu.memory_space<vmem>> -> memref<64x128xf32, #tpu.memory_space<vmem>>
      tpu.wait_dma2 semaphore(%run_scoped3A_128 : memref<!tpu.dma_semaphore, #tpu.memory_space<semaphore_mem>>) src(%dma_wait3A_152 : memref<64x128xf32, #tpu.memory_space<vmem>>) dst(%dma_wait3A_148 : memref<64x128xf32, #tpu.memory_space<vmem_shared>>)
      tpu.yield
    }) : () -> ()
    %mul3A_28 = arith.constant 632 : i32
    %mul3A_29 = arith.muli %arg1, %mul3A_28 : i32
    %add3A_30 = arith.constant 256 : i32
    %add3A_31 = arith.addi %mul3A_29, %add3A_30 : i32
    %min3A_32 = arith.constant 10048 : i32
    %min3A_33 = arith.minsi %add3A_31, %min3A_32 : i32
    %run_scoped3A_34 = arith.constant 0 : i32
    "tpu.region"() ({
      %run_scoped3A_128 = tpu.sem_alloc : memref<!tpu.dma_semaphore, #tpu.memory_space<semaphore_mem>>
      %dma_start3A_129 = arith.constant 0 : i32
      %dma_start3A_130 = arith.constant 0 : i32
      %dma_start3A_131 = tpu.memref_slice %arg9[%run_scoped3A_34, %dma_start3A_129, %dma_start3A_130] : memref<2x64x128xf32, #tpu.memory_space<vmem>> -> memref<1x64x128xf32, #tpu.memory_space<vmem>>
      %dma_start3A_132 = tpu.memref_squeeze %dma_start3A_131 : memref<1x64x128xf32, #tpu.memory_space<vmem>> -> memref<64x128xf32, #tpu.memory_space<vmem>>
      %dma_start3A_133 = arith.constant 0 : i32
      %dma_start3A_134 = tpu.memref_slice %arg11[%min3A_33, %dma_start3A_133] : memref<10112x128xf32, #tpu.memory_space<vmem_shared>> -> memref<64x128xf32, #tpu.memory_space<vmem_shared>>
      %dma_start3A_135 = arith.constant 0 : i32
      %dma_start3A_136 = tpu.memref_slice %arg11[%min3A_33, %dma_start3A_135] : memref<10112x128xf32, #tpu.memory_space<vmem_shared>> -> memref<64x128xf32, #tpu.memory_space<vmem_shared>>
      %dma_start3A_137 = arith.constant 0 : i32
      %dma_start3A_138 = arith.constant 0 : i32
      %dma_start3A_139 = tpu.memref_slice %arg9[%run_scoped3A_34, %dma_start3A_137, %dma_start3A_138] : memref<2x64x128xf32, #tpu.memory_space<vmem>> -> memref<1x64x128xf32, #tpu.memory_space<vmem>>
      %dma_start3A_140 = tpu.memref_squeeze %dma_start3A_139 : memref<1x64x128xf32, #tpu.memory_space<vmem>> -> memref<64x128xf32, #tpu.memory_space<vmem>>
      tpu.enqueue_dma source(%dma_start3A_140 : memref<64x128xf32, #tpu.memory_space<vmem>>) target(%dma_start3A_136 : memref<64x128xf32, #tpu.memory_space<vmem_shared>>) target_semaphore(%run_scoped3A_128 : memref<!tpu.dma_semaphore, #tpu.memory_space<semaphore_mem>>)
      %dma_wait3A_141 = arith.constant 0 : i32
      %dma_wait3A_142 = arith.constant 0 : i32
      %dma_wait3A_143 = tpu.memref_slice %arg9[%run_scoped3A_34, %dma_wait3A_141, %dma_wait3A_142] : memref<2x64x128xf32, #tpu.memory_space<vmem>> -> memref<1x64x128xf32, #tpu.memory_space<vmem>>
      %dma_wait3A_144 = tpu.memref_squeeze %dma_wait3A_143 : memref<1x64x128xf32, #tpu.memory_space<vmem>> -> memref<64x128xf32, #tpu.memory_space<vmem>>
      %dma_wait3A_145 = arith.constant 0 : i32
      %dma_wait3A_146 = tpu.memref_slice %arg11[%min3A_33, %dma_wait3A_145] : memref<10112x128xf32, #tpu.memory_space<vmem_shared>> -> memref<64x128xf32, #tpu.memory_space<vmem_shared>>
      %dma_wait3A_147 = arith.constant 0 : i32
      %dma_wait3A_148 = tpu.memref_slice %arg11[%min3A_33, %dma_wait3A_147] : memref<10112x128xf32, #tpu.memory_space<vmem_shared>> -> memref<64x128xf32, #tpu.memory_space<vmem_shared>>
      %dma_wait3A_149 = arith.constant 0 : i32
      %dma_wait3A_150 = arith.constant 0 : i32
      %dma_wait3A_151 = tpu.memref_slice %arg9[%run_scoped3A_34, %dma_wait3A_149, %dma_wait3A_150] : memref<2x64x128xf32, #tpu.memory_space<vmem>> -> memref<1x64x128xf32, #tpu.memory_space<vmem>>
      %dma_wait3A_152 = tpu.memref_squeeze %dma_wait3A_151 : memref<1x64x128xf32, #tpu.memory_space<vmem>> -> memref<64x128xf32, #tpu.memory_space<vmem>>
      tpu.wait_dma2 semaphore(%run_scoped3A_128 : memref<!tpu.dma_semaphore, #tpu.memory_space<semaphore_mem>>) src(%dma_wait3A_152 : memref<64x128xf32, #tpu.memory_space<vmem>>) dst(%dma_wait3A_148 : memref<64x128xf32, #tpu.memory_space<vmem_shared>>)
      tpu.yield
    }) : () -> ()
    %mul3A_35 = arith.constant 632 : i32
    %mul3A_36 = arith.muli %arg1, %mul3A_35 : i32
    %add3A_37 = arith.constant 320 : i32
    %add3A_38 = arith.addi %mul3A_36, %add3A_37 : i32
    %min3A_39 = arith.constant 10048 : i32
    %min3A_40 = arith.minsi %add3A_38, %min3A_39 : i32
    %run_scoped3A_41 = arith.constant 0 : i32
    "tpu.region"() ({
      %run_scoped3A_128 = tpu.sem_alloc : memref<!tpu.dma_semaphore, #tpu.memory_space<semaphore_mem>>
      %dma_start3A_129 = arith.constant 0 : i32
      %dma_start3A_130 = arith.constant 0 : i32
      %dma_start3A_131 = tpu.memref_slice %arg9[%run_scoped3A_41, %dma_start3A_129, %dma_start3A_130] : memref<2x64x128xf32, #tpu.memory_space<vmem>> -> memref<1x64x128xf32, #tpu.memory_space<vmem>>
      %dma_start3A_132 = tpu.memref_squeeze %dma_start3A_131 : memref<1x64x128xf32, #tpu.memory_space<vmem>> -> memref<64x128xf32, #tpu.memory_space<vmem>>
      %dma_start3A_133 = arith.constant 0 : i32
      %dma_start3A_134 = tpu.memref_slice %arg11[%min3A_40, %dma_start3A_133] : memref<10112x128xf32, #tpu.memory_space<vmem_shared>> -> memref<64x128xf32, #tpu.memory_space<vmem_shared>>
      %dma_start3A_135 = arith.constant 0 : i32
      %dma_start3A_136 = tpu.memref_slice %arg11[%min3A_40, %dma_start3A_135] : memref<10112x128xf32, #tpu.memory_space<vmem_shared>> -> memref<64x128xf32, #tpu.memory_space<vmem_shared>>
      %dma_start3A_137 = arith.constant 0 : i32
      %dma_start3A_138 = arith.constant 0 : i32
      %dma_start3A_139 = tpu.memref_slice %arg9[%run_scoped3A_41, %dma_start3A_137, %dma_start3A_138] : memref<2x64x128xf32, #tpu.memory_space<vmem>> -> memref<1x64x128xf32, #tpu.memory_space<vmem>>
      %dma_start3A_140 = tpu.memref_squeeze %dma_start3A_139 : memref<1x64x128xf32, #tpu.memory_space<vmem>> -> memref<64x128xf32, #tpu.memory_space<vmem>>
      tpu.enqueue_dma source(%dma_start3A_140 : memref<64x128xf32, #tpu.memory_space<vmem>>) target(%dma_start3A_136 : memref<64x128xf32, #tpu.memory_space<vmem_shared>>) target_semaphore(%run_scoped3A_128 : memref<!tpu.dma_semaphore, #tpu.memory_space<semaphore_mem>>)
      %dma_wait3A_141 = arith.constant 0 : i32
      %dma_wait3A_142 = arith.constant 0 : i32
      %dma_wait3A_143 = tpu.memref_slice %arg9[%run_scoped3A_41, %dma_wait3A_141, %dma_wait3A_142] : memref<2x64x128xf32, #tpu.memory_space<vmem>> -> memref<1x64x128xf32, #tpu.memory_space<vmem>>
      %dma_wait3A_144 = tpu.memref_squeeze %dma_wait3A_143 : memref<1x64x128xf32, #tpu.memory_space<vmem>> -> memref<64x128xf32, #tpu.memory_space<vmem>>
      %dma_wait3A_145 = arith.constant 0 : i32
      %dma_wait3A_146 = tpu.memref_slice %arg11[%min3A_40, %dma_wait3A_145] : memref<10112x128xf32, #tpu.memory_space<vmem_shared>> -> memref<64x128xf32, #tpu.memory_space<vmem_shared>>
      %dma_wait3A_147 = arith.constant 0 : i32
      %dma_wait3A_148 = tpu.memref_slice %arg11[%min3A_40, %dma_wait3A_147] : memref<10112x128xf32, #tpu.memory_space<vmem_shared>> -> memref<64x128xf32, #tpu.memory_space<vmem_shared>>
      %dma_wait3A_149 = arith.constant 0 : i32
      %dma_wait3A_150 = arith.constant 0 : i32
      %dma_wait3A_151 = tpu.memref_slice %arg9[%run_scoped3A_41, %dma_wait3A_149, %dma_wait3A_150] : memref<2x64x128xf32, #tpu.memory_space<vmem>> -> memref<1x64x128xf32, #tpu.memory_space<vmem>>
      %dma_wait3A_152 = tpu.memref_squeeze %dma_wait3A_151 : memref<1x64x128xf32, #tpu.memory_space<vmem>> -> memref<64x128xf32, #tpu.memory_space<vmem>>
      tpu.wait_dma2 semaphore(%run_scoped3A_128 : memref<!tpu.dma_semaphore, #tpu.memory_space<semaphore_mem>>) src(%dma_wait3A_152 : memref<64x128xf32, #tpu.memory_space<vmem>>) dst(%dma_wait3A_148 : memref<64x128xf32, #tpu.memory_space<vmem_shared>>)
      tpu.yield
    }) : () -> ()
    %mul3A_42 = arith.constant 632 : i32
    %mul3A_43 = arith.muli %arg1, %mul3A_42 : i32
    %add3A_44 = arith.constant 384 : i32
    %add3A_45 = arith.addi %mul3A_43, %add3A_44 : i32
    %min3A_46 = arith.constant 10048 : i32
    %min3A_47 = arith.minsi %add3A_45, %min3A_46 : i32
    %run_scoped3A_48 = arith.constant 0 : i32
    "tpu.region"() ({
      %run_scoped3A_128 = tpu.sem_alloc : memref<!tpu.dma_semaphore, #tpu.memory_space<semaphore_mem>>
      %dma_start3A_129 = arith.constant 0 : i32
      %dma_start3A_130 = arith.constant 0 : i32
      %dma_start3A_131 = tpu.memref_slice %arg9[%run_scoped3A_48, %dma_start3A_129, %dma_start3A_130] : memref<2x64x128xf32, #tpu.memory_space<vmem>> -> memref<1x64x128xf32, #tpu.memory_space<vmem>>
      %dma_start3A_132 = tpu.memref_squeeze %dma_start3A_131 : memref<1x64x128xf32, #tpu.memory_space<vmem>> -> memref<64x128xf32, #tpu.memory_space<vmem>>
      %dma_start3A_133 = arith.constant 0 : i32
      %dma_start3A_134 = tpu.memref_slice %arg11[%min3A_47, %dma_start3A_133] : memref<10112x128xf32, #tpu.memory_space<vmem_shared>> -> memref<64x128xf32, #tpu.memory_space<vmem_shared>>
      %dma_start3A_135 = arith.constant 0 : i32
      %dma_start3A_136 = tpu.memref_slice %arg11[%min3A_47, %dma_start3A_135] : memref<10112x128xf32, #tpu.memory_space<vmem_shared>> -> memref<64x128xf32, #tpu.memory_space<vmem_shared>>
      %dma_start3A_137 = arith.constant 0 : i32
      %dma_start3A_138 = arith.constant 0 : i32
      %dma_start3A_139 = tpu.memref_slice %arg9[%run_scoped3A_48, %dma_start3A_137, %dma_start3A_138] : memref<2x64x128xf32, #tpu.memory_space<vmem>> -> memref<1x64x128xf32, #tpu.memory_space<vmem>>
      %dma_start3A_140 = tpu.memref_squeeze %dma_start3A_139 : memref<1x64x128xf32, #tpu.memory_space<vmem>> -> memref<64x128xf32, #tpu.memory_space<vmem>>
      tpu.enqueue_dma source(%dma_start3A_140 : memref<64x128xf32, #tpu.memory_space<vmem>>) target(%dma_start3A_136 : memref<64x128xf32, #tpu.memory_space<vmem_shared>>) target_semaphore(%run_scoped3A_128 : memref<!tpu.dma_semaphore, #tpu.memory_space<semaphore_mem>>)
      %dma_wait3A_141 = arith.constant 0 : i32
      %dma_wait3A_142 = arith.constant 0 : i32
      %dma_wait3A_143 = tpu.memref_slice %arg9[%run_scoped3A_48, %dma_wait3A_141, %dma_wait3A_142] : memref<2x64x128xf32, #tpu.memory_space<vmem>> -> memref<1x64x128xf32, #tpu.memory_space<vmem>>
      %dma_wait3A_144 = tpu.memref_squeeze %dma_wait3A_143 : memref<1x64x128xf32, #tpu.memory_space<vmem>> -> memref<64x128xf32, #tpu.memory_space<vmem>>
      %dma_wait3A_145 = arith.constant 0 : i32
      %dma_wait3A_146 = tpu.memref_slice %arg11[%min3A_47, %dma_wait3A_145] : memref<10112x128xf32, #tpu.memory_space<vmem_shared>> -> memref<64x128xf32, #tpu.memory_space<vmem_shared>>
      %dma_wait3A_147 = arith.constant 0 : i32
      %dma_wait3A_148 = tpu.memref_slice %arg11[%min3A_47, %dma_wait3A_147] : memref<10112x128xf32, #tpu.memory_space<vmem_shared>> -> memref<64x128xf32, #tpu.memory_space<vmem_shared>>
      %dma_wait3A_149 = arith.constant 0 : i32
      %dma_wait3A_150 = arith.constant 0 : i32
      %dma_wait3A_151 = tpu.memref_slice %arg9[%run_scoped3A_48, %dma_wait3A_149, %dma_wait3A_150] : memref<2x64x128xf32, #tpu.memory_space<vmem>> -> memref<1x64x128xf32, #tpu.memory_space<vmem>>
      %dma_wait3A_152 = tpu.memref_squeeze %dma_wait3A_151 : memref<1x64x128xf32, #tpu.memory_space<vmem>> -> memref<64x128xf32, #tpu.memory_space<vmem>>
      tpu.wait_dma2 semaphore(%run_scoped3A_128 : memref<!tpu.dma_semaphore, #tpu.memory_space<semaphore_mem>>) src(%dma_wait3A_152 : memref<64x128xf32, #tpu.memory_space<vmem>>) dst(%dma_wait3A_148 : memref<64x128xf32, #tpu.memory_space<vmem_shared>>)
      tpu.yield
    }) : () -> ()
    %mul3A_49 = arith.constant 632 : i32
    %mul3A_50 = arith.muli %arg1, %mul3A_49 : i32
    %add3A_51 = arith.constant 448 : i32
    %add3A_52 = arith.addi %mul3A_50, %add3A_51 : i32
    %min3A_53 = arith.constant 10048 : i32
    %min3A_54 = arith.minsi %add3A_52, %min3A_53 : i32
    %run_scoped3A_55 = arith.constant 0 : i32
    "tpu.region"() ({
      %run_scoped3A_128 = tpu.sem_alloc : memref<!tpu.dma_semaphore, #tpu.memory_space<semaphore_mem>>
      %dma_start3A_129 = arith.constant 0 : i32
      %dma_start3A_130 = arith.constant 0 : i32
      %dma_start3A_131 = tpu.memref_slice %arg9[%run_scoped3A_55, %dma_start3A_129, %dma_start3A_130] : memref<2x64x128xf32, #tpu.memory_space<vmem>> -> memref<1x64x128xf32, #tpu.memory_space<vmem>>
      %dma_start3A_132 = tpu.memref_squeeze %dma_start3A_131 : memref<1x64x128xf32, #tpu.memory_space<vmem>> -> memref<64x128xf32, #tpu.memory_space<vmem>>
      %dma_start3A_133 = arith.constant 0 : i32
      %dma_start3A_134 = tpu.memref_slice %arg11[%min3A_54, %dma_start3A_133] : memref<10112x128xf32, #tpu.memory_space<vmem_shared>> -> memref<64x128xf32, #tpu.memory_space<vmem_shared>>
      %dma_start3A_135 = arith.constant 0 : i32
      %dma_start3A_136 = tpu.memref_slice %arg11[%min3A_54, %dma_start3A_135] : memref<10112x128xf32, #tpu.memory_space<vmem_shared>> -> memref<64x128xf32, #tpu.memory_space<vmem_shared>>
      %dma_start3A_137 = arith.constant 0 : i32
      %dma_start3A_138 = arith.constant 0 : i32
      %dma_start3A_139 = tpu.memref_slice %arg9[%run_scoped3A_55, %dma_start3A_137, %dma_start3A_138] : memref<2x64x128xf32, #tpu.memory_space<vmem>> -> memref<1x64x128xf32, #tpu.memory_space<vmem>>
      %dma_start3A_140 = tpu.memref_squeeze %dma_start3A_139 : memref<1x64x128xf32, #tpu.memory_space<vmem>> -> memref<64x128xf32, #tpu.memory_space<vmem>>
      tpu.enqueue_dma source(%dma_start3A_140 : memref<64x128xf32, #tpu.memory_space<vmem>>) target(%dma_start3A_136 : memref<64x128xf32, #tpu.memory_space<vmem_shared>>) target_semaphore(%run_scoped3A_128 : memref<!tpu.dma_semaphore, #tpu.memory_space<semaphore_mem>>)
      %dma_wait3A_141 = arith.constant 0 : i32
      %dma_wait3A_142 = arith.constant 0 : i32
      %dma_wait3A_143 = tpu.memref_slice %arg9[%run_scoped3A_55, %dma_wait3A_141, %dma_wait3A_142] : memref<2x64x128xf32, #tpu.memory_space<vmem>> -> memref<1x64x128xf32, #tpu.memory_space<vmem>>
      %dma_wait3A_144 = tpu.memref_squeeze %dma_wait3A_143 : memref<1x64x128xf32, #tpu.memory_space<vmem>> -> memref<64x128xf32, #tpu.memory_space<vmem>>
      %dma_wait3A_145 = arith.constant 0 : i32
      %dma_wait3A_146 = tpu.memref_slice %arg11[%min3A_54, %dma_wait3A_145] : memref<10112x128xf32, #tpu.memory_space<vmem_shared>> -> memref<64x128xf32, #tpu.memory_space<vmem_shared>>
      %dma_wait3A_147 = arith.constant 0 : i32
      %dma_wait3A_148 = tpu.memref_slice %arg11[%min3A_54, %dma_wait3A_147] : memref<10112x128xf32, #tpu.memory_space<vmem_shared>> -> memref<64x128xf32, #tpu.memory_space<vmem_shared>>
      %dma_wait3A_149 = arith.constant 0 : i32
      %dma_wait3A_150 = arith.constant 0 : i32
      %dma_wait3A_151 = tpu.memref_slice %arg9[%run_scoped3A_55, %dma_wait3A_149, %dma_wait3A_150] : memref<2x64x128xf32, #tpu.memory_space<vmem>> -> memref<1x64x128xf32, #tpu.memory_space<vmem>>
      %dma_wait3A_152 = tpu.memref_squeeze %dma_wait3A_151 : memref<1x64x128xf32, #tpu.memory_space<vmem>> -> memref<64x128xf32, #tpu.memory_space<vmem>>
      tpu.wait_dma2 semaphore(%run_scoped3A_128 : memref<!tpu.dma_semaphore, #tpu.memory_space<semaphore_mem>>) src(%dma_wait3A_152 : memref<64x128xf32, #tpu.memory_space<vmem>>) dst(%dma_wait3A_148 : memref<64x128xf32, #tpu.memory_space<vmem_shared>>)
      tpu.yield
    }) : () -> ()
    %mul3A_56 = arith.constant 632 : i32
    %mul3A_57 = arith.muli %arg1, %mul3A_56 : i32
    %add3A_58 = arith.constant 512 : i32
    %add3A_59 = arith.addi %mul3A_57, %add3A_58 : i32
    %min3A_60 = arith.constant 10048 : i32
    %min3A_61 = arith.minsi %add3A_59, %min3A_60 : i32
    %run_scoped3A_62 = arith.constant 0 : i32
    "tpu.region"() ({
      %run_scoped3A_128 = tpu.sem_alloc : memref<!tpu.dma_semaphore, #tpu.memory_space<semaphore_mem>>
      %dma_start3A_129 = arith.constant 0 : i32
      %dma_start3A_130 = arith.constant 0 : i32
      %dma_start3A_131 = tpu.memref_slice %arg9[%run_scoped3A_62, %dma_start3A_129, %dma_start3A_130] : memref<2x64x128xf32, #tpu.memory_space<vmem>> -> memref<1x64x128xf32, #tpu.memory_space<vmem>>
      %dma_start3A_132 = tpu.memref_squeeze %dma_start3A_131 : memref<1x64x128xf32, #tpu.memory_space<vmem>> -> memref<64x128xf32, #tpu.memory_space<vmem>>
      %dma_start3A_133 = arith.constant 0 : i32
      %dma_start3A_134 = tpu.memref_slice %arg11[%min3A_61, %dma_start3A_133] : memref<10112x128xf32, #tpu.memory_space<vmem_shared>> -> memref<64x128xf32, #tpu.memory_space<vmem_shared>>
      %dma_start3A_135 = arith.constant 0 : i32
      %dma_start3A_136 = tpu.memref_slice %arg11[%min3A_61, %dma_start3A_135] : memref<10112x128xf32, #tpu.memory_space<vmem_shared>> -> memref<64x128xf32, #tpu.memory_space<vmem_shared>>
      %dma_start3A_137 = arith.constant 0 : i32
      %dma_start3A_138 = arith.constant 0 : i32
      %dma_start3A_139 = tpu.memref_slice %arg9[%run_scoped3A_62, %dma_start3A_137, %dma_start3A_138] : memref<2x64x128xf32, #tpu.memory_space<vmem>> -> memref<1x64x128xf32, #tpu.memory_space<vmem>>
      %dma_start3A_140 = tpu.memref_squeeze %dma_start3A_139 : memref<1x64x128xf32, #tpu.memory_space<vmem>> -> memref<64x128xf32, #tpu.memory_space<vmem>>
      tpu.enqueue_dma source(%dma_start3A_140 : memref<64x128xf32, #tpu.memory_space<vmem>>) target(%dma_start3A_136 : memref<64x128xf32, #tpu.memory_space<vmem_shared>>) target_semaphore(%run_scoped3A_128 : memref<!tpu.dma_semaphore, #tpu.memory_space<semaphore_mem>>)
      %dma_wait3A_141 = arith.constant 0 : i32
      %dma_wait3A_142 = arith.constant 0 : i32
      %dma_wait3A_143 = tpu.memref_slice %arg9[%run_scoped3A_62, %dma_wait3A_141, %dma_wait3A_142] : memref<2x64x128xf32, #tpu.memory_space<vmem>> -> memref<1x64x128xf32, #tpu.memory_space<vmem>>
      %dma_wait3A_144 = tpu.memref_squeeze %dma_wait3A_143 : memref<1x64x128xf32, #tpu.memory_space<vmem>> -> memref<64x128xf32, #tpu.memory_space<vmem>>
      %dma_wait3A_145 = arith.constant 0 : i32
      %dma_wait3A_146 = tpu.memref_slice %arg11[%min3A_61, %dma_wait3A_145] : memref<10112x128xf32, #tpu.memory_space<vmem_shared>> -> memref<64x128xf32, #tpu.memory_space<vmem_shared>>
      %dma_wait3A_147 = arith.constant 0 : i32
      %dma_wait3A_148 = tpu.memref_slice %arg11[%min3A_61, %dma_wait3A_147] : memref<10112x128xf32, #tpu.memory_space<vmem_shared>> -> memref<64x128xf32, #tpu.memory_space<vmem_shared>>
      %dma_wait3A_149 = arith.constant 0 : i32
      %dma_wait3A_150 = arith.constant 0 : i32
      %dma_wait3A_151 = tpu.memref_slice %arg9[%run_scoped3A_62, %dma_wait3A_149, %dma_wait3A_150] : memref<2x64x128xf32, #tpu.memory_space<vmem>> -> memref<1x64x128xf32, #tpu.memory_space<vmem>>
      %dma_wait3A_152 = tpu.memref_squeeze %dma_wait3A_151 : memref<1x64x128xf32, #tpu.memory_space<vmem>> -> memref<64x128xf32, #tpu.memory_space<vmem>>
      tpu.wait_dma2 semaphore(%run_scoped3A_128 : memref<!tpu.dma_semaphore, #tpu.memory_space<semaphore_mem>>) src(%dma_wait3A_152 : memref<64x128xf32, #tpu.memory_space<vmem>>) dst(%dma_wait3A_148 : memref<64x128xf32, #tpu.memory_space<vmem_shared>>)
      tpu.yield
    }) : () -> ()
    %mul3A_63 = arith.constant 632 : i32
    %mul3A_64 = arith.muli %arg1, %mul3A_63 : i32
    %add3A_65 = arith.constant 576 : i32
    %add3A_66 = arith.addi %mul3A_64, %add3A_65 : i32
    %min3A_67 = arith.constant 10048 : i32
    %min3A_68 = arith.minsi %add3A_66, %min3A_67 : i32
    %run_scoped3A_69 = arith.constant 0 : i32
    "tpu.region"() ({
      %run_scoped3A_128 = tpu.sem_alloc : memref<!tpu.dma_semaphore, #tpu.memory_space<semaphore_mem>>
      %dma_start3A_129 = arith.constant 0 : i32
      %dma_start3A_130 = arith.constant 0 : i32
      %dma_start3A_131 = tpu.memref_slice %arg9[%run_scoped3A_69, %dma_start3A_129, %dma_start3A_130] : memref<2x64x128xf32, #tpu.memory_space<vmem>> -> memref<1x64x128xf32, #tpu.memory_space<vmem>>
      %dma_start3A_132 = tpu.memref_squeeze %dma_start3A_131 : memref<1x64x128xf32, #tpu.memory_space<vmem>> -> memref<64x128xf32, #tpu.memory_space<vmem>>
      %dma_start3A_133 = arith.constant 0 : i32
      %dma_start3A_134 = tpu.memref_slice %arg11[%min3A_68, %dma_start3A_133] : memref<10112x128xf32, #tpu.memory_space<vmem_shared>> -> memref<64x128xf32, #tpu.memory_space<vmem_shared>>
      %dma_start3A_135 = arith.constant 0 : i32
      %dma_start3A_136 = tpu.memref_slice %arg11[%min3A_68, %dma_start3A_135] : memref<10112x128xf32, #tpu.memory_space<vmem_shared>> -> memref<64x128xf32, #tpu.memory_space<vmem_shared>>
      %dma_start3A_137 = arith.constant 0 : i32
      %dma_start3A_138 = arith.constant 0 : i32
      %dma_start3A_139 = tpu.memref_slice %arg9[%run_scoped3A_69, %dma_start3A_137, %dma_start3A_138] : memref<2x64x128xf32, #tpu.memory_space<vmem>> -> memref<1x64x128xf32, #tpu.memory_space<vmem>>
      %dma_start3A_140 = tpu.memref_squeeze %dma_start3A_139 : memref<1x64x128xf32, #tpu.memory_space<vmem>> -> memref<64x128xf32, #tpu.memory_space<vmem>>
      tpu.enqueue_dma source(%dma_start3A_140 : memref<64x128xf32, #tpu.memory_space<vmem>>) target(%dma_start3A_136 : memref<64x128xf32, #tpu.memory_space<vmem_shared>>) target_semaphore(%run_scoped3A_128 : memref<!tpu.dma_semaphore, #tpu.memory_space<semaphore_mem>>)
      %dma_wait3A_141 = arith.constant 0 : i32
      %dma_wait3A_142 = arith.constant 0 : i32
      %dma_wait3A_143 = tpu.memref_slice %arg9[%run_scoped3A_69, %dma_wait3A_141, %dma_wait3A_142] : memref<2x64x128xf32, #tpu.memory_space<vmem>> -> memref<1x64x128xf32, #tpu.memory_space<vmem>>
      %dma_wait3A_144 = tpu.memref_squeeze %dma_wait3A_143 : memref<1x64x128xf32, #tpu.memory_space<vmem>> -> memref<64x128xf32, #tpu.memory_space<vmem>>
      %dma_wait3A_145 = arith.constant 0 : i32
      %dma_wait3A_146 = tpu.memref_slice %arg11[%min3A_68, %dma_wait3A_145] : memref<10112x128xf32, #tpu.memory_space<vmem_shared>> -> memref<64x128xf32, #tpu.memory_space<vmem_shared>>
      %dma_wait3A_147 = arith.constant 0 : i32
      %dma_wait3A_148 = tpu.memref_slice %arg11[%min3A_68, %dma_wait3A_147] : memref<10112x128xf32, #tpu.memory_space<vmem_shared>> -> memref<64x128xf32, #tpu.memory_space<vmem_shared>>
      %dma_wait3A_149 = arith.constant 0 : i32
      %dma_wait3A_150 = arith.constant 0 : i32
      %dma_wait3A_151 = tpu.memref_slice %arg9[%run_scoped3A_69, %dma_wait3A_149, %dma_wait3A_150] : memref<2x64x128xf32, #tpu.memory_space<vmem>> -> memref<1x64x128xf32, #tpu.memory_space<vmem>>
      %dma_wait3A_152 = tpu.memref_squeeze %dma_wait3A_151 : memref<1x64x128xf32, #tpu.memory_space<vmem>> -> memref<64x128xf32, #tpu.memory_space<vmem>>
      tpu.wait_dma2 semaphore(%run_scoped3A_128 : memref<!tpu.dma_semaphore, #tpu.memory_space<semaphore_mem>>) src(%dma_wait3A_152 : memref<64x128xf32, #tpu.memory_space<vmem>>) dst(%dma_wait3A_148 : memref<64x128xf32, #tpu.memory_space<vmem_shared>>)
      tpu.yield
    }) : () -> ()
    %barrier3A = arith.constant 0 : index
    tpu.barrier barrier_id(%barrier3A)
    %mul3A_70 = arith.constant 16 : i32
    %mul3A_71 = arith.muli %arg0, %mul3A_70 : i32
    %add3A_72 = arith.addi %mul3A_71, %arg1 : i32
    %mul3A_73 = arith.constant 10112 : i32
    %mul3A_74 = arith.muli %add3A_72, %mul3A_73 : i32
    "tpu.region"() ({
      %run_scoped3A_128 = tpu.sem_alloc : memref<!tpu.dma_semaphore, #tpu.memory_space<semaphore_mem>>
      %dma_start3A_129 = tpu.memref_slice %arg3[%mul3A_74] : memref<323584xi32, #tpu.memory_space<hbm>> -> memref<10112xi32, #tpu.memory_space<hbm>>
      %dma_start3A_130 = tpu.memref_slice %arg3[%mul3A_74] : memref<323584xi32, #tpu.memory_space<hbm>> -> memref<10112xi32, #tpu.memory_space<hbm>>
      tpu.enqueue_dma source(%dma_start3A_130 : memref<10112xi32, #tpu.memory_space<hbm>>) target(%arg7 : memref<10112xi32, #tpu.memory_space<vmem>>) target_semaphore(%run_scoped3A_128 : memref<!tpu.dma_semaphore, #tpu.memory_space<semaphore_mem>>)
      %dma_wait3A_131 = tpu.memref_slice %arg3[%mul3A_74] : memref<323584xi32, #tpu.memory_space<hbm>> -> memref<10112xi32, #tpu.memory_space<hbm>>
      %dma_wait3A_132 = tpu.memref_slice %arg3[%mul3A_74] : memref<323584xi32, #tpu.memory_space<hbm>> -> memref<10112xi32, #tpu.memory_space<hbm>>
      tpu.wait_dma2 semaphore(%run_scoped3A_128 : memref<!tpu.dma_semaphore, #tpu.memory_space<semaphore_mem>>) src(%dma_wait3A_132 : memref<10112xi32, #tpu.memory_space<hbm>>) dst(%arg7 : memref<10112xi32, #tpu.memory_space<vmem>>)
      tpu.yield
    }) : () -> ()
    %add3A_75 = arith.constant 0 : i32
    %add3A_76 = arith.addi %mul3A_74, %add3A_75 : i32
    %dma_start3A = arith.constant 0 : i32
    %dma_start3A_77 = arith.constant 0 : i32
    %dma_start3A_78 = tpu.memref_slice %arg8[%dma_start3A, %dma_start3A_77] : memref<2x64xi32, #tpu.memory_space<vmem>> -> memref<1x64xi32, #tpu.memory_space<vmem>>
    %dma_start3A_79 = tpu.memref_squeeze %dma_start3A_78 : memref<1x64xi32, #tpu.memory_space<vmem>> -> memref<64xi32, #tpu.memory_space<vmem>>
    %dma_start3A_80 = tpu.memref_slice %arg4[%add3A_76] : memref<323584xi32, #tpu.memory_space<hbm>> -> memref<64xi32, #tpu.memory_space<hbm>>
    %dma_start3A_81 = arith.constant 0 : i32
    %dma_start3A_82 = tpu.memref_slice %arg8[%dma_start3A, %dma_start3A_81] : memref<2x64xi32, #tpu.memory_space<vmem>> -> memref<1x64xi32, #tpu.memory_space<vmem>>
    %dma_start3A_83 = tpu.memref_squeeze %dma_start3A_82 : memref<1x64xi32, #tpu.memory_space<vmem>> -> memref<64xi32, #tpu.memory_space<vmem>>
    %dma_start3A_84 = tpu.memref_slice %arg4[%add3A_76] : memref<323584xi32, #tpu.memory_space<hbm>> -> memref<64xi32, #tpu.memory_space<hbm>>
    tpu.enqueue_dma source(%dma_start3A_84 : memref<64xi32, #tpu.memory_space<hbm>>) target(%dma_start3A_83 : memref<64xi32, #tpu.memory_space<vmem>>) target_semaphore(%arg12 : memref<!tpu.dma_semaphore, #tpu.memory_space<semaphore_mem>>)
    %dma_start3A_85 = arith.constant 0 : i32
    %dma_start3A_86 = arith.constant 0 : i32
    %dma_start3A_87 = arith.constant 0 : i32
    %dma_start3A_88 = tpu.memref_slice %arg9[%dma_start3A_85, %dma_start3A_86, %dma_start3A_87] : memref<2x64x128xf32, #tpu.memory_space<vmem>> -> memref<1x64x128xf32, #tpu.memory_space<vmem>>
    %dma_start3A_89 = tpu.memref_squeeze %dma_start3A_88 : memref<1x64x128xf32, #tpu.memory_space<vmem>> -> memref<64x128xf32, #tpu.memory_space<vmem>>
    %dma_start3A_90 = arith.constant 0 : i32
    %dma_start3A_91 = tpu.memref_slice %arg7[%dma_start3A_90] : memref<10112xi32, #tpu.memory_space<vmem>> -> memref<64xi32, #tpu.memory_space<vmem>>
    %dma_start3A_92 = arith.constant 0 : i32
    %dma_start3A_93 = arith.constant 0 : i32
    %dma_start3A_94 = tpu.memref_slice %arg2[%dma_start3A_92, %dma_start3A_93] : memref<10000x128xf32, #tpu.memory_space<hbm>> -> memref<10000x128xf32, #tpu.memory_space<hbm>>
    tpu.enqueue_indirect_dma source(%dma_start3A_94 : memref<10000x128xf32, #tpu.memory_space<hbm>>) target(%dma_start3A_89 : memref<64x128xf32, #tpu.memory_space<vmem>>) offsets(%dma_start3A_91 : memref<64xi32, #tpu.memory_space<vmem>>) semaphore(%arg12 : memref<!tpu.dma_semaphore, #tpu.memory_space<semaphore_mem>>)
    %add3A_95 = arith.constant 0 : i32
    %add3A_96 = arith.addi %mul3A_74, %add3A_95 : i32
    %dma_start3A_97 = arith.constant 0 : i32
    %dma_start3A_98 = arith.constant 0 : i32
    %dma_start3A_99 = arith.constant 0 : i32
    %dma_start3A_100 = tpu.memref_slice %arg10[%dma_start3A_97, %dma_start3A_98, %dma_start3A_99] : memref<2x64x128xf32, #tpu.memory_space<vmem>> -> memref<1x64x128xf32, #tpu.memory_space<vmem>>
    %dma_start3A_101 = tpu.memref_squeeze %dma_start3A_100 : memref<1x64x128xf32, #tpu.memory_space<vmem>> -> memref<64x128xf32, #tpu.memory_space<vmem>>
    %dma_start3A_102 = arith.constant 0 : i32
    %dma_start3A_103 = tpu.memref_slice %arg5[%add3A_96, %dma_start3A_102] : memref<323584x128xf32, #tpu.memory_space<hbm>> -> memref<64x128xf32, #tpu.memory_space<hbm>>
    %dma_start3A_104 = arith.constant 0 : i32
    %dma_start3A_105 = arith.constant 0 : i32
    %dma_start3A_106 = tpu.memref_slice %arg10[%dma_start3A_97, %dma_start3A_104, %dma_start3A_105] : memref<2x64x128xf32, #tpu.memory_space<vmem>> -> memref<1x64x128xf32, #tpu.memory_space<vmem>>
    %dma_start3A_107 = tpu.memref_squeeze %dma_start3A_106 : memref<1x64x128xf32, #tpu.memory_space<vmem>> -> memref<64x128xf32, #tpu.memory_space<vmem>>
    %dma_start3A_108 = arith.constant 0 : i32
    %dma_start3A_109 = tpu.memref_slice %arg5[%add3A_96, %dma_start3A_108] : memref<323584x128xf32, #tpu.memory_space<hbm>> -> memref<64x128xf32, #tpu.memory_space<hbm>>
    tpu.enqueue_dma source(%dma_start3A_109 : memref<64x128xf32, #tpu.memory_space<hbm>>) target(%dma_start3A_107 : memref<64x128xf32, #tpu.memory_space<vmem>>) target_semaphore(%arg12 : memref<!tpu.dma_semaphore, #tpu.memory_space<semaphore_mem>>)
    %scan3A = arith.constant 0 : i32
    %scan3A_110 = arith.constant 79 : i32
    %scan3A_111 = arith.addi %scan3A, %scan3A_110 : i32
    %scan3A_112 = arith.constant 1 : i32
    scf.for %scan3A_128 = %scan3A to %scan3A_111 step %scan3A_112  : i32 {
      %mul3A_129 = arith.constant 2 : i32
      %mul3A_130 = arith.muli %scan3A_128, %mul3A_129 : i32
      %add3A_131 = arith.constant 0 : i32
      %add3A_132 = arith.addi %add3A_131, %mul3A_130 : i32
      %add3A_133 = arith.constant 0 : i32
      %add3A_134 = arith.addi %add3A_132, %add3A_133 : i32
      %mul3A_135 = arith.constant 64 : i32
      %mul3A_136 = arith.muli %add3A_134, %mul3A_135 : i32
      %add3A_137 = arith.addi %mul3A_74, %mul3A_136 : i32
      %dma_wait3A_138 = arith.constant 0 : i32
      %dma_wait3A_139 = arith.constant 0 : i32
      %dma_wait3A_140 = tpu.memref_slice %arg8[%dma_wait3A_138, %dma_wait3A_139] : memref<2x64xi32, #tpu.memory_space<vmem>> -> memref<1x64xi32, #tpu.memory_space<vmem>>
      %dma_wait3A_141 = tpu.memref_squeeze %dma_wait3A_140 : memref<1x64xi32, #tpu.memory_space<vmem>> -> memref<64xi32, #tpu.memory_space<vmem>>
      %dma_wait3A_142 = tpu.memref_slice %arg4[%add3A_137] : memref<323584xi32, #tpu.memory_space<hbm>> -> memref<64xi32, #tpu.memory_space<hbm>>
      %dma_wait3A_143 = arith.constant 0 : i32
      %dma_wait3A_144 = tpu.memref_slice %arg8[%dma_wait3A_138, %dma_wait3A_143] : memref<2x64xi32, #tpu.memory_space<vmem>> -> memref<1x64xi32, #tpu.memory_space<vmem>>
      %dma_wait3A_145 = tpu.memref_squeeze %dma_wait3A_144 : memref<1x64xi32, #tpu.memory_space<vmem>> -> memref<64xi32, #tpu.memory_space<vmem>>
      %dma_wait3A_146 = tpu.memref_slice %arg4[%add3A_137] : memref<323584xi32, #tpu.memory_space<hbm>> -> memref<64xi32, #tpu.memory_space<hbm>>
      tpu.wait_dma2 semaphore(%arg12 : memref<!tpu.dma_semaphore, #tpu.memory_space<semaphore_mem>>) src(%dma_wait3A_146 : memref<64xi32, #tpu.memory_space<hbm>>) dst(%dma_wait3A_145 : memref<64xi32, #tpu.memory_space<vmem>>)
      %mul3A_147 = arith.constant 64 : i32
      %mul3A_148 = arith.muli %add3A_134, %mul3A_147 : i32
      %dma_wait3A_149 = arith.constant 0 : i32
      %dma_wait3A_150 = arith.constant 0 : i32
      %dma_wait3A_151 = arith.constant 0 : i32
      %dma_wait3A_152 = tpu.memref_slice %arg9[%dma_wait3A_149, %dma_wait3A_150, %dma_wait3A_151] : memref<2x64x128xf32, #tpu.memory_space<vmem>> -> memref<1x64x128xf32, #tpu.memory_space<vmem>>
      %dma_wait3A_153 = tpu.memref_squeeze %dma_wait3A_152 : memref<1x64x128xf32, #tpu.memory_space<vmem>> -> memref<64x128xf32, #tpu.memory_space<vmem>>
      %dma_wait3A_154 = tpu.memref_slice %arg7[%mul3A_148] : memref<10112xi32, #tpu.memory_space<vmem>> -> memref<64xi32, #tpu.memory_space<vmem>>
      %dma_wait3A_155 = arith.constant 0 : i32
      %dma_wait3A_156 = arith.constant 0 : i32
      %dma_wait3A_157 = tpu.memref_slice %arg2[%dma_wait3A_155, %dma_wait3A_156] : memref<10000x128xf32, #tpu.memory_space<hbm>> -> memref<10000x128xf32, #tpu.memory_space<hbm>>
      tpu.wait_indirect_dma semaphore(%arg12 : memref<!tpu.dma_semaphore, #tpu.memory_space<semaphore_mem>>) src(%dma_wait3A_157 : memref<10000x128xf32, #tpu.memory_space<hbm>>) dst(%dma_wait3A_153 : memref<64x128xf32, #tpu.memory_space<vmem>>)
      %mul3A_158 = arith.constant 64 : i32
      %mul3A_159 = arith.muli %add3A_134, %mul3A_158 : i32
      %add3A_160 = arith.addi %mul3A_74, %mul3A_159 : i32
      %dma_wait3A_161 = arith.constant 0 : i32
      %dma_wait3A_162 = arith.constant 0 : i32
      %dma_wait3A_163 = arith.constant 0 : i32
      %dma_wait3A_164 = tpu.memref_slice %arg10[%dma_wait3A_161, %dma_wait3A_162, %dma_wait3A_163] : memref<2x64x128xf32, #tpu.memory_space<vmem>> -> memref<1x64x128xf32, #tpu.memory_space<vmem>>
      %dma_wait3A_165 = tpu.memref_squeeze %dma_wait3A_164 : memref<1x64x128xf32, #tpu.memory_space<vmem>> -> memref<64x128xf32, #tpu.memory_space<vmem>>
      %dma_wait3A_166 = arith.constant 0 : i32
      %dma_wait3A_167 = tpu.memref_slice %arg5[%add3A_160, %dma_wait3A_166] : memref<323584x128xf32, #tpu.memory_space<hbm>> -> memref<64x128xf32, #tpu.memory_space<hbm>>
      %dma_wait3A_168 = arith.constant 0 : i32
      %dma_wait3A_169 = arith.constant 0 : i32
      %dma_wait3A_170 = tpu.memref_slice %arg10[%dma_wait3A_161, %dma_wait3A_168, %dma_wait3A_169] : memref<2x64x128xf32, #tpu.memory_space<vmem>> -> memref<1x64x128xf32, #tpu.memory_space<vmem>>
      %dma_wait3A_171 = tpu.memref_squeeze %dma_wait3A_170 : memref<1x64x128xf32, #tpu.memory_space<vmem>> -> memref<64x128xf32, #tpu.memory_space<vmem>>
      %dma_wait3A_172 = arith.constant 0 : i32
      %dma_wait3A_173 = tpu.memref_slice %arg5[%add3A_160, %dma_wait3A_172] : memref<323584x128xf32, #tpu.memory_space<hbm>> -> memref<64x128xf32, #tpu.memory_space<hbm>>
      tpu.wait_dma2 semaphore(%arg12 : memref<!tpu.dma_semaphore, #tpu.memory_space<semaphore_mem>>) src(%dma_wait3A_173 : memref<64x128xf32, #tpu.memory_space<hbm>>) dst(%dma_wait3A_171 : memref<64x128xf32, #tpu.memory_space<vmem>>)
      %gt3A = arith.constant 0 : i32
      %gt3A_174 = arith.cmpi sgt, %add3A_134, %gt3A : i32
      %convert_element_type3A = arith.extui %gt3A_174 : i1 to i32
      %cond3A = arith.constant 0 : i32
      %cond3A_175 = arith.cmpi ne, %convert_element_type3A, %cond3A : i32
      scf.if %cond3A_175 {
        %dma_wait3A_265 = arith.constant 1 : i32
        %dma_wait3A_266 = arith.constant 1 : i32
        %dma_wait3A_267 = arith.constant 0 : i32
        %dma_wait3A_268 = arith.constant 0 : i32
        %dma_wait3A_269 = tpu.memref_slice %arg9[%dma_wait3A_265, %dma_wait3A_267, %dma_wait3A_268] : memref<2x64x128xf32, #tpu.memory_space<vmem>> -> memref<1x64x128xf32, #tpu.memory_space<vmem>>
        %dma_wait3A_270 = tpu.memref_squeeze %dma_wait3A_269 : memref<1x64x128xf32, #tpu.memory_space<vmem>> -> memref<64x128xf32, #tpu.memory_space<vmem>>
        %dma_wait3A_271 = arith.constant 0 : i32
        %dma_wait3A_272 = tpu.memref_slice %arg8[%dma_wait3A_266, %dma_wait3A_271] : memref<2x64xi32, #tpu.memory_space<vmem>> -> memref<1x64xi32, #tpu.memory_space<vmem>>
        %dma_wait3A_273 = tpu.memref_squeeze %dma_wait3A_272 : memref<1x64xi32, #tpu.memory_space<vmem>> -> memref<64xi32, #tpu.memory_space<vmem>>
        %dma_wait3A_274 = arith.constant 0 : i32
        %dma_wait3A_275 = arith.constant 0 : i32
        %dma_wait3A_276 = tpu.memref_slice %arg11[%dma_wait3A_274, %dma_wait3A_275] : memref<10112x128xf32, #tpu.memory_space<vmem_shared>> -> memref<10112x128xf32, #tpu.memory_space<vmem_shared>>
        tpu.wait_indirect_dma semaphore(%arg15 : memref<!tpu.dma_semaphore, #tpu.memory_space<semaphore_mem>>) src(%dma_wait3A_270 : memref<64x128xf32, #tpu.memory_space<vmem>>) dst(%dma_wait3A_276 : memref<10112x128xf32, #tpu.memory_space<vmem_shared>>)
      } else {
      }
      %lt3A = arith.constant 157 : i32
      %lt3A_176 = arith.cmpi slt, %add3A_134, %lt3A : i32
      %convert_element_type3A_177 = arith.extui %lt3A_176 : i1 to i32
      %cond3A_178 = arith.constant 0 : i32
      %cond3A_179 = arith.cmpi ne, %convert_element_type3A_177, %cond3A_178 : i32
      scf.if %cond3A_179 {
        %add3A_265 = arith.constant 1 : i32
        %add3A_266 = arith.addi %add3A_134, %add3A_265 : i32
        %mul3A_267 = arith.constant 64 : i32
        %mul3A_268 = arith.muli %add3A_266, %mul3A_267 : i32
        %add3A_269 = arith.addi %mul3A_74, %mul3A_268 : i32
        %dma_start3A_270 = arith.constant 1 : i32
        %dma_start3A_271 = arith.constant 0 : i32
        %dma_start3A_272 = tpu.memref_slice %arg8[%dma_start3A_270, %dma_start3A_271] : memref<2x64xi32, #tpu.memory_space<vmem>> -> memref<1x64xi32, #tpu.memory_space<vmem>>
        %dma_start3A_273 = tpu.memref_squeeze %dma_start3A_272 : memref<1x64xi32, #tpu.memory_space<vmem>> -> memref<64xi32, #tpu.memory_space<vmem>>
        %dma_start3A_274 = tpu.memref_slice %arg4[%add3A_269] : memref<323584xi32, #tpu.memory_space<hbm>> -> memref<64xi32, #tpu.memory_space<hbm>>
        %dma_start3A_275 = arith.constant 0 : i32
        %dma_start3A_276 = tpu.memref_slice %arg8[%dma_start3A_270, %dma_start3A_275] : memref<2x64xi32, #tpu.memory_space<vmem>> -> memref<1x64xi32, #tpu.memory_space<vmem>>
        %dma_start3A_277 = tpu.memref_squeeze %dma_start3A_276 : memref<1x64xi32, #tpu.memory_space<vmem>> -> memref<64xi32, #tpu.memory_space<vmem>>
        %dma_start3A_278 = tpu.memref_slice %arg4[%add3A_269] : memref<323584xi32, #tpu.memory_space<hbm>> -> memref<64xi32, #tpu.memory_space<hbm>>
        tpu.enqueue_dma source(%dma_start3A_278 : memref<64xi32, #tpu.memory_space<hbm>>) target(%dma_start3A_277 : memref<64xi32, #tpu.memory_space<vmem>>) target_semaphore(%arg13 : memref<!tpu.dma_semaphore, #tpu.memory_space<semaphore_mem>>)
        %mul3A_279 = arith.constant 64 : i32
        %mul3A_280 = arith.muli %add3A_266, %mul3A_279 : i32
        %dma_start3A_281 = arith.constant 1 : i32
        %dma_start3A_282 = arith.constant 0 : i32
        %dma_start3A_283 = arith.constant 0 : i32
        %dma_start3A_284 = tpu.memref_slice %arg9[%dma_start3A_281, %dma_start3A_282, %dma_start3A_283] : memref<2x64x128xf32, #tpu.memory_space<vmem>> -> memref<1x64x128xf32, #tpu.memory_space<vmem>>
        %dma_start3A_285 = tpu.memref_squeeze %dma_start3A_284 : memref<1x64x128xf32, #tpu.memory_space<vmem>> -> memref<64x128xf32, #tpu.memory_space<vmem>>
        %dma_start3A_286 = tpu.memref_slice %arg7[%mul3A_280] : memref<10112xi32, #tpu.memory_space<vmem>> -> memref<64xi32, #tpu.memory_space<vmem>>
        %dma_start3A_287 = arith.constant 0 : i32
        %dma_start3A_288 = arith.constant 0 : i32
        %dma_start3A_289 = tpu.memref_slice %arg2[%dma_start3A_287, %dma_start3A_288] : memref<10000x128xf32, #tpu.memory_space<hbm>> -> memref<10000x128xf32, #tpu.memory_space<hbm>>
        tpu.enqueue_indirect_dma source(%dma_start3A_289 : memref<10000x128xf32, #tpu.memory_space<hbm>>) target(%dma_start3A_285 : memref<64x128xf32, #tpu.memory_space<vmem>>) offsets(%dma_start3A_286 : memref<64xi32, #tpu.memory_space<vmem>>) semaphore(%arg13 : memref<!tpu.dma_semaphore, #tpu.memory_space<semaphore_mem>>)
        %mul3A_290 = arith.constant 64 : i32
        %mul3A_291 = arith.muli %add3A_266, %mul3A_290 : i32
        %add3A_292 = arith.addi %mul3A_74, %mul3A_291 : i32
        %dma_start3A_293 = arith.constant 1 : i32
        %dma_start3A_294 = arith.constant 0 : i32
        %dma_start3A_295 = arith.constant 0 : i32
        %dma_start3A_296 = tpu.memref_slice %arg10[%dma_start3A_293, %dma_start3A_294, %dma_start3A_295] : memref<2x64x128xf32, #tpu.memory_space<vmem>> -> memref<1x64x128xf32, #tpu.memory_space<vmem>>
        %dma_start3A_297 = tpu.memref_squeeze %dma_start3A_296 : memref<1x64x128xf32, #tpu.memory_space<vmem>> -> memref<64x128xf32, #tpu.memory_space<vmem>>
        %dma_start3A_298 = arith.constant 0 : i32
        %dma_start3A_299 = tpu.memref_slice %arg5[%add3A_292, %dma_start3A_298] : memref<323584x128xf32, #tpu.memory_space<hbm>> -> memref<64x128xf32, #tpu.memory_space<hbm>>
        %dma_start3A_300 = arith.constant 0 : i32
        %dma_start3A_301 = arith.constant 0 : i32
        %dma_start3A_302 = tpu.memref_slice %arg10[%dma_start3A_293, %dma_start3A_300, %dma_start3A_301] : memref<2x64x128xf32, #tpu.memory_space<vmem>> -> memref<1x64x128xf32, #tpu.memory_space<vmem>>
        %dma_start3A_303 = tpu.memref_squeeze %dma_start3A_302 : memref<1x64x128xf32, #tpu.memory_space<vmem>> -> memref<64x128xf32, #tpu.memory_space<vmem>>
        %dma_start3A_304 = arith.constant 0 : i32
        %dma_start3A_305 = tpu.memref_slice %arg5[%add3A_292, %dma_start3A_304] : memref<323584x128xf32, #tpu.memory_space<hbm>> -> memref<64x128xf32, #tpu.memory_space<hbm>>
        tpu.enqueue_dma source(%dma_start3A_305 : memref<64x128xf32, #tpu.memory_space<hbm>>) target(%dma_start3A_303 : memref<64x128xf32, #tpu.memory_space<vmem>>) target_semaphore(%arg13 : memref<!tpu.dma_semaphore, #tpu.memory_space<semaphore_mem>>)
      } else {
      }
      %parallel_loop3A_180 = arith.constant 0 : i32
      %parallel_loop3A_181 = arith.constant 64 : i32
      %parallel_loop3A_182 = arith.constant 1 : i32
      %parallel_loop3A_183 = arith.constant 0 : i32
      %parallel_loop3A_184 = arith.constant 0 : i32
      scf.for %parallel_loop3A_265 = %parallel_loop3A_180 to %parallel_loop3A_181 step %parallel_loop3A_182  : i32 {
        %parallel_loop3A_266 = arith.constant 0 : i32
        %parallel_loop3A_267 = arith.constant 0 : i32
        %parallel_loop3A_268 = tpu.memref_slice %arg9[%parallel_loop3A_183, %parallel_loop3A_266, %parallel_loop3A_267] : memref<2x64x128xf32, #tpu.memory_space<vmem>> -> memref<1x64x128xf32, #tpu.memory_space<vmem>>
        %parallel_loop3A_269 = tpu.memref_squeeze %parallel_loop3A_268 : memref<1x64x128xf32, #tpu.memory_space<vmem>> -> memref<64x128xf32, #tpu.memory_space<vmem>>
        %parallel_loop3A_270 = arith.index_cast %parallel_loop3A_265 : i32 to index
        %parallel_loop3A_271 = arith.constant 0 : index
        %parallel_loop3A_272 = tpu.vector_load %parallel_loop3A_269[%parallel_loop3A_270, %parallel_loop3A_271] {strides = array<i32>} : memref<64x128xf32, #tpu.memory_space<vmem>>, vector<1x16xf32>,
        %parallel_loop3A_273 = vector.shape_cast %parallel_loop3A_272 : vector<1x16xf32> to vector<16xf32>
        %parallel_loop3A_274 = arith.constant 0 : i32
        %parallel_loop3A_275 = arith.constant 0 : i32
        %parallel_loop3A_276 = tpu.memref_slice %arg10[%parallel_loop3A_184, %parallel_loop3A_274, %parallel_loop3A_275] : memref<2x64x128xf32, #tpu.memory_space<vmem>> -> memref<1x64x128xf32, #tpu.memory_space<vmem>>
        %parallel_loop3A_277 = tpu.memref_squeeze %parallel_loop3A_276 : memref<1x64x128xf32, #tpu.memory_space<vmem>> -> memref<64x128xf32, #tpu.memory_space<vmem>>
        %parallel_loop3A_278 = arith.index_cast %parallel_loop3A_265 : i32 to index
        %parallel_loop3A_279 = arith.constant 0 : index
        %parallel_loop3A_280 = tpu.vector_load %parallel_loop3A_277[%parallel_loop3A_278, %parallel_loop3A_279] {strides = array<i32>} : memref<64x128xf32, #tpu.memory_space<vmem>>, vector<1x16xf32>,
        %parallel_loop3A_281 = vector.shape_cast %parallel_loop3A_280 : vector<1x16xf32> to vector<16xf32>
        %parallel_loop3A_282 = arith.mulf %parallel_loop3A_273, %parallel_loop3A_281 : vector<16xf32>
        %parallel_loop3A_283 = arith.constant 0 : i32
        %parallel_loop3A_284 = arith.constant 0 : i32
        %parallel_loop3A_285 = tpu.memref_slice %arg9[%parallel_loop3A_183, %parallel_loop3A_283, %parallel_loop3A_284] : memref<2x64x128xf32, #tpu.memory_space<vmem>> -> memref<1x64x128xf32, #tpu.memory_space<vmem>>
        %parallel_loop3A_286 = tpu.memref_squeeze %parallel_loop3A_285 : memref<1x64x128xf32, #tpu.memory_space<vmem>> -> memref<64x128xf32, #tpu.memory_space<vmem>>
        %parallel_loop3A_287 = arith.index_cast %parallel_loop3A_265 : i32 to index
        %parallel_loop3A_288 = arith.constant 0 : index
        %parallel_loop3A_289 = tpu.vector_load %parallel_loop3A_286[%parallel_loop3A_287, %parallel_loop3A_288] {strides = array<i32>} : memref<64x128xf32, #tpu.memory_space<vmem>>, vector<1x16xf32>,
        %parallel_loop3A_290 = vector.shape_cast %parallel_loop3A_289 : vector<1x16xf32> to vector<16xf32>
        %parallel_loop3A_291 = vector.shape_cast %parallel_loop3A_282 : vector<16xf32> to vector<1x16xf32>
        tpu.vector_store %parallel_loop3A_286[%parallel_loop3A_287, %parallel_loop3A_288], %parallel_loop3A_291 {strides = array<i32>} : memref<64x128xf32, #tpu.memory_space<vmem>>, vector<1x16xf32>,
        %parallel_loop3A_292 = arith.constant 0 : i32
        %parallel_loop3A_293 = arith.constant 0 : i32
        %parallel_loop3A_294 = tpu.memref_slice %arg9[%parallel_loop3A_183, %parallel_loop3A_292, %parallel_loop3A_293] : memref<2x64x128xf32, #tpu.memory_space<vmem>> -> memref<1x64x128xf32, #tpu.memory_space<vmem>>
        %parallel_loop3A_295 = tpu.memref_squeeze %parallel_loop3A_294 : memref<1x64x128xf32, #tpu.memory_space<vmem>> -> memref<64x128xf32, #tpu.memory_space<vmem>>
        %parallel_loop3A_296 = arith.index_cast %parallel_loop3A_265 : i32 to index
        %parallel_loop3A_297 = arith.constant 16 : index
        %parallel_loop3A_298 = tpu.vector_load %parallel_loop3A_295[%parallel_loop3A_296, %parallel_loop3A_297] {strides = array<i32>} : memref<64x128xf32, #tpu.memory_space<vmem>>, vector<1x16xf32>,
        %parallel_loop3A_299 = vector.shape_cast %parallel_loop3A_298 : vector<1x16xf32> to vector<16xf32>
        %parallel_loop3A_300 = arith.constant 0 : i32
        %parallel_loop3A_301 = arith.constant 0 : i32
        %parallel_loop3A_302 = tpu.memref_slice %arg10[%parallel_loop3A_184, %parallel_loop3A_300, %parallel_loop3A_301] : memref<2x64x128xf32, #tpu.memory_space<vmem>> -> memref<1x64x128xf32, #tpu.memory_space<vmem>>
        %parallel_loop3A_303 = tpu.memref_squeeze %parallel_loop3A_302 : memref<1x64x128xf32, #tpu.memory_space<vmem>> -> memref<64x128xf32, #tpu.memory_space<vmem>>
        %parallel_loop3A_304 = arith.index_cast %parallel_loop3A_265 : i32 to index
        %parallel_loop3A_305 = arith.constant 16 : index
        %parallel_loop3A_306 = tpu.vector_load %parallel_loop3A_303[%parallel_loop3A_304, %parallel_loop3A_305] {strides = array<i32>} : memref<64x128xf32, #tpu.memory_space<vmem>>, vector<1x16xf32>,
        %parallel_loop3A_307 = vector.shape_cast %parallel_loop3A_306 : vector<1x16xf32> to vector<16xf32>
        %parallel_loop3A_308 = arith.mulf %parallel_loop3A_299, %parallel_loop3A_307 : vector<16xf32>
        %parallel_loop3A_309 = arith.constant 0 : i32
        %parallel_loop3A_310 = arith.constant 0 : i32
        %parallel_loop3A_311 = tpu.memref_slice %arg9[%parallel_loop3A_183, %parallel_loop3A_309, %parallel_loop3A_310] : memref<2x64x128xf32, #tpu.memory_space<vmem>> -> memref<1x64x128xf32, #tpu.memory_space<vmem>>
        %parallel_loop3A_312 = tpu.memref_squeeze %parallel_loop3A_311 : memref<1x64x128xf32, #tpu.memory_space<vmem>> -> memref<64x128xf32, #tpu.memory_space<vmem>>
        %parallel_loop3A_313 = arith.index_cast %parallel_loop3A_265 : i32 to index
        %parallel_loop3A_314 = arith.constant 16 : index
        %parallel_loop3A_315 = tpu.vector_load %parallel_loop3A_312[%parallel_loop3A_313, %parallel_loop3A_314] {strides = array<i32>} : memref<64x128xf32, #tpu.memory_space<vmem>>, vector<1x16xf32>,
        %parallel_loop3A_316 = vector.shape_cast %parallel_loop3A_315 : vector<1x16xf32> to vector<16xf32>
        %parallel_loop3A_317 = vector.shape_cast %parallel_loop3A_308 : vector<16xf32> to vector<1x16xf32>
        tpu.vector_store %parallel_loop3A_312[%parallel_loop3A_313, %parallel_loop3A_314], %parallel_loop3A_317 {strides = array<i32>} : memref<64x128xf32, #tpu.memory_space<vmem>>, vector<1x16xf32>,
        %parallel_loop3A_318 = arith.constant 0 : i32
        %parallel_loop3A_319 = arith.constant 0 : i32
        %parallel_loop3A_320 = tpu.memref_slice %arg9[%parallel_loop3A_183, %parallel_loop3A_318, %parallel_loop3A_319] : memref<2x64x128xf32, #tpu.memory_space<vmem>> -> memref<1x64x128xf32, #tpu.memory_space<vmem>>
        %parallel_loop3A_321 = tpu.memref_squeeze %parallel_loop3A_320 : memref<1x64x128xf32, #tpu.memory_space<vmem>> -> memref<64x128xf32, #tpu.memory_space<vmem>>
        %parallel_loop3A_322 = arith.index_cast %parallel_loop3A_265 : i32 to index
        %parallel_loop3A_323 = arith.constant 32 : index
        %parallel_loop3A_324 = tpu.vector_load %parallel_loop3A_321[%parallel_loop3A_322, %parallel_loop3A_323] {strides = array<i32>} : memref<64x128xf32, #tpu.memory_space<vmem>>, vector<1x16xf32>,
        %parallel_loop3A_325 = vector.shape_cast %parallel_loop3A_324 : vector<1x16xf32> to vector<16xf32>
        %parallel_loop3A_326 = arith.constant 0 : i32
        %parallel_loop3A_327 = arith.constant 0 : i32
        %parallel_loop3A_328 = tpu.memref_slice %arg10[%parallel_loop3A_184, %parallel_loop3A_326, %parallel_loop3A_327] : memref<2x64x128xf32, #tpu.memory_space<vmem>> -> memref<1x64x128xf32, #tpu.memory_space<vmem>>
        %parallel_loop3A_329 = tpu.memref_squeeze %parallel_loop3A_328 : memref<1x64x128xf32, #tpu.memory_space<vmem>> -> memref<64x128xf32, #tpu.memory_space<vmem>>
        %parallel_loop3A_330 = arith.index_cast %parallel_loop3A_265 : i32 to index
        %parallel_loop3A_331 = arith.constant 32 : index
        %parallel_loop3A_332 = tpu.vector_load %parallel_loop3A_329[%parallel_loop3A_330, %parallel_loop3A_331] {strides = array<i32>} : memref<64x128xf32, #tpu.memory_space<vmem>>, vector<1x16xf32>,
        %parallel_loop3A_333 = vector.shape_cast %parallel_loop3A_332 : vector<1x16xf32> to vector<16xf32>
        %parallel_loop3A_334 = arith.mulf %parallel_loop3A_325, %parallel_loop3A_333 : vector<16xf32>
        %parallel_loop3A_335 = arith.constant 0 : i32
        %parallel_loop3A_336 = arith.constant 0 : i32
        %parallel_loop3A_337 = tpu.memref_slice %arg9[%parallel_loop3A_183, %parallel_loop3A_335, %parallel_loop3A_336] : memref<2x64x128xf32, #tpu.memory_space<vmem>> -> memref<1x64x128xf32, #tpu.memory_space<vmem>>
        %parallel_loop3A_338 = tpu.memref_squeeze %parallel_loop3A_337 : memref<1x64x128xf32, #tpu.memory_space<vmem>> -> memref<64x128xf32, #tpu.memory_space<vmem>>
        %parallel_loop3A_339 = arith.index_cast %parallel_loop3A_265 : i32 to index
        %parallel_loop3A_340 = arith.constant 32 : index
        %parallel_loop3A_341 = tpu.vector_load %parallel_loop3A_338[%parallel_loop3A_339, %parallel_loop3A_340] {strides = array<i32>} : memref<64x128xf32, #tpu.memory_space<vmem>>, vector<1x16xf32>,
        %parallel_loop3A_342 = vector.shape_cast %parallel_loop3A_341 : vector<1x16xf32> to vector<16xf32>
        %parallel_loop3A_343 = vector.shape_cast %parallel_loop3A_334 : vector<16xf32> to vector<1x16xf32>
        tpu.vector_store %parallel_loop3A_338[%parallel_loop3A_339, %parallel_loop3A_340], %parallel_loop3A_343 {strides = array<i32>} : memref<64x128xf32, #tpu.memory_space<vmem>>, vector<1x16xf32>,
        %parallel_loop3A_344 = arith.constant 0 : i32
        %parallel_loop3A_345 = arith.constant 0 : i32
        %parallel_loop3A_346 = tpu.memref_slice %arg9[%parallel_loop3A_183, %parallel_loop3A_344, %parallel_loop3A_345] : memref<2x64x128xf32, #tpu.memory_space<vmem>> -> memref<1x64x128xf32, #tpu.memory_space<vmem>>
        %parallel_loop3A_347 = tpu.memref_squeeze %parallel_loop3A_346 : memref<1x64x128xf32, #tpu.memory_space<vmem>> -> memref<64x128xf32, #tpu.memory_space<vmem>>
        %parallel_loop3A_348 = arith.index_cast %parallel_loop3A_265 : i32 to index
        %parallel_loop3A_349 = arith.constant 48 : index
        %parallel_loop3A_350 = tpu.vector_load %parallel_loop3A_347[%parallel_loop3A_348, %parallel_loop3A_349] {strides = array<i32>} : memref<64x128xf32, #tpu.memory_space<vmem>>, vector<1x16xf32>,
        %parallel_loop3A_351 = vector.shape_cast %parallel_loop3A_350 : vector<1x16xf32> to vector<16xf32>
        %parallel_loop3A_352 = arith.constant 0 : i32
        %parallel_loop3A_353 = arith.constant 0 : i32
        %parallel_loop3A_354 = tpu.memref_slice %arg10[%parallel_loop3A_184, %parallel_loop3A_352, %parallel_loop3A_353] : memref<2x64x128xf32, #tpu.memory_space<vmem>> -> memref<1x64x128xf32, #tpu.memory_space<vmem>>
        %parallel_loop3A_355 = tpu.memref_squeeze %parallel_loop3A_354 : memref<1x64x128xf32, #tpu.memory_space<vmem>> -> memref<64x128xf32, #tpu.memory_space<vmem>>
        %parallel_loop3A_356 = arith.index_cast %parallel_loop3A_265 : i32 to index
        %parallel_loop3A_357 = arith.constant 48 : index
        %parallel_loop3A_358 = tpu.vector_load %parallel_loop3A_355[%parallel_loop3A_356, %parallel_loop3A_357] {strides = array<i32>} : memref<64x128xf32, #tpu.memory_space<vmem>>, vector<1x16xf32>,
        %parallel_loop3A_359 = vector.shape_cast %parallel_loop3A_358 : vector<1x16xf32> to vector<16xf32>
        %parallel_loop3A_360 = arith.mulf %parallel_loop3A_351, %parallel_loop3A_359 : vector<16xf32>
        %parallel_loop3A_361 = arith.constant 0 : i32
        %parallel_loop3A_362 = arith.constant 0 : i32
        %parallel_loop3A_363 = tpu.memref_slice %arg9[%parallel_loop3A_183, %parallel_loop3A_361, %parallel_loop3A_362] : memref<2x64x128xf32, #tpu.memory_space<vmem>> -> memref<1x64x128xf32, #tpu.memory_space<vmem>>
        %parallel_loop3A_364 = tpu.memref_squeeze %parallel_loop3A_363 : memref<1x64x128xf32, #tpu.memory_space<vmem>> -> memref<64x128xf32, #tpu.memory_space<vmem>>
        %parallel_loop3A_365 = arith.index_cast %parallel_loop3A_265 : i32 to index
        %parallel_loop3A_366 = arith.constant 48 : index
        %parallel_loop3A_367 = tpu.vector_load %parallel_loop3A_364[%parallel_loop3A_365, %parallel_loop3A_366] {strides = array<i32>} : memref<64x128xf32, #tpu.memory_space<vmem>>, vector<1x16xf32>,
        %parallel_loop3A_368 = vector.shape_cast %parallel_loop3A_367 : vector<1x16xf32> to vector<16xf32>
        %parallel_loop3A_369 = vector.shape_cast %parallel_loop3A_360 : vector<16xf32> to vector<1x16xf32>
        tpu.vector_store %parallel_loop3A_364[%parallel_loop3A_365, %parallel_loop3A_366], %parallel_loop3A_369 {strides = array<i32>} : memref<64x128xf32, #tpu.memory_space<vmem>>, vector<1x16xf32>,
        %parallel_loop3A_370 = arith.constant 0 : i32
        %parallel_loop3A_371 = arith.constant 0 : i32
        %parallel_loop3A_372 = tpu.memref_slice %arg9[%parallel_loop3A_183, %parallel_loop3A_370, %parallel_loop3A_371] : memref<2x64x128xf32, #tpu.memory_space<vmem>> -> memref<1x64x128xf32, #tpu.memory_space<vmem>>
        %parallel_loop3A_373 = tpu.memref_squeeze %parallel_loop3A_372 : memref<1x64x128xf32, #tpu.memory_space<vmem>> -> memref<64x128xf32, #tpu.memory_space<vmem>>
        %parallel_loop3A_374 = arith.index_cast %parallel_loop3A_265 : i32 to index
        %parallel_loop3A_375 = arith.constant 64 : index
        %parallel_loop3A_376 = tpu.vector_load %parallel_loop3A_373[%parallel_loop3A_374, %parallel_loop3A_375] {strides = array<i32>} : memref<64x128xf32, #tpu.memory_space<vmem>>, vector<1x16xf32>,
        %parallel_loop3A_377 = vector.shape_cast %parallel_loop3A_376 : vector<1x16xf32> to vector<16xf32>
        %parallel_loop3A_378 = arith.constant 0 : i32
        %parallel_loop3A_379 = arith.constant 0 : i32
        %parallel_loop3A_380 = tpu.memref_slice %arg10[%parallel_loop3A_184, %parallel_loop3A_378, %parallel_loop3A_379] : memref<2x64x128xf32, #tpu.memory_space<vmem>> -> memref<1x64x128xf32, #tpu.memory_space<vmem>>
        %parallel_loop3A_381 = tpu.memref_squeeze %parallel_loop3A_380 : memref<1x64x128xf32, #tpu.memory_space<vmem>> -> memref<64x128xf32, #tpu.memory_space<vmem>>
        %parallel_loop3A_382 = arith.index_cast %parallel_loop3A_265 : i32 to index
        %parallel_loop3A_383 = arith.constant 64 : index
        %parallel_loop3A_384 = tpu.vector_load %parallel_loop3A_381[%parallel_loop3A_382, %parallel_loop3A_383] {strides = array<i32>} : memref<64x128xf32, #tpu.memory_space<vmem>>, vector<1x16xf32>,
        %parallel_loop3A_385 = vector.shape_cast %parallel_loop3A_384 : vector<1x16xf32> to vector<16xf32>
        %parallel_loop3A_386 = arith.mulf %parallel_loop3A_377, %parallel_loop3A_385 : vector<16xf32>
        %parallel_loop3A_387 = arith.constant 0 : i32
        %parallel_loop3A_388 = arith.constant 0 : i32
        %parallel_loop3A_389 = tpu.memref_slice %arg9[%parallel_loop3A_183, %parallel_loop3A_387, %parallel_loop3A_388] : memref<2x64x128xf32, #tpu.memory_space<vmem>> -> memref<1x64x128xf32, #tpu.memory_space<vmem>>
        %parallel_loop3A_390 = tpu.memref_squeeze %parallel_loop3A_389 : memref<1x64x128xf32, #tpu.memory_space<vmem>> -> memref<64x128xf32, #tpu.memory_space<vmem>>
        %parallel_loop3A_391 = arith.index_cast %parallel_loop3A_265 : i32 to index
        %parallel_loop3A_392 = arith.constant 64 : index
        %parallel_loop3A_393 = tpu.vector_load %parallel_loop3A_390[%parallel_loop3A_391, %parallel_loop3A_392] {strides = array<i32>} : memref<64x128xf32, #tpu.memory_space<vmem>>, vector<1x16xf32>,
        %parallel_loop3A_394 = vector.shape_cast %parallel_loop3A_393 : vector<1x16xf32> to vector<16xf32>
        %parallel_loop3A_395 = vector.shape_cast %parallel_loop3A_386 : vector<16xf32> to vector<1x16xf32>
        tpu.vector_store %parallel_loop3A_390[%parallel_loop3A_391, %parallel_loop3A_392], %parallel_loop3A_395 {strides = array<i32>} : memref<64x128xf32, #tpu.memory_space<vmem>>, vector<1x16xf32>,
        %parallel_loop3A_396 = arith.constant 0 : i32
        %parallel_loop3A_397 = arith.constant 0 : i32
        %parallel_loop3A_398 = tpu.memref_slice %arg9[%parallel_loop3A_183, %parallel_loop3A_396, %parallel_loop3A_397] : memref<2x64x128xf32, #tpu.memory_space<vmem>> -> memref<1x64x128xf32, #tpu.memory_space<vmem>>
        %parallel_loop3A_399 = tpu.memref_squeeze %parallel_loop3A_398 : memref<1x64x128xf32, #tpu.memory_space<vmem>> -> memref<64x128xf32, #tpu.memory_space<vmem>>
        %parallel_loop3A_400 = arith.index_cast %parallel_loop3A_265 : i32 to index
        %parallel_loop3A_401 = arith.constant 80 : index
        %parallel_loop3A_402 = tpu.vector_load %parallel_loop3A_399[%parallel_loop3A_400, %parallel_loop3A_401] {strides = array<i32>} : memref<64x128xf32, #tpu.memory_space<vmem>>, vector<1x16xf32>,
        %parallel_loop3A_403 = vector.shape_cast %parallel_loop3A_402 : vector<1x16xf32> to vector<16xf32>
        %parallel_loop3A_404 = arith.constant 0 : i32
        %parallel_loop3A_405 = arith.constant 0 : i32
        %parallel_loop3A_406 = tpu.memref_slice %arg10[%parallel_loop3A_184, %parallel_loop3A_404, %parallel_loop3A_405] : memref<2x64x128xf32, #tpu.memory_space<vmem>> -> memref<1x64x128xf32, #tpu.memory_space<vmem>>
        %parallel_loop3A_407 = tpu.memref_squeeze %parallel_loop3A_406 : memref<1x64x128xf32, #tpu.memory_space<vmem>> -> memref<64x128xf32, #tpu.memory_space<vmem>>
        %parallel_loop3A_408 = arith.index_cast %parallel_loop3A_265 : i32 to index
        %parallel_loop3A_409 = arith.constant 80 : index
        %parallel_loop3A_410 = tpu.vector_load %parallel_loop3A_407[%parallel_loop3A_408, %parallel_loop3A_409] {strides = array<i32>} : memref<64x128xf32, #tpu.memory_space<vmem>>, vector<1x16xf32>,
        %parallel_loop3A_411 = vector.shape_cast %parallel_loop3A_410 : vector<1x16xf32> to vector<16xf32>
        %parallel_loop3A_412 = arith.mulf %parallel_loop3A_403, %parallel_loop3A_411 : vector<16xf32>
        %parallel_loop3A_413 = arith.constant 0 : i32
        %parallel_loop3A_414 = arith.constant 0 : i32
        %parallel_loop3A_415 = tpu.memref_slice %arg9[%parallel_loop3A_183, %parallel_loop3A_413, %parallel_loop3A_414] : memref<2x64x128xf32, #tpu.memory_space<vmem>> -> memref<1x64x128xf32, #tpu.memory_space<vmem>>
        %parallel_loop3A_416 = tpu.memref_squeeze %parallel_loop3A_415 : memref<1x64x128xf32, #tpu.memory_space<vmem>> -> memref<64x128xf32, #tpu.memory_space<vmem>>
        %parallel_loop3A_417 = arith.index_cast %parallel_loop3A_265 : i32 to index
        %parallel_loop3A_418 = arith.constant 80 : index
        %parallel_loop3A_419 = tpu.vector_load %parallel_loop3A_416[%parallel_loop3A_417, %parallel_loop3A_418] {strides = array<i32>} : memref<64x128xf32, #tpu.memory_space<vmem>>, vector<1x16xf32>,
        %parallel_loop3A_420 = vector.shape_cast %parallel_loop3A_419 : vector<1x16xf32> to vector<16xf32>
        %parallel_loop3A_421 = vector.shape_cast %parallel_loop3A_412 : vector<16xf32> to vector<1x16xf32>
        tpu.vector_store %parallel_loop3A_416[%parallel_loop3A_417, %parallel_loop3A_418], %parallel_loop3A_421 {strides = array<i32>} : memref<64x128xf32, #tpu.memory_space<vmem>>, vector<1x16xf32>,
        %parallel_loop3A_422 = arith.constant 0 : i32
        %parallel_loop3A_423 = arith.constant 0 : i32
        %parallel_loop3A_424 = tpu.memref_slice %arg9[%parallel_loop3A_183, %parallel_loop3A_422, %parallel_loop3A_423] : memref<2x64x128xf32, #tpu.memory_space<vmem>> -> memref<1x64x128xf32, #tpu.memory_space<vmem>>
        %parallel_loop3A_425 = tpu.memref_squeeze %parallel_loop3A_424 : memref<1x64x128xf32, #tpu.memory_space<vmem>> -> memref<64x128xf32, #tpu.memory_space<vmem>>
        %parallel_loop3A_426 = arith.index_cast %parallel_loop3A_265 : i32 to index
        %parallel_loop3A_427 = arith.constant 96 : index
        %parallel_loop3A_428 = tpu.vector_load %parallel_loop3A_425[%parallel_loop3A_426, %parallel_loop3A_427] {strides = array<i32>} : memref<64x128xf32, #tpu.memory_space<vmem>>, vector<1x16xf32>,
        %parallel_loop3A_429 = vector.shape_cast %parallel_loop3A_428 : vector<1x16xf32> to vector<16xf32>
        %parallel_loop3A_430 = arith.constant 0 : i32
        %parallel_loop3A_431 = arith.constant 0 : i32
        %parallel_loop3A_432 = tpu.memref_slice %arg10[%parallel_loop3A_184, %parallel_loop3A_430, %parallel_loop3A_431] : memref<2x64x128xf32, #tpu.memory_space<vmem>> -> memref<1x64x128xf32, #tpu.memory_space<vmem>>
        %parallel_loop3A_433 = tpu.memref_squeeze %parallel_loop3A_432 : memref<1x64x128xf32, #tpu.memory_space<vmem>> -> memref<64x128xf32, #tpu.memory_space<vmem>>
        %parallel_loop3A_434 = arith.index_cast %parallel_loop3A_265 : i32 to index
        %parallel_loop3A_435 = arith.constant 96 : index
        %parallel_loop3A_436 = tpu.vector_load %parallel_loop3A_433[%parallel_loop3A_434, %parallel_loop3A_435] {strides = array<i32>} : memref<64x128xf32, #tpu.memory_space<vmem>>, vector<1x16xf32>,
        %parallel_loop3A_437 = vector.shape_cast %parallel_loop3A_436 : vector<1x16xf32> to vector<16xf32>
        %parallel_loop3A_438 = arith.mulf %parallel_loop3A_429, %parallel_loop3A_437 : vector<16xf32>
        %parallel_loop3A_439 = arith.constant 0 : i32
        %parallel_loop3A_440 = arith.constant 0 : i32
        %parallel_loop3A_441 = tpu.memref_slice %arg9[%parallel_loop3A_183, %parallel_loop3A_439, %parallel_loop3A_440] : memref<2x64x128xf32, #tpu.memory_space<vmem>> -> memref<1x64x128xf32, #tpu.memory_space<vmem>>
        %parallel_loop3A_442 = tpu.memref_squeeze %parallel_loop3A_441 : memref<1x64x128xf32, #tpu.memory_space<vmem>> -> memref<64x128xf32, #tpu.memory_space<vmem>>
        %parallel_loop3A_443 = arith.index_cast %parallel_loop3A_265 : i32 to index
        %parallel_loop3A_444 = arith.constant 96 : index
        %parallel_loop3A_445 = tpu.vector_load %parallel_loop3A_442[%parallel_loop3A_443, %parallel_loop3A_444] {strides = array<i32>} : memref<64x128xf32, #tpu.memory_space<vmem>>, vector<1x16xf32>,
        %parallel_loop3A_446 = vector.shape_cast %parallel_loop3A_445 : vector<1x16xf32> to vector<16xf32>
        %parallel_loop3A_447 = vector.shape_cast %parallel_loop3A_438 : vector<16xf32> to vector<1x16xf32>
        tpu.vector_store %parallel_loop3A_442[%parallel_loop3A_443, %parallel_loop3A_444], %parallel_loop3A_447 {strides = array<i32>} : memref<64x128xf32, #tpu.memory_space<vmem>>, vector<1x16xf32>,
        %parallel_loop3A_448 = arith.constant 0 : i32
        %parallel_loop3A_449 = arith.constant 0 : i32
        %parallel_loop3A_450 = tpu.memref_slice %arg9[%parallel_loop3A_183, %parallel_loop3A_448, %parallel_loop3A_449] : memref<2x64x128xf32, #tpu.memory_space<vmem>> -> memref<1x64x128xf32, #tpu.memory_space<vmem>>
        %parallel_loop3A_451 = tpu.memref_squeeze %parallel_loop3A_450 : memref<1x64x128xf32, #tpu.memory_space<vmem>> -> memref<64x128xf32, #tpu.memory_space<vmem>>
        %parallel_loop3A_452 = arith.index_cast %parallel_loop3A_265 : i32 to index
        %parallel_loop3A_453 = arith.constant 112 : index
        %parallel_loop3A_454 = tpu.vector_load %parallel_loop3A_451[%parallel_loop3A_452, %parallel_loop3A_453] {strides = array<i32>} : memref<64x128xf32, #tpu.memory_space<vmem>>, vector<1x16xf32>,
        %parallel_loop3A_455 = vector.shape_cast %parallel_loop3A_454 : vector<1x16xf32> to vector<16xf32>
        %parallel_loop3A_456 = arith.constant 0 : i32
        %parallel_loop3A_457 = arith.constant 0 : i32
        %parallel_loop3A_458 = tpu.memref_slice %arg10[%parallel_loop3A_184, %parallel_loop3A_456, %parallel_loop3A_457] : memref<2x64x128xf32, #tpu.memory_space<vmem>> -> memref<1x64x128xf32, #tpu.memory_space<vmem>>
        %parallel_loop3A_459 = tpu.memref_squeeze %parallel_loop3A_458 : memref<1x64x128xf32, #tpu.memory_space<vmem>> -> memref<64x128xf32, #tpu.memory_space<vmem>>
        %parallel_loop3A_460 = arith.index_cast %parallel_loop3A_265 : i32 to index
        %parallel_loop3A_461 = arith.constant 112 : index
        %parallel_loop3A_462 = tpu.vector_load %parallel_loop3A_459[%parallel_loop3A_460, %parallel_loop3A_461] {strides = array<i32>} : memref<64x128xf32, #tpu.memory_space<vmem>>, vector<1x16xf32>,
        %parallel_loop3A_463 = vector.shape_cast %parallel_loop3A_462 : vector<1x16xf32> to vector<16xf32>
        %parallel_loop3A_464 = arith.mulf %parallel_loop3A_455, %parallel_loop3A_463 : vector<16xf32>
        %parallel_loop3A_465 = arith.constant 0 : i32
        %parallel_loop3A_466 = arith.constant 0 : i32
        %parallel_loop3A_467 = tpu.memref_slice %arg9[%parallel_loop3A_183, %parallel_loop3A_465, %parallel_loop3A_466] : memref<2x64x128xf32, #tpu.memory_space<vmem>> -> memref<1x64x128xf32, #tpu.memory_space<vmem>>
        %parallel_loop3A_468 = tpu.memref_squeeze %parallel_loop3A_467 : memref<1x64x128xf32, #tpu.memory_space<vmem>> -> memref<64x128xf32, #tpu.memory_space<vmem>>
        %parallel_loop3A_469 = arith.index_cast %parallel_loop3A_265 : i32 to index
        %parallel_loop3A_470 = arith.constant 112 : index
        %parallel_loop3A_471 = tpu.vector_load %parallel_loop3A_468[%parallel_loop3A_469, %parallel_loop3A_470] {strides = array<i32>} : memref<64x128xf32, #tpu.memory_space<vmem>>, vector<1x16xf32>,
        %parallel_loop3A_472 = vector.shape_cast %parallel_loop3A_471 : vector<1x16xf32> to vector<16xf32>
        %parallel_loop3A_473 = vector.shape_cast %parallel_loop3A_464 : vector<16xf32> to vector<1x16xf32>
        tpu.vector_store %parallel_loop3A_468[%parallel_loop3A_469, %parallel_loop3A_470], %parallel_loop3A_473 {strides = array<i32>} : memref<64x128xf32, #tpu.memory_space<vmem>>, vector<1x16xf32>,
      } {sc.loop_unroll_factor = 4 : i64, sc.parallel_access}
      %dma_start3A_185 = arith.constant 0 : i32
      %dma_start3A_186 = arith.constant 0 : i32
      %dma_start3A_187 = arith.constant 0 : i32
      %dma_start3A_188 = arith.constant 0 : i32
      %dma_start3A_189 = tpu.memref_slice %arg9[%dma_start3A_185, %dma_start3A_187, %dma_start3A_188] : memref<2x64x128xf32, #tpu.memory_space<vmem>> -> memref<1x64x128xf32, #tpu.memory_space<vmem>>
      %dma_start3A_190 = tpu.memref_squeeze %dma_start3A_189 : memref<1x64x128xf32, #tpu.memory_space<vmem>> -> memref<64x128xf32, #tpu.memory_space<vmem>>
      %dma_start3A_191 = arith.constant 0 : i32
      %dma_start3A_192 = tpu.memref_slice %arg8[%dma_start3A_186, %dma_start3A_191] : memref<2x64xi32, #tpu.memory_space<vmem>> -> memref<1x64xi32, #tpu.memory_space<vmem>>
      %dma_start3A_193 = tpu.memref_squeeze %dma_start3A_192 : memref<1x64xi32, #tpu.memory_space<vmem>> -> memref<64xi32, #tpu.memory_space<vmem>>
      %dma_start3A_194 = arith.constant 0 : i32
      %dma_start3A_195 = arith.constant 0 : i32
      %dma_start3A_196 = tpu.memref_slice %arg11[%dma_start3A_194, %dma_start3A_195] : memref<10112x128xf32, #tpu.memory_space<vmem_shared>> -> memref<10112x128xf32, #tpu.memory_space<vmem_shared>>
      tpu.enqueue_indirect_dma source(%dma_start3A_190 : memref<64x128xf32, #tpu.memory_space<vmem>>) target(%dma_start3A_196 : memref<10112x128xf32, #tpu.memory_space<vmem_shared>>) offsets(%dma_start3A_193 : memref<64xi32, #tpu.memory_space<vmem>>) semaphore(%arg14 : memref<!tpu.dma_semaphore, #tpu.memory_space<semaphore_mem>>) {add = true}
      %add3A_197 = arith.constant 1 : i32
      %add3A_198 = arith.addi %add3A_132, %add3A_197 : i32
      %mul3A_199 = arith.constant 64 : i32
      %mul3A_200 = arith.muli %add3A_198, %mul3A_199 : i32
      %add3A_201 = arith.addi %mul3A_74, %mul3A_200 : i32
      %dma_wait3A_202 = arith.constant 1 : i32
      %dma_wait3A_203 = arith.constant 0 : i32
      %dma_wait3A_204 = tpu.memref_slice %arg8[%dma_wait3A_202, %dma_wait3A_203] : memref<2x64xi32, #tpu.memory_space<vmem>> -> memref<1x64xi32, #tpu.memory_space<vmem>>
      %dma_wait3A_205 = tpu.memref_squeeze %dma_wait3A_204 : memref<1x64xi32, #tpu.memory_space<vmem>> -> memref<64xi32, #tpu.memory_space<vmem>>
      %dma_wait3A_206 = tpu.memref_slice %arg4[%add3A_201] : memref<323584xi32, #tpu.memory_space<hbm>> -> memref<64xi32, #tpu.memory_space<hbm>>
      %dma_wait3A_207 = arith.constant 0 : i32
      %dma_wait3A_208 = tpu.memref_slice %arg8[%dma_wait3A_202, %dma_wait3A_207] : memref<2x64xi32, #tpu.memory_space<vmem>> -> memref<1x64xi32, #tpu.memory_space<vmem>>
      %dma_wait3A_209 = tpu.memref_squeeze %dma_wait3A_208 : memref<1x64xi32, #tpu.memory_space<vmem>> -> memref<64xi32, #tpu.memory_space<vmem>>
      %dma_wait3A_210 = tpu.memref_slice %arg4[%add3A_201] : memref<323584xi32, #tpu.memory_space<hbm>> -> memref<64xi32, #tpu.memory_space<hbm>>
      tpu.wait_dma2 semaphore(%arg13 : memref<!tpu.dma_semaphore, #tpu.memory_space<semaphore_mem>>) src(%dma_wait3A_210 : memref<64xi32, #tpu.memory_space<hbm>>) dst(%dma_wait3A_209 : memref<64xi32, #tpu.memory_space<vmem>>)
      %mul3A_211 = arith.constant 64 : i32
      %mul3A_212 = arith.muli %add3A_198, %mul3A_211 : i32
      %dma_wait3A_213 = arith.constant 1 : i32
      %dma_wait3A_214 = arith.constant 0 : i32
      %dma_wait3A_215 = arith.constant 0 : i32
      %dma_wait3A_216 = tpu.memref_slice %arg9[%dma_wait3A_213, %dma_wait3A_214, %dma_wait3A_215] : memref<2x64x128xf32, #tpu.memory_space<vmem>> -> memref<1x64x128xf32, #tpu.memory_space<vmem>>
      %dma_wait3A_217 = tpu.memref_squeeze %dma_wait3A_216 : memref<1x64x128xf32, #tpu.memory_space<vmem>> -> memref<64x128xf32, #tpu.memory_space<vmem>>
      %dma_wait3A_218 = tpu.memref_slice %arg7[%mul3A_212] : memref<10112xi32, #tpu.memory_space<vmem>> -> memref<64xi32, #tpu.memory_space<vmem>>
      %dma_wait3A_219 = arith.constant 0 : i32
      %dma_wait3A_220 = arith.constant 0 : i32
      %dma_wait3A_221 = tpu.memref_slice %arg2[%dma_wait3A_219, %dma_wait3A_220] : memref<10000x128xf32, #tpu.memory_space<hbm>> -> memref<10000x128xf32, #tpu.memory_space<hbm>>
      tpu.wait_indirect_dma semaphore(%arg13 : memref<!tpu.dma_semaphore, #tpu.memory_space<semaphore_mem>>) src(%dma_wait3A_221 : memref<10000x128xf32, #tpu.memory_space<hbm>>) dst(%dma_wait3A_217 : memref<64x128xf32, #tpu.memory_space<vmem>>)
      %mul3A_222 = arith.constant 64 : i32
      %mul3A_223 = arith.muli %add3A_198, %mul3A_222 : i32
      %add3A_224 = arith.addi %mul3A_74, %mul3A_223 : i32
      %dma_wait3A_225 = arith.constant 1 : i32
      %dma_wait3A_226 = arith.constant 0 : i32
      %dma_wait3A_227 = arith.constant 0 : i32
      %dma_wait3A_228 = tpu.memref_slice %arg10[%dma_wait3A_225, %dma_wait3A_226, %dma_wait3A_227] : memref<2x64x128xf32, #tpu.memory_space<vmem>> -> memref<1x64x128xf32, #tpu.memory_space<vmem>>
      %dma_wait3A_229 = tpu.memref_squeeze %dma_wait3A_228 : memref<1x64x128xf32, #tpu.memory_space<vmem>> -> memref<64x128xf32, #tpu.memory_space<vmem>>
      %dma_wait3A_230 = arith.constant 0 : i32
      %dma_wait3A_231 = tpu.memref_slice %arg5[%add3A_224, %dma_wait3A_230] : memref<323584x128xf32, #tpu.memory_space<hbm>> -> memref<64x128xf32, #tpu.memory_space<hbm>>
      %dma_wait3A_232 = arith.constant 0 : i32
      %dma_wait3A_233 = arith.constant 0 : i32
      %dma_wait3A_234 = tpu.memref_slice %arg10[%dma_wait3A_225, %dma_wait3A_232, %dma_wait3A_233] : memref<2x64x128xf32, #tpu.memory_space<vmem>> -> memref<1x64x128xf32, #tpu.memory_space<vmem>>
      %dma_wait3A_235 = tpu.memref_squeeze %dma_wait3A_234 : memref<1x64x128xf32, #tpu.memory_space<vmem>> -> memref<64x128xf32, #tpu.memory_space<vmem>>
      %dma_wait3A_236 = arith.constant 0 : i32
      %dma_wait3A_237 = tpu.memref_slice %arg5[%add3A_224, %dma_wait3A_236] : memref<323584x128xf32, #tpu.memory_space<hbm>> -> memref<64x128xf32, #tpu.memory_space<hbm>>
      tpu.wait_dma2 semaphore(%arg13 : memref<!tpu.dma_semaphore, #tpu.memory_space<semaphore_mem>>) src(%dma_wait3A_237 : memref<64x128xf32, #tpu.memory_space<hbm>>) dst(%dma_wait3A_235 : memref<64x128xf32, #tpu.memory_space<vmem>>)
      %gt3A_238 = arith.constant 0 : i32
      %gt3A_239 = arith.cmpi sgt, %add3A_198, %gt3A_238 : i32
      %convert_element_type3A_240 = arith.extui %gt3A_239 : i1 to i32
      %cond3A_241 = arith.constant 0 : i32
      %cond3A_242 = arith.cmpi ne, %convert_element_type3A_240, %cond3A_241 : i32
      scf.if %cond3A_242 {
        %dma_wait3A_265 = arith.constant 0 : i32
        %dma_wait3A_266 = arith.constant 0 : i32
        %dma_wait3A_267 = arith.constant 0 : i32
        %dma_wait3A_268 = arith.constant 0 : i32
        %dma_wait3A_269 = tpu.memref_slice %arg9[%dma_wait3A_265, %dma_wait3A_267, %dma_wait3A_268] : memref<2x64x128xf32, #tpu.memory_space<vmem>> -> memref<1x64x128xf32, #tpu.memory_space<vmem>>
        %dma_wait3A_270 = tpu.memref_squeeze %dma_wait3A_269 : memref<1x64x128xf32, #tpu.memory_space<vmem>> -> memref<64x128xf32, #tpu.memory_space<vmem>>
        %dma_wait3A_271 = arith.constant 0 : i32
        %dma_wait3A_272 = tpu.memref_slice %arg8[%dma_wait3A_266, %dma_wait3A_271] : memref<2x64xi32, #tpu.memory_space<vmem>> -> memref<1x64xi32, #tpu.memory_space<vmem>>
        %dma_wait3A_273 = tpu.memref_squeeze %dma_wait3A_272 : memref<1x64xi32, #tpu.memory_space<vmem>> -> memref<64xi32, #tpu.memory_space<vmem>>
        %dma_wait3A_274 = arith.constant 0 : i32
        %dma_wait3A_275 = arith.constant 0 : i32
        %dma_wait3A_276 = tpu.memref_slice %arg11[%dma_wait3A_274, %dma_wait3A_275] : memref<10112x128xf32, #tpu.memory_space<vmem_shared>> -> memref<10112x128xf32, #tpu.memory_space<vmem_shared>>
        tpu.wait_indirect_dma semaphore(%arg14 : memref<!tpu.dma_semaphore, #tpu.memory_space<semaphore_mem>>) src(%dma_wait3A_270 : memref<64x128xf32, #tpu.memory_space<vmem>>) dst(%dma_wait3A_276 : memref<10112x128xf32, #tpu.memory_space<vmem_shared>>)
      } else {
      }
      %lt3A_243 = arith.constant 157 : i32
      %lt3A_244 = arith.cmpi slt, %add3A_198, %lt3A_243 : i32
      %convert_element_type3A_245 = arith.extui %lt3A_244 : i1 to i32
      %cond3A_246 = arith.constant 0 : i32
      %cond3A_247 = arith.cmpi ne, %convert_element_type3A_245, %cond3A_246 : i32
      scf.if %cond3A_247 {
        %add3A_265 = arith.constant 1 : i32
        %add3A_266 = arith.addi %add3A_198, %add3A_265 : i32
        %mul3A_267 = arith.constant 64 : i32
        %mul3A_268 = arith.muli %add3A_266, %mul3A_267 : i32
        %add3A_269 = arith.addi %mul3A_74, %mul3A_268 : i32
        %dma_start3A_270 = arith.constant 0 : i32
        %dma_start3A_271 = arith.constant 0 : i32
        %dma_start3A_272 = tpu.memref_slice %arg8[%dma_start3A_270, %dma_start3A_271] : memref<2x64xi32, #tpu.memory_space<vmem>> -> memref<1x64xi32, #tpu.memory_space<vmem>>
        %dma_start3A_273 = tpu.memref_squeeze %dma_start3A_272 : memref<1x64xi32, #tpu.memory_space<vmem>> -> memref<64xi32, #tpu.memory_space<vmem>>
        %dma_start3A_274 = tpu.memref_slice %arg4[%add3A_269] : memref<323584xi32, #tpu.memory_space<hbm>> -> memref<64xi32, #tpu.memory_space<hbm>>
        %dma_start3A_275 = arith.constant 0 : i32
        %dma_start3A_276 = tpu.memref_slice %arg8[%dma_start3A_270, %dma_start3A_275] : memref<2x64xi32, #tpu.memory_space<vmem>> -> memref<1x64xi32, #tpu.memory_space<vmem>>
        %dma_start3A_277 = tpu.memref_squeeze %dma_start3A_276 : memref<1x64xi32, #tpu.memory_space<vmem>> -> memref<64xi32, #tpu.memory_space<vmem>>
        %dma_start3A_278 = tpu.memref_slice %arg4[%add3A_269] : memref<323584xi32, #tpu.memory_space<hbm>> -> memref<64xi32, #tpu.memory_space<hbm>>
        tpu.enqueue_dma source(%dma_start3A_278 : memref<64xi32, #tpu.memory_space<hbm>>) target(%dma_start3A_277 : memref<64xi32, #tpu.memory_space<vmem>>) target_semaphore(%arg12 : memref<!tpu.dma_semaphore, #tpu.memory_space<semaphore_mem>>)
        %mul3A_279 = arith.constant 64 : i32
        %mul3A_280 = arith.muli %add3A_266, %mul3A_279 : i32
        %dma_start3A_281 = arith.constant 0 : i32
        %dma_start3A_282 = arith.constant 0 : i32
        %dma_start3A_283 = arith.constant 0 : i32
        %dma_start3A_284 = tpu.memref_slice %arg9[%dma_start3A_281, %dma_start3A_282, %dma_start3A_283] : memref<2x64x128xf32, #tpu.memory_space<vmem>> -> memref<1x64x128xf32, #tpu.memory_space<vmem>>
        %dma_start3A_285 = tpu.memref_squeeze %dma_start3A_284 : memref<1x64x128xf32, #tpu.memory_space<vmem>> -> memref<64x128xf32, #tpu.memory_space<vmem>>
        %dma_start3A_286 = tpu.memref_slice %arg7[%mul3A_280] : memref<10112xi32, #tpu.memory_space<vmem>> -> memref<64xi32, #tpu.memory_space<vmem>>
        %dma_start3A_287 = arith.constant 0 : i32
        %dma_start3A_288 = arith.constant 0 : i32
        %dma_start3A_289 = tpu.memref_slice %arg2[%dma_start3A_287, %dma_start3A_288] : memref<10000x128xf32, #tpu.memory_space<hbm>> -> memref<10000x128xf32, #tpu.memory_space<hbm>>
        tpu.enqueue_indirect_dma source(%dma_start3A_289 : memref<10000x128xf32, #tpu.memory_space<hbm>>) target(%dma_start3A_285 : memref<64x128xf32, #tpu.memory_space<vmem>>) offsets(%dma_start3A_286 : memref<64xi32, #tpu.memory_space<vmem>>) semaphore(%arg12 : memref<!tpu.dma_semaphore, #tpu.memory_space<semaphore_mem>>)
        %mul3A_290 = arith.constant 64 : i32
        %mul3A_291 = arith.muli %add3A_266, %mul3A_290 : i32
        %add3A_292 = arith.addi %mul3A_74, %mul3A_291 : i32
        %dma_start3A_293 = arith.constant 0 : i32
        %dma_start3A_294 = arith.constant 0 : i32
        %dma_start3A_295 = arith.constant 0 : i32
        %dma_start3A_296 = tpu.memref_slice %arg10[%dma_start3A_293, %dma_start3A_294, %dma_start3A_295] : memref<2x64x128xf32, #tpu.memory_space<vmem>> -> memref<1x64x128xf32, #tpu.memory_space<vmem>>
        %dma_start3A_297 = tpu.memref_squeeze %dma_start3A_296 : memref<1x64x128xf32, #tpu.memory_space<vmem>> -> memref<64x128xf32, #tpu.memory_space<vmem>>
        %dma_start3A_298 = arith.constant 0 : i32
        %dma_start3A_299 = tpu.memref_slice %arg5[%add3A_292, %dma_start3A_298] : memref<323584x128xf32, #tpu.memory_space<hbm>> -> memref<64x128xf32, #tpu.memory_space<hbm>>
        %dma_start3A_300 = arith.constant 0 : i32
        %dma_start3A_301 = arith.constant 0 : i32
        %dma_start3A_302 = tpu.memref_slice %arg10[%dma_start3A_293, %dma_start3A_300, %dma_start3A_301] : memref<2x64x128xf32, #tpu.memory_space<vmem>> -> memref<1x64x128xf32, #tpu.memory_space<vmem>>
        %dma_start3A_303 = tpu.memref_squeeze %dma_start3A_302 : memref<1x64x128xf32, #tpu.memory_space<vmem>> -> memref<64x128xf32, #tpu.memory_space<vmem>>
        %dma_start3A_304 = arith.constant 0 : i32
        %dma_start3A_305 = tpu.memref_slice %arg5[%add3A_292, %dma_start3A_304] : memref<323584x128xf32, #tpu.memory_space<hbm>> -> memref<64x128xf32, #tpu.memory_space<hbm>>
        tpu.enqueue_dma source(%dma_start3A_305 : memref<64x128xf32, #tpu.memory_space<hbm>>) target(%dma_start3A_303 : memref<64x128xf32, #tpu.memory_space<vmem>>) target_semaphore(%arg12 : memref<!tpu.dma_semaphore, #tpu.memory_space<semaphore_mem>>)
      } else {
      }
      %parallel_loop3A_248 = arith.constant 0 : i32
      %parallel_loop3A_249 = arith.constant 64 : i32
      %parallel_loop3A_250 = arith.constant 1 : i32
      %parallel_loop3A_251 = arith.constant 1 : i32
      %parallel_loop3A_252 = arith.constant 1 : i32
      scf.for %parallel_loop3A_265 = %parallel_loop3A_248 to %parallel_loop3A_249 step %parallel_loop3A_250  : i32 {
        %parallel_loop3A_266 = arith.constant 0 : i32
        %parallel_loop3A_267 = arith.constant 0 : i32
        %parallel_loop3A_268 = tpu.memref_slice %arg9[%parallel_loop3A_251, %parallel_loop3A_266, %parallel_loop3A_267] : memref<2x64x128xf32, #tpu.memory_space<vmem>> -> memref<1x64x128xf32, #tpu.memory_space<vmem>>
        %parallel_loop3A_269 = tpu.memref_squeeze %parallel_loop3A_268 : memref<1x64x128xf32, #tpu.memory_space<vmem>> -> memref<64x128xf32, #tpu.memory_space<vmem>>
        %parallel_loop3A_270 = arith.index_cast %parallel_loop3A_265 : i32 to index
        %parallel_loop3A_271 = arith.constant 0 : index
        %parallel_loop3A_272 = tpu.vector_load %parallel_loop3A_269[%parallel_loop3A_270, %parallel_loop3A_271] {strides = array<i32>} : memref<64x128xf32, #tpu.memory_space<vmem>>, vector<1x16xf32>,
        %parallel_loop3A_273 = vector.shape_cast %parallel_loop3A_272 : vector<1x16xf32> to vector<16xf32>
        %parallel_loop3A_274 = arith.constant 0 : i32
        %parallel_loop3A_275 = arith.constant 0 : i32
        %parallel_loop3A_276 = tpu.memref_slice %arg10[%parallel_loop3A_252, %parallel_loop3A_274, %parallel_loop3A_275] : memref<2x64x128xf32, #tpu.memory_space<vmem>> -> memref<1x64x128xf32, #tpu.memory_space<vmem>>
        %parallel_loop3A_277 = tpu.memref_squeeze %parallel_loop3A_276 : memref<1x64x128xf32, #tpu.memory_space<vmem>> -> memref<64x128xf32, #tpu.memory_space<vmem>>
        %parallel_loop3A_278 = arith.index_cast %parallel_loop3A_265 : i32 to index
        %parallel_loop3A_279 = arith.constant 0 : index
        %parallel_loop3A_280 = tpu.vector_load %parallel_loop3A_277[%parallel_loop3A_278, %parallel_loop3A_279] {strides = array<i32>} : memref<64x128xf32, #tpu.memory_space<vmem>>, vector<1x16xf32>,
        %parallel_loop3A_281 = vector.shape_cast %parallel_loop3A_280 : vector<1x16xf32> to vector<16xf32>
        %parallel_loop3A_282 = arith.mulf %parallel_loop3A_273, %parallel_loop3A_281 : vector<16xf32>
        %parallel_loop3A_283 = arith.constant 0 : i32
        %parallel_loop3A_284 = arith.constant 0 : i32
        %parallel_loop3A_285 = tpu.memref_slice %arg9[%parallel_loop3A_251, %parallel_loop3A_283, %parallel_loop3A_284] : memref<2x64x128xf32, #tpu.memory_space<vmem>> -> memref<1x64x128xf32, #tpu.memory_space<vmem>>
        %parallel_loop3A_286 = tpu.memref_squeeze %parallel_loop3A_285 : memref<1x64x128xf32, #tpu.memory_space<vmem>> -> memref<64x128xf32, #tpu.memory_space<vmem>>
        %parallel_loop3A_287 = arith.index_cast %parallel_loop3A_265 : i32 to index
        %parallel_loop3A_288 = arith.constant 0 : index
        %parallel_loop3A_289 = tpu.vector_load %parallel_loop3A_286[%parallel_loop3A_287, %parallel_loop3A_288] {strides = array<i32>} : memref<64x128xf32, #tpu.memory_space<vmem>>, vector<1x16xf32>,
        %parallel_loop3A_290 = vector.shape_cast %parallel_loop3A_289 : vector<1x16xf32> to vector<16xf32>
        %parallel_loop3A_291 = vector.shape_cast %parallel_loop3A_282 : vector<16xf32> to vector<1x16xf32>
        tpu.vector_store %parallel_loop3A_286[%parallel_loop3A_287, %parallel_loop3A_288], %parallel_loop3A_291 {strides = array<i32>} : memref<64x128xf32, #tpu.memory_space<vmem>>, vector<1x16xf32>,
        %parallel_loop3A_292 = arith.constant 0 : i32
        %parallel_loop3A_293 = arith.constant 0 : i32
        %parallel_loop3A_294 = tpu.memref_slice %arg9[%parallel_loop3A_251, %parallel_loop3A_292, %parallel_loop3A_293] : memref<2x64x128xf32, #tpu.memory_space<vmem>> -> memref<1x64x128xf32, #tpu.memory_space<vmem>>
        %parallel_loop3A_295 = tpu.memref_squeeze %parallel_loop3A_294 : memref<1x64x128xf32, #tpu.memory_space<vmem>> -> memref<64x128xf32, #tpu.memory_space<vmem>>
        %parallel_loop3A_296 = arith.index_cast %parallel_loop3A_265 : i32 to index
        %parallel_loop3A_297 = arith.constant 16 : index
        %parallel_loop3A_298 = tpu.vector_load %parallel_loop3A_295[%parallel_loop3A_296, %parallel_loop3A_297] {strides = array<i32>} : memref<64x128xf32, #tpu.memory_space<vmem>>, vector<1x16xf32>,
        %parallel_loop3A_299 = vector.shape_cast %parallel_loop3A_298 : vector<1x16xf32> to vector<16xf32>
        %parallel_loop3A_300 = arith.constant 0 : i32
        %parallel_loop3A_301 = arith.constant 0 : i32
        %parallel_loop3A_302 = tpu.memref_slice %arg10[%parallel_loop3A_252, %parallel_loop3A_300, %parallel_loop3A_301] : memref<2x64x128xf32, #tpu.memory_space<vmem>> -> memref<1x64x128xf32, #tpu.memory_space<vmem>>
        %parallel_loop3A_303 = tpu.memref_squeeze %parallel_loop3A_302 : memref<1x64x128xf32, #tpu.memory_space<vmem>> -> memref<64x128xf32, #tpu.memory_space<vmem>>
        %parallel_loop3A_304 = arith.index_cast %parallel_loop3A_265 : i32 to index
        %parallel_loop3A_305 = arith.constant 16 : index
        %parallel_loop3A_306 = tpu.vector_load %parallel_loop3A_303[%parallel_loop3A_304, %parallel_loop3A_305] {strides = array<i32>} : memref<64x128xf32, #tpu.memory_space<vmem>>, vector<1x16xf32>,
        %parallel_loop3A_307 = vector.shape_cast %parallel_loop3A_306 : vector<1x16xf32> to vector<16xf32>
        %parallel_loop3A_308 = arith.mulf %parallel_loop3A_299, %parallel_loop3A_307 : vector<16xf32>
        %parallel_loop3A_309 = arith.constant 0 : i32
        %parallel_loop3A_310 = arith.constant 0 : i32
        %parallel_loop3A_311 = tpu.memref_slice %arg9[%parallel_loop3A_251, %parallel_loop3A_309, %parallel_loop3A_310] : memref<2x64x128xf32, #tpu.memory_space<vmem>> -> memref<1x64x128xf32, #tpu.memory_space<vmem>>
        %parallel_loop3A_312 = tpu.memref_squeeze %parallel_loop3A_311 : memref<1x64x128xf32, #tpu.memory_space<vmem>> -> memref<64x128xf32, #tpu.memory_space<vmem>>
        %parallel_loop3A_313 = arith.index_cast %parallel_loop3A_265 : i32 to index
        %parallel_loop3A_314 = arith.constant 16 : index
        %parallel_loop3A_315 = tpu.vector_load %parallel_loop3A_312[%parallel_loop3A_313, %parallel_loop3A_314] {strides = array<i32>} : memref<64x128xf32, #tpu.memory_space<vmem>>, vector<1x16xf32>,
        %parallel_loop3A_316 = vector.shape_cast %parallel_loop3A_315 : vector<1x16xf32> to vector<16xf32>
        %parallel_loop3A_317 = vector.shape_cast %parallel_loop3A_308 : vector<16xf32> to vector<1x16xf32>
        tpu.vector_store %parallel_loop3A_312[%parallel_loop3A_313, %parallel_loop3A_314], %parallel_loop3A_317 {strides = array<i32>} : memref<64x128xf32, #tpu.memory_space<vmem>>, vector<1x16xf32>,
        %parallel_loop3A_318 = arith.constant 0 : i32
        %parallel_loop3A_319 = arith.constant 0 : i32
        %parallel_loop3A_320 = tpu.memref_slice %arg9[%parallel_loop3A_251, %parallel_loop3A_318, %parallel_loop3A_319] : memref<2x64x128xf32, #tpu.memory_space<vmem>> -> memref<1x64x128xf32, #tpu.memory_space<vmem>>
        %parallel_loop3A_321 = tpu.memref_squeeze %parallel_loop3A_320 : memref<1x64x128xf32, #tpu.memory_space<vmem>> -> memref<64x128xf32, #tpu.memory_space<vmem>>
        %parallel_loop3A_322 = arith.index_cast %parallel_loop3A_265 : i32 to index
        %parallel_loop3A_323 = arith.constant 32 : index
        %parallel_loop3A_324 = tpu.vector_load %parallel_loop3A_321[%parallel_loop3A_322, %parallel_loop3A_323] {strides = array<i32>} : memref<64x128xf32, #tpu.memory_space<vmem>>, vector<1x16xf32>,
        %parallel_loop3A_325 = vector.shape_cast %parallel_loop3A_324 : vector<1x16xf32> to vector<16xf32>
        %parallel_loop3A_326 = arith.constant 0 : i32
        %parallel_loop3A_327 = arith.constant 0 : i32
        %parallel_loop3A_328 = tpu.memref_slice %arg10[%parallel_loop3A_252, %parallel_loop3A_326, %parallel_loop3A_327] : memref<2x64x128xf32, #tpu.memory_space<vmem>> -> memref<1x64x128xf32, #tpu.memory_space<vmem>>
        %parallel_loop3A_329 = tpu.memref_squeeze %parallel_loop3A_328 : memref<1x64x128xf32, #tpu.memory_space<vmem>> -> memref<64x128xf32, #tpu.memory_space<vmem>>
        %parallel_loop3A_330 = arith.index_cast %parallel_loop3A_265 : i32 to index
        %parallel_loop3A_331 = arith.constant 32 : index
        %parallel_loop3A_332 = tpu.vector_load %parallel_loop3A_329[%parallel_loop3A_330, %parallel_loop3A_331] {strides = array<i32>} : memref<64x128xf32, #tpu.memory_space<vmem>>, vector<1x16xf32>,
        %parallel_loop3A_333 = vector.shape_cast %parallel_loop3A_332 : vector<1x16xf32> to vector<16xf32>
        %parallel_loop3A_334 = arith.mulf %parallel_loop3A_325, %parallel_loop3A_333 : vector<16xf32>
        %parallel_loop3A_335 = arith.constant 0 : i32
        %parallel_loop3A_336 = arith.constant 0 : i32
        %parallel_loop3A_337 = tpu.memref_slice %arg9[%parallel_loop3A_251, %parallel_loop3A_335, %parallel_loop3A_336] : memref<2x64x128xf32, #tpu.memory_space<vmem>> -> memref<1x64x128xf32, #tpu.memory_space<vmem>>
        %parallel_loop3A_338 = tpu.memref_squeeze %parallel_loop3A_337 : memref<1x64x128xf32, #tpu.memory_space<vmem>> -> memref<64x128xf32, #tpu.memory_space<vmem>>
        %parallel_loop3A_339 = arith.index_cast %parallel_loop3A_265 : i32 to index
        %parallel_loop3A_340 = arith.constant 32 : index
        %parallel_loop3A_341 = tpu.vector_load %parallel_loop3A_338[%parallel_loop3A_339, %parallel_loop3A_340] {strides = array<i32>} : memref<64x128xf32, #tpu.memory_space<vmem>>, vector<1x16xf32>,
        %parallel_loop3A_342 = vector.shape_cast %parallel_loop3A_341 : vector<1x16xf32> to vector<16xf32>
        %parallel_loop3A_343 = vector.shape_cast %parallel_loop3A_334 : vector<16xf32> to vector<1x16xf32>
        tpu.vector_store %parallel_loop3A_338[%parallel_loop3A_339, %parallel_loop3A_340], %parallel_loop3A_343 {strides = array<i32>} : memref<64x128xf32, #tpu.memory_space<vmem>>, vector<1x16xf32>,
        %parallel_loop3A_344 = arith.constant 0 : i32
        %parallel_loop3A_345 = arith.constant 0 : i32
        %parallel_loop3A_346 = tpu.memref_slice %arg9[%parallel_loop3A_251, %parallel_loop3A_344, %parallel_loop3A_345] : memref<2x64x128xf32, #tpu.memory_space<vmem>> -> memref<1x64x128xf32, #tpu.memory_space<vmem>>
        %parallel_loop3A_347 = tpu.memref_squeeze %parallel_loop3A_346 : memref<1x64x128xf32, #tpu.memory_space<vmem>> -> memref<64x128xf32, #tpu.memory_space<vmem>>
        %parallel_loop3A_348 = arith.index_cast %parallel_loop3A_265 : i32 to index
        %parallel_loop3A_349 = arith.constant 48 : index
        %parallel_loop3A_350 = tpu.vector_load %parallel_loop3A_347[%parallel_loop3A_348, %parallel_loop3A_349] {strides = array<i32>} : memref<64x128xf32, #tpu.memory_space<vmem>>, vector<1x16xf32>,
        %parallel_loop3A_351 = vector.shape_cast %parallel_loop3A_350 : vector<1x16xf32> to vector<16xf32>
        %parallel_loop3A_352 = arith.constant 0 : i32
        %parallel_loop3A_353 = arith.constant 0 : i32
        %parallel_loop3A_354 = tpu.memref_slice %arg10[%parallel_loop3A_252, %parallel_loop3A_352, %parallel_loop3A_353] : memref<2x64x128xf32, #tpu.memory_space<vmem>> -> memref<1x64x128xf32, #tpu.memory_space<vmem>>
        %parallel_loop3A_355 = tpu.memref_squeeze %parallel_loop3A_354 : memref<1x64x128xf32, #tpu.memory_space<vmem>> -> memref<64x128xf32, #tpu.memory_space<vmem>>
        %parallel_loop3A_356 = arith.index_cast %parallel_loop3A_265 : i32 to index
        %parallel_loop3A_357 = arith.constant 48 : index
        %parallel_loop3A_358 = tpu.vector_load %parallel_loop3A_355[%parallel_loop3A_356, %parallel_loop3A_357] {strides = array<i32>} : memref<64x128xf32, #tpu.memory_space<vmem>>, vector<1x16xf32>,
        %parallel_loop3A_359 = vector.shape_cast %parallel_loop3A_358 : vector<1x16xf32> to vector<16xf32>
        %parallel_loop3A_360 = arith.mulf %parallel_loop3A_351, %parallel_loop3A_359 : vector<16xf32>
        %parallel_loop3A_361 = arith.constant 0 : i32
        %parallel_loop3A_362 = arith.constant 0 : i32
        %parallel_loop3A_363 = tpu.memref_slice %arg9[%parallel_loop3A_251, %parallel_loop3A_361, %parallel_loop3A_362] : memref<2x64x128xf32, #tpu.memory_space<vmem>> -> memref<1x64x128xf32, #tpu.memory_space<vmem>>
        %parallel_loop3A_364 = tpu.memref_squeeze %parallel_loop3A_363 : memref<1x64x128xf32, #tpu.memory_space<vmem>> -> memref<64x128xf32, #tpu.memory_space<vmem>>
        %parallel_loop3A_365 = arith.index_cast %parallel_loop3A_265 : i32 to index
        %parallel_loop3A_366 = arith.constant 48 : index
        %parallel_loop3A_367 = tpu.vector_load %parallel_loop3A_364[%parallel_loop3A_365, %parallel_loop3A_366] {strides = array<i32>} : memref<64x128xf32, #tpu.memory_space<vmem>>, vector<1x16xf32>,
        %parallel_loop3A_368 = vector.shape_cast %parallel_loop3A_367 : vector<1x16xf32> to vector<16xf32>
        %parallel_loop3A_369 = vector.shape_cast %parallel_loop3A_360 : vector<16xf32> to vector<1x16xf32>
        tpu.vector_store %parallel_loop3A_364[%parallel_loop3A_365, %parallel_loop3A_366], %parallel_loop3A_369 {strides = array<i32>} : memref<64x128xf32, #tpu.memory_space<vmem>>, vector<1x16xf32>,
        %parallel_loop3A_370 = arith.constant 0 : i32
        %parallel_loop3A_371 = arith.constant 0 : i32
        %parallel_loop3A_372 = tpu.memref_slice %arg9[%parallel_loop3A_251, %parallel_loop3A_370, %parallel_loop3A_371] : memref<2x64x128xf32, #tpu.memory_space<vmem>> -> memref<1x64x128xf32, #tpu.memory_space<vmem>>
        %parallel_loop3A_373 = tpu.memref_squeeze %parallel_loop3A_372 : memref<1x64x128xf32, #tpu.memory_space<vmem>> -> memref<64x128xf32, #tpu.memory_space<vmem>>
        %parallel_loop3A_374 = arith.index_cast %parallel_loop3A_265 : i32 to index
        %parallel_loop3A_375 = arith.constant 64 : index
        %parallel_loop3A_376 = tpu.vector_load %parallel_loop3A_373[%parallel_loop3A_374, %parallel_loop3A_375] {strides = array<i32>} : memref<64x128xf32, #tpu.memory_space<vmem>>, vector<1x16xf32>,
        %parallel_loop3A_377 = vector.shape_cast %parallel_loop3A_376 : vector<1x16xf32> to vector<16xf32>
        %parallel_loop3A_378 = arith.constant 0 : i32
        %parallel_loop3A_379 = arith.constant 0 : i32
        %parallel_loop3A_380 = tpu.memref_slice %arg10[%parallel_loop3A_252, %parallel_loop3A_378, %parallel_loop3A_379] : memref<2x64x128xf32, #tpu.memory_space<vmem>> -> memref<1x64x128xf32, #tpu.memory_space<vmem>>
        %parallel_loop3A_381 = tpu.memref_squeeze %parallel_loop3A_380 : memref<1x64x128xf32, #tpu.memory_space<vmem>> -> memref<64x128xf32, #tpu.memory_space<vmem>>
        %parallel_loop3A_382 = arith.index_cast %parallel_loop3A_265 : i32 to index
        %parallel_loop3A_383 = arith.constant 64 : index
        %parallel_loop3A_384 = tpu.vector_load %parallel_loop3A_381[%parallel_loop3A_382, %parallel_loop3A_383] {strides = array<i32>} : memref<64x128xf32, #tpu.memory_space<vmem>>, vector<1x16xf32>,
        %parallel_loop3A_385 = vector.shape_cast %parallel_loop3A_384 : vector<1x16xf32> to vector<16xf32>
        %parallel_loop3A_386 = arith.mulf %parallel_loop3A_377, %parallel_loop3A_385 : vector<16xf32>
        %parallel_loop3A_387 = arith.constant 0 : i32
        %parallel_loop3A_388 = arith.constant 0 : i32
        %parallel_loop3A_389 = tpu.memref_slice %arg9[%parallel_loop3A_251, %parallel_loop3A_387, %parallel_loop3A_388] : memref<2x64x128xf32, #tpu.memory_space<vmem>> -> memref<1x64x128xf32, #tpu.memory_space<vmem>>
        %parallel_loop3A_390 = tpu.memref_squeeze %parallel_loop3A_389 : memref<1x64x128xf32, #tpu.memory_space<vmem>> -> memref<64x128xf32, #tpu.memory_space<vmem>>
        %parallel_loop3A_391 = arith.index_cast %parallel_loop3A_265 : i32 to index
        %parallel_loop3A_392 = arith.constant 64 : index
        %parallel_loop3A_393 = tpu.vector_load %parallel_loop3A_390[%parallel_loop3A_391, %parallel_loop3A_392] {strides = array<i32>} : memref<64x128xf32, #tpu.memory_space<vmem>>, vector<1x16xf32>,
        %parallel_loop3A_394 = vector.shape_cast %parallel_loop3A_393 : vector<1x16xf32> to vector<16xf32>
        %parallel_loop3A_395 = vector.shape_cast %parallel_loop3A_386 : vector<16xf32> to vector<1x16xf32>
        tpu.vector_store %parallel_loop3A_390[%parallel_loop3A_391, %parallel_loop3A_392], %parallel_loop3A_395 {strides = array<i32>} : memref<64x128xf32, #tpu.memory_space<vmem>>, vector<1x16xf32>,
        %parallel_loop3A_396 = arith.constant 0 : i32
        %parallel_loop3A_397 = arith.constant 0 : i32
        %parallel_loop3A_398 = tpu.memref_slice %arg9[%parallel_loop3A_251, %parallel_loop3A_396, %parallel_loop3A_397] : memref<2x64x128xf32, #tpu.memory_space<vmem>> -> memref<1x64x128xf32, #tpu.memory_space<vmem>>
        %parallel_loop3A_399 = tpu.memref_squeeze %parallel_loop3A_398 : memref<1x64x128xf32, #tpu.memory_space<vmem>> -> memref<64x128xf32, #tpu.memory_space<vmem>>
        %parallel_loop3A_400 = arith.index_cast %parallel_loop3A_265 : i32 to index
        %parallel_loop3A_401 = arith.constant 80 : index
        %parallel_loop3A_402 = tpu.vector_load %parallel_loop3A_399[%parallel_loop3A_400, %parallel_loop3A_401] {strides = array<i32>} : memref<64x128xf32, #tpu.memory_space<vmem>>, vector<1x16xf32>,
        %parallel_loop3A_403 = vector.shape_cast %parallel_loop3A_402 : vector<1x16xf32> to vector<16xf32>
        %parallel_loop3A_404 = arith.constant 0 : i32
        %parallel_loop3A_405 = arith.constant 0 : i32
        %parallel_loop3A_406 = tpu.memref_slice %arg10[%parallel_loop3A_252, %parallel_loop3A_404, %parallel_loop3A_405] : memref<2x64x128xf32, #tpu.memory_space<vmem>> -> memref<1x64x128xf32, #tpu.memory_space<vmem>>
        %parallel_loop3A_407 = tpu.memref_squeeze %parallel_loop3A_406 : memref<1x64x128xf32, #tpu.memory_space<vmem>> -> memref<64x128xf32, #tpu.memory_space<vmem>>
        %parallel_loop3A_408 = arith.index_cast %parallel_loop3A_265 : i32 to index
        %parallel_loop3A_409 = arith.constant 80 : index
        %parallel_loop3A_410 = tpu.vector_load %parallel_loop3A_407[%parallel_loop3A_408, %parallel_loop3A_409] {strides = array<i32>} : memref<64x128xf32, #tpu.memory_space<vmem>>, vector<1x16xf32>,
        %parallel_loop3A_411 = vector.shape_cast %parallel_loop3A_410 : vector<1x16xf32> to vector<16xf32>
        %parallel_loop3A_412 = arith.mulf %parallel_loop3A_403, %parallel_loop3A_411 : vector<16xf32>
        %parallel_loop3A_413 = arith.constant 0 : i32
        %parallel_loop3A_414 = arith.constant 0 : i32
        %parallel_loop3A_415 = tpu.memref_slice %arg9[%parallel_loop3A_251, %parallel_loop3A_413, %parallel_loop3A_414] : memref<2x64x128xf32, #tpu.memory_space<vmem>> -> memref<1x64x128xf32, #tpu.memory_space<vmem>>
        %parallel_loop3A_416 = tpu.memref_squeeze %parallel_loop3A_415 : memref<1x64x128xf32, #tpu.memory_space<vmem>> -> memref<64x128xf32, #tpu.memory_space<vmem>>
        %parallel_loop3A_417 = arith.index_cast %parallel_loop3A_265 : i32 to index
        %parallel_loop3A_418 = arith.constant 80 : index
        %parallel_loop3A_419 = tpu.vector_load %parallel_loop3A_416[%parallel_loop3A_417, %parallel_loop3A_418] {strides = array<i32>} : memref<64x128xf32, #tpu.memory_space<vmem>>, vector<1x16xf32>,
        %parallel_loop3A_420 = vector.shape_cast %parallel_loop3A_419 : vector<1x16xf32> to vector<16xf32>
        %parallel_loop3A_421 = vector.shape_cast %parallel_loop3A_412 : vector<16xf32> to vector<1x16xf32>
        tpu.vector_store %parallel_loop3A_416[%parallel_loop3A_417, %parallel_loop3A_418], %parallel_loop3A_421 {strides = array<i32>} : memref<64x128xf32, #tpu.memory_space<vmem>>, vector<1x16xf32>,
        %parallel_loop3A_422 = arith.constant 0 : i32
        %parallel_loop3A_423 = arith.constant 0 : i32
        %parallel_loop3A_424 = tpu.memref_slice %arg9[%parallel_loop3A_251, %parallel_loop3A_422, %parallel_loop3A_423] : memref<2x64x128xf32, #tpu.memory_space<vmem>> -> memref<1x64x128xf32, #tpu.memory_space<vmem>>
        %parallel_loop3A_425 = tpu.memref_squeeze %parallel_loop3A_424 : memref<1x64x128xf32, #tpu.memory_space<vmem>> -> memref<64x128xf32, #tpu.memory_space<vmem>>
        %parallel_loop3A_426 = arith.index_cast %parallel_loop3A_265 : i32 to index
        %parallel_loop3A_427 = arith.constant 96 : index
        %parallel_loop3A_428 = tpu.vector_load %parallel_loop3A_425[%parallel_loop3A_426, %parallel_loop3A_427] {strides = array<i32>} : memref<64x128xf32, #tpu.memory_space<vmem>>, vector<1x16xf32>,
        %parallel_loop3A_429 = vector.shape_cast %parallel_loop3A_428 : vector<1x16xf32> to vector<16xf32>
        %parallel_loop3A_430 = arith.constant 0 : i32
        %parallel_loop3A_431 = arith.constant 0 : i32
        %parallel_loop3A_432 = tpu.memref_slice %arg10[%parallel_loop3A_252, %parallel_loop3A_430, %parallel_loop3A_431] : memref<2x64x128xf32, #tpu.memory_space<vmem>> -> memref<1x64x128xf32, #tpu.memory_space<vmem>>
        %parallel_loop3A_433 = tpu.memref_squeeze %parallel_loop3A_432 : memref<1x64x128xf32, #tpu.memory_space<vmem>> -> memref<64x128xf32, #tpu.memory_space<vmem>>
        %parallel_loop3A_434 = arith.index_cast %parallel_loop3A_265 : i32 to index
        %parallel_loop3A_435 = arith.constant 96 : index
        %parallel_loop3A_436 = tpu.vector_load %parallel_loop3A_433[%parallel_loop3A_434, %parallel_loop3A_435] {strides = array<i32>} : memref<64x128xf32, #tpu.memory_space<vmem>>, vector<1x16xf32>,
        %parallel_loop3A_437 = vector.shape_cast %parallel_loop3A_436 : vector<1x16xf32> to vector<16xf32>
        %parallel_loop3A_438 = arith.mulf %parallel_loop3A_429, %parallel_loop3A_437 : vector<16xf32>
        %parallel_loop3A_439 = arith.constant 0 : i32
        %parallel_loop3A_440 = arith.constant 0 : i32
        %parallel_loop3A_441 = tpu.memref_slice %arg9[%parallel_loop3A_251, %parallel_loop3A_439, %parallel_loop3A_440] : memref<2x64x128xf32, #tpu.memory_space<vmem>> -> memref<1x64x128xf32, #tpu.memory_space<vmem>>
        %parallel_loop3A_442 = tpu.memref_squeeze %parallel_loop3A_441 : memref<1x64x128xf32, #tpu.memory_space<vmem>> -> memref<64x128xf32, #tpu.memory_space<vmem>>
        %parallel_loop3A_443 = arith.index_cast %parallel_loop3A_265 : i32 to index
        %parallel_loop3A_444 = arith.constant 96 : index
        %parallel_loop3A_445 = tpu.vector_load %parallel_loop3A_442[%parallel_loop3A_443, %parallel_loop3A_444] {strides = array<i32>} : memref<64x128xf32, #tpu.memory_space<vmem>>, vector<1x16xf32>,
        %parallel_loop3A_446 = vector.shape_cast %parallel_loop3A_445 : vector<1x16xf32> to vector<16xf32>
        %parallel_loop3A_447 = vector.shape_cast %parallel_loop3A_438 : vector<16xf32> to vector<1x16xf32>
        tpu.vector_store %parallel_loop3A_442[%parallel_loop3A_443, %parallel_loop3A_444], %parallel_loop3A_447 {strides = array<i32>} : memref<64x128xf32, #tpu.memory_space<vmem>>, vector<1x16xf32>,
        %parallel_loop3A_448 = arith.constant 0 : i32
        %parallel_loop3A_449 = arith.constant 0 : i32
        %parallel_loop3A_450 = tpu.memref_slice %arg9[%parallel_loop3A_251, %parallel_loop3A_448, %parallel_loop3A_449] : memref<2x64x128xf32, #tpu.memory_space<vmem>> -> memref<1x64x128xf32, #tpu.memory_space<vmem>>
        %parallel_loop3A_451 = tpu.memref_squeeze %parallel_loop3A_450 : memref<1x64x128xf32, #tpu.memory_space<vmem>> -> memref<64x128xf32, #tpu.memory_space<vmem>>
        %parallel_loop3A_452 = arith.index_cast %parallel_loop3A_265 : i32 to index
        %parallel_loop3A_453 = arith.constant 112 : index
        %parallel_loop3A_454 = tpu.vector_load %parallel_loop3A_451[%parallel_loop3A_452, %parallel_loop3A_453] {strides = array<i32>} : memref<64x128xf32, #tpu.memory_space<vmem>>, vector<1x16xf32>,
        %parallel_loop3A_455 = vector.shape_cast %parallel_loop3A_454 : vector<1x16xf32> to vector<16xf32>
        %parallel_loop3A_456 = arith.constant 0 : i32
        %parallel_loop3A_457 = arith.constant 0 : i32
        %parallel_loop3A_458 = tpu.memref_slice %arg10[%parallel_loop3A_252, %parallel_loop3A_456, %parallel_loop3A_457] : memref<2x64x128xf32, #tpu.memory_space<vmem>> -> memref<1x64x128xf32, #tpu.memory_space<vmem>>
        %parallel_loop3A_459 = tpu.memref_squeeze %parallel_loop3A_458 : memref<1x64x128xf32, #tpu.memory_space<vmem>> -> memref<64x128xf32, #tpu.memory_space<vmem>>
        %parallel_loop3A_460 = arith.index_cast %parallel_loop3A_265 : i32 to index
        %parallel_loop3A_461 = arith.constant 112 : index
        %parallel_loop3A_462 = tpu.vector_load %parallel_loop3A_459[%parallel_loop3A_460, %parallel_loop3A_461] {strides = array<i32>} : memref<64x128xf32, #tpu.memory_space<vmem>>, vector<1x16xf32>,
        %parallel_loop3A_463 = vector.shape_cast %parallel_loop3A_462 : vector<1x16xf32> to vector<16xf32>
        %parallel_loop3A_464 = arith.mulf %parallel_loop3A_455, %parallel_loop3A_463 : vector<16xf32>
        %parallel_loop3A_465 = arith.constant 0 : i32
        %parallel_loop3A_466 = arith.constant 0 : i32
        %parallel_loop3A_467 = tpu.memref_slice %arg9[%parallel_loop3A_251, %parallel_loop3A_465, %parallel_loop3A_466] : memref<2x64x128xf32, #tpu.memory_space<vmem>> -> memref<1x64x128xf32, #tpu.memory_space<vmem>>
        %parallel_loop3A_468 = tpu.memref_squeeze %parallel_loop3A_467 : memref<1x64x128xf32, #tpu.memory_space<vmem>> -> memref<64x128xf32, #tpu.memory_space<vmem>>
        %parallel_loop3A_469 = arith.index_cast %parallel_loop3A_265 : i32 to index
        %parallel_loop3A_470 = arith.constant 112 : index
        %parallel_loop3A_471 = tpu.vector_load %parallel_loop3A_468[%parallel_loop3A_469, %parallel_loop3A_470] {strides = array<i32>} : memref<64x128xf32, #tpu.memory_space<vmem>>, vector<1x16xf32>,
        %parallel_loop3A_472 = vector.shape_cast %parallel_loop3A_471 : vector<1x16xf32> to vector<16xf32>
        %parallel_loop3A_473 = vector.shape_cast %parallel_loop3A_464 : vector<16xf32> to vector<1x16xf32>
        tpu.vector_store %parallel_loop3A_468[%parallel_loop3A_469, %parallel_loop3A_470], %parallel_loop3A_473 {strides = array<i32>} : memref<64x128xf32, #tpu.memory_space<vmem>>, vector<1x16xf32>,
      } {sc.loop_unroll_factor = 4 : i64, sc.parallel_access}
      %dma_start3A_253 = arith.constant 1 : i32
      %dma_start3A_254 = arith.constant 1 : i32
      %dma_start3A_255 = arith.constant 0 : i32
      %dma_start3A_256 = arith.constant 0 : i32
      %dma_start3A_257 = tpu.memref_slice %arg9[%dma_start3A_253, %dma_start3A_255, %dma_start3A_256] : memref<2x64x128xf32, #tpu.memory_space<vmem>> -> memref<1x64x128xf32, #tpu.memory_space<vmem>>
      %dma_start3A_258 = tpu.memref_squeeze %dma_start3A_257 : memref<1x64x128xf32, #tpu.memory_space<vmem>> -> memref<64x128xf32, #tpu.memory_space<vmem>>
      %dma_start3A_259 = arith.constant 0 : i32
      %dma_start3A_260 = tpu.memref_slice %arg8[%dma_start3A_254, %dma_start3A_259] : memref<2x64xi32, #tpu.memory_space<vmem>> -> memref<1x64xi32, #tpu.memory_space<vmem>>
      %dma_start3A_261 = tpu.memref_squeeze %dma_start3A_260 : memref<1x64xi32, #tpu.memory_space<vmem>> -> memref<64xi32, #tpu.memory_space<vmem>>
      %dma_start3A_262 = arith.constant 0 : i32
      %dma_start3A_263 = arith.constant 0 : i32
      %dma_start3A_264 = tpu.memref_slice %arg11[%dma_start3A_262, %dma_start3A_263] : memref<10112x128xf32, #tpu.memory_space<vmem_shared>> -> memref<10112x128xf32, #tpu.memory_space<vmem_shared>>
      tpu.enqueue_indirect_dma source(%dma_start3A_258 : memref<64x128xf32, #tpu.memory_space<vmem>>) target(%dma_start3A_264 : memref<10112x128xf32, #tpu.memory_space<vmem_shared>>) offsets(%dma_start3A_261 : memref<64xi32, #tpu.memory_space<vmem>>) semaphore(%arg15 : memref<!tpu.dma_semaphore, #tpu.memory_space<semaphore_mem>>) {add = true}
    }
    %scan3A_113 = arith.constant 79 : i32
    %dma_wait3A = arith.constant 1 : i32
    %dma_wait3A_114 = arith.constant 1 : i32
    %dma_wait3A_115 = arith.constant 0 : i32
    %dma_wait3A_116 = arith.constant 0 : i32
    %dma_wait3A_117 = tpu.memref_slice %arg9[%dma_wait3A, %dma_wait3A_115, %dma_wait3A_116] : memref<2x64x128xf32, #tpu.memory_space<vmem>> -> memref<1x64x128xf32, #tpu.memory_space<vmem>>
    %dma_wait3A_118 = tpu.memref_squeeze %dma_wait3A_117 : memref<1x64x128xf32, #tpu.memory_space<vmem>> -> memref<64x128xf32, #tpu.memory_space<vmem>>
    %dma_wait3A_119 = arith.constant 0 : i32
    %dma_wait3A_120 = tpu.memref_slice %arg8[%dma_wait3A_114, %dma_wait3A_119] : memref<2x64xi32, #tpu.memory_space<vmem>> -> memref<1x64xi32, #tpu.memory_space<vmem>>
    %dma_wait3A_121 = tpu.memref_squeeze %dma_wait3A_120 : memref<1x64xi32, #tpu.memory_space<vmem>> -> memref<64xi32, #tpu.memory_space<vmem>>
    %dma_wait3A_122 = arith.constant 0 : i32
    %dma_wait3A_123 = arith.constant 0 : i32
    %dma_wait3A_124 = tpu.memref_slice %arg11[%dma_wait3A_122, %dma_wait3A_123] : memref<10112x128xf32, #tpu.memory_space<vmem_shared>> -> memref<10112x128xf32, #tpu.memory_space<vmem_shared>>
    tpu.wait_indirect_dma semaphore(%arg15 : memref<!tpu.dma_semaphore, #tpu.memory_space<semaphore_mem>>) src(%dma_wait3A_118 : memref<64x128xf32, #tpu.memory_space<vmem>>) dst(%dma_wait3A_124 : memref<10112x128xf32, #tpu.memory_space<vmem_shared>>)
    %barrier3A_125 = arith.constant 0 : index
    tpu.barrier barrier_id(%barrier3A_125)
    %mul3A_126 = arith.constant 632 : i32
    %mul3A_127 = arith.muli %arg1, %mul3A_126 : i32
    "tpu.region"() ({
      %run_scoped3A_128 = tpu.sem_alloc : memref<!tpu.dma_semaphore, #tpu.memory_space<semaphore_mem>>
      %dma_start3A_129 = arith.constant 0 : i32
      %dma_start3A_130 = tpu.memref_slice %arg6[%arg0, %mul3A_127, %dma_start3A_129] : memref<2x10112x128xf32, #tpu.memory_space<hbm>> -> memref<1x632x128xf32, #tpu.memory_space<hbm>>
      %dma_start3A_131 = tpu.memref_squeeze %dma_start3A_130 : memref<1x632x128xf32, #tpu.memory_space<hbm>> -> memref<632x128xf32, #tpu.memory_space<hbm>>
      %dma_start3A_132 = arith.constant 0 : i32
      %dma_start3A_133 = tpu.memref_slice %arg11[%mul3A_127, %dma_start3A_132] : memref<10112x128xf32, #tpu.memory_space<vmem_shared>> -> memref<632x128xf32, #tpu.memory_space<vmem_shared>>
      tpu.enqueue_dma source(%dma_start3A_133 : memref<632x128xf32, #tpu.memory_space<vmem_shared>>) target(%dma_start3A_131 : memref<632x128xf32, #tpu.memory_space<hbm>>) target_semaphore(%run_scoped3A_128 : memref<!tpu.dma_semaphore, #tpu.memory_space<semaphore_mem>>)
      %dma_wait3A_134 = arith.constant 0 : i32
      %dma_wait3A_135 = tpu.memref_slice %arg6[%arg0, %mul3A_127, %dma_wait3A_134] : memref<2x10112x128xf32, #tpu.memory_space<hbm>> -> memref<1x632x128xf32, #tpu.memory_space<hbm>>
      %dma_wait3A_136 = tpu.memref_squeeze %dma_wait3A_135 : memref<1x632x128xf32, #tpu.memory_space<hbm>> -> memref<632x128xf32, #tpu.memory_space<hbm>>
      %dma_wait3A_137 = arith.constant 0 : i32
      %dma_wait3A_138 = tpu.memref_slice %arg11[%mul3A_127, %dma_wait3A_137] : memref<10112x128xf32, #tpu.memory_space<vmem_shared>> -> memref<632x128xf32, #tpu.memory_space<vmem_shared>>
      tpu.wait_dma2 semaphore(%run_scoped3A_128 : memref<!tpu.dma_semaphore, #tpu.memory_space<semaphore_mem>>) src(%dma_wait3A_138 : memref<632x128xf32, #tpu.memory_space<vmem_shared>>) dst(%dma_wait3A_136 : memref<632x128xf32, #tpu.memory_space<hbm>>)
      tpu.yield
    }) : () -> ()
    return
  }
}

#map = affine_map<(d0, d1) -> (0, 0)>
#map1 = affine_map<(d0, d1) -> (0)>
#map2 = affine_map<(d0, d1) -> (0, 0, 0)>
module attributes {stable_mosaic.version = 14 : i64} {
  func.func @_sc_msg_aggr(%arg0: i32, %arg1: i32, %arg2: memref<10000x128xf32, #tpu.memory_space<hbm>>, %arg3: memref<323584xi32, #tpu.memory_space<hbm>>, %arg4: memref<323584xi32, #tpu.memory_space<hbm>>, %arg5: memref<323584x128xf32, #tpu.memory_space<hbm>>, %arg6: memref<2x10112x128xf32, #tpu.memory_space<hbm>>, %arg7: memref<10112xi32, #tpu.memory_space<vmem>>, %arg8: memref<2x64xi32, #tpu.memory_space<vmem>>, %arg9: memref<2x64x128xf32, #tpu.memory_space<vmem>>, %arg10: memref<2x64x128xf32, #tpu.memory_space<vmem>>, %arg11: memref<10112x128xf32, #tpu.memory_space<vmem_shared>>, %arg12: memref<!tpu.dma_semaphore, #tpu.memory_space<semaphore_mem>>, %arg13: memref<!tpu.dma_semaphore, #tpu.memory_space<semaphore_mem>>, %arg14: memref<!tpu.dma_semaphore, #tpu.memory_space<semaphore_mem>>, %arg15: memref<!tpu.dma_semaphore, #tpu.memory_space<semaphore_mem>>) attributes {dimension_semantics = [#tpu.dimension_semantics<core_parallel>, #tpu.dimension_semantics<subcore_parallel>], iteration_bounds = array<i64: 2, 16>, scalar_prefetch = 0 : i64, scratch_operands = 9 : i64, tpu.core_type = #tpu.core_type<sc_vector_subcore>, window_params = [{transform_indices = #map}, {transform_indices = #map1}, {transform_indices = #map1}, {transform_indices = #map}, {transform_indices = #map2}]} {
    %broadcast_in_dim3A = arith.constant 0.000000e+00 : f32
    %broadcast_in_dim3A_0 = vector.broadcast %broadcast_in_dim3A : f32 to vector<16xf32>
    %parallel_loop3A = arith.constant 0 : i32
    %parallel_loop3A_1 = arith.constant 64 : i32
    %parallel_loop3A_2 = arith.constant 1 : i32
    %parallel_loop3A_3 = arith.constant 0 : i32
    scf.for %parallel_loop3A_128 = %parallel_loop3A to %parallel_loop3A_1 step %parallel_loop3A_2  : i32 {
      %parallel_loop3A_129 = arith.constant 0 : i32
      %parallel_loop3A_130 = arith.constant 0 : i32
      %parallel_loop3A_131 = tpu.memref_slice %arg9[%parallel_loop3A_3, %parallel_loop3A_129, %parallel_loop3A_130] : memref<2x64x128xf32, #tpu.memory_space<vmem>> -> memref<1x64x128xf32, #tpu.memory_space<vmem>>
      %parallel_loop3A_132 = tpu.memref_squeeze %parallel_loop3A_131 : memref<1x64x128xf32, #tpu.memory_space<vmem>> -> memref<64x128xf32, #tpu.memory_space<vmem>>
      %parallel_loop3A_133 = arith.index_cast %parallel_loop3A_128 : i32 to index
      %parallel_loop3A_134 = arith.constant 0 : index
      %parallel_loop3A_135 = tpu.vector_load %parallel_loop3A_132[%parallel_loop3A_133, %parallel_loop3A_134] {strides = array<i32>} : memref<64x128xf32, #tpu.memory_space<vmem>>, vector<1x16xf32>,
      %parallel_loop3A_136 = vector.shape_cast %parallel_loop3A_135 : vector<1x16xf32> to vector<16xf32>
      %parallel_loop3A_137 = vector.shape_cast %broadcast_in_dim3A_0 : vector<16xf32> to vector<1x16xf32>
      tpu.vector_store %parallel_loop3A_132[%parallel_loop3A_133, %parallel_loop3A_134], %parallel_loop3A_137 {strides = array<i32>} : memref<64x128xf32, #tpu.memory_space<vmem>>, vector<1x16xf32>,
      %parallel_loop3A_138 = arith.constant 0 : i32
      %parallel_loop3A_139 = arith.constant 0 : i32
      %parallel_loop3A_140 = tpu.memref_slice %arg9[%parallel_loop3A_3, %parallel_loop3A_138, %parallel_loop3A_139] : memref<2x64x128xf32, #tpu.memory_space<vmem>> -> memref<1x64x128xf32, #tpu.memory_space<vmem>>
      %parallel_loop3A_141 = tpu.memref_squeeze %parallel_loop3A_140 : memref<1x64x128xf32, #tpu.memory_space<vmem>> -> memref<64x128xf32, #tpu.memory_space<vmem>>
      %parallel_loop3A_142 = arith.index_cast %parallel_loop3A_128 : i32 to index
      %parallel_loop3A_143 = arith.constant 16 : index
      %parallel_loop3A_144 = tpu.vector_load %parallel_loop3A_141[%parallel_loop3A_142, %parallel_loop3A_143] {strides = array<i32>} : memref<64x128xf32, #tpu.memory_space<vmem>>, vector<1x16xf32>,
      %parallel_loop3A_145 = vector.shape_cast %parallel_loop3A_144 : vector<1x16xf32> to vector<16xf32>
      %parallel_loop3A_146 = vector.shape_cast %broadcast_in_dim3A_0 : vector<16xf32> to vector<1x16xf32>
      tpu.vector_store %parallel_loop3A_141[%parallel_loop3A_142, %parallel_loop3A_143], %parallel_loop3A_146 {strides = array<i32>} : memref<64x128xf32, #tpu.memory_space<vmem>>, vector<1x16xf32>,
      %parallel_loop3A_147 = arith.constant 0 : i32
      %parallel_loop3A_148 = arith.constant 0 : i32
      %parallel_loop3A_149 = tpu.memref_slice %arg9[%parallel_loop3A_3, %parallel_loop3A_147, %parallel_loop3A_148] : memref<2x64x128xf32, #tpu.memory_space<vmem>> -> memref<1x64x128xf32, #tpu.memory_space<vmem>>
      %parallel_loop3A_150 = tpu.memref_squeeze %parallel_loop3A_149 : memref<1x64x128xf32, #tpu.memory_space<vmem>> -> memref<64x128xf32, #tpu.memory_space<vmem>>
      %parallel_loop3A_151 = arith.index_cast %parallel_loop3A_128 : i32 to index
      %parallel_loop3A_152 = arith.constant 32 : index
      %parallel_loop3A_153 = tpu.vector_load %parallel_loop3A_150[%parallel_loop3A_151, %parallel_loop3A_152] {strides = array<i32>} : memref<64x128xf32, #tpu.memory_space<vmem>>, vector<1x16xf32>,
      %parallel_loop3A_154 = vector.shape_cast %parallel_loop3A_153 : vector<1x16xf32> to vector<16xf32>
      %parallel_loop3A_155 = vector.shape_cast %broadcast_in_dim3A_0 : vector<16xf32> to vector<1x16xf32>
      tpu.vector_store %parallel_loop3A_150[%parallel_loop3A_151, %parallel_loop3A_152], %parallel_loop3A_155 {strides = array<i32>} : memref<64x128xf32, #tpu.memory_space<vmem>>, vector<1x16xf32>,
      %parallel_loop3A_156 = arith.constant 0 : i32
      %parallel_loop3A_157 = arith.constant 0 : i32
      %parallel_loop3A_158 = tpu.memref_slice %arg9[%parallel_loop3A_3, %parallel_loop3A_156, %parallel_loop3A_157] : memref<2x64x128xf32, #tpu.memory_space<vmem>> -> memref<1x64x128xf32, #tpu.memory_space<vmem>>
      %parallel_loop3A_159 = tpu.memref_squeeze %parallel_loop3A_158 : memref<1x64x128xf32, #tpu.memory_space<vmem>> -> memref<64x128xf32, #tpu.memory_space<vmem>>
      %parallel_loop3A_160 = arith.index_cast %parallel_loop3A_128 : i32 to index
      %parallel_loop3A_161 = arith.constant 48 : index
      %parallel_loop3A_162 = tpu.vector_load %parallel_loop3A_159[%parallel_loop3A_160, %parallel_loop3A_161] {strides = array<i32>} : memref<64x128xf32, #tpu.memory_space<vmem>>, vector<1x16xf32>,
      %parallel_loop3A_163 = vector.shape_cast %parallel_loop3A_162 : vector<1x16xf32> to vector<16xf32>
      %parallel_loop3A_164 = vector.shape_cast %broadcast_in_dim3A_0 : vector<16xf32> to vector<1x16xf32>
      tpu.vector_store %parallel_loop3A_159[%parallel_loop3A_160, %parallel_loop3A_161], %parallel_loop3A_164 {strides = array<i32>} : memref<64x128xf32, #tpu.memory_space<vmem>>, vector<1x16xf32>,
      %parallel_loop3A_165 = arith.constant 0 : i32
      %parallel_loop3A_166 = arith.constant 0 : i32
      %parallel_loop3A_167 = tpu.memref_slice %arg9[%parallel_loop3A_3, %parallel_loop3A_165, %parallel_loop3A_166] : memref<2x64x128xf32, #tpu.memory_space<vmem>> -> memref<1x64x128xf32, #tpu.memory_space<vmem>>
      %parallel_loop3A_168 = tpu.memref_squeeze %parallel_loop3A_167 : memref<1x64x128xf32, #tpu.memory_space<vmem>> -> memref<64x128xf32, #tpu.memory_space<vmem>>
      %parallel_loop3A_169 = arith.index_cast %parallel_loop3A_128 : i32 to index
      %parallel_loop3A_170 = arith.constant 64 : index
      %parallel_loop3A_171 = tpu.vector_load %parallel_loop3A_168[%parallel_loop3A_169, %parallel_loop3A_170] {strides = array<i32>} : memref<64x128xf32, #tpu.memory_space<vmem>>, vector<1x16xf32>,
      %parallel_loop3A_172 = vector.shape_cast %parallel_loop3A_171 : vector<1x16xf32> to vector<16xf32>
      %parallel_loop3A_173 = vector.shape_cast %broadcast_in_dim3A_0 : vector<16xf32> to vector<1x16xf32>
      tpu.vector_store %parallel_loop3A_168[%parallel_loop3A_169, %parallel_loop3A_170], %parallel_loop3A_173 {strides = array<i32>} : memref<64x128xf32, #tpu.memory_space<vmem>>, vector<1x16xf32>,
      %parallel_loop3A_174 = arith.constant 0 : i32
      %parallel_loop3A_175 = arith.constant 0 : i32
      %parallel_loop3A_176 = tpu.memref_slice %arg9[%parallel_loop3A_3, %parallel_loop3A_174, %parallel_loop3A_175] : memref<2x64x128xf32, #tpu.memory_space<vmem>> -> memref<1x64x128xf32, #tpu.memory_space<vmem>>
      %parallel_loop3A_177 = tpu.memref_squeeze %parallel_loop3A_176 : memref<1x64x128xf32, #tpu.memory_space<vmem>> -> memref<64x128xf32, #tpu.memory_space<vmem>>
      %parallel_loop3A_178 = arith.index_cast %parallel_loop3A_128 : i32 to index
      %parallel_loop3A_179 = arith.constant 80 : index
      %parallel_loop3A_180 = tpu.vector_load %parallel_loop3A_177[%parallel_loop3A_178, %parallel_loop3A_179] {strides = array<i32>} : memref<64x128xf32, #tpu.memory_space<vmem>>, vector<1x16xf32>,
      %parallel_loop3A_181 = vector.shape_cast %parallel_loop3A_180 : vector<1x16xf32> to vector<16xf32>
      %parallel_loop3A_182 = vector.shape_cast %broadcast_in_dim3A_0 : vector<16xf32> to vector<1x16xf32>
      tpu.vector_store %parallel_loop3A_177[%parallel_loop3A_178, %parallel_loop3A_179], %parallel_loop3A_182 {strides = array<i32>} : memref<64x128xf32, #tpu.memory_space<vmem>>, vector<1x16xf32>,
      %parallel_loop3A_183 = arith.constant 0 : i32
      %parallel_loop3A_184 = arith.constant 0 : i32
      %parallel_loop3A_185 = tpu.memref_slice %arg9[%parallel_loop3A_3, %parallel_loop3A_183, %parallel_loop3A_184] : memref<2x64x128xf32, #tpu.memory_space<vmem>> -> memref<1x64x128xf32, #tpu.memory_space<vmem>>
      %parallel_loop3A_186 = tpu.memref_squeeze %parallel_loop3A_185 : memref<1x64x128xf32, #tpu.memory_space<vmem>> -> memref<64x128xf32, #tpu.memory_space<vmem>>
      %parallel_loop3A_187 = arith.index_cast %parallel_loop3A_128 : i32 to index
      %parallel_loop3A_188 = arith.constant 96 : index
      %parallel_loop3A_189 = tpu.vector_load %parallel_loop3A_186[%parallel_loop3A_187, %parallel_loop3A_188] {strides = array<i32>} : memref<64x128xf32, #tpu.memory_space<vmem>>, vector<1x16xf32>,
      %parallel_loop3A_190 = vector.shape_cast %parallel_loop3A_189 : vector<1x16xf32> to vector<16xf32>
      %parallel_loop3A_191 = vector.shape_cast %broadcast_in_dim3A_0 : vector<16xf32> to vector<1x16xf32>
      tpu.vector_store %parallel_loop3A_186[%parallel_loop3A_187, %parallel_loop3A_188], %parallel_loop3A_191 {strides = array<i32>} : memref<64x128xf32, #tpu.memory_space<vmem>>, vector<1x16xf32>,
      %parallel_loop3A_192 = arith.constant 0 : i32
      %parallel_loop3A_193 = arith.constant 0 : i32
      %parallel_loop3A_194 = tpu.memref_slice %arg9[%parallel_loop3A_3, %parallel_loop3A_192, %parallel_loop3A_193] : memref<2x64x128xf32, #tpu.memory_space<vmem>> -> memref<1x64x128xf32, #tpu.memory_space<vmem>>
      %parallel_loop3A_195 = tpu.memref_squeeze %parallel_loop3A_194 : memref<1x64x128xf32, #tpu.memory_space<vmem>> -> memref<64x128xf32, #tpu.memory_space<vmem>>
      %parallel_loop3A_196 = arith.index_cast %parallel_loop3A_128 : i32 to index
      %parallel_loop3A_197 = arith.constant 112 : index
      %parallel_loop3A_198 = tpu.vector_load %parallel_loop3A_195[%parallel_loop3A_196, %parallel_loop3A_197] {strides = array<i32>} : memref<64x128xf32, #tpu.memory_space<vmem>>, vector<1x16xf32>,
      %parallel_loop3A_199 = vector.shape_cast %parallel_loop3A_198 : vector<1x16xf32> to vector<16xf32>
      %parallel_loop3A_200 = vector.shape_cast %broadcast_in_dim3A_0 : vector<16xf32> to vector<1x16xf32>
      tpu.vector_store %parallel_loop3A_195[%parallel_loop3A_196, %parallel_loop3A_197], %parallel_loop3A_200 {strides = array<i32>} : memref<64x128xf32, #tpu.memory_space<vmem>>, vector<1x16xf32>,
    } {sc.loop_unroll_factor = 4 : i64, sc.parallel_access}
    %mul3A = arith.constant 632 : i32
    %mul3A_4 = arith.muli %arg1, %mul3A : i32
    %add3A = arith.constant 0 : i32
    %add3A_5 = arith.addi %mul3A_4, %add3A : i32
    %min3A = arith.constant 10048 : i32
    %min3A_6 = arith.minsi %add3A_5, %min3A : i32
    %run_scoped3A = arith.constant 0 : i32
    "tpu.region"() ({
      %run_scoped3A_128 = tpu.sem_alloc : memref<!tpu.dma_semaphore, #tpu.memory_space<semaphore_mem>>
      %dma_start3A_129 = arith.constant 0 : i32
      %dma_start3A_130 = arith.constant 0 : i32
      %dma_start3A_131 = tpu.memref_slice %arg9[%run_scoped3A, %dma_start3A_129, %dma_start3A_130] : memref<2x64x128xf32, #tpu.memory_space<vmem>> -> memref<1x64x128xf32, #tpu.memory_space<vmem>>
      %dma_start3A_132 = tpu.memref_squeeze %dma_start3A_131 : memref<1x64x128xf32, #tpu.memory_space<vmem>> -> memref<64x128xf32, #tpu.memory_space<vmem>>
      %dma_start3A_133 = arith.constant 0 : i32
      %dma_start3A_134 = tpu.memref_slice %arg11[%min3A_6, %dma_start3A_133] : memref<10112x128xf32, #tpu.memory_space<vmem_shared>> -> memref<64x128xf32, #tpu.memory_space<vmem_shared>>
      %dma_start3A_135 = arith.constant 0 : i32
      %dma_start3A_136 = tpu.memref_slice %arg11[%min3A_6, %dma_start3A_135] : memref<10112x128xf32, #tpu.memory_space<vmem_shared>> -> memref<64x128xf32, #tpu.memory_space<vmem_shared>>
      %dma_start3A_137 = arith.constant 0 : i32
      %dma_start3A_138 = arith.constant 0 : i32
      %dma_start3A_139 = tpu.memref_slice %arg9[%run_scoped3A, %dma_start3A_137, %dma_start3A_138] : memref<2x64x128xf32, #tpu.memory_space<vmem>> -> memref<1x64x128xf32, #tpu.memory_space<vmem>>
      %dma_start3A_140 = tpu.memref_squeeze %dma_start3A_139 : memref<1x64x128xf32, #tpu.memory_space<vmem>> -> memref<64x128xf32, #tpu.memory_space<vmem>>
      tpu.enqueue_dma source(%dma_start3A_140 : memref<64x128xf32, #tpu.memory_space<vmem>>) target(%dma_start3A_136 : memref<64x128xf32, #tpu.memory_space<vmem_shared>>) target_semaphore(%run_scoped3A_128 : memref<!tpu.dma_semaphore, #tpu.memory_space<semaphore_mem>>)
      %dma_wait3A_141 = arith.constant 0 : i32
      %dma_wait3A_142 = arith.constant 0 : i32
      %dma_wait3A_143 = tpu.memref_slice %arg9[%run_scoped3A, %dma_wait3A_141, %dma_wait3A_142] : memref<2x64x128xf32, #tpu.memory_space<vmem>> -> memref<1x64x128xf32, #tpu.memory_space<vmem>>
      %dma_wait3A_144 = tpu.memref_squeeze %dma_wait3A_143 : memref<1x64x128xf32, #tpu.memory_space<vmem>> -> memref<64x128xf32, #tpu.memory_space<vmem>>
      %dma_wait3A_145 = arith.constant 0 : i32
      %dma_wait3A_146 = tpu.memref_slice %arg11[%min3A_6, %dma_wait3A_145] : memref<10112x128xf32, #tpu.memory_space<vmem_shared>> -> memref<64x128xf32, #tpu.memory_space<vmem_shared>>
      %dma_wait3A_147 = arith.constant 0 : i32
      %dma_wait3A_148 = tpu.memref_slice %arg11[%min3A_6, %dma_wait3A_147] : memref<10112x128xf32, #tpu.memory_space<vmem_shared>> -> memref<64x128xf32, #tpu.memory_space<vmem_shared>>
      %dma_wait3A_149 = arith.constant 0 : i32
      %dma_wait3A_150 = arith.constant 0 : i32
      %dma_wait3A_151 = tpu.memref_slice %arg9[%run_scoped3A, %dma_wait3A_149, %dma_wait3A_150] : memref<2x64x128xf32, #tpu.memory_space<vmem>> -> memref<1x64x128xf32, #tpu.memory_space<vmem>>
      %dma_wait3A_152 = tpu.memref_squeeze %dma_wait3A_151 : memref<1x64x128xf32, #tpu.memory_space<vmem>> -> memref<64x128xf32, #tpu.memory_space<vmem>>
      tpu.wait_dma2 semaphore(%run_scoped3A_128 : memref<!tpu.dma_semaphore, #tpu.memory_space<semaphore_mem>>) src(%dma_wait3A_152 : memref<64x128xf32, #tpu.memory_space<vmem>>) dst(%dma_wait3A_148 : memref<64x128xf32, #tpu.memory_space<vmem_shared>>)
      tpu.yield
    }) : () -> ()
    %mul3A_7 = arith.constant 632 : i32
    %mul3A_8 = arith.muli %arg1, %mul3A_7 : i32
    %add3A_9 = arith.constant 64 : i32
    %add3A_10 = arith.addi %mul3A_8, %add3A_9 : i32
    %min3A_11 = arith.constant 10048 : i32
    %min3A_12 = arith.minsi %add3A_10, %min3A_11 : i32
    %run_scoped3A_13 = arith.constant 0 : i32
    "tpu.region"() ({
      %run_scoped3A_128 = tpu.sem_alloc : memref<!tpu.dma_semaphore, #tpu.memory_space<semaphore_mem>>
      %dma_start3A_129 = arith.constant 0 : i32
      %dma_start3A_130 = arith.constant 0 : i32
      %dma_start3A_131 = tpu.memref_slice %arg9[%run_scoped3A_13, %dma_start3A_129, %dma_start3A_130] : memref<2x64x128xf32, #tpu.memory_space<vmem>> -> memref<1x64x128xf32, #tpu.memory_space<vmem>>
      %dma_start3A_132 = tpu.memref_squeeze %dma_start3A_131 : memref<1x64x128xf32, #tpu.memory_space<vmem>> -> memref<64x128xf32, #tpu.memory_space<vmem>>
      %dma_start3A_133 = arith.constant 0 : i32
      %dma_start3A_134 = tpu.memref_slice %arg11[%min3A_12, %dma_start3A_133] : memref<10112x128xf32, #tpu.memory_space<vmem_shared>> -> memref<64x128xf32, #tpu.memory_space<vmem_shared>>
      %dma_start3A_135 = arith.constant 0 : i32
      %dma_start3A_136 = tpu.memref_slice %arg11[%min3A_12, %dma_start3A_135] : memref<10112x128xf32, #tpu.memory_space<vmem_shared>> -> memref<64x128xf32, #tpu.memory_space<vmem_shared>>
      %dma_start3A_137 = arith.constant 0 : i32
      %dma_start3A_138 = arith.constant 0 : i32
      %dma_start3A_139 = tpu.memref_slice %arg9[%run_scoped3A_13, %dma_start3A_137, %dma_start3A_138] : memref<2x64x128xf32, #tpu.memory_space<vmem>> -> memref<1x64x128xf32, #tpu.memory_space<vmem>>
      %dma_start3A_140 = tpu.memref_squeeze %dma_start3A_139 : memref<1x64x128xf32, #tpu.memory_space<vmem>> -> memref<64x128xf32, #tpu.memory_space<vmem>>
      tpu.enqueue_dma source(%dma_start3A_140 : memref<64x128xf32, #tpu.memory_space<vmem>>) target(%dma_start3A_136 : memref<64x128xf32, #tpu.memory_space<vmem_shared>>) target_semaphore(%run_scoped3A_128 : memref<!tpu.dma_semaphore, #tpu.memory_space<semaphore_mem>>)
      %dma_wait3A_141 = arith.constant 0 : i32
      %dma_wait3A_142 = arith.constant 0 : i32
      %dma_wait3A_143 = tpu.memref_slice %arg9[%run_scoped3A_13, %dma_wait3A_141, %dma_wait3A_142] : memref<2x64x128xf32, #tpu.memory_space<vmem>> -> memref<1x64x128xf32, #tpu.memory_space<vmem>>
      %dma_wait3A_144 = tpu.memref_squeeze %dma_wait3A_143 : memref<1x64x128xf32, #tpu.memory_space<vmem>> -> memref<64x128xf32, #tpu.memory_space<vmem>>
      %dma_wait3A_145 = arith.constant 0 : i32
      %dma_wait3A_146 = tpu.memref_slice %arg11[%min3A_12, %dma_wait3A_145] : memref<10112x128xf32, #tpu.memory_space<vmem_shared>> -> memref<64x128xf32, #tpu.memory_space<vmem_shared>>
      %dma_wait3A_147 = arith.constant 0 : i32
      %dma_wait3A_148 = tpu.memref_slice %arg11[%min3A_12, %dma_wait3A_147] : memref<10112x128xf32, #tpu.memory_space<vmem_shared>> -> memref<64x128xf32, #tpu.memory_space<vmem_shared>>
      %dma_wait3A_149 = arith.constant 0 : i32
      %dma_wait3A_150 = arith.constant 0 : i32
      %dma_wait3A_151 = tpu.memref_slice %arg9[%run_scoped3A_13, %dma_wait3A_149, %dma_wait3A_150] : memref<2x64x128xf32, #tpu.memory_space<vmem>> -> memref<1x64x128xf32, #tpu.memory_space<vmem>>
      %dma_wait3A_152 = tpu.memref_squeeze %dma_wait3A_151 : memref<1x64x128xf32, #tpu.memory_space<vmem>> -> memref<64x128xf32, #tpu.memory_space<vmem>>
      tpu.wait_dma2 semaphore(%run_scoped3A_128 : memref<!tpu.dma_semaphore, #tpu.memory_space<semaphore_mem>>) src(%dma_wait3A_152 : memref<64x128xf32, #tpu.memory_space<vmem>>) dst(%dma_wait3A_148 : memref<64x128xf32, #tpu.memory_space<vmem_shared>>)
      tpu.yield
    }) : () -> ()
    %mul3A_14 = arith.constant 632 : i32
    %mul3A_15 = arith.muli %arg1, %mul3A_14 : i32
    %add3A_16 = arith.constant 128 : i32
    %add3A_17 = arith.addi %mul3A_15, %add3A_16 : i32
    %min3A_18 = arith.constant 10048 : i32
    %min3A_19 = arith.minsi %add3A_17, %min3A_18 : i32
    %run_scoped3A_20 = arith.constant 0 : i32
    "tpu.region"() ({
      %run_scoped3A_128 = tpu.sem_alloc : memref<!tpu.dma_semaphore, #tpu.memory_space<semaphore_mem>>
      %dma_start3A_129 = arith.constant 0 : i32
      %dma_start3A_130 = arith.constant 0 : i32
      %dma_start3A_131 = tpu.memref_slice %arg9[%run_scoped3A_20, %dma_start3A_129, %dma_start3A_130] : memref<2x64x128xf32, #tpu.memory_space<vmem>> -> memref<1x64x128xf32, #tpu.memory_space<vmem>>
      %dma_start3A_132 = tpu.memref_squeeze %dma_start3A_131 : memref<1x64x128xf32, #tpu.memory_space<vmem>> -> memref<64x128xf32, #tpu.memory_space<vmem>>
      %dma_start3A_133 = arith.constant 0 : i32
      %dma_start3A_134 = tpu.memref_slice %arg11[%min3A_19, %dma_start3A_133] : memref<10112x128xf32, #tpu.memory_space<vmem_shared>> -> memref<64x128xf32, #tpu.memory_space<vmem_shared>>
      %dma_start3A_135 = arith.constant 0 : i32
      %dma_start3A_136 = tpu.memref_slice %arg11[%min3A_19, %dma_start3A_135] : memref<10112x128xf32, #tpu.memory_space<vmem_shared>> -> memref<64x128xf32, #tpu.memory_space<vmem_shared>>
      %dma_start3A_137 = arith.constant 0 : i32
      %dma_start3A_138 = arith.constant 0 : i32
      %dma_start3A_139 = tpu.memref_slice %arg9[%run_scoped3A_20, %dma_start3A_137, %dma_start3A_138] : memref<2x64x128xf32, #tpu.memory_space<vmem>> -> memref<1x64x128xf32, #tpu.memory_space<vmem>>
      %dma_start3A_140 = tpu.memref_squeeze %dma_start3A_139 : memref<1x64x128xf32, #tpu.memory_space<vmem>> -> memref<64x128xf32, #tpu.memory_space<vmem>>
      tpu.enqueue_dma source(%dma_start3A_140 : memref<64x128xf32, #tpu.memory_space<vmem>>) target(%dma_start3A_136 : memref<64x128xf32, #tpu.memory_space<vmem_shared>>) target_semaphore(%run_scoped3A_128 : memref<!tpu.dma_semaphore, #tpu.memory_space<semaphore_mem>>)
      %dma_wait3A_141 = arith.constant 0 : i32
      %dma_wait3A_142 = arith.constant 0 : i32
      %dma_wait3A_143 = tpu.memref_slice %arg9[%run_scoped3A_20, %dma_wait3A_141, %dma_wait3A_142] : memref<2x64x128xf32, #tpu.memory_space<vmem>> -> memref<1x64x128xf32, #tpu.memory_space<vmem>>
      %dma_wait3A_144 = tpu.memref_squeeze %dma_wait3A_143 : memref<1x64x128xf32, #tpu.memory_space<vmem>> -> memref<64x128xf32, #tpu.memory_space<vmem>>
      %dma_wait3A_145 = arith.constant 0 : i32
      %dma_wait3A_146 = tpu.memref_slice %arg11[%min3A_19, %dma_wait3A_145] : memref<10112x128xf32, #tpu.memory_space<vmem_shared>> -> memref<64x128xf32, #tpu.memory_space<vmem_shared>>
      %dma_wait3A_147 = arith.constant 0 : i32
      %dma_wait3A_148 = tpu.memref_slice %arg11[%min3A_19, %dma_wait3A_147] : memref<10112x128xf32, #tpu.memory_space<vmem_shared>> -> memref<64x128xf32, #tpu.memory_space<vmem_shared>>
      %dma_wait3A_149 = arith.constant 0 : i32
      %dma_wait3A_150 = arith.constant 0 : i32
      %dma_wait3A_151 = tpu.memref_slice %arg9[%run_scoped3A_20, %dma_wait3A_149, %dma_wait3A_150] : memref<2x64x128xf32, #tpu.memory_space<vmem>> -> memref<1x64x128xf32, #tpu.memory_space<vmem>>
      %dma_wait3A_152 = tpu.memref_squeeze %dma_wait3A_151 : memref<1x64x128xf32, #tpu.memory_space<vmem>> -> memref<64x128xf32, #tpu.memory_space<vmem>>
      tpu.wait_dma2 semaphore(%run_scoped3A_128 : memref<!tpu.dma_semaphore, #tpu.memory_space<semaphore_mem>>) src(%dma_wait3A_152 : memref<64x128xf32, #tpu.memory_space<vmem>>) dst(%dma_wait3A_148 : memref<64x128xf32, #tpu.memory_space<vmem_shared>>)
      tpu.yield
    }) : () -> ()
    %mul3A_21 = arith.constant 632 : i32
    %mul3A_22 = arith.muli %arg1, %mul3A_21 : i32
    %add3A_23 = arith.constant 192 : i32
    %add3A_24 = arith.addi %mul3A_22, %add3A_23 : i32
    %min3A_25 = arith.constant 10048 : i32
    %min3A_26 = arith.minsi %add3A_24, %min3A_25 : i32
    %run_scoped3A_27 = arith.constant 0 : i32
    "tpu.region"() ({
      %run_scoped3A_128 = tpu.sem_alloc : memref<!tpu.dma_semaphore, #tpu.memory_space<semaphore_mem>>
      %dma_start3A_129 = arith.constant 0 : i32
      %dma_start3A_130 = arith.constant 0 : i32
      %dma_start3A_131 = tpu.memref_slice %arg9[%run_scoped3A_27, %dma_start3A_129, %dma_start3A_130] : memref<2x64x128xf32, #tpu.memory_space<vmem>> -> memref<1x64x128xf32, #tpu.memory_space<vmem>>
      %dma_start3A_132 = tpu.memref_squeeze %dma_start3A_131 : memref<1x64x128xf32, #tpu.memory_space<vmem>> -> memref<64x128xf32, #tpu.memory_space<vmem>>
      %dma_start3A_133 = arith.constant 0 : i32
      %dma_start3A_134 = tpu.memref_slice %arg11[%min3A_26, %dma_start3A_133] : memref<10112x128xf32, #tpu.memory_space<vmem_shared>> -> memref<64x128xf32, #tpu.memory_space<vmem_shared>>
      %dma_start3A_135 = arith.constant 0 : i32
      %dma_start3A_136 = tpu.memref_slice %arg11[%min3A_26, %dma_start3A_135] : memref<10112x128xf32, #tpu.memory_space<vmem_shared>> -> memref<64x128xf32, #tpu.memory_space<vmem_shared>>
      %dma_start3A_137 = arith.constant 0 : i32
      %dma_start3A_138 = arith.constant 0 : i32
      %dma_start3A_139 = tpu.memref_slice %arg9[%run_scoped3A_27, %dma_start3A_137, %dma_start3A_138] : memref<2x64x128xf32, #tpu.memory_space<vmem>> -> memref<1x64x128xf32, #tpu.memory_space<vmem>>
      %dma_start3A_140 = tpu.memref_squeeze %dma_start3A_139 : memref<1x64x128xf32, #tpu.memory_space<vmem>> -> memref<64x128xf32, #tpu.memory_space<vmem>>
      tpu.enqueue_dma source(%dma_start3A_140 : memref<64x128xf32, #tpu.memory_space<vmem>>) target(%dma_start3A_136 : memref<64x128xf32, #tpu.memory_space<vmem_shared>>) target_semaphore(%run_scoped3A_128 : memref<!tpu.dma_semaphore, #tpu.memory_space<semaphore_mem>>)
      %dma_wait3A_141 = arith.constant 0 : i32
      %dma_wait3A_142 = arith.constant 0 : i32
      %dma_wait3A_143 = tpu.memref_slice %arg9[%run_scoped3A_27, %dma_wait3A_141, %dma_wait3A_142] : memref<2x64x128xf32, #tpu.memory_space<vmem>> -> memref<1x64x128xf32, #tpu.memory_space<vmem>>
      %dma_wait3A_144 = tpu.memref_squeeze %dma_wait3A_143 : memref<1x64x128xf32, #tpu.memory_space<vmem>> -> memref<64x128xf32, #tpu.memory_space<vmem>>
      %dma_wait3A_145 = arith.constant 0 : i32
      %dma_wait3A_146 = tpu.memref_slice %arg11[%min3A_26, %dma_wait3A_145] : memref<10112x128xf32, #tpu.memory_space<vmem_shared>> -> memref<64x128xf32, #tpu.memory_space<vmem_shared>>
      %dma_wait3A_147 = arith.constant 0 : i32
      %dma_wait3A_148 = tpu.memref_slice %arg11[%min3A_26, %dma_wait3A_147] : memref<10112x128xf32, #tpu.memory_space<vmem_shared>> -> memref<64x128xf32, #tpu.memory_space<vmem_shared>>
      %dma_wait3A_149 = arith.constant 0 : i32
      %dma_wait3A_150 = arith.constant 0 : i32
      %dma_wait3A_151 = tpu.memref_slice %arg9[%run_scoped3A_27, %dma_wait3A_149, %dma_wait3A_150] : memref<2x64x128xf32, #tpu.memory_space<vmem>> -> memref<1x64x128xf32, #tpu.memory_space<vmem>>
      %dma_wait3A_152 = tpu.memref_squeeze %dma_wait3A_151 : memref<1x64x128xf32, #tpu.memory_space<vmem>> -> memref<64x128xf32, #tpu.memory_space<vmem>>
      tpu.wait_dma2 semaphore(%run_scoped3A_128 : memref<!tpu.dma_semaphore, #tpu.memory_space<semaphore_mem>>) src(%dma_wait3A_152 : memref<64x128xf32, #tpu.memory_space<vmem>>) dst(%dma_wait3A_148 : memref<64x128xf32, #tpu.memory_space<vmem_shared>>)
      tpu.yield
    }) : () -> ()
    %mul3A_28 = arith.constant 632 : i32
    %mul3A_29 = arith.muli %arg1, %mul3A_28 : i32
    %add3A_30 = arith.constant 256 : i32
    %add3A_31 = arith.addi %mul3A_29, %add3A_30 : i32
    %min3A_32 = arith.constant 10048 : i32
    %min3A_33 = arith.minsi %add3A_31, %min3A_32 : i32
    %run_scoped3A_34 = arith.constant 0 : i32
    "tpu.region"() ({
      %run_scoped3A_128 = tpu.sem_alloc : memref<!tpu.dma_semaphore, #tpu.memory_space<semaphore_mem>>
      %dma_start3A_129 = arith.constant 0 : i32
      %dma_start3A_130 = arith.constant 0 : i32
      %dma_start3A_131 = tpu.memref_slice %arg9[%run_scoped3A_34, %dma_start3A_129, %dma_start3A_130] : memref<2x64x128xf32, #tpu.memory_space<vmem>> -> memref<1x64x128xf32, #tpu.memory_space<vmem>>
      %dma_start3A_132 = tpu.memref_squeeze %dma_start3A_131 : memref<1x64x128xf32, #tpu.memory_space<vmem>> -> memref<64x128xf32, #tpu.memory_space<vmem>>
      %dma_start3A_133 = arith.constant 0 : i32
      %dma_start3A_134 = tpu.memref_slice %arg11[%min3A_33, %dma_start3A_133] : memref<10112x128xf32, #tpu.memory_space<vmem_shared>> -> memref<64x128xf32, #tpu.memory_space<vmem_shared>>
      %dma_start3A_135 = arith.constant 0 : i32
      %dma_start3A_136 = tpu.memref_slice %arg11[%min3A_33, %dma_start3A_135] : memref<10112x128xf32, #tpu.memory_space<vmem_shared>> -> memref<64x128xf32, #tpu.memory_space<vmem_shared>>
      %dma_start3A_137 = arith.constant 0 : i32
      %dma_start3A_138 = arith.constant 0 : i32
      %dma_start3A_139 = tpu.memref_slice %arg9[%run_scoped3A_34, %dma_start3A_137, %dma_start3A_138] : memref<2x64x128xf32, #tpu.memory_space<vmem>> -> memref<1x64x128xf32, #tpu.memory_space<vmem>>
      %dma_start3A_140 = tpu.memref_squeeze %dma_start3A_139 : memref<1x64x128xf32, #tpu.memory_space<vmem>> -> memref<64x128xf32, #tpu.memory_space<vmem>>
      tpu.enqueue_dma source(%dma_start3A_140 : memref<64x128xf32, #tpu.memory_space<vmem>>) target(%dma_start3A_136 : memref<64x128xf32, #tpu.memory_space<vmem_shared>>) target_semaphore(%run_scoped3A_128 : memref<!tpu.dma_semaphore, #tpu.memory_space<semaphore_mem>>)
      %dma_wait3A_141 = arith.constant 0 : i32
      %dma_wait3A_142 = arith.constant 0 : i32
      %dma_wait3A_143 = tpu.memref_slice %arg9[%run_scoped3A_34, %dma_wait3A_141, %dma_wait3A_142] : memref<2x64x128xf32, #tpu.memory_space<vmem>> -> memref<1x64x128xf32, #tpu.memory_space<vmem>>
      %dma_wait3A_144 = tpu.memref_squeeze %dma_wait3A_143 : memref<1x64x128xf32, #tpu.memory_space<vmem>> -> memref<64x128xf32, #tpu.memory_space<vmem>>
      %dma_wait3A_145 = arith.constant 0 : i32
      %dma_wait3A_146 = tpu.memref_slice %arg11[%min3A_33, %dma_wait3A_145] : memref<10112x128xf32, #tpu.memory_space<vmem_shared>> -> memref<64x128xf32, #tpu.memory_space<vmem_shared>>
      %dma_wait3A_147 = arith.constant 0 : i32
      %dma_wait3A_148 = tpu.memref_slice %arg11[%min3A_33, %dma_wait3A_147] : memref<10112x128xf32, #tpu.memory_space<vmem_shared>> -> memref<64x128xf32, #tpu.memory_space<vmem_shared>>
      %dma_wait3A_149 = arith.constant 0 : i32
      %dma_wait3A_150 = arith.constant 0 : i32
      %dma_wait3A_151 = tpu.memref_slice %arg9[%run_scoped3A_34, %dma_wait3A_149, %dma_wait3A_150] : memref<2x64x128xf32, #tpu.memory_space<vmem>> -> memref<1x64x128xf32, #tpu.memory_space<vmem>>
      %dma_wait3A_152 = tpu.memref_squeeze %dma_wait3A_151 : memref<1x64x128xf32, #tpu.memory_space<vmem>> -> memref<64x128xf32, #tpu.memory_space<vmem>>
      tpu.wait_dma2 semaphore(%run_scoped3A_128 : memref<!tpu.dma_semaphore, #tpu.memory_space<semaphore_mem>>) src(%dma_wait3A_152 : memref<64x128xf32, #tpu.memory_space<vmem>>) dst(%dma_wait3A_148 : memref<64x128xf32, #tpu.memory_space<vmem_shared>>)
      tpu.yield
    }) : () -> ()
    %mul3A_35 = arith.constant 632 : i32
    %mul3A_36 = arith.muli %arg1, %mul3A_35 : i32
    %add3A_37 = arith.constant 320 : i32
    %add3A_38 = arith.addi %mul3A_36, %add3A_37 : i32
    %min3A_39 = arith.constant 10048 : i32
    %min3A_40 = arith.minsi %add3A_38, %min3A_39 : i32
    %run_scoped3A_41 = arith.constant 0 : i32
    "tpu.region"() ({
      %run_scoped3A_128 = tpu.sem_alloc : memref<!tpu.dma_semaphore, #tpu.memory_space<semaphore_mem>>
      %dma_start3A_129 = arith.constant 0 : i32
      %dma_start3A_130 = arith.constant 0 : i32
      %dma_start3A_131 = tpu.memref_slice %arg9[%run_scoped3A_41, %dma_start3A_129, %dma_start3A_130] : memref<2x64x128xf32, #tpu.memory_space<vmem>> -> memref<1x64x128xf32, #tpu.memory_space<vmem>>
      %dma_start3A_132 = tpu.memref_squeeze %dma_start3A_131 : memref<1x64x128xf32, #tpu.memory_space<vmem>> -> memref<64x128xf32, #tpu.memory_space<vmem>>
      %dma_start3A_133 = arith.constant 0 : i32
      %dma_start3A_134 = tpu.memref_slice %arg11[%min3A_40, %dma_start3A_133] : memref<10112x128xf32, #tpu.memory_space<vmem_shared>> -> memref<64x128xf32, #tpu.memory_space<vmem_shared>>
      %dma_start3A_135 = arith.constant 0 : i32
      %dma_start3A_136 = tpu.memref_slice %arg11[%min3A_40, %dma_start3A_135] : memref<10112x128xf32, #tpu.memory_space<vmem_shared>> -> memref<64x128xf32, #tpu.memory_space<vmem_shared>>
      %dma_start3A_137 = arith.constant 0 : i32
      %dma_start3A_138 = arith.constant 0 : i32
      %dma_start3A_139 = tpu.memref_slice %arg9[%run_scoped3A_41, %dma_start3A_137, %dma_start3A_138] : memref<2x64x128xf32, #tpu.memory_space<vmem>> -> memref<1x64x128xf32, #tpu.memory_space<vmem>>
      %dma_start3A_140 = tpu.memref_squeeze %dma_start3A_139 : memref<1x64x128xf32, #tpu.memory_space<vmem>> -> memref<64x128xf32, #tpu.memory_space<vmem>>
      tpu.enqueue_dma source(%dma_start3A_140 : memref<64x128xf32, #tpu.memory_space<vmem>>) target(%dma_start3A_136 : memref<64x128xf32, #tpu.memory_space<vmem_shared>>) target_semaphore(%run_scoped3A_128 : memref<!tpu.dma_semaphore, #tpu.memory_space<semaphore_mem>>)
      %dma_wait3A_141 = arith.constant 0 : i32
      %dma_wait3A_142 = arith.constant 0 : i32
      %dma_wait3A_143 = tpu.memref_slice %arg9[%run_scoped3A_41, %dma_wait3A_141, %dma_wait3A_142] : memref<2x64x128xf32, #tpu.memory_space<vmem>> -> memref<1x64x128xf32, #tpu.memory_space<vmem>>
      %dma_wait3A_144 = tpu.memref_squeeze %dma_wait3A_143 : memref<1x64x128xf32, #tpu.memory_space<vmem>> -> memref<64x128xf32, #tpu.memory_space<vmem>>
      %dma_wait3A_145 = arith.constant 0 : i32
      %dma_wait3A_146 = tpu.memref_slice %arg11[%min3A_40, %dma_wait3A_145] : memref<10112x128xf32, #tpu.memory_space<vmem_shared>> -> memref<64x128xf32, #tpu.memory_space<vmem_shared>>
      %dma_wait3A_147 = arith.constant 0 : i32
      %dma_wait3A_148 = tpu.memref_slice %arg11[%min3A_40, %dma_wait3A_147] : memref<10112x128xf32, #tpu.memory_space<vmem_shared>> -> memref<64x128xf32, #tpu.memory_space<vmem_shared>>
      %dma_wait3A_149 = arith.constant 0 : i32
      %dma_wait3A_150 = arith.constant 0 : i32
      %dma_wait3A_151 = tpu.memref_slice %arg9[%run_scoped3A_41, %dma_wait3A_149, %dma_wait3A_150] : memref<2x64x128xf32, #tpu.memory_space<vmem>> -> memref<1x64x128xf32, #tpu.memory_space<vmem>>
      %dma_wait3A_152 = tpu.memref_squeeze %dma_wait3A_151 : memref<1x64x128xf32, #tpu.memory_space<vmem>> -> memref<64x128xf32, #tpu.memory_space<vmem>>
      tpu.wait_dma2 semaphore(%run_scoped3A_128 : memref<!tpu.dma_semaphore, #tpu.memory_space<semaphore_mem>>) src(%dma_wait3A_152 : memref<64x128xf32, #tpu.memory_space<vmem>>) dst(%dma_wait3A_148 : memref<64x128xf32, #tpu.memory_space<vmem_shared>>)
      tpu.yield
    }) : () -> ()
    %mul3A_42 = arith.constant 632 : i32
    %mul3A_43 = arith.muli %arg1, %mul3A_42 : i32
    %add3A_44 = arith.constant 384 : i32
    %add3A_45 = arith.addi %mul3A_43, %add3A_44 : i32
    %min3A_46 = arith.constant 10048 : i32
    %min3A_47 = arith.minsi %add3A_45, %min3A_46 : i32
    %run_scoped3A_48 = arith.constant 0 : i32
    "tpu.region"() ({
      %run_scoped3A_128 = tpu.sem_alloc : memref<!tpu.dma_semaphore, #tpu.memory_space<semaphore_mem>>
      %dma_start3A_129 = arith.constant 0 : i32
      %dma_start3A_130 = arith.constant 0 : i32
      %dma_start3A_131 = tpu.memref_slice %arg9[%run_scoped3A_48, %dma_start3A_129, %dma_start3A_130] : memref<2x64x128xf32, #tpu.memory_space<vmem>> -> memref<1x64x128xf32, #tpu.memory_space<vmem>>
      %dma_start3A_132 = tpu.memref_squeeze %dma_start3A_131 : memref<1x64x128xf32, #tpu.memory_space<vmem>> -> memref<64x128xf32, #tpu.memory_space<vmem>>
      %dma_start3A_133 = arith.constant 0 : i32
      %dma_start3A_134 = tpu.memref_slice %arg11[%min3A_47, %dma_start3A_133] : memref<10112x128xf32, #tpu.memory_space<vmem_shared>> -> memref<64x128xf32, #tpu.memory_space<vmem_shared>>
      %dma_start3A_135 = arith.constant 0 : i32
      %dma_start3A_136 = tpu.memref_slice %arg11[%min3A_47, %dma_start3A_135] : memref<10112x128xf32, #tpu.memory_space<vmem_shared>> -> memref<64x128xf32, #tpu.memory_space<vmem_shared>>
      %dma_start3A_137 = arith.constant 0 : i32
      %dma_start3A_138 = arith.constant 0 : i32
      %dma_start3A_139 = tpu.memref_slice %arg9[%run_scoped3A_48, %dma_start3A_137, %dma_start3A_138] : memref<2x64x128xf32, #tpu.memory_space<vmem>> -> memref<1x64x128xf32, #tpu.memory_space<vmem>>
      %dma_start3A_140 = tpu.memref_squeeze %dma_start3A_139 : memref<1x64x128xf32, #tpu.memory_space<vmem>> -> memref<64x128xf32, #tpu.memory_space<vmem>>
      tpu.enqueue_dma source(%dma_start3A_140 : memref<64x128xf32, #tpu.memory_space<vmem>>) target(%dma_start3A_136 : memref<64x128xf32, #tpu.memory_space<vmem_shared>>) target_semaphore(%run_scoped3A_128 : memref<!tpu.dma_semaphore, #tpu.memory_space<semaphore_mem>>)
      %dma_wait3A_141 = arith.constant 0 : i32
      %dma_wait3A_142 = arith.constant 0 : i32
      %dma_wait3A_143 = tpu.memref_slice %arg9[%run_scoped3A_48, %dma_wait3A_141, %dma_wait3A_142] : memref<2x64x128xf32, #tpu.memory_space<vmem>> -> memref<1x64x128xf32, #tpu.memory_space<vmem>>
      %dma_wait3A_144 = tpu.memref_squeeze %dma_wait3A_143 : memref<1x64x128xf32, #tpu.memory_space<vmem>> -> memref<64x128xf32, #tpu.memory_space<vmem>>
      %dma_wait3A_145 = arith.constant 0 : i32
      %dma_wait3A_146 = tpu.memref_slice %arg11[%min3A_47, %dma_wait3A_145] : memref<10112x128xf32, #tpu.memory_space<vmem_shared>> -> memref<64x128xf32, #tpu.memory_space<vmem_shared>>
      %dma_wait3A_147 = arith.constant 0 : i32
      %dma_wait3A_148 = tpu.memref_slice %arg11[%min3A_47, %dma_wait3A_147] : memref<10112x128xf32, #tpu.memory_space<vmem_shared>> -> memref<64x128xf32, #tpu.memory_space<vmem_shared>>
      %dma_wait3A_149 = arith.constant 0 : i32
      %dma_wait3A_150 = arith.constant 0 : i32
      %dma_wait3A_151 = tpu.memref_slice %arg9[%run_scoped3A_48, %dma_wait3A_149, %dma_wait3A_150] : memref<2x64x128xf32, #tpu.memory_space<vmem>> -> memref<1x64x128xf32, #tpu.memory_space<vmem>>
      %dma_wait3A_152 = tpu.memref_squeeze %dma_wait3A_151 : memref<1x64x128xf32, #tpu.memory_space<vmem>> -> memref<64x128xf32, #tpu.memory_space<vmem>>
      tpu.wait_dma2 semaphore(%run_scoped3A_128 : memref<!tpu.dma_semaphore, #tpu.memory_space<semaphore_mem>>) src(%dma_wait3A_152 : memref<64x128xf32, #tpu.memory_space<vmem>>) dst(%dma_wait3A_148 : memref<64x128xf32, #tpu.memory_space<vmem_shared>>)
      tpu.yield
    }) : () -> ()
    %mul3A_49 = arith.constant 632 : i32
    %mul3A_50 = arith.muli %arg1, %mul3A_49 : i32
    %add3A_51 = arith.constant 448 : i32
    %add3A_52 = arith.addi %mul3A_50, %add3A_51 : i32
    %min3A_53 = arith.constant 10048 : i32
    %min3A_54 = arith.minsi %add3A_52, %min3A_53 : i32
    %run_scoped3A_55 = arith.constant 0 : i32
    "tpu.region"() ({
      %run_scoped3A_128 = tpu.sem_alloc : memref<!tpu.dma_semaphore, #tpu.memory_space<semaphore_mem>>
      %dma_start3A_129 = arith.constant 0 : i32
      %dma_start3A_130 = arith.constant 0 : i32
      %dma_start3A_131 = tpu.memref_slice %arg9[%run_scoped3A_55, %dma_start3A_129, %dma_start3A_130] : memref<2x64x128xf32, #tpu.memory_space<vmem>> -> memref<1x64x128xf32, #tpu.memory_space<vmem>>
      %dma_start3A_132 = tpu.memref_squeeze %dma_start3A_131 : memref<1x64x128xf32, #tpu.memory_space<vmem>> -> memref<64x128xf32, #tpu.memory_space<vmem>>
      %dma_start3A_133 = arith.constant 0 : i32
      %dma_start3A_134 = tpu.memref_slice %arg11[%min3A_54, %dma_start3A_133] : memref<10112x128xf32, #tpu.memory_space<vmem_shared>> -> memref<64x128xf32, #tpu.memory_space<vmem_shared>>
      %dma_start3A_135 = arith.constant 0 : i32
      %dma_start3A_136 = tpu.memref_slice %arg11[%min3A_54, %dma_start3A_135] : memref<10112x128xf32, #tpu.memory_space<vmem_shared>> -> memref<64x128xf32, #tpu.memory_space<vmem_shared>>
      %dma_start3A_137 = arith.constant 0 : i32
      %dma_start3A_138 = arith.constant 0 : i32
      %dma_start3A_139 = tpu.memref_slice %arg9[%run_scoped3A_55, %dma_start3A_137, %dma_start3A_138] : memref<2x64x128xf32, #tpu.memory_space<vmem>> -> memref<1x64x128xf32, #tpu.memory_space<vmem>>
      %dma_start3A_140 = tpu.memref_squeeze %dma_start3A_139 : memref<1x64x128xf32, #tpu.memory_space<vmem>> -> memref<64x128xf32, #tpu.memory_space<vmem>>
      tpu.enqueue_dma source(%dma_start3A_140 : memref<64x128xf32, #tpu.memory_space<vmem>>) target(%dma_start3A_136 : memref<64x128xf32, #tpu.memory_space<vmem_shared>>) target_semaphore(%run_scoped3A_128 : memref<!tpu.dma_semaphore, #tpu.memory_space<semaphore_mem>>)
      %dma_wait3A_141 = arith.constant 0 : i32
      %dma_wait3A_142 = arith.constant 0 : i32
      %dma_wait3A_143 = tpu.memref_slice %arg9[%run_scoped3A_55, %dma_wait3A_141, %dma_wait3A_142] : memref<2x64x128xf32, #tpu.memory_space<vmem>> -> memref<1x64x128xf32, #tpu.memory_space<vmem>>
      %dma_wait3A_144 = tpu.memref_squeeze %dma_wait3A_143 : memref<1x64x128xf32, #tpu.memory_space<vmem>> -> memref<64x128xf32, #tpu.memory_space<vmem>>
      %dma_wait3A_145 = arith.constant 0 : i32
      %dma_wait3A_146 = tpu.memref_slice %arg11[%min3A_54, %dma_wait3A_145] : memref<10112x128xf32, #tpu.memory_space<vmem_shared>> -> memref<64x128xf32, #tpu.memory_space<vmem_shared>>
      %dma_wait3A_147 = arith.constant 0 : i32
      %dma_wait3A_148 = tpu.memref_slice %arg11[%min3A_54, %dma_wait3A_147] : memref<10112x128xf32, #tpu.memory_space<vmem_shared>> -> memref<64x128xf32, #tpu.memory_space<vmem_shared>>
      %dma_wait3A_149 = arith.constant 0 : i32
      %dma_wait3A_150 = arith.constant 0 : i32
      %dma_wait3A_151 = tpu.memref_slice %arg9[%run_scoped3A_55, %dma_wait3A_149, %dma_wait3A_150] : memref<2x64x128xf32, #tpu.memory_space<vmem>> -> memref<1x64x128xf32, #tpu.memory_space<vmem>>
      %dma_wait3A_152 = tpu.memref_squeeze %dma_wait3A_151 : memref<1x64x128xf32, #tpu.memory_space<vmem>> -> memref<64x128xf32, #tpu.memory_space<vmem>>
      tpu.wait_dma2 semaphore(%run_scoped3A_128 : memref<!tpu.dma_semaphore, #tpu.memory_space<semaphore_mem>>) src(%dma_wait3A_152 : memref<64x128xf32, #tpu.memory_space<vmem>>) dst(%dma_wait3A_148 : memref<64x128xf32, #tpu.memory_space<vmem_shared>>)
      tpu.yield
    }) : () -> ()
    %mul3A_56 = arith.constant 632 : i32
    %mul3A_57 = arith.muli %arg1, %mul3A_56 : i32
    %add3A_58 = arith.constant 512 : i32
    %add3A_59 = arith.addi %mul3A_57, %add3A_58 : i32
    %min3A_60 = arith.constant 10048 : i32
    %min3A_61 = arith.minsi %add3A_59, %min3A_60 : i32
    %run_scoped3A_62 = arith.constant 0 : i32
    "tpu.region"() ({
      %run_scoped3A_128 = tpu.sem_alloc : memref<!tpu.dma_semaphore, #tpu.memory_space<semaphore_mem>>
      %dma_start3A_129 = arith.constant 0 : i32
      %dma_start3A_130 = arith.constant 0 : i32
      %dma_start3A_131 = tpu.memref_slice %arg9[%run_scoped3A_62, %dma_start3A_129, %dma_start3A_130] : memref<2x64x128xf32, #tpu.memory_space<vmem>> -> memref<1x64x128xf32, #tpu.memory_space<vmem>>
      %dma_start3A_132 = tpu.memref_squeeze %dma_start3A_131 : memref<1x64x128xf32, #tpu.memory_space<vmem>> -> memref<64x128xf32, #tpu.memory_space<vmem>>
      %dma_start3A_133 = arith.constant 0 : i32
      %dma_start3A_134 = tpu.memref_slice %arg11[%min3A_61, %dma_start3A_133] : memref<10112x128xf32, #tpu.memory_space<vmem_shared>> -> memref<64x128xf32, #tpu.memory_space<vmem_shared>>
      %dma_start3A_135 = arith.constant 0 : i32
      %dma_start3A_136 = tpu.memref_slice %arg11[%min3A_61, %dma_start3A_135] : memref<10112x128xf32, #tpu.memory_space<vmem_shared>> -> memref<64x128xf32, #tpu.memory_space<vmem_shared>>
      %dma_start3A_137 = arith.constant 0 : i32
      %dma_start3A_138 = arith.constant 0 : i32
      %dma_start3A_139 = tpu.memref_slice %arg9[%run_scoped3A_62, %dma_start3A_137, %dma_start3A_138] : memref<2x64x128xf32, #tpu.memory_space<vmem>> -> memref<1x64x128xf32, #tpu.memory_space<vmem>>
      %dma_start3A_140 = tpu.memref_squeeze %dma_start3A_139 : memref<1x64x128xf32, #tpu.memory_space<vmem>> -> memref<64x128xf32, #tpu.memory_space<vmem>>
      tpu.enqueue_dma source(%dma_start3A_140 : memref<64x128xf32, #tpu.memory_space<vmem>>) target(%dma_start3A_136 : memref<64x128xf32, #tpu.memory_space<vmem_shared>>) target_semaphore(%run_scoped3A_128 : memref<!tpu.dma_semaphore, #tpu.memory_space<semaphore_mem>>)
      %dma_wait3A_141 = arith.constant 0 : i32
      %dma_wait3A_142 = arith.constant 0 : i32
      %dma_wait3A_143 = tpu.memref_slice %arg9[%run_scoped3A_62, %dma_wait3A_141, %dma_wait3A_142] : memref<2x64x128xf32, #tpu.memory_space<vmem>> -> memref<1x64x128xf32, #tpu.memory_space<vmem>>
      %dma_wait3A_144 = tpu.memref_squeeze %dma_wait3A_143 : memref<1x64x128xf32, #tpu.memory_space<vmem>> -> memref<64x128xf32, #tpu.memory_space<vmem>>
      %dma_wait3A_145 = arith.constant 0 : i32
      %dma_wait3A_146 = tpu.memref_slice %arg11[%min3A_61, %dma_wait3A_145] : memref<10112x128xf32, #tpu.memory_space<vmem_shared>> -> memref<64x128xf32, #tpu.memory_space<vmem_shared>>
      %dma_wait3A_147 = arith.constant 0 : i32
      %dma_wait3A_148 = tpu.memref_slice %arg11[%min3A_61, %dma_wait3A_147] : memref<10112x128xf32, #tpu.memory_space<vmem_shared>> -> memref<64x128xf32, #tpu.memory_space<vmem_shared>>
      %dma_wait3A_149 = arith.constant 0 : i32
      %dma_wait3A_150 = arith.constant 0 : i32
      %dma_wait3A_151 = tpu.memref_slice %arg9[%run_scoped3A_62, %dma_wait3A_149, %dma_wait3A_150] : memref<2x64x128xf32, #tpu.memory_space<vmem>> -> memref<1x64x128xf32, #tpu.memory_space<vmem>>
      %dma_wait3A_152 = tpu.memref_squeeze %dma_wait3A_151 : memref<1x64x128xf32, #tpu.memory_space<vmem>> -> memref<64x128xf32, #tpu.memory_space<vmem>>
      tpu.wait_dma2 semaphore(%run_scoped3A_128 : memref<!tpu.dma_semaphore, #tpu.memory_space<semaphore_mem>>) src(%dma_wait3A_152 : memref<64x128xf32, #tpu.memory_space<vmem>>) dst(%dma_wait3A_148 : memref<64x128xf32, #tpu.memory_space<vmem_shared>>)
      tpu.yield
    }) : () -> ()
    %mul3A_63 = arith.constant 632 : i32
    %mul3A_64 = arith.muli %arg1, %mul3A_63 : i32
    %add3A_65 = arith.constant 576 : i32
    %add3A_66 = arith.addi %mul3A_64, %add3A_65 : i32
    %min3A_67 = arith.constant 10048 : i32
    %min3A_68 = arith.minsi %add3A_66, %min3A_67 : i32
    %run_scoped3A_69 = arith.constant 0 : i32
    "tpu.region"() ({
      %run_scoped3A_128 = tpu.sem_alloc : memref<!tpu.dma_semaphore, #tpu.memory_space<semaphore_mem>>
      %dma_start3A_129 = arith.constant 0 : i32
      %dma_start3A_130 = arith.constant 0 : i32
      %dma_start3A_131 = tpu.memref_slice %arg9[%run_scoped3A_69, %dma_start3A_129, %dma_start3A_130] : memref<2x64x128xf32, #tpu.memory_space<vmem>> -> memref<1x64x128xf32, #tpu.memory_space<vmem>>
      %dma_start3A_132 = tpu.memref_squeeze %dma_start3A_131 : memref<1x64x128xf32, #tpu.memory_space<vmem>> -> memref<64x128xf32, #tpu.memory_space<vmem>>
      %dma_start3A_133 = arith.constant 0 : i32
      %dma_start3A_134 = tpu.memref_slice %arg11[%min3A_68, %dma_start3A_133] : memref<10112x128xf32, #tpu.memory_space<vmem_shared>> -> memref<64x128xf32, #tpu.memory_space<vmem_shared>>
      %dma_start3A_135 = arith.constant 0 : i32
      %dma_start3A_136 = tpu.memref_slice %arg11[%min3A_68, %dma_start3A_135] : memref<10112x128xf32, #tpu.memory_space<vmem_shared>> -> memref<64x128xf32, #tpu.memory_space<vmem_shared>>
      %dma_start3A_137 = arith.constant 0 : i32
      %dma_start3A_138 = arith.constant 0 : i32
      %dma_start3A_139 = tpu.memref_slice %arg9[%run_scoped3A_69, %dma_start3A_137, %dma_start3A_138] : memref<2x64x128xf32, #tpu.memory_space<vmem>> -> memref<1x64x128xf32, #tpu.memory_space<vmem>>
      %dma_start3A_140 = tpu.memref_squeeze %dma_start3A_139 : memref<1x64x128xf32, #tpu.memory_space<vmem>> -> memref<64x128xf32, #tpu.memory_space<vmem>>
      tpu.enqueue_dma source(%dma_start3A_140 : memref<64x128xf32, #tpu.memory_space<vmem>>) target(%dma_start3A_136 : memref<64x128xf32, #tpu.memory_space<vmem_shared>>) target_semaphore(%run_scoped3A_128 : memref<!tpu.dma_semaphore, #tpu.memory_space<semaphore_mem>>)
      %dma_wait3A_141 = arith.constant 0 : i32
      %dma_wait3A_142 = arith.constant 0 : i32
      %dma_wait3A_143 = tpu.memref_slice %arg9[%run_scoped3A_69, %dma_wait3A_141, %dma_wait3A_142] : memref<2x64x128xf32, #tpu.memory_space<vmem>> -> memref<1x64x128xf32, #tpu.memory_space<vmem>>
      %dma_wait3A_144 = tpu.memref_squeeze %dma_wait3A_143 : memref<1x64x128xf32, #tpu.memory_space<vmem>> -> memref<64x128xf32, #tpu.memory_space<vmem>>
      %dma_wait3A_145 = arith.constant 0 : i32
      %dma_wait3A_146 = tpu.memref_slice %arg11[%min3A_68, %dma_wait3A_145] : memref<10112x128xf32, #tpu.memory_space<vmem_shared>> -> memref<64x128xf32, #tpu.memory_space<vmem_shared>>
      %dma_wait3A_147 = arith.constant 0 : i32
      %dma_wait3A_148 = tpu.memref_slice %arg11[%min3A_68, %dma_wait3A_147] : memref<10112x128xf32, #tpu.memory_space<vmem_shared>> -> memref<64x128xf32, #tpu.memory_space<vmem_shared>>
      %dma_wait3A_149 = arith.constant 0 : i32
      %dma_wait3A_150 = arith.constant 0 : i32
      %dma_wait3A_151 = tpu.memref_slice %arg9[%run_scoped3A_69, %dma_wait3A_149, %dma_wait3A_150] : memref<2x64x128xf32, #tpu.memory_space<vmem>> -> memref<1x64x128xf32, #tpu.memory_space<vmem>>
      %dma_wait3A_152 = tpu.memref_squeeze %dma_wait3A_151 : memref<1x64x128xf32, #tpu.memory_space<vmem>> -> memref<64x128xf32, #tpu.memory_space<vmem>>
      tpu.wait_dma2 semaphore(%run_scoped3A_128 : memref<!tpu.dma_semaphore, #tpu.memory_space<semaphore_mem>>) src(%dma_wait3A_152 : memref<64x128xf32, #tpu.memory_space<vmem>>) dst(%dma_wait3A_148 : memref<64x128xf32, #tpu.memory_space<vmem_shared>>)
      tpu.yield
    }) : () -> ()
    %barrier3A = arith.constant 0 : index
    tpu.barrier barrier_id(%barrier3A)
    %mul3A_70 = arith.constant 16 : i32
    %mul3A_71 = arith.muli %arg0, %mul3A_70 : i32
    %add3A_72 = arith.addi %mul3A_71, %arg1 : i32
    %mul3A_73 = arith.constant 10112 : i32
    %mul3A_74 = arith.muli %add3A_72, %mul3A_73 : i32
    "tpu.region"() ({
      %run_scoped3A_128 = tpu.sem_alloc : memref<!tpu.dma_semaphore, #tpu.memory_space<semaphore_mem>>
      %dma_start3A_129 = tpu.memref_slice %arg3[%mul3A_74] : memref<323584xi32, #tpu.memory_space<hbm>> -> memref<10112xi32, #tpu.memory_space<hbm>>
      %dma_start3A_130 = tpu.memref_slice %arg3[%mul3A_74] : memref<323584xi32, #tpu.memory_space<hbm>> -> memref<10112xi32, #tpu.memory_space<hbm>>
      tpu.enqueue_dma source(%dma_start3A_130 : memref<10112xi32, #tpu.memory_space<hbm>>) target(%arg7 : memref<10112xi32, #tpu.memory_space<vmem>>) target_semaphore(%run_scoped3A_128 : memref<!tpu.dma_semaphore, #tpu.memory_space<semaphore_mem>>)
      %dma_wait3A_131 = tpu.memref_slice %arg3[%mul3A_74] : memref<323584xi32, #tpu.memory_space<hbm>> -> memref<10112xi32, #tpu.memory_space<hbm>>
      %dma_wait3A_132 = tpu.memref_slice %arg3[%mul3A_74] : memref<323584xi32, #tpu.memory_space<hbm>> -> memref<10112xi32, #tpu.memory_space<hbm>>
      tpu.wait_dma2 semaphore(%run_scoped3A_128 : memref<!tpu.dma_semaphore, #tpu.memory_space<semaphore_mem>>) src(%dma_wait3A_132 : memref<10112xi32, #tpu.memory_space<hbm>>) dst(%arg7 : memref<10112xi32, #tpu.memory_space<vmem>>)
      tpu.yield
    }) : () -> ()
    %add3A_75 = arith.constant 0 : i32
    %add3A_76 = arith.addi %mul3A_74, %add3A_75 : i32
    %dma_start3A = arith.constant 0 : i32
    %dma_start3A_77 = arith.constant 0 : i32
    %dma_start3A_78 = tpu.memref_slice %arg8[%dma_start3A, %dma_start3A_77] : memref<2x64xi32, #tpu.memory_space<vmem>> -> memref<1x64xi32, #tpu.memory_space<vmem>>
    %dma_start3A_79 = tpu.memref_squeeze %dma_start3A_78 : memref<1x64xi32, #tpu.memory_space<vmem>> -> memref<64xi32, #tpu.memory_space<vmem>>
    %dma_start3A_80 = tpu.memref_slice %arg4[%add3A_76] : memref<323584xi32, #tpu.memory_space<hbm>> -> memref<64xi32, #tpu.memory_space<hbm>>
    %dma_start3A_81 = arith.constant 0 : i32
    %dma_start3A_82 = tpu.memref_slice %arg8[%dma_start3A, %dma_start3A_81] : memref<2x64xi32, #tpu.memory_space<vmem>> -> memref<1x64xi32, #tpu.memory_space<vmem>>
    %dma_start3A_83 = tpu.memref_squeeze %dma_start3A_82 : memref<1x64xi32, #tpu.memory_space<vmem>> -> memref<64xi32, #tpu.memory_space<vmem>>
    %dma_start3A_84 = tpu.memref_slice %arg4[%add3A_76] : memref<323584xi32, #tpu.memory_space<hbm>> -> memref<64xi32, #tpu.memory_space<hbm>>
    tpu.enqueue_dma source(%dma_start3A_84 : memref<64xi32, #tpu.memory_space<hbm>>) target(%dma_start3A_83 : memref<64xi32, #tpu.memory_space<vmem>>) target_semaphore(%arg12 : memref<!tpu.dma_semaphore, #tpu.memory_space<semaphore_mem>>)
    %dma_start3A_85 = arith.constant 0 : i32
    %dma_start3A_86 = arith.constant 0 : i32
    %dma_start3A_87 = arith.constant 0 : i32
    %dma_start3A_88 = tpu.memref_slice %arg9[%dma_start3A_85, %dma_start3A_86, %dma_start3A_87] : memref<2x64x128xf32, #tpu.memory_space<vmem>> -> memref<1x64x128xf32, #tpu.memory_space<vmem>>
    %dma_start3A_89 = tpu.memref_squeeze %dma_start3A_88 : memref<1x64x128xf32, #tpu.memory_space<vmem>> -> memref<64x128xf32, #tpu.memory_space<vmem>>
    %dma_start3A_90 = arith.constant 0 : i32
    %dma_start3A_91 = tpu.memref_slice %arg7[%dma_start3A_90] : memref<10112xi32, #tpu.memory_space<vmem>> -> memref<64xi32, #tpu.memory_space<vmem>>
    %dma_start3A_92 = arith.constant 0 : i32
    %dma_start3A_93 = arith.constant 0 : i32
    %dma_start3A_94 = tpu.memref_slice %arg2[%dma_start3A_92, %dma_start3A_93] : memref<10000x128xf32, #tpu.memory_space<hbm>> -> memref<10000x128xf32, #tpu.memory_space<hbm>>
    tpu.enqueue_indirect_dma source(%dma_start3A_94 : memref<10000x128xf32, #tpu.memory_space<hbm>>) target(%dma_start3A_89 : memref<64x128xf32, #tpu.memory_space<vmem>>) offsets(%dma_start3A_91 : memref<64xi32, #tpu.memory_space<vmem>>) semaphore(%arg12 : memref<!tpu.dma_semaphore, #tpu.memory_space<semaphore_mem>>)
    %add3A_95 = arith.constant 0 : i32
    %add3A_96 = arith.addi %mul3A_74, %add3A_95 : i32
    %dma_start3A_97 = arith.constant 0 : i32
    %dma_start3A_98 = arith.constant 0 : i32
    %dma_start3A_99 = arith.constant 0 : i32
    %dma_start3A_100 = tpu.memref_slice %arg10[%dma_start3A_97, %dma_start3A_98, %dma_start3A_99] : memref<2x64x128xf32, #tpu.memory_space<vmem>> -> memref<1x64x128xf32, #tpu.memory_space<vmem>>
    %dma_start3A_101 = tpu.memref_squeeze %dma_start3A_100 : memref<1x64x128xf32, #tpu.memory_space<vmem>> -> memref<64x128xf32, #tpu.memory_space<vmem>>
    %dma_start3A_102 = arith.constant 0 : i32
    %dma_start3A_103 = tpu.memref_slice %arg5[%add3A_96, %dma_start3A_102] : memref<323584x128xf32, #tpu.memory_space<hbm>> -> memref<64x128xf32, #tpu.memory_space<hbm>>
    %dma_start3A_104 = arith.constant 0 : i32
    %dma_start3A_105 = arith.constant 0 : i32
    %dma_start3A_106 = tpu.memref_slice %arg10[%dma_start3A_97, %dma_start3A_104, %dma_start3A_105] : memref<2x64x128xf32, #tpu.memory_space<vmem>> -> memref<1x64x128xf32, #tpu.memory_space<vmem>>
    %dma_start3A_107 = tpu.memref_squeeze %dma_start3A_106 : memref<1x64x128xf32, #tpu.memory_space<vmem>> -> memref<64x128xf32, #tpu.memory_space<vmem>>
    %dma_start3A_108 = arith.constant 0 : i32
    %dma_start3A_109 = tpu.memref_slice %arg5[%add3A_96, %dma_start3A_108] : memref<323584x128xf32, #tpu.memory_space<hbm>> -> memref<64x128xf32, #tpu.memory_space<hbm>>
    tpu.enqueue_dma source(%dma_start3A_109 : memref<64x128xf32, #tpu.memory_space<hbm>>) target(%dma_start3A_107 : memref<64x128xf32, #tpu.memory_space<vmem>>) target_semaphore(%arg12 : memref<!tpu.dma_semaphore, #tpu.memory_space<semaphore_mem>>)
    %scan3A = arith.constant 0 : i32
    %scan3A_110 = arith.constant 79 : i32
    %scan3A_111 = arith.addi %scan3A, %scan3A_110 : i32
    %scan3A_112 = arith.constant 1 : i32
    scf.for %scan3A_128 = %scan3A to %scan3A_111 step %scan3A_112  : i32 {
      %mul3A_129 = arith.constant 2 : i32
      %mul3A_130 = arith.muli %scan3A_128, %mul3A_129 : i32
      %add3A_131 = arith.constant 0 : i32
      %add3A_132 = arith.addi %add3A_131, %mul3A_130 : i32
      %add3A_133 = arith.constant 0 : i32
      %add3A_134 = arith.addi %add3A_132, %add3A_133 : i32
      %mul3A_135 = arith.constant 64 : i32
      %mul3A_136 = arith.muli %add3A_134, %mul3A_135 : i32
      %add3A_137 = arith.addi %mul3A_74, %mul3A_136 : i32
      %dma_wait3A_138 = arith.constant 0 : i32
      %dma_wait3A_139 = arith.constant 0 : i32
      %dma_wait3A_140 = tpu.memref_slice %arg8[%dma_wait3A_138, %dma_wait3A_139] : memref<2x64xi32, #tpu.memory_space<vmem>> -> memref<1x64xi32, #tpu.memory_space<vmem>>
      %dma_wait3A_141 = tpu.memref_squeeze %dma_wait3A_140 : memref<1x64xi32, #tpu.memory_space<vmem>> -> memref<64xi32, #tpu.memory_space<vmem>>
      %dma_wait3A_142 = tpu.memref_slice %arg4[%add3A_137] : memref<323584xi32, #tpu.memory_space<hbm>> -> memref<64xi32, #tpu.memory_space<hbm>>
      %dma_wait3A_143 = arith.constant 0 : i32
      %dma_wait3A_144 = tpu.memref_slice %arg8[%dma_wait3A_138, %dma_wait3A_143] : memref<2x64xi32, #tpu.memory_space<vmem>> -> memref<1x64xi32, #tpu.memory_space<vmem>>
      %dma_wait3A_145 = tpu.memref_squeeze %dma_wait3A_144 : memref<1x64xi32, #tpu.memory_space<vmem>> -> memref<64xi32, #tpu.memory_space<vmem>>
      %dma_wait3A_146 = tpu.memref_slice %arg4[%add3A_137] : memref<323584xi32, #tpu.memory_space<hbm>> -> memref<64xi32, #tpu.memory_space<hbm>>
      tpu.wait_dma2 semaphore(%arg12 : memref<!tpu.dma_semaphore, #tpu.memory_space<semaphore_mem>>) src(%dma_wait3A_146 : memref<64xi32, #tpu.memory_space<hbm>>) dst(%dma_wait3A_145 : memref<64xi32, #tpu.memory_space<vmem>>)
      %mul3A_147 = arith.constant 64 : i32
      %mul3A_148 = arith.muli %add3A_134, %mul3A_147 : i32
      %dma_wait3A_149 = arith.constant 0 : i32
      %dma_wait3A_150 = arith.constant 0 : i32
      %dma_wait3A_151 = arith.constant 0 : i32
      %dma_wait3A_152 = tpu.memref_slice %arg9[%dma_wait3A_149, %dma_wait3A_150, %dma_wait3A_151] : memref<2x64x128xf32, #tpu.memory_space<vmem>> -> memref<1x64x128xf32, #tpu.memory_space<vmem>>
      %dma_wait3A_153 = tpu.memref_squeeze %dma_wait3A_152 : memref<1x64x128xf32, #tpu.memory_space<vmem>> -> memref<64x128xf32, #tpu.memory_space<vmem>>
      %dma_wait3A_154 = tpu.memref_slice %arg7[%mul3A_148] : memref<10112xi32, #tpu.memory_space<vmem>> -> memref<64xi32, #tpu.memory_space<vmem>>
      %dma_wait3A_155 = arith.constant 0 : i32
      %dma_wait3A_156 = arith.constant 0 : i32
      %dma_wait3A_157 = tpu.memref_slice %arg2[%dma_wait3A_155, %dma_wait3A_156] : memref<10000x128xf32, #tpu.memory_space<hbm>> -> memref<10000x128xf32, #tpu.memory_space<hbm>>
      tpu.wait_indirect_dma semaphore(%arg12 : memref<!tpu.dma_semaphore, #tpu.memory_space<semaphore_mem>>) src(%dma_wait3A_157 : memref<10000x128xf32, #tpu.memory_space<hbm>>) dst(%dma_wait3A_153 : memref<64x128xf32, #tpu.memory_space<vmem>>)
      %mul3A_158 = arith.constant 64 : i32
      %mul3A_159 = arith.muli %add3A_134, %mul3A_158 : i32
      %add3A_160 = arith.addi %mul3A_74, %mul3A_159 : i32
      %dma_wait3A_161 = arith.constant 0 : i32
      %dma_wait3A_162 = arith.constant 0 : i32
      %dma_wait3A_163 = arith.constant 0 : i32
      %dma_wait3A_164 = tpu.memref_slice %arg10[%dma_wait3A_161, %dma_wait3A_162, %dma_wait3A_163] : memref<2x64x128xf32, #tpu.memory_space<vmem>> -> memref<1x64x128xf32, #tpu.memory_space<vmem>>
      %dma_wait3A_165 = tpu.memref_squeeze %dma_wait3A_164 : memref<1x64x128xf32, #tpu.memory_space<vmem>> -> memref<64x128xf32, #tpu.memory_space<vmem>>
      %dma_wait3A_166 = arith.constant 0 : i32
      %dma_wait3A_167 = tpu.memref_slice %arg5[%add3A_160, %dma_wait3A_166] : memref<323584x128xf32, #tpu.memory_space<hbm>> -> memref<64x128xf32, #tpu.memory_space<hbm>>
      %dma_wait3A_168 = arith.constant 0 : i32
      %dma_wait3A_169 = arith.constant 0 : i32
      %dma_wait3A_170 = tpu.memref_slice %arg10[%dma_wait3A_161, %dma_wait3A_168, %dma_wait3A_169] : memref<2x64x128xf32, #tpu.memory_space<vmem>> -> memref<1x64x128xf32, #tpu.memory_space<vmem>>
      %dma_wait3A_171 = tpu.memref_squeeze %dma_wait3A_170 : memref<1x64x128xf32, #tpu.memory_space<vmem>> -> memref<64x128xf32, #tpu.memory_space<vmem>>
      %dma_wait3A_172 = arith.constant 0 : i32
      %dma_wait3A_173 = tpu.memref_slice %arg5[%add3A_160, %dma_wait3A_172] : memref<323584x128xf32, #tpu.memory_space<hbm>> -> memref<64x128xf32, #tpu.memory_space<hbm>>
      tpu.wait_dma2 semaphore(%arg12 : memref<!tpu.dma_semaphore, #tpu.memory_space<semaphore_mem>>) src(%dma_wait3A_173 : memref<64x128xf32, #tpu.memory_space<hbm>>) dst(%dma_wait3A_171 : memref<64x128xf32, #tpu.memory_space<vmem>>)
      %gt3A = arith.constant 0 : i32
      %gt3A_174 = arith.cmpi sgt, %add3A_134, %gt3A : i32
      %convert_element_type3A = arith.extui %gt3A_174 : i1 to i32
      %cond3A = arith.constant 0 : i32
      %cond3A_175 = arith.cmpi ne, %convert_element_type3A, %cond3A : i32
      scf.if %cond3A_175 {
        %dma_wait3A_265 = arith.constant 1 : i32
        %dma_wait3A_266 = arith.constant 1 : i32
        %dma_wait3A_267 = arith.constant 0 : i32
        %dma_wait3A_268 = arith.constant 0 : i32
        %dma_wait3A_269 = tpu.memref_slice %arg9[%dma_wait3A_265, %dma_wait3A_267, %dma_wait3A_268] : memref<2x64x128xf32, #tpu.memory_space<vmem>> -> memref<1x64x128xf32, #tpu.memory_space<vmem>>
        %dma_wait3A_270 = tpu.memref_squeeze %dma_wait3A_269 : memref<1x64x128xf32, #tpu.memory_space<vmem>> -> memref<64x128xf32, #tpu.memory_space<vmem>>
        %dma_wait3A_271 = arith.constant 0 : i32
        %dma_wait3A_272 = tpu.memref_slice %arg8[%dma_wait3A_266, %dma_wait3A_271] : memref<2x64xi32, #tpu.memory_space<vmem>> -> memref<1x64xi32, #tpu.memory_space<vmem>>
        %dma_wait3A_273 = tpu.memref_squeeze %dma_wait3A_272 : memref<1x64xi32, #tpu.memory_space<vmem>> -> memref<64xi32, #tpu.memory_space<vmem>>
        %dma_wait3A_274 = arith.constant 0 : i32
        %dma_wait3A_275 = arith.constant 0 : i32
        %dma_wait3A_276 = tpu.memref_slice %arg11[%dma_wait3A_274, %dma_wait3A_275] : memref<10112x128xf32, #tpu.memory_space<vmem_shared>> -> memref<10112x128xf32, #tpu.memory_space<vmem_shared>>
        tpu.wait_indirect_dma semaphore(%arg15 : memref<!tpu.dma_semaphore, #tpu.memory_space<semaphore_mem>>) src(%dma_wait3A_270 : memref<64x128xf32, #tpu.memory_space<vmem>>) dst(%dma_wait3A_276 : memref<10112x128xf32, #tpu.memory_space<vmem_shared>>)
      } else {
      }
      %lt3A = arith.constant 157 : i32
      %lt3A_176 = arith.cmpi slt, %add3A_134, %lt3A : i32
      %convert_element_type3A_177 = arith.extui %lt3A_176 : i1 to i32
      %cond3A_178 = arith.constant 0 : i32
      %cond3A_179 = arith.cmpi ne, %convert_element_type3A_177, %cond3A_178 : i32
      scf.if %cond3A_179 {
        %add3A_265 = arith.constant 1 : i32
        %add3A_266 = arith.addi %add3A_134, %add3A_265 : i32
        %mul3A_267 = arith.constant 64 : i32
        %mul3A_268 = arith.muli %add3A_266, %mul3A_267 : i32
        %add3A_269 = arith.addi %mul3A_74, %mul3A_268 : i32
        %dma_start3A_270 = arith.constant 1 : i32
        %dma_start3A_271 = arith.constant 0 : i32
        %dma_start3A_272 = tpu.memref_slice %arg8[%dma_start3A_270, %dma_start3A_271] : memref<2x64xi32, #tpu.memory_space<vmem>> -> memref<1x64xi32, #tpu.memory_space<vmem>>
        %dma_start3A_273 = tpu.memref_squeeze %dma_start3A_272 : memref<1x64xi32, #tpu.memory_space<vmem>> -> memref<64xi32, #tpu.memory_space<vmem>>
        %dma_start3A_274 = tpu.memref_slice %arg4[%add3A_269] : memref<323584xi32, #tpu.memory_space<hbm>> -> memref<64xi32, #tpu.memory_space<hbm>>
        %dma_start3A_275 = arith.constant 0 : i32
        %dma_start3A_276 = tpu.memref_slice %arg8[%dma_start3A_270, %dma_start3A_275] : memref<2x64xi32, #tpu.memory_space<vmem>> -> memref<1x64xi32, #tpu.memory_space<vmem>>
        %dma_start3A_277 = tpu.memref_squeeze %dma_start3A_276 : memref<1x64xi32, #tpu.memory_space<vmem>> -> memref<64xi32, #tpu.memory_space<vmem>>
        %dma_start3A_278 = tpu.memref_slice %arg4[%add3A_269] : memref<323584xi32, #tpu.memory_space<hbm>> -> memref<64xi32, #tpu.memory_space<hbm>>
        tpu.enqueue_dma source(%dma_start3A_278 : memref<64xi32, #tpu.memory_space<hbm>>) target(%dma_start3A_277 : memref<64xi32, #tpu.memory_space<vmem>>) target_semaphore(%arg13 : memref<!tpu.dma_semaphore, #tpu.memory_space<semaphore_mem>>)
        %mul3A_279 = arith.constant 64 : i32
        %mul3A_280 = arith.muli %add3A_266, %mul3A_279 : i32
        %dma_start3A_281 = arith.constant 1 : i32
        %dma_start3A_282 = arith.constant 0 : i32
        %dma_start3A_283 = arith.constant 0 : i32
        %dma_start3A_284 = tpu.memref_slice %arg9[%dma_start3A_281, %dma_start3A_282, %dma_start3A_283] : memref<2x64x128xf32, #tpu.memory_space<vmem>> -> memref<1x64x128xf32, #tpu.memory_space<vmem>>
        %dma_start3A_285 = tpu.memref_squeeze %dma_start3A_284 : memref<1x64x128xf32, #tpu.memory_space<vmem>> -> memref<64x128xf32, #tpu.memory_space<vmem>>
        %dma_start3A_286 = tpu.memref_slice %arg7[%mul3A_280] : memref<10112xi32, #tpu.memory_space<vmem>> -> memref<64xi32, #tpu.memory_space<vmem>>
        %dma_start3A_287 = arith.constant 0 : i32
        %dma_start3A_288 = arith.constant 0 : i32
        %dma_start3A_289 = tpu.memref_slice %arg2[%dma_start3A_287, %dma_start3A_288] : memref<10000x128xf32, #tpu.memory_space<hbm>> -> memref<10000x128xf32, #tpu.memory_space<hbm>>
        tpu.enqueue_indirect_dma source(%dma_start3A_289 : memref<10000x128xf32, #tpu.memory_space<hbm>>) target(%dma_start3A_285 : memref<64x128xf32, #tpu.memory_space<vmem>>) offsets(%dma_start3A_286 : memref<64xi32, #tpu.memory_space<vmem>>) semaphore(%arg13 : memref<!tpu.dma_semaphore, #tpu.memory_space<semaphore_mem>>)
        %mul3A_290 = arith.constant 64 : i32
        %mul3A_291 = arith.muli %add3A_266, %mul3A_290 : i32
        %add3A_292 = arith.addi %mul3A_74, %mul3A_291 : i32
        %dma_start3A_293 = arith.constant 1 : i32
        %dma_start3A_294 = arith.constant 0 : i32
        %dma_start3A_295 = arith.constant 0 : i32
        %dma_start3A_296 = tpu.memref_slice %arg10[%dma_start3A_293, %dma_start3A_294, %dma_start3A_295] : memref<2x64x128xf32, #tpu.memory_space<vmem>> -> memref<1x64x128xf32, #tpu.memory_space<vmem>>
        %dma_start3A_297 = tpu.memref_squeeze %dma_start3A_296 : memref<1x64x128xf32, #tpu.memory_space<vmem>> -> memref<64x128xf32, #tpu.memory_space<vmem>>
        %dma_start3A_298 = arith.constant 0 : i32
        %dma_start3A_299 = tpu.memref_slice %arg5[%add3A_292, %dma_start3A_298] : memref<323584x128xf32, #tpu.memory_space<hbm>> -> memref<64x128xf32, #tpu.memory_space<hbm>>
        %dma_start3A_300 = arith.constant 0 : i32
        %dma_start3A_301 = arith.constant 0 : i32
        %dma_start3A_302 = tpu.memref_slice %arg10[%dma_start3A_293, %dma_start3A_300, %dma_start3A_301] : memref<2x64x128xf32, #tpu.memory_space<vmem>> -> memref<1x64x128xf32, #tpu.memory_space<vmem>>
        %dma_start3A_303 = tpu.memref_squeeze %dma_start3A_302 : memref<1x64x128xf32, #tpu.memory_space<vmem>> -> memref<64x128xf32, #tpu.memory_space<vmem>>
        %dma_start3A_304 = arith.constant 0 : i32
        %dma_start3A_305 = tpu.memref_slice %arg5[%add3A_292, %dma_start3A_304] : memref<323584x128xf32, #tpu.memory_space<hbm>> -> memref<64x128xf32, #tpu.memory_space<hbm>>
        tpu.enqueue_dma source(%dma_start3A_305 : memref<64x128xf32, #tpu.memory_space<hbm>>) target(%dma_start3A_303 : memref<64x128xf32, #tpu.memory_space<vmem>>) target_semaphore(%arg13 : memref<!tpu.dma_semaphore, #tpu.memory_space<semaphore_mem>>)
      } else {
      }
      %parallel_loop3A_180 = arith.constant 0 : i32
      %parallel_loop3A_181 = arith.constant 64 : i32
      %parallel_loop3A_182 = arith.constant 1 : i32
      %parallel_loop3A_183 = arith.constant 0 : i32
      %parallel_loop3A_184 = arith.constant 0 : i32
      scf.for %parallel_loop3A_265 = %parallel_loop3A_180 to %parallel_loop3A_181 step %parallel_loop3A_182  : i32 {
        %parallel_loop3A_266 = arith.constant 0 : i32
        %parallel_loop3A_267 = arith.constant 0 : i32
        %parallel_loop3A_268 = tpu.memref_slice %arg9[%parallel_loop3A_183, %parallel_loop3A_266, %parallel_loop3A_267] : memref<2x64x128xf32, #tpu.memory_space<vmem>> -> memref<1x64x128xf32, #tpu.memory_space<vmem>>
        %parallel_loop3A_269 = tpu.memref_squeeze %parallel_loop3A_268 : memref<1x64x128xf32, #tpu.memory_space<vmem>> -> memref<64x128xf32, #tpu.memory_space<vmem>>
        %parallel_loop3A_270 = arith.index_cast %parallel_loop3A_265 : i32 to index
        %parallel_loop3A_271 = arith.constant 0 : index
        %parallel_loop3A_272 = tpu.vector_load %parallel_loop3A_269[%parallel_loop3A_270, %parallel_loop3A_271] {strides = array<i32>} : memref<64x128xf32, #tpu.memory_space<vmem>>, vector<1x16xf32>,
        %parallel_loop3A_273 = vector.shape_cast %parallel_loop3A_272 : vector<1x16xf32> to vector<16xf32>
        %parallel_loop3A_274 = arith.constant 0 : i32
        %parallel_loop3A_275 = arith.constant 0 : i32
        %parallel_loop3A_276 = tpu.memref_slice %arg10[%parallel_loop3A_184, %parallel_loop3A_274, %parallel_loop3A_275] : memref<2x64x128xf32, #tpu.memory_space<vmem>> -> memref<1x64x128xf32, #tpu.memory_space<vmem>>
        %parallel_loop3A_277 = tpu.memref_squeeze %parallel_loop3A_276 : memref<1x64x128xf32, #tpu.memory_space<vmem>> -> memref<64x128xf32, #tpu.memory_space<vmem>>
        %parallel_loop3A_278 = arith.index_cast %parallel_loop3A_265 : i32 to index
        %parallel_loop3A_279 = arith.constant 0 : index
        %parallel_loop3A_280 = tpu.vector_load %parallel_loop3A_277[%parallel_loop3A_278, %parallel_loop3A_279] {strides = array<i32>} : memref<64x128xf32, #tpu.memory_space<vmem>>, vector<1x16xf32>,
        %parallel_loop3A_281 = vector.shape_cast %parallel_loop3A_280 : vector<1x16xf32> to vector<16xf32>
        %parallel_loop3A_282 = arith.mulf %parallel_loop3A_273, %parallel_loop3A_281 : vector<16xf32>
        %parallel_loop3A_283 = arith.constant 0 : i32
        %parallel_loop3A_284 = arith.constant 0 : i32
        %parallel_loop3A_285 = tpu.memref_slice %arg9[%parallel_loop3A_183, %parallel_loop3A_283, %parallel_loop3A_284] : memref<2x64x128xf32, #tpu.memory_space<vmem>> -> memref<1x64x128xf32, #tpu.memory_space<vmem>>
        %parallel_loop3A_286 = tpu.memref_squeeze %parallel_loop3A_285 : memref<1x64x128xf32, #tpu.memory_space<vmem>> -> memref<64x128xf32, #tpu.memory_space<vmem>>
        %parallel_loop3A_287 = arith.index_cast %parallel_loop3A_265 : i32 to index
        %parallel_loop3A_288 = arith.constant 0 : index
        %parallel_loop3A_289 = tpu.vector_load %parallel_loop3A_286[%parallel_loop3A_287, %parallel_loop3A_288] {strides = array<i32>} : memref<64x128xf32, #tpu.memory_space<vmem>>, vector<1x16xf32>,
        %parallel_loop3A_290 = vector.shape_cast %parallel_loop3A_289 : vector<1x16xf32> to vector<16xf32>
        %parallel_loop3A_291 = vector.shape_cast %parallel_loop3A_282 : vector<16xf32> to vector<1x16xf32>
        tpu.vector_store %parallel_loop3A_286[%parallel_loop3A_287, %parallel_loop3A_288], %parallel_loop3A_291 {strides = array<i32>} : memref<64x128xf32, #tpu.memory_space<vmem>>, vector<1x16xf32>,
        %parallel_loop3A_292 = arith.constant 0 : i32
        %parallel_loop3A_293 = arith.constant 0 : i32
        %parallel_loop3A_294 = tpu.memref_slice %arg9[%parallel_loop3A_183, %parallel_loop3A_292, %parallel_loop3A_293] : memref<2x64x128xf32, #tpu.memory_space<vmem>> -> memref<1x64x128xf32, #tpu.memory_space<vmem>>
        %parallel_loop3A_295 = tpu.memref_squeeze %parallel_loop3A_294 : memref<1x64x128xf32, #tpu.memory_space<vmem>> -> memref<64x128xf32, #tpu.memory_space<vmem>>
        %parallel_loop3A_296 = arith.index_cast %parallel_loop3A_265 : i32 to index
        %parallel_loop3A_297 = arith.constant 16 : index
        %parallel_loop3A_298 = tpu.vector_load %parallel_loop3A_295[%parallel_loop3A_296, %parallel_loop3A_297] {strides = array<i32>} : memref<64x128xf32, #tpu.memory_space<vmem>>, vector<1x16xf32>,
        %parallel_loop3A_299 = vector.shape_cast %parallel_loop3A_298 : vector<1x16xf32> to vector<16xf32>
        %parallel_loop3A_300 = arith.constant 0 : i32
        %parallel_loop3A_301 = arith.constant 0 : i32
        %parallel_loop3A_302 = tpu.memref_slice %arg10[%parallel_loop3A_184, %parallel_loop3A_300, %parallel_loop3A_301] : memref<2x64x128xf32, #tpu.memory_space<vmem>> -> memref<1x64x128xf32, #tpu.memory_space<vmem>>
        %parallel_loop3A_303 = tpu.memref_squeeze %parallel_loop3A_302 : memref<1x64x128xf32, #tpu.memory_space<vmem>> -> memref<64x128xf32, #tpu.memory_space<vmem>>
        %parallel_loop3A_304 = arith.index_cast %parallel_loop3A_265 : i32 to index
        %parallel_loop3A_305 = arith.constant 16 : index
        %parallel_loop3A_306 = tpu.vector_load %parallel_loop3A_303[%parallel_loop3A_304, %parallel_loop3A_305] {strides = array<i32>} : memref<64x128xf32, #tpu.memory_space<vmem>>, vector<1x16xf32>,
        %parallel_loop3A_307 = vector.shape_cast %parallel_loop3A_306 : vector<1x16xf32> to vector<16xf32>
        %parallel_loop3A_308 = arith.mulf %parallel_loop3A_299, %parallel_loop3A_307 : vector<16xf32>
        %parallel_loop3A_309 = arith.constant 0 : i32
        %parallel_loop3A_310 = arith.constant 0 : i32
        %parallel_loop3A_311 = tpu.memref_slice %arg9[%parallel_loop3A_183, %parallel_loop3A_309, %parallel_loop3A_310] : memref<2x64x128xf32, #tpu.memory_space<vmem>> -> memref<1x64x128xf32, #tpu.memory_space<vmem>>
        %parallel_loop3A_312 = tpu.memref_squeeze %parallel_loop3A_311 : memref<1x64x128xf32, #tpu.memory_space<vmem>> -> memref<64x128xf32, #tpu.memory_space<vmem>>
        %parallel_loop3A_313 = arith.index_cast %parallel_loop3A_265 : i32 to index
        %parallel_loop3A_314 = arith.constant 16 : index
        %parallel_loop3A_315 = tpu.vector_load %parallel_loop3A_312[%parallel_loop3A_313, %parallel_loop3A_314] {strides = array<i32>} : memref<64x128xf32, #tpu.memory_space<vmem>>, vector<1x16xf32>,
        %parallel_loop3A_316 = vector.shape_cast %parallel_loop3A_315 : vector<1x16xf32> to vector<16xf32>
        %parallel_loop3A_317 = vector.shape_cast %parallel_loop3A_308 : vector<16xf32> to vector<1x16xf32>
        tpu.vector_store %parallel_loop3A_312[%parallel_loop3A_313, %parallel_loop3A_314], %parallel_loop3A_317 {strides = array<i32>} : memref<64x128xf32, #tpu.memory_space<vmem>>, vector<1x16xf32>,
        %parallel_loop3A_318 = arith.constant 0 : i32
        %parallel_loop3A_319 = arith.constant 0 : i32
        %parallel_loop3A_320 = tpu.memref_slice %arg9[%parallel_loop3A_183, %parallel_loop3A_318, %parallel_loop3A_319] : memref<2x64x128xf32, #tpu.memory_space<vmem>> -> memref<1x64x128xf32, #tpu.memory_space<vmem>>
        %parallel_loop3A_321 = tpu.memref_squeeze %parallel_loop3A_320 : memref<1x64x128xf32, #tpu.memory_space<vmem>> -> memref<64x128xf32, #tpu.memory_space<vmem>>
        %parallel_loop3A_322 = arith.index_cast %parallel_loop3A_265 : i32 to index
        %parallel_loop3A_323 = arith.constant 32 : index
        %parallel_loop3A_324 = tpu.vector_load %parallel_loop3A_321[%parallel_loop3A_322, %parallel_loop3A_323] {strides = array<i32>} : memref<64x128xf32, #tpu.memory_space<vmem>>, vector<1x16xf32>,
        %parallel_loop3A_325 = vector.shape_cast %parallel_loop3A_324 : vector<1x16xf32> to vector<16xf32>
        %parallel_loop3A_326 = arith.constant 0 : i32
        %parallel_loop3A_327 = arith.constant 0 : i32
        %parallel_loop3A_328 = tpu.memref_slice %arg10[%parallel_loop3A_184, %parallel_loop3A_326, %parallel_loop3A_327] : memref<2x64x128xf32, #tpu.memory_space<vmem>> -> memref<1x64x128xf32, #tpu.memory_space<vmem>>
        %parallel_loop3A_329 = tpu.memref_squeeze %parallel_loop3A_328 : memref<1x64x128xf32, #tpu.memory_space<vmem>> -> memref<64x128xf32, #tpu.memory_space<vmem>>
        %parallel_loop3A_330 = arith.index_cast %parallel_loop3A_265 : i32 to index
        %parallel_loop3A_331 = arith.constant 32 : index
        %parallel_loop3A_332 = tpu.vector_load %parallel_loop3A_329[%parallel_loop3A_330, %parallel_loop3A_331] {strides = array<i32>} : memref<64x128xf32, #tpu.memory_space<vmem>>, vector<1x16xf32>,
        %parallel_loop3A_333 = vector.shape_cast %parallel_loop3A_332 : vector<1x16xf32> to vector<16xf32>
        %parallel_loop3A_334 = arith.mulf %parallel_loop3A_325, %parallel_loop3A_333 : vector<16xf32>
        %parallel_loop3A_335 = arith.constant 0 : i32
        %parallel_loop3A_336 = arith.constant 0 : i32
        %parallel_loop3A_337 = tpu.memref_slice %arg9[%parallel_loop3A_183, %parallel_loop3A_335, %parallel_loop3A_336] : memref<2x64x128xf32, #tpu.memory_space<vmem>> -> memref<1x64x128xf32, #tpu.memory_space<vmem>>
        %parallel_loop3A_338 = tpu.memref_squeeze %parallel_loop3A_337 : memref<1x64x128xf32, #tpu.memory_space<vmem>> -> memref<64x128xf32, #tpu.memory_space<vmem>>
        %parallel_loop3A_339 = arith.index_cast %parallel_loop3A_265 : i32 to index
        %parallel_loop3A_340 = arith.constant 32 : index
        %parallel_loop3A_341 = tpu.vector_load %parallel_loop3A_338[%parallel_loop3A_339, %parallel_loop3A_340] {strides = array<i32>} : memref<64x128xf32, #tpu.memory_space<vmem>>, vector<1x16xf32>,
        %parallel_loop3A_342 = vector.shape_cast %parallel_loop3A_341 : vector<1x16xf32> to vector<16xf32>
        %parallel_loop3A_343 = vector.shape_cast %parallel_loop3A_334 : vector<16xf32> to vector<1x16xf32>
        tpu.vector_store %parallel_loop3A_338[%parallel_loop3A_339, %parallel_loop3A_340], %parallel_loop3A_343 {strides = array<i32>} : memref<64x128xf32, #tpu.memory_space<vmem>>, vector<1x16xf32>,
        %parallel_loop3A_344 = arith.constant 0 : i32
        %parallel_loop3A_345 = arith.constant 0 : i32
        %parallel_loop3A_346 = tpu.memref_slice %arg9[%parallel_loop3A_183, %parallel_loop3A_344, %parallel_loop3A_345] : memref<2x64x128xf32, #tpu.memory_space<vmem>> -> memref<1x64x128xf32, #tpu.memory_space<vmem>>
        %parallel_loop3A_347 = tpu.memref_squeeze %parallel_loop3A_346 : memref<1x64x128xf32, #tpu.memory_space<vmem>> -> memref<64x128xf32, #tpu.memory_space<vmem>>
        %parallel_loop3A_348 = arith.index_cast %parallel_loop3A_265 : i32 to index
        %parallel_loop3A_349 = arith.constant 48 : index
        %parallel_loop3A_350 = tpu.vector_load %parallel_loop3A_347[%parallel_loop3A_348, %parallel_loop3A_349] {strides = array<i32>} : memref<64x128xf32, #tpu.memory_space<vmem>>, vector<1x16xf32>,
        %parallel_loop3A_351 = vector.shape_cast %parallel_loop3A_350 : vector<1x16xf32> to vector<16xf32>
        %parallel_loop3A_352 = arith.constant 0 : i32
        %parallel_loop3A_353 = arith.constant 0 : i32
        %parallel_loop3A_354 = tpu.memref_slice %arg10[%parallel_loop3A_184, %parallel_loop3A_352, %parallel_loop3A_353] : memref<2x64x128xf32, #tpu.memory_space<vmem>> -> memref<1x64x128xf32, #tpu.memory_space<vmem>>
        %parallel_loop3A_355 = tpu.memref_squeeze %parallel_loop3A_354 : memref<1x64x128xf32, #tpu.memory_space<vmem>> -> memref<64x128xf32, #tpu.memory_space<vmem>>
        %parallel_loop3A_356 = arith.index_cast %parallel_loop3A_265 : i32 to index
        %parallel_loop3A_357 = arith.constant 48 : index
        %parallel_loop3A_358 = tpu.vector_load %parallel_loop3A_355[%parallel_loop3A_356, %parallel_loop3A_357] {strides = array<i32>} : memref<64x128xf32, #tpu.memory_space<vmem>>, vector<1x16xf32>,
        %parallel_loop3A_359 = vector.shape_cast %parallel_loop3A_358 : vector<1x16xf32> to vector<16xf32>
        %parallel_loop3A_360 = arith.mulf %parallel_loop3A_351, %parallel_loop3A_359 : vector<16xf32>
        %parallel_loop3A_361 = arith.constant 0 : i32
        %parallel_loop3A_362 = arith.constant 0 : i32
        %parallel_loop3A_363 = tpu.memref_slice %arg9[%parallel_loop3A_183, %parallel_loop3A_361, %parallel_loop3A_362] : memref<2x64x128xf32, #tpu.memory_space<vmem>> -> memref<1x64x128xf32, #tpu.memory_space<vmem>>
        %parallel_loop3A_364 = tpu.memref_squeeze %parallel_loop3A_363 : memref<1x64x128xf32, #tpu.memory_space<vmem>> -> memref<64x128xf32, #tpu.memory_space<vmem>>
        %parallel_loop3A_365 = arith.index_cast %parallel_loop3A_265 : i32 to index
        %parallel_loop3A_366 = arith.constant 48 : index
        %parallel_loop3A_367 = tpu.vector_load %parallel_loop3A_364[%parallel_loop3A_365, %parallel_loop3A_366] {strides = array<i32>} : memref<64x128xf32, #tpu.memory_space<vmem>>, vector<1x16xf32>,
        %parallel_loop3A_368 = vector.shape_cast %parallel_loop3A_367 : vector<1x16xf32> to vector<16xf32>
        %parallel_loop3A_369 = vector.shape_cast %parallel_loop3A_360 : vector<16xf32> to vector<1x16xf32>
        tpu.vector_store %parallel_loop3A_364[%parallel_loop3A_365, %parallel_loop3A_366], %parallel_loop3A_369 {strides = array<i32>} : memref<64x128xf32, #tpu.memory_space<vmem>>, vector<1x16xf32>,
        %parallel_loop3A_370 = arith.constant 0 : i32
        %parallel_loop3A_371 = arith.constant 0 : i32
        %parallel_loop3A_372 = tpu.memref_slice %arg9[%parallel_loop3A_183, %parallel_loop3A_370, %parallel_loop3A_371] : memref<2x64x128xf32, #tpu.memory_space<vmem>> -> memref<1x64x128xf32, #tpu.memory_space<vmem>>
        %parallel_loop3A_373 = tpu.memref_squeeze %parallel_loop3A_372 : memref<1x64x128xf32, #tpu.memory_space<vmem>> -> memref<64x128xf32, #tpu.memory_space<vmem>>
        %parallel_loop3A_374 = arith.index_cast %parallel_loop3A_265 : i32 to index
        %parallel_loop3A_375 = arith.constant 64 : index
        %parallel_loop3A_376 = tpu.vector_load %parallel_loop3A_373[%parallel_loop3A_374, %parallel_loop3A_375] {strides = array<i32>} : memref<64x128xf32, #tpu.memory_space<vmem>>, vector<1x16xf32>,
        %parallel_loop3A_377 = vector.shape_cast %parallel_loop3A_376 : vector<1x16xf32> to vector<16xf32>
        %parallel_loop3A_378 = arith.constant 0 : i32
        %parallel_loop3A_379 = arith.constant 0 : i32
        %parallel_loop3A_380 = tpu.memref_slice %arg10[%parallel_loop3A_184, %parallel_loop3A_378, %parallel_loop3A_379] : memref<2x64x128xf32, #tpu.memory_space<vmem>> -> memref<1x64x128xf32, #tpu.memory_space<vmem>>
        %parallel_loop3A_381 = tpu.memref_squeeze %parallel_loop3A_380 : memref<1x64x128xf32, #tpu.memory_space<vmem>> -> memref<64x128xf32, #tpu.memory_space<vmem>>
        %parallel_loop3A_382 = arith.index_cast %parallel_loop3A_265 : i32 to index
        %parallel_loop3A_383 = arith.constant 64 : index
        %parallel_loop3A_384 = tpu.vector_load %parallel_loop3A_381[%parallel_loop3A_382, %parallel_loop3A_383] {strides = array<i32>} : memref<64x128xf32, #tpu.memory_space<vmem>>, vector<1x16xf32>,
        %parallel_loop3A_385 = vector.shape_cast %parallel_loop3A_384 : vector<1x16xf32> to vector<16xf32>
        %parallel_loop3A_386 = arith.mulf %parallel_loop3A_377, %parallel_loop3A_385 : vector<16xf32>
        %parallel_loop3A_387 = arith.constant 0 : i32
        %parallel_loop3A_388 = arith.constant 0 : i32
        %parallel_loop3A_389 = tpu.memref_slice %arg9[%parallel_loop3A_183, %parallel_loop3A_387, %parallel_loop3A_388] : memref<2x64x128xf32, #tpu.memory_space<vmem>> -> memref<1x64x128xf32, #tpu.memory_space<vmem>>
        %parallel_loop3A_390 = tpu.memref_squeeze %parallel_loop3A_389 : memref<1x64x128xf32, #tpu.memory_space<vmem>> -> memref<64x128xf32, #tpu.memory_space<vmem>>
        %parallel_loop3A_391 = arith.index_cast %parallel_loop3A_265 : i32 to index
        %parallel_loop3A_392 = arith.constant 64 : index
        %parallel_loop3A_393 = tpu.vector_load %parallel_loop3A_390[%parallel_loop3A_391, %parallel_loop3A_392] {strides = array<i32>} : memref<64x128xf32, #tpu.memory_space<vmem>>, vector<1x16xf32>,
        %parallel_loop3A_394 = vector.shape_cast %parallel_loop3A_393 : vector<1x16xf32> to vector<16xf32>
        %parallel_loop3A_395 = vector.shape_cast %parallel_loop3A_386 : vector<16xf32> to vector<1x16xf32>
        tpu.vector_store %parallel_loop3A_390[%parallel_loop3A_391, %parallel_loop3A_392], %parallel_loop3A_395 {strides = array<i32>} : memref<64x128xf32, #tpu.memory_space<vmem>>, vector<1x16xf32>,
        %parallel_loop3A_396 = arith.constant 0 : i32
        %parallel_loop3A_397 = arith.constant 0 : i32
        %parallel_loop3A_398 = tpu.memref_slice %arg9[%parallel_loop3A_183, %parallel_loop3A_396, %parallel_loop3A_397] : memref<2x64x128xf32, #tpu.memory_space<vmem>> -> memref<1x64x128xf32, #tpu.memory_space<vmem>>
        %parallel_loop3A_399 = tpu.memref_squeeze %parallel_loop3A_398 : memref<1x64x128xf32, #tpu.memory_space<vmem>> -> memref<64x128xf32, #tpu.memory_space<vmem>>
        %parallel_loop3A_400 = arith.index_cast %parallel_loop3A_265 : i32 to index
        %parallel_loop3A_401 = arith.constant 80 : index
        %parallel_loop3A_402 = tpu.vector_load %parallel_loop3A_399[%parallel_loop3A_400, %parallel_loop3A_401] {strides = array<i32>} : memref<64x128xf32, #tpu.memory_space<vmem>>, vector<1x16xf32>,
        %parallel_loop3A_403 = vector.shape_cast %parallel_loop3A_402 : vector<1x16xf32> to vector<16xf32>
        %parallel_loop3A_404 = arith.constant 0 : i32
        %parallel_loop3A_405 = arith.constant 0 : i32
        %parallel_loop3A_406 = tpu.memref_slice %arg10[%parallel_loop3A_184, %parallel_loop3A_404, %parallel_loop3A_405] : memref<2x64x128xf32, #tpu.memory_space<vmem>> -> memref<1x64x128xf32, #tpu.memory_space<vmem>>
        %parallel_loop3A_407 = tpu.memref_squeeze %parallel_loop3A_406 : memref<1x64x128xf32, #tpu.memory_space<vmem>> -> memref<64x128xf32, #tpu.memory_space<vmem>>
        %parallel_loop3A_408 = arith.index_cast %parallel_loop3A_265 : i32 to index
        %parallel_loop3A_409 = arith.constant 80 : index
        %parallel_loop3A_410 = tpu.vector_load %parallel_loop3A_407[%parallel_loop3A_408, %parallel_loop3A_409] {strides = array<i32>} : memref<64x128xf32, #tpu.memory_space<vmem>>, vector<1x16xf32>,
        %parallel_loop3A_411 = vector.shape_cast %parallel_loop3A_410 : vector<1x16xf32> to vector<16xf32>
        %parallel_loop3A_412 = arith.mulf %parallel_loop3A_403, %parallel_loop3A_411 : vector<16xf32>
        %parallel_loop3A_413 = arith.constant 0 : i32
        %parallel_loop3A_414 = arith.constant 0 : i32
        %parallel_loop3A_415 = tpu.memref_slice %arg9[%parallel_loop3A_183, %parallel_loop3A_413, %parallel_loop3A_414] : memref<2x64x128xf32, #tpu.memory_space<vmem>> -> memref<1x64x128xf32, #tpu.memory_space<vmem>>
        %parallel_loop3A_416 = tpu.memref_squeeze %parallel_loop3A_415 : memref<1x64x128xf32, #tpu.memory_space<vmem>> -> memref<64x128xf32, #tpu.memory_space<vmem>>
        %parallel_loop3A_417 = arith.index_cast %parallel_loop3A_265 : i32 to index
        %parallel_loop3A_418 = arith.constant 80 : index
        %parallel_loop3A_419 = tpu.vector_load %parallel_loop3A_416[%parallel_loop3A_417, %parallel_loop3A_418] {strides = array<i32>} : memref<64x128xf32, #tpu.memory_space<vmem>>, vector<1x16xf32>,
        %parallel_loop3A_420 = vector.shape_cast %parallel_loop3A_419 : vector<1x16xf32> to vector<16xf32>
        %parallel_loop3A_421 = vector.shape_cast %parallel_loop3A_412 : vector<16xf32> to vector<1x16xf32>
        tpu.vector_store %parallel_loop3A_416[%parallel_loop3A_417, %parallel_loop3A_418], %parallel_loop3A_421 {strides = array<i32>} : memref<64x128xf32, #tpu.memory_space<vmem>>, vector<1x16xf32>,
        %parallel_loop3A_422 = arith.constant 0 : i32
        %parallel_loop3A_423 = arith.constant 0 : i32
        %parallel_loop3A_424 = tpu.memref_slice %arg9[%parallel_loop3A_183, %parallel_loop3A_422, %parallel_loop3A_423] : memref<2x64x128xf32, #tpu.memory_space<vmem>> -> memref<1x64x128xf32, #tpu.memory_space<vmem>>
        %parallel_loop3A_425 = tpu.memref_squeeze %parallel_loop3A_424 : memref<1x64x128xf32, #tpu.memory_space<vmem>> -> memref<64x128xf32, #tpu.memory_space<vmem>>
        %parallel_loop3A_426 = arith.index_cast %parallel_loop3A_265 : i32 to index
        %parallel_loop3A_427 = arith.constant 96 : index
        %parallel_loop3A_428 = tpu.vector_load %parallel_loop3A_425[%parallel_loop3A_426, %parallel_loop3A_427] {strides = array<i32>} : memref<64x128xf32, #tpu.memory_space<vmem>>, vector<1x16xf32>,
        %parallel_loop3A_429 = vector.shape_cast %parallel_loop3A_428 : vector<1x16xf32> to vector<16xf32>
        %parallel_loop3A_430 = arith.constant 0 : i32
        %parallel_loop3A_431 = arith.constant 0 : i32
        %parallel_loop3A_432 = tpu.memref_slice %arg10[%parallel_loop3A_184, %parallel_loop3A_430, %parallel_loop3A_431] : memref<2x64x128xf32, #tpu.memory_space<vmem>> -> memref<1x64x128xf32, #tpu.memory_space<vmem>>
        %parallel_loop3A_433 = tpu.memref_squeeze %parallel_loop3A_432 : memref<1x64x128xf32, #tpu.memory_space<vmem>> -> memref<64x128xf32, #tpu.memory_space<vmem>>
        %parallel_loop3A_434 = arith.index_cast %parallel_loop3A_265 : i32 to index
        %parallel_loop3A_435 = arith.constant 96 : index
        %parallel_loop3A_436 = tpu.vector_load %parallel_loop3A_433[%parallel_loop3A_434, %parallel_loop3A_435] {strides = array<i32>} : memref<64x128xf32, #tpu.memory_space<vmem>>, vector<1x16xf32>,
        %parallel_loop3A_437 = vector.shape_cast %parallel_loop3A_436 : vector<1x16xf32> to vector<16xf32>
        %parallel_loop3A_438 = arith.mulf %parallel_loop3A_429, %parallel_loop3A_437 : vector<16xf32>
        %parallel_loop3A_439 = arith.constant 0 : i32
        %parallel_loop3A_440 = arith.constant 0 : i32
        %parallel_loop3A_441 = tpu.memref_slice %arg9[%parallel_loop3A_183, %parallel_loop3A_439, %parallel_loop3A_440] : memref<2x64x128xf32, #tpu.memory_space<vmem>> -> memref<1x64x128xf32, #tpu.memory_space<vmem>>
        %parallel_loop3A_442 = tpu.memref_squeeze %parallel_loop3A_441 : memref<1x64x128xf32, #tpu.memory_space<vmem>> -> memref<64x128xf32, #tpu.memory_space<vmem>>
        %parallel_loop3A_443 = arith.index_cast %parallel_loop3A_265 : i32 to index
        %parallel_loop3A_444 = arith.constant 96 : index
        %parallel_loop3A_445 = tpu.vector_load %parallel_loop3A_442[%parallel_loop3A_443, %parallel_loop3A_444] {strides = array<i32>} : memref<64x128xf32, #tpu.memory_space<vmem>>, vector<1x16xf32>,
        %parallel_loop3A_446 = vector.shape_cast %parallel_loop3A_445 : vector<1x16xf32> to vector<16xf32>
        %parallel_loop3A_447 = vector.shape_cast %parallel_loop3A_438 : vector<16xf32> to vector<1x16xf32>
        tpu.vector_store %parallel_loop3A_442[%parallel_loop3A_443, %parallel_loop3A_444], %parallel_loop3A_447 {strides = array<i32>} : memref<64x128xf32, #tpu.memory_space<vmem>>, vector<1x16xf32>,
        %parallel_loop3A_448 = arith.constant 0 : i32
        %parallel_loop3A_449 = arith.constant 0 : i32
        %parallel_loop3A_450 = tpu.memref_slice %arg9[%parallel_loop3A_183, %parallel_loop3A_448, %parallel_loop3A_449] : memref<2x64x128xf32, #tpu.memory_space<vmem>> -> memref<1x64x128xf32, #tpu.memory_space<vmem>>
        %parallel_loop3A_451 = tpu.memref_squeeze %parallel_loop3A_450 : memref<1x64x128xf32, #tpu.memory_space<vmem>> -> memref<64x128xf32, #tpu.memory_space<vmem>>
        %parallel_loop3A_452 = arith.index_cast %parallel_loop3A_265 : i32 to index
        %parallel_loop3A_453 = arith.constant 112 : index
        %parallel_loop3A_454 = tpu.vector_load %parallel_loop3A_451[%parallel_loop3A_452, %parallel_loop3A_453] {strides = array<i32>} : memref<64x128xf32, #tpu.memory_space<vmem>>, vector<1x16xf32>,
        %parallel_loop3A_455 = vector.shape_cast %parallel_loop3A_454 : vector<1x16xf32> to vector<16xf32>
        %parallel_loop3A_456 = arith.constant 0 : i32
        %parallel_loop3A_457 = arith.constant 0 : i32
        %parallel_loop3A_458 = tpu.memref_slice %arg10[%parallel_loop3A_184, %parallel_loop3A_456, %parallel_loop3A_457] : memref<2x64x128xf32, #tpu.memory_space<vmem>> -> memref<1x64x128xf32, #tpu.memory_space<vmem>>
        %parallel_loop3A_459 = tpu.memref_squeeze %parallel_loop3A_458 : memref<1x64x128xf32, #tpu.memory_space<vmem>> -> memref<64x128xf32, #tpu.memory_space<vmem>>
        %parallel_loop3A_460 = arith.index_cast %parallel_loop3A_265 : i32 to index
        %parallel_loop3A_461 = arith.constant 112 : index
        %parallel_loop3A_462 = tpu.vector_load %parallel_loop3A_459[%parallel_loop3A_460, %parallel_loop3A_461] {strides = array<i32>} : memref<64x128xf32, #tpu.memory_space<vmem>>, vector<1x16xf32>,
        %parallel_loop3A_463 = vector.shape_cast %parallel_loop3A_462 : vector<1x16xf32> to vector<16xf32>
        %parallel_loop3A_464 = arith.mulf %parallel_loop3A_455, %parallel_loop3A_463 : vector<16xf32>
        %parallel_loop3A_465 = arith.constant 0 : i32
        %parallel_loop3A_466 = arith.constant 0 : i32
        %parallel_loop3A_467 = tpu.memref_slice %arg9[%parallel_loop3A_183, %parallel_loop3A_465, %parallel_loop3A_466] : memref<2x64x128xf32, #tpu.memory_space<vmem>> -> memref<1x64x128xf32, #tpu.memory_space<vmem>>
        %parallel_loop3A_468 = tpu.memref_squeeze %parallel_loop3A_467 : memref<1x64x128xf32, #tpu.memory_space<vmem>> -> memref<64x128xf32, #tpu.memory_space<vmem>>
        %parallel_loop3A_469 = arith.index_cast %parallel_loop3A_265 : i32 to index
        %parallel_loop3A_470 = arith.constant 112 : index
        %parallel_loop3A_471 = tpu.vector_load %parallel_loop3A_468[%parallel_loop3A_469, %parallel_loop3A_470] {strides = array<i32>} : memref<64x128xf32, #tpu.memory_space<vmem>>, vector<1x16xf32>,
        %parallel_loop3A_472 = vector.shape_cast %parallel_loop3A_471 : vector<1x16xf32> to vector<16xf32>
        %parallel_loop3A_473 = vector.shape_cast %parallel_loop3A_464 : vector<16xf32> to vector<1x16xf32>
        tpu.vector_store %parallel_loop3A_468[%parallel_loop3A_469, %parallel_loop3A_470], %parallel_loop3A_473 {strides = array<i32>} : memref<64x128xf32, #tpu.memory_space<vmem>>, vector<1x16xf32>,
      } {sc.loop_unroll_factor = 4 : i64, sc.parallel_access}
      %dma_start3A_185 = arith.constant 0 : i32
      %dma_start3A_186 = arith.constant 0 : i32
      %dma_start3A_187 = arith.constant 0 : i32
      %dma_start3A_188 = arith.constant 0 : i32
      %dma_start3A_189 = tpu.memref_slice %arg9[%dma_start3A_185, %dma_start3A_187, %dma_start3A_188] : memref<2x64x128xf32, #tpu.memory_space<vmem>> -> memref<1x64x128xf32, #tpu.memory_space<vmem>>
      %dma_start3A_190 = tpu.memref_squeeze %dma_start3A_189 : memref<1x64x128xf32, #tpu.memory_space<vmem>> -> memref<64x128xf32, #tpu.memory_space<vmem>>
      %dma_start3A_191 = arith.constant 0 : i32
      %dma_start3A_192 = tpu.memref_slice %arg8[%dma_start3A_186, %dma_start3A_191] : memref<2x64xi32, #tpu.memory_space<vmem>> -> memref<1x64xi32, #tpu.memory_space<vmem>>
      %dma_start3A_193 = tpu.memref_squeeze %dma_start3A_192 : memref<1x64xi32, #tpu.memory_space<vmem>> -> memref<64xi32, #tpu.memory_space<vmem>>
      %dma_start3A_194 = arith.constant 0 : i32
      %dma_start3A_195 = arith.constant 0 : i32
      %dma_start3A_196 = tpu.memref_slice %arg11[%dma_start3A_194, %dma_start3A_195] : memref<10112x128xf32, #tpu.memory_space<vmem_shared>> -> memref<10112x128xf32, #tpu.memory_space<vmem_shared>>
      tpu.enqueue_indirect_dma source(%dma_start3A_190 : memref<64x128xf32, #tpu.memory_space<vmem>>) target(%dma_start3A_196 : memref<10112x128xf32, #tpu.memory_space<vmem_shared>>) offsets(%dma_start3A_193 : memref<64xi32, #tpu.memory_space<vmem>>) semaphore(%arg14 : memref<!tpu.dma_semaphore, #tpu.memory_space<semaphore_mem>>) {add = true}
      %add3A_197 = arith.constant 1 : i32
      %add3A_198 = arith.addi %add3A_132, %add3A_197 : i32
      %mul3A_199 = arith.constant 64 : i32
      %mul3A_200 = arith.muli %add3A_198, %mul3A_199 : i32
      %add3A_201 = arith.addi %mul3A_74, %mul3A_200 : i32
      %dma_wait3A_202 = arith.constant 1 : i32
      %dma_wait3A_203 = arith.constant 0 : i32
      %dma_wait3A_204 = tpu.memref_slice %arg8[%dma_wait3A_202, %dma_wait3A_203] : memref<2x64xi32, #tpu.memory_space<vmem>> -> memref<1x64xi32, #tpu.memory_space<vmem>>
      %dma_wait3A_205 = tpu.memref_squeeze %dma_wait3A_204 : memref<1x64xi32, #tpu.memory_space<vmem>> -> memref<64xi32, #tpu.memory_space<vmem>>
      %dma_wait3A_206 = tpu.memref_slice %arg4[%add3A_201] : memref<323584xi32, #tpu.memory_space<hbm>> -> memref<64xi32, #tpu.memory_space<hbm>>
      %dma_wait3A_207 = arith.constant 0 : i32
      %dma_wait3A_208 = tpu.memref_slice %arg8[%dma_wait3A_202, %dma_wait3A_207] : memref<2x64xi32, #tpu.memory_space<vmem>> -> memref<1x64xi32, #tpu.memory_space<vmem>>
      %dma_wait3A_209 = tpu.memref_squeeze %dma_wait3A_208 : memref<1x64xi32, #tpu.memory_space<vmem>> -> memref<64xi32, #tpu.memory_space<vmem>>
      %dma_wait3A_210 = tpu.memref_slice %arg4[%add3A_201] : memref<323584xi32, #tpu.memory_space<hbm>> -> memref<64xi32, #tpu.memory_space<hbm>>
      tpu.wait_dma2 semaphore(%arg13 : memref<!tpu.dma_semaphore, #tpu.memory_space<semaphore_mem>>) src(%dma_wait3A_210 : memref<64xi32, #tpu.memory_space<hbm>>) dst(%dma_wait3A_209 : memref<64xi32, #tpu.memory_space<vmem>>)
      %mul3A_211 = arith.constant 64 : i32
      %mul3A_212 = arith.muli %add3A_198, %mul3A_211 : i32
      %dma_wait3A_213 = arith.constant 1 : i32
      %dma_wait3A_214 = arith.constant 0 : i32
      %dma_wait3A_215 = arith.constant 0 : i32
      %dma_wait3A_216 = tpu.memref_slice %arg9[%dma_wait3A_213, %dma_wait3A_214, %dma_wait3A_215] : memref<2x64x128xf32, #tpu.memory_space<vmem>> -> memref<1x64x128xf32, #tpu.memory_space<vmem>>
      %dma_wait3A_217 = tpu.memref_squeeze %dma_wait3A_216 : memref<1x64x128xf32, #tpu.memory_space<vmem>> -> memref<64x128xf32, #tpu.memory_space<vmem>>
      %dma_wait3A_218 = tpu.memref_slice %arg7[%mul3A_212] : memref<10112xi32, #tpu.memory_space<vmem>> -> memref<64xi32, #tpu.memory_space<vmem>>
      %dma_wait3A_219 = arith.constant 0 : i32
      %dma_wait3A_220 = arith.constant 0 : i32
      %dma_wait3A_221 = tpu.memref_slice %arg2[%dma_wait3A_219, %dma_wait3A_220] : memref<10000x128xf32, #tpu.memory_space<hbm>> -> memref<10000x128xf32, #tpu.memory_space<hbm>>
      tpu.wait_indirect_dma semaphore(%arg13 : memref<!tpu.dma_semaphore, #tpu.memory_space<semaphore_mem>>) src(%dma_wait3A_221 : memref<10000x128xf32, #tpu.memory_space<hbm>>) dst(%dma_wait3A_217 : memref<64x128xf32, #tpu.memory_space<vmem>>)
      %mul3A_222 = arith.constant 64 : i32
      %mul3A_223 = arith.muli %add3A_198, %mul3A_222 : i32
      %add3A_224 = arith.addi %mul3A_74, %mul3A_223 : i32
      %dma_wait3A_225 = arith.constant 1 : i32
      %dma_wait3A_226 = arith.constant 0 : i32
      %dma_wait3A_227 = arith.constant 0 : i32
      %dma_wait3A_228 = tpu.memref_slice %arg10[%dma_wait3A_225, %dma_wait3A_226, %dma_wait3A_227] : memref<2x64x128xf32, #tpu.memory_space<vmem>> -> memref<1x64x128xf32, #tpu.memory_space<vmem>>
      %dma_wait3A_229 = tpu.memref_squeeze %dma_wait3A_228 : memref<1x64x128xf32, #tpu.memory_space<vmem>> -> memref<64x128xf32, #tpu.memory_space<vmem>>
      %dma_wait3A_230 = arith.constant 0 : i32
      %dma_wait3A_231 = tpu.memref_slice %arg5[%add3A_224, %dma_wait3A_230] : memref<323584x128xf32, #tpu.memory_space<hbm>> -> memref<64x128xf32, #tpu.memory_space<hbm>>
      %dma_wait3A_232 = arith.constant 0 : i32
      %dma_wait3A_233 = arith.constant 0 : i32
      %dma_wait3A_234 = tpu.memref_slice %arg10[%dma_wait3A_225, %dma_wait3A_232, %dma_wait3A_233] : memref<2x64x128xf32, #tpu.memory_space<vmem>> -> memref<1x64x128xf32, #tpu.memory_space<vmem>>
      %dma_wait3A_235 = tpu.memref_squeeze %dma_wait3A_234 : memref<1x64x128xf32, #tpu.memory_space<vmem>> -> memref<64x128xf32, #tpu.memory_space<vmem>>
      %dma_wait3A_236 = arith.constant 0 : i32
      %dma_wait3A_237 = tpu.memref_slice %arg5[%add3A_224, %dma_wait3A_236] : memref<323584x128xf32, #tpu.memory_space<hbm>> -> memref<64x128xf32, #tpu.memory_space<hbm>>
      tpu.wait_dma2 semaphore(%arg13 : memref<!tpu.dma_semaphore, #tpu.memory_space<semaphore_mem>>) src(%dma_wait3A_237 : memref<64x128xf32, #tpu.memory_space<hbm>>) dst(%dma_wait3A_235 : memref<64x128xf32, #tpu.memory_space<vmem>>)
      %gt3A_238 = arith.constant 0 : i32
      %gt3A_239 = arith.cmpi sgt, %add3A_198, %gt3A_238 : i32
      %convert_element_type3A_240 = arith.extui %gt3A_239 : i1 to i32
      %cond3A_241 = arith.constant 0 : i32
      %cond3A_242 = arith.cmpi ne, %convert_element_type3A_240, %cond3A_241 : i32
      scf.if %cond3A_242 {
        %dma_wait3A_265 = arith.constant 0 : i32
        %dma_wait3A_266 = arith.constant 0 : i32
        %dma_wait3A_267 = arith.constant 0 : i32
        %dma_wait3A_268 = arith.constant 0 : i32
        %dma_wait3A_269 = tpu.memref_slice %arg9[%dma_wait3A_265, %dma_wait3A_267, %dma_wait3A_268] : memref<2x64x128xf32, #tpu.memory_space<vmem>> -> memref<1x64x128xf32, #tpu.memory_space<vmem>>
        %dma_wait3A_270 = tpu.memref_squeeze %dma_wait3A_269 : memref<1x64x128xf32, #tpu.memory_space<vmem>> -> memref<64x128xf32, #tpu.memory_space<vmem>>
        %dma_wait3A_271 = arith.constant 0 : i32
        %dma_wait3A_272 = tpu.memref_slice %arg8[%dma_wait3A_266, %dma_wait3A_271] : memref<2x64xi32, #tpu.memory_space<vmem>> -> memref<1x64xi32, #tpu.memory_space<vmem>>
        %dma_wait3A_273 = tpu.memref_squeeze %dma_wait3A_272 : memref<1x64xi32, #tpu.memory_space<vmem>> -> memref<64xi32, #tpu.memory_space<vmem>>
        %dma_wait3A_274 = arith.constant 0 : i32
        %dma_wait3A_275 = arith.constant 0 : i32
        %dma_wait3A_276 = tpu.memref_slice %arg11[%dma_wait3A_274, %dma_wait3A_275] : memref<10112x128xf32, #tpu.memory_space<vmem_shared>> -> memref<10112x128xf32, #tpu.memory_space<vmem_shared>>
        tpu.wait_indirect_dma semaphore(%arg14 : memref<!tpu.dma_semaphore, #tpu.memory_space<semaphore_mem>>) src(%dma_wait3A_270 : memref<64x128xf32, #tpu.memory_space<vmem>>) dst(%dma_wait3A_276 : memref<10112x128xf32, #tpu.memory_space<vmem_shared>>)
      } else {
      }
      %lt3A_243 = arith.constant 157 : i32
      %lt3A_244 = arith.cmpi slt, %add3A_198, %lt3A_243 : i32
      %convert_element_type3A_245 = arith.extui %lt3A_244 : i1 to i32
      %cond3A_246 = arith.constant 0 : i32
      %cond3A_247 = arith.cmpi ne, %convert_element_type3A_245, %cond3A_246 : i32
      scf.if %cond3A_247 {
        %add3A_265 = arith.constant 1 : i32
        %add3A_266 = arith.addi %add3A_198, %add3A_265 : i32
        %mul3A_267 = arith.constant 64 : i32
        %mul3A_268 = arith.muli %add3A_266, %mul3A_267 : i32
        %add3A_269 = arith.addi %mul3A_74, %mul3A_268 : i32
        %dma_start3A_270 = arith.constant 0 : i32
        %dma_start3A_271 = arith.constant 0 : i32
        %dma_start3A_272 = tpu.memref_slice %arg8[%dma_start3A_270, %dma_start3A_271] : memref<2x64xi32, #tpu.memory_space<vmem>> -> memref<1x64xi32, #tpu.memory_space<vmem>>
        %dma_start3A_273 = tpu.memref_squeeze %dma_start3A_272 : memref<1x64xi32, #tpu.memory_space<vmem>> -> memref<64xi32, #tpu.memory_space<vmem>>
        %dma_start3A_274 = tpu.memref_slice %arg4[%add3A_269] : memref<323584xi32, #tpu.memory_space<hbm>> -> memref<64xi32, #tpu.memory_space<hbm>>
        %dma_start3A_275 = arith.constant 0 : i32
        %dma_start3A_276 = tpu.memref_slice %arg8[%dma_start3A_270, %dma_start3A_275] : memref<2x64xi32, #tpu.memory_space<vmem>> -> memref<1x64xi32, #tpu.memory_space<vmem>>
        %dma_start3A_277 = tpu.memref_squeeze %dma_start3A_276 : memref<1x64xi32, #tpu.memory_space<vmem>> -> memref<64xi32, #tpu.memory_space<vmem>>
        %dma_start3A_278 = tpu.memref_slice %arg4[%add3A_269] : memref<323584xi32, #tpu.memory_space<hbm>> -> memref<64xi32, #tpu.memory_space<hbm>>
        tpu.enqueue_dma source(%dma_start3A_278 : memref<64xi32, #tpu.memory_space<hbm>>) target(%dma_start3A_277 : memref<64xi32, #tpu.memory_space<vmem>>) target_semaphore(%arg12 : memref<!tpu.dma_semaphore, #tpu.memory_space<semaphore_mem>>)
        %mul3A_279 = arith.constant 64 : i32
        %mul3A_280 = arith.muli %add3A_266, %mul3A_279 : i32
        %dma_start3A_281 = arith.constant 0 : i32
        %dma_start3A_282 = arith.constant 0 : i32
        %dma_start3A_283 = arith.constant 0 : i32
        %dma_start3A_284 = tpu.memref_slice %arg9[%dma_start3A_281, %dma_start3A_282, %dma_start3A_283] : memref<2x64x128xf32, #tpu.memory_space<vmem>> -> memref<1x64x128xf32, #tpu.memory_space<vmem>>
        %dma_start3A_285 = tpu.memref_squeeze %dma_start3A_284 : memref<1x64x128xf32, #tpu.memory_space<vmem>> -> memref<64x128xf32, #tpu.memory_space<vmem>>
        %dma_start3A_286 = tpu.memref_slice %arg7[%mul3A_280] : memref<10112xi32, #tpu.memory_space<vmem>> -> memref<64xi32, #tpu.memory_space<vmem>>
        %dma_start3A_287 = arith.constant 0 : i32
        %dma_start3A_288 = arith.constant 0 : i32
        %dma_start3A_289 = tpu.memref_slice %arg2[%dma_start3A_287, %dma_start3A_288] : memref<10000x128xf32, #tpu.memory_space<hbm>> -> memref<10000x128xf32, #tpu.memory_space<hbm>>
        tpu.enqueue_indirect_dma source(%dma_start3A_289 : memref<10000x128xf32, #tpu.memory_space<hbm>>) target(%dma_start3A_285 : memref<64x128xf32, #tpu.memory_space<vmem>>) offsets(%dma_start3A_286 : memref<64xi32, #tpu.memory_space<vmem>>) semaphore(%arg12 : memref<!tpu.dma_semaphore, #tpu.memory_space<semaphore_mem>>)
        %mul3A_290 = arith.constant 64 : i32
        %mul3A_291 = arith.muli %add3A_266, %mul3A_290 : i32
        %add3A_292 = arith.addi %mul3A_74, %mul3A_291 : i32
        %dma_start3A_293 = arith.constant 0 : i32
        %dma_start3A_294 = arith.constant 0 : i32
        %dma_start3A_295 = arith.constant 0 : i32
        %dma_start3A_296 = tpu.memref_slice %arg10[%dma_start3A_293, %dma_start3A_294, %dma_start3A_295] : memref<2x64x128xf32, #tpu.memory_space<vmem>> -> memref<1x64x128xf32, #tpu.memory_space<vmem>>
        %dma_start3A_297 = tpu.memref_squeeze %dma_start3A_296 : memref<1x64x128xf32, #tpu.memory_space<vmem>> -> memref<64x128xf32, #tpu.memory_space<vmem>>
        %dma_start3A_298 = arith.constant 0 : i32
        %dma_start3A_299 = tpu.memref_slice %arg5[%add3A_292, %dma_start3A_298] : memref<323584x128xf32, #tpu.memory_space<hbm>> -> memref<64x128xf32, #tpu.memory_space<hbm>>
        %dma_start3A_300 = arith.constant 0 : i32
        %dma_start3A_301 = arith.constant 0 : i32
        %dma_start3A_302 = tpu.memref_slice %arg10[%dma_start3A_293, %dma_start3A_300, %dma_start3A_301] : memref<2x64x128xf32, #tpu.memory_space<vmem>> -> memref<1x64x128xf32, #tpu.memory_space<vmem>>
        %dma_start3A_303 = tpu.memref_squeeze %dma_start3A_302 : memref<1x64x128xf32, #tpu.memory_space<vmem>> -> memref<64x128xf32, #tpu.memory_space<vmem>>
        %dma_start3A_304 = arith.constant 0 : i32
        %dma_start3A_305 = tpu.memref_slice %arg5[%add3A_292, %dma_start3A_304] : memref<323584x128xf32, #tpu.memory_space<hbm>> -> memref<64x128xf32, #tpu.memory_space<hbm>>
        tpu.enqueue_dma source(%dma_start3A_305 : memref<64x128xf32, #tpu.memory_space<hbm>>) target(%dma_start3A_303 : memref<64x128xf32, #tpu.memory_space<vmem>>) target_semaphore(%arg12 : memref<!tpu.dma_semaphore, #tpu.memory_space<semaphore_mem>>)
      } else {
      }
      %parallel_loop3A_248 = arith.constant 0 : i32
      %parallel_loop3A_249 = arith.constant 64 : i32
      %parallel_loop3A_250 = arith.constant 1 : i32
      %parallel_loop3A_251 = arith.constant 1 : i32
      %parallel_loop3A_252 = arith.constant 1 : i32
      scf.for %parallel_loop3A_265 = %parallel_loop3A_248 to %parallel_loop3A_249 step %parallel_loop3A_250  : i32 {
        %parallel_loop3A_266 = arith.constant 0 : i32
        %parallel_loop3A_267 = arith.constant 0 : i32
        %parallel_loop3A_268 = tpu.memref_slice %arg9[%parallel_loop3A_251, %parallel_loop3A_266, %parallel_loop3A_267] : memref<2x64x128xf32, #tpu.memory_space<vmem>> -> memref<1x64x128xf32, #tpu.memory_space<vmem>>
        %parallel_loop3A_269 = tpu.memref_squeeze %parallel_loop3A_268 : memref<1x64x128xf32, #tpu.memory_space<vmem>> -> memref<64x128xf32, #tpu.memory_space<vmem>>
        %parallel_loop3A_270 = arith.index_cast %parallel_loop3A_265 : i32 to index
        %parallel_loop3A_271 = arith.constant 0 : index
        %parallel_loop3A_272 = tpu.vector_load %parallel_loop3A_269[%parallel_loop3A_270, %parallel_loop3A_271] {strides = array<i32>} : memref<64x128xf32, #tpu.memory_space<vmem>>, vector<1x16xf32>,
        %parallel_loop3A_273 = vector.shape_cast %parallel_loop3A_272 : vector<1x16xf32> to vector<16xf32>
        %parallel_loop3A_274 = arith.constant 0 : i32
        %parallel_loop3A_275 = arith.constant 0 : i32
        %parallel_loop3A_276 = tpu.memref_slice %arg10[%parallel_loop3A_252, %parallel_loop3A_274, %parallel_loop3A_275] : memref<2x64x128xf32, #tpu.memory_space<vmem>> -> memref<1x64x128xf32, #tpu.memory_space<vmem>>
        %parallel_loop3A_277 = tpu.memref_squeeze %parallel_loop3A_276 : memref<1x64x128xf32, #tpu.memory_space<vmem>> -> memref<64x128xf32, #tpu.memory_space<vmem>>
        %parallel_loop3A_278 = arith.index_cast %parallel_loop3A_265 : i32 to index
        %parallel_loop3A_279 = arith.constant 0 : index
        %parallel_loop3A_280 = tpu.vector_load %parallel_loop3A_277[%parallel_loop3A_278, %parallel_loop3A_279] {strides = array<i32>} : memref<64x128xf32, #tpu.memory_space<vmem>>, vector<1x16xf32>,
        %parallel_loop3A_281 = vector.shape_cast %parallel_loop3A_280 : vector<1x16xf32> to vector<16xf32>
        %parallel_loop3A_282 = arith.mulf %parallel_loop3A_273, %parallel_loop3A_281 : vector<16xf32>
        %parallel_loop3A_283 = arith.constant 0 : i32
        %parallel_loop3A_284 = arith.constant 0 : i32
        %parallel_loop3A_285 = tpu.memref_slice %arg9[%parallel_loop3A_251, %parallel_loop3A_283, %parallel_loop3A_284] : memref<2x64x128xf32, #tpu.memory_space<vmem>> -> memref<1x64x128xf32, #tpu.memory_space<vmem>>
        %parallel_loop3A_286 = tpu.memref_squeeze %parallel_loop3A_285 : memref<1x64x128xf32, #tpu.memory_space<vmem>> -> memref<64x128xf32, #tpu.memory_space<vmem>>
        %parallel_loop3A_287 = arith.index_cast %parallel_loop3A_265 : i32 to index
        %parallel_loop3A_288 = arith.constant 0 : index
        %parallel_loop3A_289 = tpu.vector_load %parallel_loop3A_286[%parallel_loop3A_287, %parallel_loop3A_288] {strides = array<i32>} : memref<64x128xf32, #tpu.memory_space<vmem>>, vector<1x16xf32>,
        %parallel_loop3A_290 = vector.shape_cast %parallel_loop3A_289 : vector<1x16xf32> to vector<16xf32>
        %parallel_loop3A_291 = vector.shape_cast %parallel_loop3A_282 : vector<16xf32> to vector<1x16xf32>
        tpu.vector_store %parallel_loop3A_286[%parallel_loop3A_287, %parallel_loop3A_288], %parallel_loop3A_291 {strides = array<i32>} : memref<64x128xf32, #tpu.memory_space<vmem>>, vector<1x16xf32>,
        %parallel_loop3A_292 = arith.constant 0 : i32
        %parallel_loop3A_293 = arith.constant 0 : i32
        %parallel_loop3A_294 = tpu.memref_slice %arg9[%parallel_loop3A_251, %parallel_loop3A_292, %parallel_loop3A_293] : memref<2x64x128xf32, #tpu.memory_space<vmem>> -> memref<1x64x128xf32, #tpu.memory_space<vmem>>
        %parallel_loop3A_295 = tpu.memref_squeeze %parallel_loop3A_294 : memref<1x64x128xf32, #tpu.memory_space<vmem>> -> memref<64x128xf32, #tpu.memory_space<vmem>>
        %parallel_loop3A_296 = arith.index_cast %parallel_loop3A_265 : i32 to index
        %parallel_loop3A_297 = arith.constant 16 : index
        %parallel_loop3A_298 = tpu.vector_load %parallel_loop3A_295[%parallel_loop3A_296, %parallel_loop3A_297] {strides = array<i32>} : memref<64x128xf32, #tpu.memory_space<vmem>>, vector<1x16xf32>,
        %parallel_loop3A_299 = vector.shape_cast %parallel_loop3A_298 : vector<1x16xf32> to vector<16xf32>
        %parallel_loop3A_300 = arith.constant 0 : i32
        %parallel_loop3A_301 = arith.constant 0 : i32
        %parallel_loop3A_302 = tpu.memref_slice %arg10[%parallel_loop3A_252, %parallel_loop3A_300, %parallel_loop3A_301] : memref<2x64x128xf32, #tpu.memory_space<vmem>> -> memref<1x64x128xf32, #tpu.memory_space<vmem>>
        %parallel_loop3A_303 = tpu.memref_squeeze %parallel_loop3A_302 : memref<1x64x128xf32, #tpu.memory_space<vmem>> -> memref<64x128xf32, #tpu.memory_space<vmem>>
        %parallel_loop3A_304 = arith.index_cast %parallel_loop3A_265 : i32 to index
        %parallel_loop3A_305 = arith.constant 16 : index
        %parallel_loop3A_306 = tpu.vector_load %parallel_loop3A_303[%parallel_loop3A_304, %parallel_loop3A_305] {strides = array<i32>} : memref<64x128xf32, #tpu.memory_space<vmem>>, vector<1x16xf32>,
        %parallel_loop3A_307 = vector.shape_cast %parallel_loop3A_306 : vector<1x16xf32> to vector<16xf32>
        %parallel_loop3A_308 = arith.mulf %parallel_loop3A_299, %parallel_loop3A_307 : vector<16xf32>
        %parallel_loop3A_309 = arith.constant 0 : i32
        %parallel_loop3A_310 = arith.constant 0 : i32
        %parallel_loop3A_311 = tpu.memref_slice %arg9[%parallel_loop3A_251, %parallel_loop3A_309, %parallel_loop3A_310] : memref<2x64x128xf32, #tpu.memory_space<vmem>> -> memref<1x64x128xf32, #tpu.memory_space<vmem>>
        %parallel_loop3A_312 = tpu.memref_squeeze %parallel_loop3A_311 : memref<1x64x128xf32, #tpu.memory_space<vmem>> -> memref<64x128xf32, #tpu.memory_space<vmem>>
        %parallel_loop3A_313 = arith.index_cast %parallel_loop3A_265 : i32 to index
        %parallel_loop3A_314 = arith.constant 16 : index
        %parallel_loop3A_315 = tpu.vector_load %parallel_loop3A_312[%parallel_loop3A_313, %parallel_loop3A_314] {strides = array<i32>} : memref<64x128xf32, #tpu.memory_space<vmem>>, vector<1x16xf32>,
        %parallel_loop3A_316 = vector.shape_cast %parallel_loop3A_315 : vector<1x16xf32> to vector<16xf32>
        %parallel_loop3A_317 = vector.shape_cast %parallel_loop3A_308 : vector<16xf32> to vector<1x16xf32>
        tpu.vector_store %parallel_loop3A_312[%parallel_loop3A_313, %parallel_loop3A_314], %parallel_loop3A_317 {strides = array<i32>} : memref<64x128xf32, #tpu.memory_space<vmem>>, vector<1x16xf32>,
        %parallel_loop3A_318 = arith.constant 0 : i32
        %parallel_loop3A_319 = arith.constant 0 : i32
        %parallel_loop3A_320 = tpu.memref_slice %arg9[%parallel_loop3A_251, %parallel_loop3A_318, %parallel_loop3A_319] : memref<2x64x128xf32, #tpu.memory_space<vmem>> -> memref<1x64x128xf32, #tpu.memory_space<vmem>>
        %parallel_loop3A_321 = tpu.memref_squeeze %parallel_loop3A_320 : memref<1x64x128xf32, #tpu.memory_space<vmem>> -> memref<64x128xf32, #tpu.memory_space<vmem>>
        %parallel_loop3A_322 = arith.index_cast %parallel_loop3A_265 : i32 to index
        %parallel_loop3A_323 = arith.constant 32 : index
        %parallel_loop3A_324 = tpu.vector_load %parallel_loop3A_321[%parallel_loop3A_322, %parallel_loop3A_323] {strides = array<i32>} : memref<64x128xf32, #tpu.memory_space<vmem>>, vector<1x16xf32>,
        %parallel_loop3A_325 = vector.shape_cast %parallel_loop3A_324 : vector<1x16xf32> to vector<16xf32>
        %parallel_loop3A_326 = arith.constant 0 : i32
        %parallel_loop3A_327 = arith.constant 0 : i32
        %parallel_loop3A_328 = tpu.memref_slice %arg10[%parallel_loop3A_252, %parallel_loop3A_326, %parallel_loop3A_327] : memref<2x64x128xf32, #tpu.memory_space<vmem>> -> memref<1x64x128xf32, #tpu.memory_space<vmem>>
        %parallel_loop3A_329 = tpu.memref_squeeze %parallel_loop3A_328 : memref<1x64x128xf32, #tpu.memory_space<vmem>> -> memref<64x128xf32, #tpu.memory_space<vmem>>
        %parallel_loop3A_330 = arith.index_cast %parallel_loop3A_265 : i32 to index
        %parallel_loop3A_331 = arith.constant 32 : index
        %parallel_loop3A_332 = tpu.vector_load %parallel_loop3A_329[%parallel_loop3A_330, %parallel_loop3A_331] {strides = array<i32>} : memref<64x128xf32, #tpu.memory_space<vmem>>, vector<1x16xf32>,
        %parallel_loop3A_333 = vector.shape_cast %parallel_loop3A_332 : vector<1x16xf32> to vector<16xf32>
        %parallel_loop3A_334 = arith.mulf %parallel_loop3A_325, %parallel_loop3A_333 : vector<16xf32>
        %parallel_loop3A_335 = arith.constant 0 : i32
        %parallel_loop3A_336 = arith.constant 0 : i32
        %parallel_loop3A_337 = tpu.memref_slice %arg9[%parallel_loop3A_251, %parallel_loop3A_335, %parallel_loop3A_336] : memref<2x64x128xf32, #tpu.memory_space<vmem>> -> memref<1x64x128xf32, #tpu.memory_space<vmem>>
        %parallel_loop3A_338 = tpu.memref_squeeze %parallel_loop3A_337 : memref<1x64x128xf32, #tpu.memory_space<vmem>> -> memref<64x128xf32, #tpu.memory_space<vmem>>
        %parallel_loop3A_339 = arith.index_cast %parallel_loop3A_265 : i32 to index
        %parallel_loop3A_340 = arith.constant 32 : index
        %parallel_loop3A_341 = tpu.vector_load %parallel_loop3A_338[%parallel_loop3A_339, %parallel_loop3A_340] {strides = array<i32>} : memref<64x128xf32, #tpu.memory_space<vmem>>, vector<1x16xf32>,
        %parallel_loop3A_342 = vector.shape_cast %parallel_loop3A_341 : vector<1x16xf32> to vector<16xf32>
        %parallel_loop3A_343 = vector.shape_cast %parallel_loop3A_334 : vector<16xf32> to vector<1x16xf32>
        tpu.vector_store %parallel_loop3A_338[%parallel_loop3A_339, %parallel_loop3A_340], %parallel_loop3A_343 {strides = array<i32>} : memref<64x128xf32, #tpu.memory_space<vmem>>, vector<1x16xf32>,
        %parallel_loop3A_344 = arith.constant 0 : i32
        %parallel_loop3A_345 = arith.constant 0 : i32
        %parallel_loop3A_346 = tpu.memref_slice %arg9[%parallel_loop3A_251, %parallel_loop3A_344, %parallel_loop3A_345] : memref<2x64x128xf32, #tpu.memory_space<vmem>> -> memref<1x64x128xf32, #tpu.memory_space<vmem>>
        %parallel_loop3A_347 = tpu.memref_squeeze %parallel_loop3A_346 : memref<1x64x128xf32, #tpu.memory_space<vmem>> -> memref<64x128xf32, #tpu.memory_space<vmem>>
        %parallel_loop3A_348 = arith.index_cast %parallel_loop3A_265 : i32 to index
        %parallel_loop3A_349 = arith.constant 48 : index
        %parallel_loop3A_350 = tpu.vector_load %parallel_loop3A_347[%parallel_loop3A_348, %parallel_loop3A_349] {strides = array<i32>} : memref<64x128xf32, #tpu.memory_space<vmem>>, vector<1x16xf32>,
        %parallel_loop3A_351 = vector.shape_cast %parallel_loop3A_350 : vector<1x16xf32> to vector<16xf32>
        %parallel_loop3A_352 = arith.constant 0 : i32
        %parallel_loop3A_353 = arith.constant 0 : i32
        %parallel_loop3A_354 = tpu.memref_slice %arg10[%parallel_loop3A_252, %parallel_loop3A_352, %parallel_loop3A_353] : memref<2x64x128xf32, #tpu.memory_space<vmem>> -> memref<1x64x128xf32, #tpu.memory_space<vmem>>
        %parallel_loop3A_355 = tpu.memref_squeeze %parallel_loop3A_354 : memref<1x64x128xf32, #tpu.memory_space<vmem>> -> memref<64x128xf32, #tpu.memory_space<vmem>>
        %parallel_loop3A_356 = arith.index_cast %parallel_loop3A_265 : i32 to index
        %parallel_loop3A_357 = arith.constant 48 : index
        %parallel_loop3A_358 = tpu.vector_load %parallel_loop3A_355[%parallel_loop3A_356, %parallel_loop3A_357] {strides = array<i32>} : memref<64x128xf32, #tpu.memory_space<vmem>>, vector<1x16xf32>,
        %parallel_loop3A_359 = vector.shape_cast %parallel_loop3A_358 : vector<1x16xf32> to vector<16xf32>
        %parallel_loop3A_360 = arith.mulf %parallel_loop3A_351, %parallel_loop3A_359 : vector<16xf32>
        %parallel_loop3A_361 = arith.constant 0 : i32
        %parallel_loop3A_362 = arith.constant 0 : i32
        %parallel_loop3A_363 = tpu.memref_slice %arg9[%parallel_loop3A_251, %parallel_loop3A_361, %parallel_loop3A_362] : memref<2x64x128xf32, #tpu.memory_space<vmem>> -> memref<1x64x128xf32, #tpu.memory_space<vmem>>
        %parallel_loop3A_364 = tpu.memref_squeeze %parallel_loop3A_363 : memref<1x64x128xf32, #tpu.memory_space<vmem>> -> memref<64x128xf32, #tpu.memory_space<vmem>>
        %parallel_loop3A_365 = arith.index_cast %parallel_loop3A_265 : i32 to index
        %parallel_loop3A_366 = arith.constant 48 : index
        %parallel_loop3A_367 = tpu.vector_load %parallel_loop3A_364[%parallel_loop3A_365, %parallel_loop3A_366] {strides = array<i32>} : memref<64x128xf32, #tpu.memory_space<vmem>>, vector<1x16xf32>,
        %parallel_loop3A_368 = vector.shape_cast %parallel_loop3A_367 : vector<1x16xf32> to vector<16xf32>
        %parallel_loop3A_369 = vector.shape_cast %parallel_loop3A_360 : vector<16xf32> to vector<1x16xf32>
        tpu.vector_store %parallel_loop3A_364[%parallel_loop3A_365, %parallel_loop3A_366], %parallel_loop3A_369 {strides = array<i32>} : memref<64x128xf32, #tpu.memory_space<vmem>>, vector<1x16xf32>,
        %parallel_loop3A_370 = arith.constant 0 : i32
        %parallel_loop3A_371 = arith.constant 0 : i32
        %parallel_loop3A_372 = tpu.memref_slice %arg9[%parallel_loop3A_251, %parallel_loop3A_370, %parallel_loop3A_371] : memref<2x64x128xf32, #tpu.memory_space<vmem>> -> memref<1x64x128xf32, #tpu.memory_space<vmem>>
        %parallel_loop3A_373 = tpu.memref_squeeze %parallel_loop3A_372 : memref<1x64x128xf32, #tpu.memory_space<vmem>> -> memref<64x128xf32, #tpu.memory_space<vmem>>
        %parallel_loop3A_374 = arith.index_cast %parallel_loop3A_265 : i32 to index
        %parallel_loop3A_375 = arith.constant 64 : index
        %parallel_loop3A_376 = tpu.vector_load %parallel_loop3A_373[%parallel_loop3A_374, %parallel_loop3A_375] {strides = array<i32>} : memref<64x128xf32, #tpu.memory_space<vmem>>, vector<1x16xf32>,
        %parallel_loop3A_377 = vector.shape_cast %parallel_loop3A_376 : vector<1x16xf32> to vector<16xf32>
        %parallel_loop3A_378 = arith.constant 0 : i32
        %parallel_loop3A_379 = arith.constant 0 : i32
        %parallel_loop3A_380 = tpu.memref_slice %arg10[%parallel_loop3A_252, %parallel_loop3A_378, %parallel_loop3A_379] : memref<2x64x128xf32, #tpu.memory_space<vmem>> -> memref<1x64x128xf32, #tpu.memory_space<vmem>>
        %parallel_loop3A_381 = tpu.memref_squeeze %parallel_loop3A_380 : memref<1x64x128xf32, #tpu.memory_space<vmem>> -> memref<64x128xf32, #tpu.memory_space<vmem>>
        %parallel_loop3A_382 = arith.index_cast %parallel_loop3A_265 : i32 to index
        %parallel_loop3A_383 = arith.constant 64 : index
        %parallel_loop3A_384 = tpu.vector_load %parallel_loop3A_381[%parallel_loop3A_382, %parallel_loop3A_383] {strides = array<i32>} : memref<64x128xf32, #tpu.memory_space<vmem>>, vector<1x16xf32>,
        %parallel_loop3A_385 = vector.shape_cast %parallel_loop3A_384 : vector<1x16xf32> to vector<16xf32>
        %parallel_loop3A_386 = arith.mulf %parallel_loop3A_377, %parallel_loop3A_385 : vector<16xf32>
        %parallel_loop3A_387 = arith.constant 0 : i32
        %parallel_loop3A_388 = arith.constant 0 : i32
        %parallel_loop3A_389 = tpu.memref_slice %arg9[%parallel_loop3A_251, %parallel_loop3A_387, %parallel_loop3A_388] : memref<2x64x128xf32, #tpu.memory_space<vmem>> -> memref<1x64x128xf32, #tpu.memory_space<vmem>>
        %parallel_loop3A_390 = tpu.memref_squeeze %parallel_loop3A_389 : memref<1x64x128xf32, #tpu.memory_space<vmem>> -> memref<64x128xf32, #tpu.memory_space<vmem>>
        %parallel_loop3A_391 = arith.index_cast %parallel_loop3A_265 : i32 to index
        %parallel_loop3A_392 = arith.constant 64 : index
        %parallel_loop3A_393 = tpu.vector_load %parallel_loop3A_390[%parallel_loop3A_391, %parallel_loop3A_392] {strides = array<i32>} : memref<64x128xf32, #tpu.memory_space<vmem>>, vector<1x16xf32>,
        %parallel_loop3A_394 = vector.shape_cast %parallel_loop3A_393 : vector<1x16xf32> to vector<16xf32>
        %parallel_loop3A_395 = vector.shape_cast %parallel_loop3A_386 : vector<16xf32> to vector<1x16xf32>
        tpu.vector_store %parallel_loop3A_390[%parallel_loop3A_391, %parallel_loop3A_392], %parallel_loop3A_395 {strides = array<i32>} : memref<64x128xf32, #tpu.memory_space<vmem>>, vector<1x16xf32>,
        %parallel_loop3A_396 = arith.constant 0 : i32
        %parallel_loop3A_397 = arith.constant 0 : i32
        %parallel_loop3A_398 = tpu.memref_slice %arg9[%parallel_loop3A_251, %parallel_loop3A_396, %parallel_loop3A_397] : memref<2x64x128xf32, #tpu.memory_space<vmem>> -> memref<1x64x128xf32, #tpu.memory_space<vmem>>
        %parallel_loop3A_399 = tpu.memref_squeeze %parallel_loop3A_398 : memref<1x64x128xf32, #tpu.memory_space<vmem>> -> memref<64x128xf32, #tpu.memory_space<vmem>>
        %parallel_loop3A_400 = arith.index_cast %parallel_loop3A_265 : i32 to index
        %parallel_loop3A_401 = arith.constant 80 : index
        %parallel_loop3A_402 = tpu.vector_load %parallel_loop3A_399[%parallel_loop3A_400, %parallel_loop3A_401] {strides = array<i32>} : memref<64x128xf32, #tpu.memory_space<vmem>>, vector<1x16xf32>,
        %parallel_loop3A_403 = vector.shape_cast %parallel_loop3A_402 : vector<1x16xf32> to vector<16xf32>
        %parallel_loop3A_404 = arith.constant 0 : i32
        %parallel_loop3A_405 = arith.constant 0 : i32
        %parallel_loop3A_406 = tpu.memref_slice %arg10[%parallel_loop3A_252, %parallel_loop3A_404, %parallel_loop3A_405] : memref<2x64x128xf32, #tpu.memory_space<vmem>> -> memref<1x64x128xf32, #tpu.memory_space<vmem>>
        %parallel_loop3A_407 = tpu.memref_squeeze %parallel_loop3A_406 : memref<1x64x128xf32, #tpu.memory_space<vmem>> -> memref<64x128xf32, #tpu.memory_space<vmem>>
        %parallel_loop3A_408 = arith.index_cast %parallel_loop3A_265 : i32 to index
        %parallel_loop3A_409 = arith.constant 80 : index
        %parallel_loop3A_410 = tpu.vector_load %parallel_loop3A_407[%parallel_loop3A_408, %parallel_loop3A_409] {strides = array<i32>} : memref<64x128xf32, #tpu.memory_space<vmem>>, vector<1x16xf32>,
        %parallel_loop3A_411 = vector.shape_cast %parallel_loop3A_410 : vector<1x16xf32> to vector<16xf32>
        %parallel_loop3A_412 = arith.mulf %parallel_loop3A_403, %parallel_loop3A_411 : vector<16xf32>
        %parallel_loop3A_413 = arith.constant 0 : i32
        %parallel_loop3A_414 = arith.constant 0 : i32
        %parallel_loop3A_415 = tpu.memref_slice %arg9[%parallel_loop3A_251, %parallel_loop3A_413, %parallel_loop3A_414] : memref<2x64x128xf32, #tpu.memory_space<vmem>> -> memref<1x64x128xf32, #tpu.memory_space<vmem>>
        %parallel_loop3A_416 = tpu.memref_squeeze %parallel_loop3A_415 : memref<1x64x128xf32, #tpu.memory_space<vmem>> -> memref<64x128xf32, #tpu.memory_space<vmem>>
        %parallel_loop3A_417 = arith.index_cast %parallel_loop3A_265 : i32 to index
        %parallel_loop3A_418 = arith.constant 80 : index
        %parallel_loop3A_419 = tpu.vector_load %parallel_loop3A_416[%parallel_loop3A_417, %parallel_loop3A_418] {strides = array<i32>} : memref<64x128xf32, #tpu.memory_space<vmem>>, vector<1x16xf32>,
        %parallel_loop3A_420 = vector.shape_cast %parallel_loop3A_419 : vector<1x16xf32> to vector<16xf32>
        %parallel_loop3A_421 = vector.shape_cast %parallel_loop3A_412 : vector<16xf32> to vector<1x16xf32>
        tpu.vector_store %parallel_loop3A_416[%parallel_loop3A_417, %parallel_loop3A_418], %parallel_loop3A_421 {strides = array<i32>} : memref<64x128xf32, #tpu.memory_space<vmem>>, vector<1x16xf32>,
        %parallel_loop3A_422 = arith.constant 0 : i32
        %parallel_loop3A_423 = arith.constant 0 : i32
        %parallel_loop3A_424 = tpu.memref_slice %arg9[%parallel_loop3A_251, %parallel_loop3A_422, %parallel_loop3A_423] : memref<2x64x128xf32, #tpu.memory_space<vmem>> -> memref<1x64x128xf32, #tpu.memory_space<vmem>>
        %parallel_loop3A_425 = tpu.memref_squeeze %parallel_loop3A_424 : memref<1x64x128xf32, #tpu.memory_space<vmem>> -> memref<64x128xf32, #tpu.memory_space<vmem>>
        %parallel_loop3A_426 = arith.index_cast %parallel_loop3A_265 : i32 to index
        %parallel_loop3A_427 = arith.constant 96 : index
        %parallel_loop3A_428 = tpu.vector_load %parallel_loop3A_425[%parallel_loop3A_426, %parallel_loop3A_427] {strides = array<i32>} : memref<64x128xf32, #tpu.memory_space<vmem>>, vector<1x16xf32>,
        %parallel_loop3A_429 = vector.shape_cast %parallel_loop3A_428 : vector<1x16xf32> to vector<16xf32>
        %parallel_loop3A_430 = arith.constant 0 : i32
        %parallel_loop3A_431 = arith.constant 0 : i32
        %parallel_loop3A_432 = tpu.memref_slice %arg10[%parallel_loop3A_252, %parallel_loop3A_430, %parallel_loop3A_431] : memref<2x64x128xf32, #tpu.memory_space<vmem>> -> memref<1x64x128xf32, #tpu.memory_space<vmem>>
        %parallel_loop3A_433 = tpu.memref_squeeze %parallel_loop3A_432 : memref<1x64x128xf32, #tpu.memory_space<vmem>> -> memref<64x128xf32, #tpu.memory_space<vmem>>
        %parallel_loop3A_434 = arith.index_cast %parallel_loop3A_265 : i32 to index
        %parallel_loop3A_435 = arith.constant 96 : index
        %parallel_loop3A_436 = tpu.vector_load %parallel_loop3A_433[%parallel_loop3A_434, %parallel_loop3A_435] {strides = array<i32>} : memref<64x128xf32, #tpu.memory_space<vmem>>, vector<1x16xf32>,
        %parallel_loop3A_437 = vector.shape_cast %parallel_loop3A_436 : vector<1x16xf32> to vector<16xf32>
        %parallel_loop3A_438 = arith.mulf %parallel_loop3A_429, %parallel_loop3A_437 : vector<16xf32>
        %parallel_loop3A_439 = arith.constant 0 : i32
        %parallel_loop3A_440 = arith.constant 0 : i32
        %parallel_loop3A_441 = tpu.memref_slice %arg9[%parallel_loop3A_251, %parallel_loop3A_439, %parallel_loop3A_440] : memref<2x64x128xf32, #tpu.memory_space<vmem>> -> memref<1x64x128xf32, #tpu.memory_space<vmem>>
        %parallel_loop3A_442 = tpu.memref_squeeze %parallel_loop3A_441 : memref<1x64x128xf32, #tpu.memory_space<vmem>> -> memref<64x128xf32, #tpu.memory_space<vmem>>
        %parallel_loop3A_443 = arith.index_cast %parallel_loop3A_265 : i32 to index
        %parallel_loop3A_444 = arith.constant 96 : index
        %parallel_loop3A_445 = tpu.vector_load %parallel_loop3A_442[%parallel_loop3A_443, %parallel_loop3A_444] {strides = array<i32>} : memref<64x128xf32, #tpu.memory_space<vmem>>, vector<1x16xf32>,
        %parallel_loop3A_446 = vector.shape_cast %parallel_loop3A_445 : vector<1x16xf32> to vector<16xf32>
        %parallel_loop3A_447 = vector.shape_cast %parallel_loop3A_438 : vector<16xf32> to vector<1x16xf32>
        tpu.vector_store %parallel_loop3A_442[%parallel_loop3A_443, %parallel_loop3A_444], %parallel_loop3A_447 {strides = array<i32>} : memref<64x128xf32, #tpu.memory_space<vmem>>, vector<1x16xf32>,
        %parallel_loop3A_448 = arith.constant 0 : i32
        %parallel_loop3A_449 = arith.constant 0 : i32
        %parallel_loop3A_450 = tpu.memref_slice %arg9[%parallel_loop3A_251, %parallel_loop3A_448, %parallel_loop3A_449] : memref<2x64x128xf32, #tpu.memory_space<vmem>> -> memref<1x64x128xf32, #tpu.memory_space<vmem>>
        %parallel_loop3A_451 = tpu.memref_squeeze %parallel_loop3A_450 : memref<1x64x128xf32, #tpu.memory_space<vmem>> -> memref<64x128xf32, #tpu.memory_space<vmem>>
        %parallel_loop3A_452 = arith.index_cast %parallel_loop3A_265 : i32 to index
        %parallel_loop3A_453 = arith.constant 112 : index
        %parallel_loop3A_454 = tpu.vector_load %parallel_loop3A_451[%parallel_loop3A_452, %parallel_loop3A_453] {strides = array<i32>} : memref<64x128xf32, #tpu.memory_space<vmem>>, vector<1x16xf32>,
        %parallel_loop3A_455 = vector.shape_cast %parallel_loop3A_454 : vector<1x16xf32> to vector<16xf32>
        %parallel_loop3A_456 = arith.constant 0 : i32
        %parallel_loop3A_457 = arith.constant 0 : i32
        %parallel_loop3A_458 = tpu.memref_slice %arg10[%parallel_loop3A_252, %parallel_loop3A_456, %parallel_loop3A_457] : memref<2x64x128xf32, #tpu.memory_space<vmem>> -> memref<1x64x128xf32, #tpu.memory_space<vmem>>
        %parallel_loop3A_459 = tpu.memref_squeeze %parallel_loop3A_458 : memref<1x64x128xf32, #tpu.memory_space<vmem>> -> memref<64x128xf32, #tpu.memory_space<vmem>>
        %parallel_loop3A_460 = arith.index_cast %parallel_loop3A_265 : i32 to index
        %parallel_loop3A_461 = arith.constant 112 : index
        %parallel_loop3A_462 = tpu.vector_load %parallel_loop3A_459[%parallel_loop3A_460, %parallel_loop3A_461] {strides = array<i32>} : memref<64x128xf32, #tpu.memory_space<vmem>>, vector<1x16xf32>,
        %parallel_loop3A_463 = vector.shape_cast %parallel_loop3A_462 : vector<1x16xf32> to vector<16xf32>
        %parallel_loop3A_464 = arith.mulf %parallel_loop3A_455, %parallel_loop3A_463 : vector<16xf32>
        %parallel_loop3A_465 = arith.constant 0 : i32
        %parallel_loop3A_466 = arith.constant 0 : i32
        %parallel_loop3A_467 = tpu.memref_slice %arg9[%parallel_loop3A_251, %parallel_loop3A_465, %parallel_loop3A_466] : memref<2x64x128xf32, #tpu.memory_space<vmem>> -> memref<1x64x128xf32, #tpu.memory_space<vmem>>
        %parallel_loop3A_468 = tpu.memref_squeeze %parallel_loop3A_467 : memref<1x64x128xf32, #tpu.memory_space<vmem>> -> memref<64x128xf32, #tpu.memory_space<vmem>>
        %parallel_loop3A_469 = arith.index_cast %parallel_loop3A_265 : i32 to index
        %parallel_loop3A_470 = arith.constant 112 : index
        %parallel_loop3A_471 = tpu.vector_load %parallel_loop3A_468[%parallel_loop3A_469, %parallel_loop3A_470] {strides = array<i32>} : memref<64x128xf32, #tpu.memory_space<vmem>>, vector<1x16xf32>,
        %parallel_loop3A_472 = vector.shape_cast %parallel_loop3A_471 : vector<1x16xf32> to vector<16xf32>
        %parallel_loop3A_473 = vector.shape_cast %parallel_loop3A_464 : vector<16xf32> to vector<1x16xf32>
        tpu.vector_store %parallel_loop3A_468[%parallel_loop3A_469, %parallel_loop3A_470], %parallel_loop3A_473 {strides = array<i32>} : memref<64x128xf32, #tpu.memory_space<vmem>>, vector<1x16xf32>,
      } {sc.loop_unroll_factor = 4 : i64, sc.parallel_access}
      %dma_start3A_253 = arith.constant 1 : i32
      %dma_start3A_254 = arith.constant 1 : i32
      %dma_start3A_255 = arith.constant 0 : i32
      %dma_start3A_256 = arith.constant 0 : i32
      %dma_start3A_257 = tpu.memref_slice %arg9[%dma_start3A_253, %dma_start3A_255, %dma_start3A_256] : memref<2x64x128xf32, #tpu.memory_space<vmem>> -> memref<1x64x128xf32, #tpu.memory_space<vmem>>
      %dma_start3A_258 = tpu.memref_squeeze %dma_start3A_257 : memref<1x64x128xf32, #tpu.memory_space<vmem>> -> memref<64x128xf32, #tpu.memory_space<vmem>>
      %dma_start3A_259 = arith.constant 0 : i32
      %dma_start3A_260 = tpu.memref_slice %arg8[%dma_start3A_254, %dma_start3A_259] : memref<2x64xi32, #tpu.memory_space<vmem>> -> memref<1x64xi32, #tpu.memory_space<vmem>>
      %dma_start3A_261 = tpu.memref_squeeze %dma_start3A_260 : memref<1x64xi32, #tpu.memory_space<vmem>> -> memref<64xi32, #tpu.memory_space<vmem>>
      %dma_start3A_262 = arith.constant 0 : i32
      %dma_start3A_263 = arith.constant 0 : i32
      %dma_start3A_264 = tpu.memref_slice %arg11[%dma_start3A_262, %dma_start3A_263] : memref<10112x128xf32, #tpu.memory_space<vmem_shared>> -> memref<10112x128xf32, #tpu.memory_space<vmem_shared>>
      tpu.enqueue_indirect_dma source(%dma_start3A_258 : memref<64x128xf32, #tpu.memory_space<vmem>>) target(%dma_start3A_264 : memref<10112x128xf32, #tpu.memory_space<vmem_shared>>) offsets(%dma_start3A_261 : memref<64xi32, #tpu.memory_space<vmem>>) semaphore(%arg15 : memref<!tpu.dma_semaphore, #tpu.memory_space<semaphore_mem>>) {add = true}
    }
    %scan3A_113 = arith.constant 79 : i32
    %dma_wait3A = arith.constant 1 : i32
    %dma_wait3A_114 = arith.constant 1 : i32
    %dma_wait3A_115 = arith.constant 0 : i32
    %dma_wait3A_116 = arith.constant 0 : i32
    %dma_wait3A_117 = tpu.memref_slice %arg9[%dma_wait3A, %dma_wait3A_115, %dma_wait3A_116] : memref<2x64x128xf32, #tpu.memory_space<vmem>> -> memref<1x64x128xf32, #tpu.memory_space<vmem>>
    %dma_wait3A_118 = tpu.memref_squeeze %dma_wait3A_117 : memref<1x64x128xf32, #tpu.memory_space<vmem>> -> memref<64x128xf32, #tpu.memory_space<vmem>>
    %dma_wait3A_119 = arith.constant 0 : i32
    %dma_wait3A_120 = tpu.memref_slice %arg8[%dma_wait3A_114, %dma_wait3A_119] : memref<2x64xi32, #tpu.memory_space<vmem>> -> memref<1x64xi32, #tpu.memory_space<vmem>>
    %dma_wait3A_121 = tpu.memref_squeeze %dma_wait3A_120 : memref<1x64xi32, #tpu.memory_space<vmem>> -> memref<64xi32, #tpu.memory_space<vmem>>
    %dma_wait3A_122 = arith.constant 0 : i32
    %dma_wait3A_123 = arith.constant 0 : i32
    %dma_wait3A_124 = tpu.memref_slice %arg11[%dma_wait3A_122, %dma_wait3A_123] : memref<10112x128xf32, #tpu.memory_space<vmem_shared>> -> memref<10112x128xf32, #tpu.memory_space<vmem_shared>>
    tpu.wait_indirect_dma semaphore(%arg15 : memref<!tpu.dma_semaphore, #tpu.memory_space<semaphore_mem>>) src(%dma_wait3A_118 : memref<64x128xf32, #tpu.memory_space<vmem>>) dst(%dma_wait3A_124 : memref<10112x128xf32, #tpu.memory_space<vmem_shared>>)
    %barrier3A_125 = arith.constant 0 : index
    tpu.barrier barrier_id(%barrier3A_125)
    %mul3A_126 = arith.constant 632 : i32
    %mul3A_127 = arith.muli %arg1, %mul3A_126 : i32
    "tpu.region"() ({
      %run_scoped3A_128 = tpu.sem_alloc : memref<!tpu.dma_semaphore, #tpu.memory_space<semaphore_mem>>
      %dma_start3A_129 = arith.constant 0 : i32
      %dma_start3A_130 = tpu.memref_slice %arg6[%arg0, %mul3A_127, %dma_start3A_129] : memref<2x10112x128xf32, #tpu.memory_space<hbm>> -> memref<1x632x128xf32, #tpu.memory_space<hbm>>
      %dma_start3A_131 = tpu.memref_squeeze %dma_start3A_130 : memref<1x632x128xf32, #tpu.memory_space<hbm>> -> memref<632x128xf32, #tpu.memory_space<hbm>>
      %dma_start3A_132 = arith.constant 0 : i32
      %dma_start3A_133 = tpu.memref_slice %arg11[%mul3A_127, %dma_start3A_132] : memref<10112x128xf32, #tpu.memory_space<vmem_shared>> -> memref<632x128xf32, #tpu.memory_space<vmem_shared>>
      tpu.enqueue_dma source(%dma_start3A_133 : memref<632x128xf32, #tpu.memory_space<vmem_shared>>) target(%dma_start3A_131 : memref<632x128xf32, #tpu.memory_space<hbm>>) target_semaphore(%run_scoped3A_128 : memref<!tpu.dma_semaphore, #tpu.memory_space<semaphore_mem>>)
      %dma_wait3A_134 = arith.constant 0 : i32
      %dma_wait3A_135 = tpu.memref_slice %arg6[%arg0, %mul3A_127, %dma_wait3A_134] : memref<2x10112x128xf32, #tpu.memory_space<hbm>> -> memref<1x632x128xf32, #tpu.memory_space<hbm>>
      %dma_wait3A_136 = tpu.memref_squeeze %dma_wait3A_135 : memref<1x632x128xf32, #tpu.memory_space<hbm>> -> memref<632x128xf32, #tpu.memory_space<hbm>>
      %dma_wait3A_137 = arith.constant 0 : i32
      %dma_wait3A_138 = tpu.memref_slice %arg11[%mul3A_127, %dma_wait3A_137] : memref<10112x128xf32, #tpu.memory_space<vmem_shared>> -> memref<632x128xf32, #tpu.memory_space<vmem_shared>>
      tpu.wait_dma2 semaphore(%run_scoped3A_128 : memref<!tpu.dma_semaphore, #tpu.memory_space<semaphore_mem>>) src(%dma_wait3A_138 : memref<632x128xf32, #tpu.memory_space<vmem_shared>>) dst(%dma_wait3A_136 : memref<632x128xf32, #tpu.memory_space<hbm>>)
      tpu.yield
    }) : () -> ()
    return
  }
}

module attributes {stable_mosaic.version = 14 : i64} {
  func.func @body(%arg0: i32, %arg1: memref<4096x16xf32, #tpu.memory_space<vmem>>, %arg2: memref<16x128xf32, #tpu.memory_space<vmem>>, %arg3: memref<1x128xf32, #tpu.memory_space<vmem>>, %arg4: memref<4096x128xf32, #tpu.memory_space<vmem>>) attributes {dimension_semantics = [#tpu.dimension_semantics<arbitrary>], iteration_bounds = array<i64: 79>, scalar_prefetch = 0 : i64, scratch_operands = 0 : i64, tpu.core_type = #tpu.core_type<tc>, window_params = [{transform_indices = @transform_0, window_bounds = array<i64: 4096, 16>}, {pipeline_mode = #tpu.pipeline_mode<synchronous>, transform_indices = @transform_1, window_bounds = array<i64: 16, 128>}, {pipeline_mode = #tpu.pipeline_mode<synchronous>, transform_indices = @transform_2, window_bounds = array<i64: 1, 128>}, {transform_indices = @transform_3, window_bounds = array<i64: 4096, 128>}]} {
    %get3A = arith.constant 0 : index
    %get3A_0 = arith.constant 0 : index
    %get3A_1 = vector.load %arg1[%get3A, %get3A_0] : memref<4096x16xf32, #tpu.memory_space<vmem>>, vector<4096x16xf32>
    %get3A_2 = arith.constant 0 : index
    %get3A_3 = arith.constant 0 : index
    %get3A_4 = vector.load %arg2[%get3A_2, %get3A_3] : memref<16x128xf32, #tpu.memory_space<vmem>>, vector<16x128xf32>
    %dot_general3A = arith.constant dense<0.000000e+00> : vector<4096x128xf32>
    %dot_general3A_5 = tpu.matmul %get3A_1, %get3A_4, %dot_general3A {dimension_numbers = #tpu.dot_dimension_numbers<[1], [0], [0], [1], [0, 0, 1, 1], [], []>, transpose_lhs_hint = false} : vector<4096x16xf32>, vector<16x128xf32>, vector<4096x128xf32> -> vector<4096x128xf32>
    %get3A_6 = arith.constant 0 : index
    %get3A_7 = arith.constant 0 : index
    %get3A_8 = vector.load %arg3[%get3A_6, %get3A_7] : memref<1x128xf32, #tpu.memory_space<vmem>>, vector<1x128xf32>
    %add3A = vector.broadcast %get3A_8 : vector<1x128xf32> to vector<4096x128xf32>
    %add3A_9 = arith.addf %dot_general3A_5, %add3A : vector<4096x128xf32>
    %swap3A = arith.constant 0 : index
    %swap3A_10 = arith.constant 0 : index
    %swap3A_11 = vector.load %arg4[%swap3A, %swap3A_10] : memref<4096x128xf32, #tpu.memory_space<vmem>>, vector<4096x128xf32>
    tpu.vector_store %arg4[%swap3A, %swap3A_10], %add3A_9 {strides = array<i32>} : memref<4096x128xf32, #tpu.memory_space<vmem>>, vector<4096x128xf32>,
    return
  }
  func.func @transform_0(%arg0: i32) -> (i32, i32) {
    %c0_i32 = arith.constant 0 : i32
    %c0_i32_0 = arith.constant 0 : i32
    return %arg0, %c0_i32 : i32, i32
  }
  func.func @transform_1(%arg0: i32) -> (i32, i32) {
    %c0_i32 = arith.constant 0 : i32
    %c0_i32_0 = arith.constant 0 : i32
    %c0_i32_1 = arith.constant 0 : i32
    return %c0_i32, %c0_i32_0 : i32, i32
  }
  func.func @transform_2(%arg0: i32) -> (i32, i32) {
    %c0_i32 = arith.constant 0 : i32
    %c0_i32_0 = arith.constant 0 : i32
    %c0_i32_1 = arith.constant 0 : i32
    return %c0_i32, %c0_i32_0 : i32, i32
  }
  func.func @transform_3(%arg0: i32) -> (i32, i32) {
    %c0_i32 = arith.constant 0 : i32
    %c0_i32_0 = arith.constant 0 : i32
    return %arg0, %c0_i32 : i32, i32
  }
}

module attributes {stable_mosaic.version = 14 : i64} {
  func.func @body(%arg0: i32, %arg1: memref<2000x128xf32, #tpu.memory_space<vmem>>, %arg2: memref<128x128xf32, #tpu.memory_space<vmem>>, %arg3: memref<1x128xf32, #tpu.memory_space<vmem>>, %arg4: memref<128x128xf32, #tpu.memory_space<vmem>>, %arg5: memref<1x128xf32, #tpu.memory_space<vmem>>, %arg6: memref<2000x128xf32, #tpu.memory_space<vmem>>, %arg7: memref<2000x128xf32, #tpu.memory_space<vmem>>) attributes {dimension_semantics = [#tpu.dimension_semantics<arbitrary>], iteration_bounds = array<i64: 5>, scalar_prefetch = 0 : i64, scratch_operands = 0 : i64, tpu.core_type = #tpu.core_type<tc>, window_params = [{transform_indices = @transform_0, window_bounds = array<i64: 2000, 128>}, {pipeline_mode = #tpu.pipeline_mode<synchronous>, transform_indices = @transform_1, window_bounds = array<i64: 128, 128>}, {pipeline_mode = #tpu.pipeline_mode<synchronous>, transform_indices = @transform_2, window_bounds = array<i64: 1, 128>}, {pipeline_mode = #tpu.pipeline_mode<synchronous>, transform_indices = @transform_3, window_bounds = array<i64: 128, 128>}, {pipeline_mode = #tpu.pipeline_mode<synchronous>, transform_indices = @transform_4, window_bounds = array<i64: 1, 128>}, {transform_indices = @transform_5, window_bounds = array<i64: 2000, 128>}, {transform_indices = @transform_6, window_bounds = array<i64: 2000, 128>}]} {
    %get3A = arith.constant 0 : index
    %get3A_0 = arith.constant 0 : index
    %get3A_1 = vector.load %arg1[%get3A, %get3A_0] : memref<2000x128xf32, #tpu.memory_space<vmem>>, vector<2000x128xf32>
    %get3A_2 = arith.constant 0 : index
    %get3A_3 = arith.constant 0 : index
    %get3A_4 = vector.load %arg2[%get3A_2, %get3A_3] : memref<128x128xf32, #tpu.memory_space<vmem>>, vector<128x128xf32>
    %dot_general3A = arith.constant dense<0.000000e+00> : vector<2000x128xf32>
    %dot_general3A_5 = tpu.matmul %get3A_1, %get3A_4, %dot_general3A {dimension_numbers = #tpu.dot_dimension_numbers<[1], [0], [0], [1], [0, 0, 1, 1], [], []>, transpose_lhs_hint = false} : vector<2000x128xf32>, vector<128x128xf32>, vector<2000x128xf32> -> vector<2000x128xf32>
    %get3A_6 = arith.constant 0 : index
    %get3A_7 = arith.constant 0 : index
    %get3A_8 = vector.load %arg3[%get3A_6, %get3A_7] : memref<1x128xf32, #tpu.memory_space<vmem>>, vector<1x128xf32>
    %add3A = vector.broadcast %get3A_8 : vector<1x128xf32> to vector<2000x128xf32>
    %add3A_9 = arith.addf %dot_general3A_5, %add3A : vector<2000x128xf32>
    %max3A = arith.constant 0.000000e+00 : f32
    %max3A_10 = vector.broadcast %max3A : f32 to vector<2000x128xf32>
    %max3A_11 = arith.maximumf %add3A_9, %max3A_10 : vector<2000x128xf32>
    %swap3A = arith.constant 0 : index
    %swap3A_12 = arith.constant 0 : index
    %swap3A_13 = vector.load %arg6[%swap3A, %swap3A_12] : memref<2000x128xf32, #tpu.memory_space<vmem>>, vector<2000x128xf32>
    tpu.vector_store %arg6[%swap3A, %swap3A_12], %max3A_11 {strides = array<i32>} : memref<2000x128xf32, #tpu.memory_space<vmem>>, vector<2000x128xf32>,
    %get3A_14 = arith.constant 0 : index
    %get3A_15 = arith.constant 0 : index
    %get3A_16 = vector.load %arg4[%get3A_14, %get3A_15] : memref<128x128xf32, #tpu.memory_space<vmem>>, vector<128x128xf32>
    %dot_general3A_17 = arith.constant dense<0.000000e+00> : vector<2000x128xf32>
    %dot_general3A_18 = tpu.matmul %get3A_1, %get3A_16, %dot_general3A_17 {dimension_numbers = #tpu.dot_dimension_numbers<[1], [0], [0], [1], [0, 0, 1, 1], [], []>, transpose_lhs_hint = false} : vector<2000x128xf32>, vector<128x128xf32>, vector<2000x128xf32> -> vector<2000x128xf32>
    %get3A_19 = arith.constant 0 : index
    %get3A_20 = arith.constant 0 : index
    %get3A_21 = vector.load %arg5[%get3A_19, %get3A_20] : memref<1x128xf32, #tpu.memory_space<vmem>>, vector<1x128xf32>
    %add3A_22 = vector.broadcast %get3A_21 : vector<1x128xf32> to vector<2000x128xf32>
    %add3A_23 = arith.addf %dot_general3A_18, %add3A_22 : vector<2000x128xf32>
    %max3A_24 = arith.constant 0.000000e+00 : f32
    %max3A_25 = vector.broadcast %max3A_24 : f32 to vector<2000x128xf32>
    %max3A_26 = arith.maximumf %add3A_23, %max3A_25 : vector<2000x128xf32>
    %swap3A_27 = arith.constant 0 : index
    %swap3A_28 = arith.constant 0 : index
    %swap3A_29 = vector.load %arg7[%swap3A_27, %swap3A_28] : memref<2000x128xf32, #tpu.memory_space<vmem>>, vector<2000x128xf32>
    tpu.vector_store %arg7[%swap3A_27, %swap3A_28], %max3A_26 {strides = array<i32>} : memref<2000x128xf32, #tpu.memory_space<vmem>>, vector<2000x128xf32>,
    return
  }
  func.func @transform_0(%arg0: i32) -> (i32, i32) {
    %c0_i32 = arith.constant 0 : i32
    %c0_i32_0 = arith.constant 0 : i32
    return %arg0, %c0_i32 : i32, i32
  }
  func.func @transform_1(%arg0: i32) -> (i32, i32) {
    %c0_i32 = arith.constant 0 : i32
    %c0_i32_0 = arith.constant 0 : i32
    %c0_i32_1 = arith.constant 0 : i32
    return %c0_i32, %c0_i32_0 : i32, i32
  }
  func.func @transform_2(%arg0: i32) -> (i32, i32) {
    %c0_i32 = arith.constant 0 : i32
    %c0_i32_0 = arith.constant 0 : i32
    %c0_i32_1 = arith.constant 0 : i32
    return %c0_i32, %c0_i32_0 : i32, i32
  }
  func.func @transform_3(%arg0: i32) -> (i32, i32) {
    %c0_i32 = arith.constant 0 : i32
    %c0_i32_0 = arith.constant 0 : i32
    %c0_i32_1 = arith.constant 0 : i32
    return %c0_i32, %c0_i32_0 : i32, i32
  }
  func.func @transform_4(%arg0: i32) -> (i32, i32) {
    %c0_i32 = arith.constant 0 : i32
    %c0_i32_0 = arith.constant 0 : i32
    %c0_i32_1 = arith.constant 0 : i32
    return %c0_i32, %c0_i32_0 : i32, i32
  }
  func.func @transform_5(%arg0: i32) -> (i32, i32) {
    %c0_i32 = arith.constant 0 : i32
    %c0_i32_0 = arith.constant 0 : i32
    return %arg0, %c0_i32 : i32, i32
  }
  func.func @transform_6(%arg0: i32) -> (i32, i32) {
    %c0_i32 = arith.constant 0 : i32
    %c0_i32_0 = arith.constant 0 : i32
    return %arg0, %c0_i32 : i32, i32
  }
}

module attributes {stable_mosaic.version = 14 : i64} {
  func.func @body(%arg0: i32, %arg1: memref<2x2000x128xf32, #tpu.memory_space<vmem>>, %arg2: memref<2x2000x128xf32, #tpu.memory_space<vmem>>, %arg3: memref<2000x128xf32, #tpu.memory_space<vmem>>, %arg4: memref<2000x128xf32, #tpu.memory_space<vmem>>, %arg5: memref<2000x128xf32, #tpu.memory_space<vmem>>, %arg6: memref<128x128xf32, #tpu.memory_space<vmem>>, %arg7: memref<1x128xf32, #tpu.memory_space<vmem>>, %arg8: memref<128x128xf32, #tpu.memory_space<vmem>>, %arg9: memref<1x128xf32, #tpu.memory_space<vmem>>, %arg10: memref<128x128xf32, #tpu.memory_space<vmem>>, %arg11: memref<1x128xf32, #tpu.memory_space<vmem>>, %arg12: memref<128x128xf32, #tpu.memory_space<vmem>>, %arg13: memref<1x128xf32, #tpu.memory_space<vmem>>, %arg14: memref<2000x128xf32, #tpu.memory_space<vmem>>) attributes {dimension_semantics = [#tpu.dimension_semantics<arbitrary>], iteration_bounds = array<i64: 5>, scalar_prefetch = 0 : i64, scratch_operands = 0 : i64, tpu.core_type = #tpu.core_type<tc>, window_params = [{transform_indices = @transform_0, window_bounds = array<i64: 2, 2000, 128>}, {transform_indices = @transform_1, window_bounds = array<i64: 2, 2000, 128>}, {transform_indices = @transform_2, window_bounds = array<i64: 2000, 128>}, {transform_indices = @transform_3, window_bounds = array<i64: 2000, 128>}, {transform_indices = @transform_4, window_bounds = array<i64: 2000, 128>}, {pipeline_mode = #tpu.pipeline_mode<synchronous>, transform_indices = @transform_5, window_bounds = array<i64: 128, 128>}, {pipeline_mode = #tpu.pipeline_mode<synchronous>, transform_indices = @transform_6, window_bounds = array<i64: 1, 128>}, {pipeline_mode = #tpu.pipeline_mode<synchronous>, transform_indices = @transform_7, window_bounds = array<i64: 128, 128>}, {pipeline_mode = #tpu.pipeline_mode<synchronous>, transform_indices = @transform_8, window_bounds = array<i64: 1, 128>}, {pipeline_mode = #tpu.pipeline_mode<synchronous>, transform_indices = @transform_9, window_bounds = array<i64: 128, 128>}, {pipeline_mode = #tpu.pipeline_mode<synchronous>, transform_indices = @transform_10, window_bounds = array<i64: 1, 128>}, {pipeline_mode = #tpu.pipeline_mode<synchronous>, transform_indices = @transform_11, window_bounds = array<i64: 128, 128>}, {pipeline_mode = #tpu.pipeline_mode<synchronous>, transform_indices = @transform_12, window_bounds = array<i64: 1, 128>}, {transform_indices = @transform_13, window_bounds = array<i64: 2000, 128>}]} {
    %get3A = arith.constant 0 : index
    %get3A_0 = arith.constant 0 : index
    %get3A_1 = arith.constant 0 : index
    %get3A_2 = vector.load %arg2[%get3A, %get3A_0, %get3A_1] : memref<2x2000x128xf32, #tpu.memory_space<vmem>>, vector<1x2000x128xf32>
    %get3A_3 = vector.shape_cast %get3A_2 : vector<1x2000x128xf32> to vector<2000x128xf32>
    %slice3A = vector.extract_strided_slice %get3A_3 {offsets = [0, 0], sizes = [2000, 1], strides = [1, 1]} : vector<2000x128xf32> to vector<2000x1xf32>
    %get3A_4 = arith.constant 1 : index
    %get3A_5 = arith.constant 0 : index
    %get3A_6 = arith.constant 0 : index
    %get3A_7 = vector.load %arg2[%get3A_4, %get3A_5, %get3A_6] : memref<2x2000x128xf32, #tpu.memory_space<vmem>>, vector<1x2000x128xf32>
    %get3A_8 = vector.shape_cast %get3A_7 : vector<1x2000x128xf32> to vector<2000x128xf32>
    %slice3A_9 = vector.extract_strided_slice %get3A_8 {offsets = [0, 0], sizes = [2000, 1], strides = [1, 1]} : vector<2000x128xf32> to vector<2000x1xf32>
    %add3A = arith.addf %slice3A, %slice3A_9 : vector<2000x1xf32>
    %max3A = arith.constant 1.000000e+00 : f32
    %max3A_10 = vector.broadcast %max3A : f32 to vector<2000x1xf32>
    %max3A_11 = arith.maximumf %add3A, %max3A_10 : vector<2000x1xf32>
    %get3A_12 = arith.constant 0 : index
    %get3A_13 = arith.constant 0 : index
    %get3A_14 = arith.constant 0 : index
    %get3A_15 = vector.load %arg1[%get3A_12, %get3A_13, %get3A_14] : memref<2x2000x128xf32, #tpu.memory_space<vmem>>, vector<1x2000x128xf32>
    %get3A_16 = vector.shape_cast %get3A_15 : vector<1x2000x128xf32> to vector<2000x128xf32>
    %get3A_17 = arith.constant 1 : index
    %get3A_18 = arith.constant 0 : index
    %get3A_19 = arith.constant 0 : index
    %get3A_20 = vector.load %arg1[%get3A_17, %get3A_18, %get3A_19] : memref<2x2000x128xf32, #tpu.memory_space<vmem>>, vector<1x2000x128xf32>
    %get3A_21 = vector.shape_cast %get3A_20 : vector<1x2000x128xf32> to vector<2000x128xf32>
    %add3A_22 = arith.addf %get3A_16, %get3A_21 : vector<2000x128xf32>
    %div3A = vector.broadcast %max3A_11 : vector<2000x1xf32> to vector<2000x128xf32>
    %div3A_23 = arith.divf %add3A_22, %div3A : vector<2000x128xf32>
    %get3A_24 = arith.constant 0 : index
    %get3A_25 = arith.constant 0 : index
    %get3A_26 = vector.load %arg6[%get3A_24, %get3A_25] : memref<128x128xf32, #tpu.memory_space<vmem>>, vector<128x128xf32>
    %dot_general3A = arith.constant dense<0.000000e+00> : vector<2000x128xf32>
    %dot_general3A_27 = tpu.matmul %div3A_23, %get3A_26, %dot_general3A {dimension_numbers = #tpu.dot_dimension_numbers<[1], [0], [0], [1], [0, 0, 1, 1], [], []>, transpose_lhs_hint = false} : vector<2000x128xf32>, vector<128x128xf32>, vector<2000x128xf32> -> vector<2000x128xf32>
    %get3A_28 = arith.constant 0 : index
    %get3A_29 = arith.constant 0 : index
    %get3A_30 = vector.load %arg7[%get3A_28, %get3A_29] : memref<1x128xf32, #tpu.memory_space<vmem>>, vector<1x128xf32>
    %add3A_31 = vector.broadcast %get3A_30 : vector<1x128xf32> to vector<2000x128xf32>
    %add3A_32 = arith.addf %dot_general3A_27, %add3A_31 : vector<2000x128xf32>
    %get3A_33 = arith.constant 0 : index
    %get3A_34 = arith.constant 0 : index
    %get3A_35 = vector.load %arg3[%get3A_33, %get3A_34] : memref<2000x128xf32, #tpu.memory_space<vmem>>, vector<2000x128xf32>
    %get3A_36 = arith.constant 0 : index
    %get3A_37 = arith.constant 0 : index
    %get3A_38 = vector.load %arg8[%get3A_36, %get3A_37] : memref<128x128xf32, #tpu.memory_space<vmem>>, vector<128x128xf32>
    %dot_general3A_39 = arith.constant dense<0.000000e+00> : vector<2000x128xf32>
    %dot_general3A_40 = tpu.matmul %get3A_35, %get3A_38, %dot_general3A_39 {dimension_numbers = #tpu.dot_dimension_numbers<[1], [0], [0], [1], [0, 0, 1, 1], [], []>, transpose_lhs_hint = false} : vector<2000x128xf32>, vector<128x128xf32>, vector<2000x128xf32> -> vector<2000x128xf32>
    %add3A_41 = arith.addf %add3A_32, %dot_general3A_40 : vector<2000x128xf32>
    %get3A_42 = arith.constant 0 : index
    %get3A_43 = arith.constant 0 : index
    %get3A_44 = vector.load %arg9[%get3A_42, %get3A_43] : memref<1x128xf32, #tpu.memory_space<vmem>>, vector<1x128xf32>
    %add3A_45 = vector.broadcast %get3A_44 : vector<1x128xf32> to vector<2000x128xf32>
    %add3A_46 = arith.addf %add3A_41, %add3A_45 : vector<2000x128xf32>
    %get3A_47 = arith.constant 0 : index
    %get3A_48 = arith.constant 0 : index
    %get3A_49 = vector.load %arg10[%get3A_47, %get3A_48] : memref<128x128xf32, #tpu.memory_space<vmem>>, vector<128x128xf32>
    %dot_general3A_50 = arith.constant dense<0.000000e+00> : vector<2000x128xf32>
    %dot_general3A_51 = tpu.matmul %add3A_46, %get3A_49, %dot_general3A_50 {dimension_numbers = #tpu.dot_dimension_numbers<[1], [0], [0], [1], [0, 0, 1, 1], [], []>, transpose_lhs_hint = false} : vector<2000x128xf32>, vector<128x128xf32>, vector<2000x128xf32> -> vector<2000x128xf32>
    %get3A_52 = arith.constant 0 : index
    %get3A_53 = arith.constant 0 : index
    %get3A_54 = vector.load %arg11[%get3A_52, %get3A_53] : memref<1x128xf32, #tpu.memory_space<vmem>>, vector<1x128xf32>
    %add3A_55 = vector.broadcast %get3A_54 : vector<1x128xf32> to vector<2000x128xf32>
    %add3A_56 = arith.addf %dot_general3A_51, %add3A_55 : vector<2000x128xf32>
    %max3A_57 = arith.constant 0.000000e+00 : f32
    %max3A_58 = vector.broadcast %max3A_57 : f32 to vector<2000x128xf32>
    %max3A_59 = arith.maximumf %add3A_56, %max3A_58 : vector<2000x128xf32>
    %get3A_60 = arith.constant 0 : index
    %get3A_61 = arith.constant 0 : index
    %get3A_62 = vector.load %arg4[%get3A_60, %get3A_61] : memref<2000x128xf32, #tpu.memory_space<vmem>>, vector<2000x128xf32>
    %add3A_63 = arith.addf %max3A_59, %get3A_62 : vector<2000x128xf32>
    %get3A_64 = arith.constant 0 : index
    %get3A_65 = arith.constant 0 : index
    %get3A_66 = vector.load %arg12[%get3A_64, %get3A_65] : memref<128x128xf32, #tpu.memory_space<vmem>>, vector<128x128xf32>
    %dot_general3A_67 = arith.constant dense<0.000000e+00> : vector<2000x128xf32>
    %dot_general3A_68 = tpu.matmul %add3A_63, %get3A_66, %dot_general3A_67 {dimension_numbers = #tpu.dot_dimension_numbers<[1], [0], [0], [1], [0, 0, 1, 1], [], []>, transpose_lhs_hint = false} : vector<2000x128xf32>, vector<128x128xf32>, vector<2000x128xf32> -> vector<2000x128xf32>
    %get3A_69 = arith.constant 0 : index
    %get3A_70 = arith.constant 0 : index
    %get3A_71 = vector.load %arg13[%get3A_69, %get3A_70] : memref<1x128xf32, #tpu.memory_space<vmem>>, vector<1x128xf32>
    %add3A_72 = vector.broadcast %get3A_71 : vector<1x128xf32> to vector<2000x128xf32>
    %add3A_73 = arith.addf %dot_general3A_68, %add3A_72 : vector<2000x128xf32>
    %get3A_74 = arith.constant 0 : index
    %get3A_75 = arith.constant 0 : index
    %get3A_76 = vector.load %arg5[%get3A_74, %get3A_75] : memref<2000x128xf32, #tpu.memory_space<vmem>>, vector<2000x128xf32>
    %add3A_77 = arith.addf %add3A_73, %get3A_76 : vector<2000x128xf32>
    %swap3A = arith.constant 0 : index
    %swap3A_78 = arith.constant 0 : index
    %swap3A_79 = vector.load %arg14[%swap3A, %swap3A_78] : memref<2000x128xf32, #tpu.memory_space<vmem>>, vector<2000x128xf32>
    tpu.vector_store %arg14[%swap3A, %swap3A_78], %add3A_77 {strides = array<i32>} : memref<2000x128xf32, #tpu.memory_space<vmem>>, vector<2000x128xf32>,
    return
  }
  func.func @transform_0(%arg0: i32) -> (i32, i32, i32) {
    %c0_i32 = arith.constant 0 : i32
    %c0_i32_0 = arith.constant 0 : i32
    %c0_i32_1 = arith.constant 0 : i32
    return %c0_i32, %arg0, %c0_i32_0 : i32, i32, i32
  }
  func.func @transform_1(%arg0: i32) -> (i32, i32, i32) {
    %c0_i32 = arith.constant 0 : i32
    %c0_i32_0 = arith.constant 0 : i32
    %c0_i32_1 = arith.constant 0 : i32
    return %c0_i32, %arg0, %c0_i32_0 : i32, i32, i32
  }
  func.func @transform_2(%arg0: i32) -> (i32, i32) {
    %c0_i32 = arith.constant 0 : i32
    %c0_i32_0 = arith.constant 0 : i32
    return %arg0, %c0_i32 : i32, i32
  }
  func.func @transform_3(%arg0: i32) -> (i32, i32) {
    %c0_i32 = arith.constant 0 : i32
    %c0_i32_0 = arith.constant 0 : i32
    return %arg0, %c0_i32 : i32, i32
  }
  func.func @transform_4(%arg0: i32) -> (i32, i32) {
    %c0_i32 = arith.constant 0 : i32
    %c0_i32_0 = arith.constant 0 : i32
    return %arg0, %c0_i32 : i32, i32
  }
  func.func @transform_5(%arg0: i32) -> (i32, i32) {
    %c0_i32 = arith.constant 0 : i32
    %c0_i32_0 = arith.constant 0 : i32
    %c0_i32_1 = arith.constant 0 : i32
    return %c0_i32, %c0_i32_0 : i32, i32
  }
  func.func @transform_6(%arg0: i32) -> (i32, i32) {
    %c0_i32 = arith.constant 0 : i32
    %c0_i32_0 = arith.constant 0 : i32
    %c0_i32_1 = arith.constant 0 : i32
    return %c0_i32, %c0_i32_0 : i32, i32
  }
  func.func @transform_7(%arg0: i32) -> (i32, i32) {
    %c0_i32 = arith.constant 0 : i32
    %c0_i32_0 = arith.constant 0 : i32
    %c0_i32_1 = arith.constant 0 : i32
    return %c0_i32, %c0_i32_0 : i32, i32
  }
  func.func @transform_8(%arg0: i32) -> (i32, i32) {
    %c0_i32 = arith.constant 0 : i32
    %c0_i32_0 = arith.constant 0 : i32
    %c0_i32_1 = arith.constant 0 : i32
    return %c0_i32, %c0_i32_0 : i32, i32
  }
  func.func @transform_9(%arg0: i32) -> (i32, i32) {
    %c0_i32 = arith.constant 0 : i32
    %c0_i32_0 = arith.constant 0 : i32
    %c0_i32_1 = arith.constant 0 : i32
    return %c0_i32, %c0_i32_0 : i32, i32
  }
  func.func @transform_10(%arg0: i32) -> (i32, i32) {
    %c0_i32 = arith.constant 0 : i32
    %c0_i32_0 = arith.constant 0 : i32
    %c0_i32_1 = arith.constant 0 : i32
    return %c0_i32, %c0_i32_0 : i32, i32
  }
  func.func @transform_11(%arg0: i32) -> (i32, i32) {
    %c0_i32 = arith.constant 0 : i32
    %c0_i32_0 = arith.constant 0 : i32
    %c0_i32_1 = arith.constant 0 : i32
    return %c0_i32, %c0_i32_0 : i32, i32
  }
  func.func @transform_12(%arg0: i32) -> (i32, i32) {
    %c0_i32 = arith.constant 0 : i32
    %c0_i32_0 = arith.constant 0 : i32
    %c0_i32_1 = arith.constant 0 : i32
    return %c0_i32, %c0_i32_0 : i32, i32
  }
  func.func @transform_13(%arg0: i32) -> (i32, i32) {
    %c0_i32 = arith.constant 0 : i32
    %c0_i32_0 = arith.constant 0 : i32
    return %arg0, %c0_i32 : i32, i32
  }
}

</mosaic_0001>

<sc_bundles>
// kernel: kernel.12.cloned.1.call-start
scs
__scs_entry_jumppad:
0x0: {  	(pc) =	sbr.rel $0x88, $3  }
0x1: {  	(tag) =	ssettag $0x0;
	lr =	simm.s32 $0x1  }
0x2: {  	[smem:$0x3F7E] =	sst lr;
	_ =	strace $0xD0000000  }
0x3: {  	_ = 	snop  }
0x4: {  	_ = 	snop  }
0x5: {  	_ = 	snop  }
0x6: {  	_ = 	snop  }
0x7: {  	_ = 	snop  }
__scs_overlays_trampoline_lowered:
0x8: {  	[smem:$0x3F8D] =	sst s0  }
0x9: {  	[smem:$0x3F8E] =	sst s1  }
0xa: {  	[smem:$0x3F8F] =	sst s2  }
0xb: {  	[smem:$0x3F90] =	sst s3  }
0xc: {  	[smem:$0x3F91] =	sst s4  }
0xd: {  	[smem:$0x3F92] =	sst s5  }
0xe: {  	[smem:$0x3F93] =	sst s6  }
0xf: {  	[smem:$0x3F94] =	sst s7  }
0x10: {  	[smem:$0x3F95] =	sst s8  }
0x11: {  	[smem:$0x3F96] =	sst s9;
	s0 =	simm.s32 @!p0 $0x0  }
0x12: {  	s1 =	sld [smem:$0x3F7C];
	s0 =	simm.s32 @p0 $0x1  }
0x13: {  	[smem:$0x3F97] =	sst s0;
	s0 =	simm.s32 @!p1 $0x0  }
0x14: {  	s2 =	sld [smem:$0x3F7B];
	s0 =	simm.s32 @p1 $0x1  }
0x15: {  	[smem:$0x3F98] =	sst s0;
	s0 =	simm.s32 @!p2 $0x0  }
0x16: {  	s3 =	sld [smem:$0x3FDB];
	s0 =	simm.s32 @p2 $0x1  }
0x17: {  	s4 =	simm.s32 $0x1BF5;
	[smem:$0x3F9A] =	sst s0  }
0x18: {  	s0 =	sld [smem:$0x3F7D];
	_ =	swait.ge [sflag:s4], $0x0  }
0x19: {  	s7 =	sld [smem:$0x3F7E]  }
0x1a: {  	s8 =	sadd.s32 $0xFFFFE003, lr  }
0x1b: {  	s9 =	sadd.s32 $0xFFFFFEF7, lr;
	s5 =	simm.s32 $0xFFFFFFFF;
	p2 =	slt.u32 s8, $0xFFFFF086  }
0x1c: {  	p1 =	slt.u32 s9, $0xF7A;
	s5 =	simm.s32 @!p2 $0x0  }
0x1d: {  	s5 =	simm.s32 @p1 $0x1;
	p0 =	seq.s32 s7, s2  }
0x1e: {  	s7 =	smul.u32 @!p0 $0xF7A, s2;
	p2 =	seq.s32 @!p0 s5, $0x0  }
0x1f: {  	s9 =	smul.u32 $0xF7A, s1;
	s8 =	simm.s32 @!p0 $0x1BF5;
	p2 =	por !p2, p0  }
0x20: {  	[sflag:s8] =	ssyncset.s32 @!p0 $0xFFFFF086;
	s6 =	sadd.s32 @!p0 s3, s7;
	s7 =	simm.s32 @!p0 $0x108  }
0x21: {  	s3 =	sadd.s32 s3, s9;
	s6 =	sadd.s32 @!p0 $0x88, s6;
	s7 =	simm.s32 @p2 $0x1082  }
0x22: {  	[simem:s7], [sflag:s8] =	dma.local @!p0 [hbm:s6], $0xF7A  }
0x23: {  	s9 =	sor.u32 $0xD0000000, s2;
	s6 =	simm.s32 $0x108;
	_ =	swait.ge @!p0 [sflag:s8], $0x0  }
0x24: {  	s3 =	sadd.s32 $0x88, s3;
	s6 =	simm.s32 @!p1 $0x1082;
	[sflag:s4] =	ssyncset.s32 $0xFFFFF086  }
0x25: {  	[simem:s6], [sflag:s4] =	dma.local [hbm:s3], $0xF7A  }
0x26: {  	[smem:$0x3F7E] =	sst s1;
	(tag) =	ssettag s2;
	_ =	strace s9  }
0x27: {  	s1 =	sld [smem:$0x3F8E]  }
0x28: {  	s2 =	sld [smem:$0x3F8F]  }
0x29: {  	s4 =	sld [smem:$0x3F91]  }
0x2a: {  	p0 =	seq.s32 s5, $0x0;
	s5 =	sld [smem:$0x3F92]  }
0x2b: {  	s6 =	sld [smem:$0x3F93]  }
0x2c: {  	s7 =	sld [smem:$0x3F94]  }
0x2d: {  	s3 =	simm.s32 $0x108;
	s8 =	sld [smem:$0x3F95]  }
0x2e: {  	s3 =	simm.s32 @!p0 $0x1082;
	s9 =	sld [smem:$0x3F96]  }
0x2f: {  	lr =	sadd.s32 s0, s3;
	s0 =	sld [smem:$0x3F8D]  }
0x30: {  	s3 =	sld [smem:$0x3F90]  }
0x31: {  	[smem:$0x3F99] =	sst s10  }
0x32: {  	s10 =	sld [smem:$0x3F97];
	_ =	sdelay $0x3  }
0x33: {  	p0 =	seq.s32 s10, $0x1;
	s10 =	sld [smem:$0x3F99];
	_ =	sdelay $0x3  }
0x34: {  	[smem:$0x3F99] =	sst s10  }
0x35: {  	s10 =	sld [smem:$0x3F98];
	_ =	sdelay $0x3  }
0x36: {  	p1 =	seq.s32 s10, $0x1;
	s10 =	sld [smem:$0x3F99];
	_ =	sdelay $0x3  }
0x37: {  	[smem:$0x3F99] =	sst s10  }
0x38: {  	s10 =	sld [smem:$0x3F9A]  }
0x39: {  	_ = 	snop;
	(pc) =	sbr.ind lr, $3  }
0x3a: {  	_ = 	snop  }
0x3b: {  	_ = 	snop  }
0x3c: {  	p2 =	seq.s32 s10, $0x1;
	s10 =	sld [smem:$0x3F99]  }
0x3d: {  	_ =	shalt  }
0x3e: {  	_ =	shalt  }
0x3f: {  	_ =	shalt  }
0x40: {  	_ =	shalt  }
0x41: {  	_ =	shalt  }
0x42: {  	_ =	shalt  }
0x43: {  	_ =	shalt  }
0x44: {  	_ =	shalt  }
0x45: {  	_ =	shalt  }
0x46: {  	_ =	shalt  }
0x47: {  	_ =	shalt  }
0x48: {  	_ =	shalt  }
0x49: {  	_ =	shalt  }
0x4a: {  	_ =	shalt  }
0x4b: {  	_ =	shalt  }
0x4c: {  	_ =	shalt  }
0x4d: {  	_ =	shalt  }
0x4e: {  	_ =	shalt  }
0x4f: {  	_ =	shalt  }
0x50: {  	_ =	shalt  }
0x51: {  	_ =	shalt  }
0x52: {  	_ =	shalt  }
0x53: {  	_ =	shalt  }
0x54: {  	_ =	shalt  }
0x55: {  	_ =	shalt  }
0x56: {  	_ =	shalt  }
0x57: {  	_ =	shalt  }
0x58: {  	_ =	shalt  }
0x59: {  	_ =	shalt  }
0x5a: {  	_ =	shalt  }
0x5b: {  	_ =	shalt  }
0x5c: {  	_ =	shalt  }
0x5d: {  	_ =	shalt  }
0x5e: {  	_ =	shalt  }
0x5f: {  	_ =	shalt  }
0x60: {  	_ =	shalt  }
0x61: {  	_ =	shalt  }
0x62: {  	_ =	shalt  }
0x63: {  	_ =	shalt  }
0x64: {  	_ =	shalt  }
0x65: {  	_ =	shalt  }
0x66: {  	_ =	shalt  }
0x67: {  	_ =	shalt  }
0x68: {  	_ =	shalt  }
0x69: {  	_ =	shalt  }
0x6a: {  	_ =	shalt  }
0x6b: {  	_ =	shalt  }
0x6c: {  	_ =	shalt  }
0x6d: {  	_ =	shalt  }
0x6e: {  	_ =	shalt  }
0x6f: {  	_ =	shalt  }
0x70: {  	_ =	shalt  }
0x71: {  	_ =	shalt  }
0x72: {  	_ =	shalt  }
0x73: {  	_ =	shalt  }
0x74: {  	_ =	shalt  }
0x75: {  	_ =	shalt  }
0x76: {  	_ =	shalt  }
0x77: {  	_ =	shalt  }
0x78: {  	_ =	shalt  }
0x79: {  	_ =	shalt  }
0x7a: {  	_ =	shalt  }
0x7b: {  	_ =	shalt  }
0x7c: {  	_ =	shalt  }
0x7d: {  	_ =	shalt  }
0x7e: {  	_ =	shalt  }
0x7f: {  	_ =	shalt  }
0x80: {  	_ =	shalt  }
0x81: {  	_ =	shalt  }
0x82: {  	_ =	shalt  }
0x83: {  	_ =	shalt  }
0x84: {  	_ =	shalt  }
0x85: {  	_ =	shalt  }
0x86: {  	_ =	shalt  }
0x87: {  	_ =	shalt  }
.Lfunc_end0:
.L_simem_size_0:
called_computation_lowered:
.L_overlay_start_0:
0x88: {  	s2 =	sld [smem:$0x3FD9]  }
0x89: {  	s3 =	sld [smem:$0x3FFE];
	_ =	sdelay $0x1  }
0x8a: {  	s1 =	srdreg.scid  }
0x8b: {  	s0 =	sand.u32 $0x1, s1  }
0x8c: {  	s17 =	sshll.u32 s0, $0xA;
	s2 =	sadd.s32 s3, s2  }
0x8d: {  	s2 =	sadd.s32 s2, s17  }
0x8e: {  	[smem:$0x3FA5] =	sst s2  }
0x8f: {  	_ = 	snop  }
0x90: {  	(tm) =	ssettm $0x1  }
0x91: {  	s18 =	sld [smem:$0x3FFB];
	_ =	sdelay $0x3  }
0x92: {  	_ =	strace s18  }
0x93: {  	s2 =	sld [smem:$0x3FFC];
	_ =	sdelay $0x3  }
0x94: {  	_ =	strace s2  }
0x95: {  	s2 =	sld [smem:$0x3FFD];
	_ =	sdelay $0x3  }
0x96: {  	_ =	strace s2  }
0x97: {  	_ =	strace $0x8FFFFFFF  }
0x98: {  	s19 =	sld [smem:$0x3FDB];
	_ =	sdelay $0x1  }
0x99: {  	s20 =	simm.s32 $_scs_section_size  }
0x9a: {  	s4 =	simm.s32 $_size__tile_overlayer_lowered;
	s5 =	simm.s32 $_tile_overlayer_lowered  }
0x9b: {  	s6 =	simm.s32 $0x1BFF;
	s21 =	sshll.u32 s5, $0x1;
	s3 =	sadd.s32 s20, s19  }
0x9c: {  	s22 =	simm.s32 $0x0;
	s4 =	sshll.u32 s4, $0x1;
	s5 =	sadd.s32 s21, s3  }
0x9d: {  	[timem:s22], [sflag:s6] =	dma.local [hbm:s5], s4  }
0x9e: {  	_ =	swait.ge [sflag:s6], s4  }
0x9f: {  	s4 =	ssub.s32 $0x0, s4;
	[sflag:s6] =	ssyncset.done $0x0  }
0xa0: {  	[sflag:s6] =	ssyncadd.s32 s4;
	_ =	sdelay $0x1  }
0xa1: {  	s23 =	simm.s32 $0x1B8B  }
0xa2: {  	_ =	swait.ge [sflag:s23], $0x1  }
0xa3: {  	[sflag:s23] =	ssyncset.done $0x0  }
0xa4: {  	[sflag:s23] =	ssyncadd.s32 $0xFFFFFFFF  }
0xa5: {  	s4 =	sld [smem:$0x0]  }
0xa6: {  	s5 =	sand.u32 $0xFFFFFFFE, s1  }
0xa7: {  	p0 =	sne.s32 s1, s5  }
0xa8: {  	s5 =	sshll.u32 @p0 s5, $0xE  }
0xa9: {  	s5 =	sadd.s32 @p0 $0x11B8D, s5;
	s6 =	sshll.u32 @p0 s4, $0x11  }
0xaa: {  	s5 =	sor.u32 @p0 s6, s5  }
0xab: {  	[sflag:s5] =	ssyncadd.remote.s32 @p0 $0x1;
	_ =	sdelay $0x1  }
0xac: {  	s5 =	simm.s32 @p0 $0x1B8D  }
0xad: {  	_ =	swait.eq @p0 [sflag:s5], $0x1  }
0xae: {  	[sflag:s5] =	ssyncadd.s32 @p0 $0xFFFFFFFF  }
0xaf: {  	s6 =	sshll.u32 @!p0 s1, $0xE  }
0xb0: {  	s6 =	sor.u32 @!p0 $0x4000, s6;
	s5 =	simm.s32 @!p0 $0x1B8D  }
0xb1: {  	s4 =	sshll.u32 @!p0 s4, $0x11;
	s6 =	sadd.s32 @!p0 $0x11B8D, s6;
	_ =	swait.eq @!p0 [sflag:s5], $0x1  }
0xb2: {  	s4 =	sor.u32 @!p0 s4, s6;
	[sflag:s5] =	ssyncadd.s32 @!p0 $0xFFFFFFFF  }
0xb3: {  	s25 =	simm.s32 $0x1B8E;
	s24 =	sld [smem:$0x3FFE];
	[sflag:s4] =	ssyncadd.remote.s32 @!p0 $0x1  }
0xb4: {  	s26 =	simm.s32 $execute0_lowered;
	[smem:$0x3FD2] =	sst s25  }
0xb5: {  	s5 =	sshll.u32 s26, $0x1;
	_ =	strace $0x80000049;
	[dreg:$0x1] =	wrdreg $0xFFFFFFFF  }
0xb6: {  	s28 =	simm.s32 $_size_execute0_lowered;
	s3 =	sadd.s32 s3, s5;
	[dreg:$0x0] =	wrdreg $0x0  }
0xb7: {  	s5 =	sshll.u32 s28, $0x1;
	[dreg:$0x2] =	wrdreg s3  }
0xb8: {  	[dreg:$0x3] =	wrdreg s5  }
0xb9: {  	[dreg:$0x4] =	wrdreg $0xC0  }
0xba: {  	_ =	task [dreg:s22], $0x5FFFF  }
0xbb: {  	[dreg:$0x1] =	wrdreg $0xFFFFFFFF  }
0xbc: {  	[dreg:$0x0] =	wrdreg $0x60  }
0xbd: {  	[dreg:$0x2] =	wrdreg s24  }
0xbe: {  	[dreg:$0x3] =	wrdreg $0x47800  }
0xbf: {  	[dreg:$0x4] =	wrdreg $0x9  }
0xc0: {  	_ =	task.clear_ibuf [dreg:s22], $0x5FFFF;
	_ =	strace $0x90000049  }
0xc1: {  	s29 =	simm.s32 $0x9;
	_ =	strace $0x8000004B  }
0xc2: {  	_ =	swait.ge [sflag:s29], $0x1  }
0xc3: {  	[sflag:s29] =	ssyncadd.s32 $0xFFFFFFFF  }
0xc4: {  	_ =	strace $0x9000004B  }
0xc5: {  	_ =	sfence  }
0xc6: {  	s30 =	sld [smem:$0x0];
	_ =	sdelay $0x2  }
0xc7: {  	s31 =	sshll.u32 s1, $0xD;
	s1 =	sshrl.u32 s1, $0x2  }
0xc8: {  	s4 =	sand.u32 $0x4000, s31;
	s1 =	sadd.s32 s1, s30  }
0xc9: {  	s0 =	sor.u32 s4, s0;
	s1 =	sshll.u32 s1, $0x11  }
0xca: {  	s0 =	sor.u32 s1, s0  }
0xcb: {  	s0 =	sadd.s32 $0x8F2B, s0  }
0xcc: {  	[sflag:s0] =	ssyncadd.remote.s32 $0x1  }
0xcd: {  	_ =	sfence.sel $0xFFFF  }
0xce: {  	[dreg:$0x0] =	wrdreg $0xFFFFFFFF;
	(pc) =	sbr.abs _section_cstart, $3  }
0xcf: {  	[dreg:$0x1] =	wrdreg $0xFFFFFFFF  }
0xd0: {  	_ =	task.clear_ibuf [dreg:s22], $0x2FFFF;
	_ =	strace $0x9FFFFFFF  }
0xd1: {  	(tm) =	ssettm $0x7FFFFFFF  }
tec
execute0_lowered:
.L_overlay_start_1:
0x0: {  	(tag) =	ssettag $0x1  }
0x1: {  	s4 =	rddreg [dreg:$0x0]  }
0x2: {  	s2 =	rddreg [dreg:$0x1]  }
0x3: {  	s1 =	srdreg.scid;
	s0 =	rddreg [dreg:$0x2]  }
0x4: {  	s3 =	simm.s32 $0x0;
	s17 =	simm.s32 $0x2780;
	s5 =	sand.u32 $0x1, s1  }
0x5: {  	s18 =	simm.s32 $0x2;
	s1 =	stileid.u32;
	s7 =	smul.u32 $0x13C000, s5  }
0x6: {  	s19 =	simm.s32 $0x40;
	s20 =	simm.s32 $0x1;
	s8 =	smul.u32 $0x13C00, s1  }
0x7: {  	[smem:$0x7FF] =	sst s3;
	s6 =	sshll.u32 s5, $0x4;
	s29 =	smul.u32 $0x4F000, s1  }
0x8: {  	_ =	strace $0x8000004A;
	s5 =	ssub.s32 $0x2, s5;
	s9 =	smul.u32 $0x278, s1  }
0x9: {  	s21 =	sshll.u32 s1, $0x6;
	s6 =	sor.u32 s1, s6;
	s31 =	sshrl.u32 s5, $0x1  }
0xa: {  	s21 =	sor.u32 $0x1C02, s21;
	s6 =	smul.u32 $0x4F0, s6;
	s7 =	sadd.s32 s8, s7  }
0xb: {  	s8 =	sshrl.u32 s29, $0x2;
	s16 =	ssub.s32 s5, s31;
	s9 =	smin.u32 s9, $0x2500  }
0xc: {  	s30 =	sshrl.u32 s7, $0x3;
	s11 =	sshll.u32 s9, $0x7;
	s16 =	smax.u32 s16, $0x1  }
0xd: {  	s14 =	sadd.s32 s6, s4;
	s15 =	sadd.s32 s30, s4;
	s4 =	sadd.s32 s8, s2  }
0xe: {  	s13 =	sadd.s32 s11, s2;
	s5 =	sadd.s32 $0x2000, s4;
	s6 =	sadd.s32 $0x4000, s4  }
0xf: {  	s7 =	sadd.s32 $0x6000, s4;
	s8 =	sadd.s32 $0x8000, s4;
	s9 =	sadd.s32 $0xA000, s4  }
0x10: {  	s10 =	sadd.s32 $0xC000, s4;
	s11 =	sadd.s32 $0xE000, s4;
	s12 =	sadd.s32 $0x10000, s4  }
0x11: {  	v0 =	vimm.f32 $0.0e+00;
	v1 =	vimm.f32 $1.000000000e+00;
	s13 =	sadd.s32 $0x12000, s13;
	s14 =	sadd.s32 $0x4E9A00, s14;
	s15 =	sadd.s32 $0xCC000, s15  }
.LBB2_1:
0x12: {  	s22 =	simm.s32 $0x2880  }
0x13: {  	[tilespmem:s22+$0xFFFFFF00] =	vst v0  }
0x14: {  	[tilespmem:s22+$0xF0] =	vst v0  }
0x15: {  	[tilespmem:s22+$0xE0] =	vst v0  }
0x16: {  	[tilespmem:s22+$0xD0] =	vst v0  }
0x17: {  	[tilespmem:s22+$0xC0] =	vst v0  }
0x18: {  	[tilespmem:s22+$0xB0] =	vst v0  }
0x19: {  	[tilespmem:s22+$0xA0] =	vst v0  }
0x1a: {  	[tilespmem:s22+$0x90] =	vst v0  }
0x1b: {  	[tilespmem:s22+$0x80] =	vst v0  }
0x1c: {  	[tilespmem:s22+$0x70] =	vst v0  }
0x1d: {  	[tilespmem:s22+$0x60] =	vst v0  }
0x1e: {  	[tilespmem:s22+$0x50] =	vst v0  }
0x1f: {  	[tilespmem:s22+$0x40] =	vst v0  }
0x20: {  	[tilespmem:s22+$0x30] =	vst v0  }
0x21: {  	[tilespmem:s22+$0x20] =	vst v0  }
0x22: {  	[tilespmem:s22+$0x10] =	vst v0  }
0x23: {  	[tilespmem:s22+$0x0] =	vst v0  }
0x24: {  	[tilespmem:s22+$0xFFFFFFF0] =	vst v0  }
0x25: {  	[tilespmem:s22+$0xFFFFFFE0] =	vst v0  }
0x26: {  	[tilespmem:s22+$0xFFFFFFD0] =	vst v0  }
0x27: {  	[tilespmem:s22+$0xFFFFFFC0] =	vst v0  }
0x28: {  	[tilespmem:s22+$0xFFFFFFB0] =	vst v0  }
0x29: {  	[tilespmem:s22+$0xFFFFFFA0] =	vst v0  }
0x2a: {  	[tilespmem:s22+$0xFFFFFF90] =	vst v0  }
0x2b: {  	[tilespmem:s22+$0xFFFFFF80] =	vst v0  }
0x2c: {  	[tilespmem:s22+$0xFFFFFF70] =	vst v0  }
0x2d: {  	[tilespmem:s22+$0xFFFFFF60] =	vst v0  }
0x2e: {  	[tilespmem:s22+$0xFFFFFF50] =	vst v0  }
0x2f: {  	[tilespmem:s22+$0xFFFFFF40] =	vst v0  }
0x30: {  	[tilespmem:s22+$0xFFFFFF30] =	vst v0  }
0x31: {  	s23 =	simm.s32 $0x0;
	[tilespmem:s22+$0xFFFFFF20] =	vst v0  }
.LBB2_2:
0x32: {  	s23 =	sadd.s32 $0x4, s23;
	[tilespmem:s22+$0xFFFFFF10] =	vst v0;
	s22 =	sadd.s32 $0x200, s22  }
0x33: {  	[tilespmem:s22+$0xFFFFFF00] =	vst v0;
	p0 =	slt.u32 s23, $0x3C  }
0x34: {  	[tilespmem:s22+$0xF0] =	vst v0  }
0x35: {  	[tilespmem:s22+$0xE0] =	vst v0  }
0x36: {  	[tilespmem:s22+$0xD0] =	vst v0  }
0x37: {  	[tilespmem:s22+$0xC0] =	vst v0  }
0x38: {  	[tilespmem:s22+$0xB0] =	vst v0  }
0x39: {  	[tilespmem:s22+$0xA0] =	vst v0  }
0x3a: {  	[tilespmem:s22+$0x90] =	vst v0  }
0x3b: {  	[tilespmem:s22+$0x80] =	vst v0  }
0x3c: {  	[tilespmem:s22+$0x70] =	vst v0  }
0x3d: {  	[tilespmem:s22+$0x60] =	vst v0  }
0x3e: {  	[tilespmem:s22+$0x50] =	vst v0  }
0x3f: {  	[tilespmem:s22+$0x40] =	vst v0  }
0x40: {  	[tilespmem:s22+$0x30] =	vst v0  }
0x41: {  	[tilespmem:s22+$0x20] =	vst v0  }
0x42: {  	[tilespmem:s22+$0x10] =	vst v0  }
0x43: {  	[tilespmem:s22+$0x0] =	vst v0  }
0x44: {  	[tilespmem:s22+$0xFFFFFFF0] =	vst v0  }
0x45: {  	[tilespmem:s22+$0xFFFFFFE0] =	vst v0  }
0x46: {  	[tilespmem:s22+$0xFFFFFFD0] =	vst v0  }
0x47: {  	[tilespmem:s22+$0xFFFFFFC0] =	vst v0  }
0x48: {  	[tilespmem:s22+$0xFFFFFFB0] =	vst v0  }
0x49: {  	[tilespmem:s22+$0xFFFFFFA0] =	vst v0  }
0x4a: {  	[tilespmem:s22+$0xFFFFFF90] =	vst v0  }
0x4b: {  	[tilespmem:s22+$0xFFFFFF80] =	vst v0  }
0x4c: {  	[tilespmem:s22+$0xFFFFFF70] =	vst v0  }
.Ltmp0:
0x4d: {  	[tilespmem:s22+$0xFFFFFF60] =	vst v0;
	(pc) =	sbr.rel @p0 .LBB2_2-.Ltmp0, $4  }
0x4e: {  	[tilespmem:s22+$0xFFFFFF50] =	vst v0  }
0x4f: {  	[tilespmem:s22+$0xFFFFFF40] =	vst v0  }
0x50: {  	[tilespmem:s22+$0xFFFFFF30] =	vst v0  }
0x51: {  	[tilespmem:s22+$0xFFFFFF20] =	vst v0  }
0x52: {  	[tilespmem:s22+$0xFFFFFF10] =	vst v0  }
0x53: {  	[spmem:s4] =	stream.linear.scatter [tilespmem:s17], [sflag:$0x2], $0x2000, $0x38;
	[tilespmem:$0x18380] =	vst v63  }
0x54: {  	_ =	swait.ge [sflag:s18], $0x2000  }
0x55: {  	[sflag:s18] =	ssyncset.done $0x0  }
0x56: {  	[sflag:s18] =	ssyncadd.s32 $0xFFFFE000  }
0x57: {  	[spmem:s5] =	stream.linear.scatter [tilespmem:s17], [sflag:$0x2], $0x2000, $0x38;
	[tilespmem:$0x18380] =	vst v63  }
0x58: {  	_ =	swait.ge [sflag:s18], $0x2000  }
0x59: {  	[sflag:s18] =	ssyncset.done $0x0  }
0x5a: {  	[sflag:s18] =	ssyncadd.s32 $0xFFFFE000  }
0x5b: {  	[spmem:s6] =	stream.linear.scatter [tilespmem:s17], [sflag:$0x2], $0x2000, $0x38;
	[tilespmem:$0x18380] =	vst v63  }
0x5c: {  	_ =	swait.ge [sflag:s18], $0x2000  }
0x5d: {  	[sflag:s18] =	ssyncset.done $0x0  }
0x5e: {  	[sflag:s18] =	ssyncadd.s32 $0xFFFFE000  }
0x5f: {  	[spmem:s7] =	stream.linear.scatter [tilespmem:s17], [sflag:$0x2], $0x2000, $0x38;
	[tilespmem:$0x18380] =	vst v63  }
0x60: {  	_ =	swait.ge [sflag:s18], $0x2000  }
0x61: {  	[sflag:s18] =	ssyncset.done $0x0  }
0x62: {  	[sflag:s18] =	ssyncadd.s32 $0xFFFFE000  }
0x63: {  	[spmem:s8] =	stream.linear.scatter [tilespmem:s17], [sflag:$0x2], $0x2000, $0x38;
	[tilespmem:$0x18380] =	vst v63  }
0x64: {  	_ =	swait.ge [sflag:s18], $0x2000  }
0x65: {  	[sflag:s18] =	ssyncset.done $0x0  }
0x66: {  	[sflag:s18] =	ssyncadd.s32 $0xFFFFE000  }
0x67: {  	[spmem:s9] =	stream.linear.scatter [tilespmem:s17], [sflag:$0x2], $0x2000, $0x38;
	[tilespmem:$0x18380] =	vst v63  }
0x68: {  	_ =	swait.ge [sflag:s18], $0x2000  }
0x69: {  	[sflag:s18] =	ssyncset.done $0x0  }
0x6a: {  	[sflag:s18] =	ssyncadd.s32 $0xFFFFE000  }
0x6b: {  	[spmem:s10] =	stream.linear.scatter [tilespmem:s17], [sflag:$0x2], $0x2000, $0x38;
	[tilespmem:$0x18380] =	vst v63  }
0x6c: {  	_ =	swait.ge [sflag:s18], $0x2000  }
0x6d: {  	[sflag:s18] =	ssyncset.done $0x0  }
0x6e: {  	[sflag:s18] =	ssyncadd.s32 $0xFFFFE000  }
0x6f: {  	[spmem:s11] =	stream.linear.scatter [tilespmem:s17], [sflag:$0x2], $0x2000, $0x38;
	[tilespmem:$0x18380] =	vst v63  }
0x70: {  	_ =	swait.ge [sflag:s18], $0x2000  }
0x71: {  	[sflag:s18] =	ssyncset.done $0x0  }
0x72: {  	[sflag:s18] =	ssyncadd.s32 $0xFFFFE000  }
0x73: {  	[spmem:s12] =	stream.linear.scatter [tilespmem:s17], [sflag:$0x2], $0x2000, $0x38;
	[tilespmem:$0x18380] =	vst v63  }
0x74: {  	_ =	swait.ge [sflag:s18], $0x2000  }
0x75: {  	[sflag:s18] =	ssyncset.done $0x0  }
0x76: {  	[sflag:s18] =	ssyncadd.s32 $0xFFFFE000  }
0x77: {  	[spmem:s13] =	stream.linear.scatter [tilespmem:s17], [sflag:$0x2], $0x2000, $0x38;
	[tilespmem:$0x18380] =	vst v63  }
0x78: {  	_ =	swait.ge [sflag:s18], $0x2000  }
0x79: {  	[sflag:s18] =	ssyncset.done $0x0  }
0x7a: {  	s22 =	simm.s32 $0x2880;
	[sflag:s18] =	ssyncadd.s32 $0xFFFFE000  }
0x7b: {  	[tilespmem:s22+$0xFFFFFF00] =	vst v1  }
0x7c: {  	[tilespmem:s22+$0xF0] =	vst v1  }
0x7d: {  	[tilespmem:s22+$0xE0] =	vst v1  }
0x7e: {  	[tilespmem:s22+$0xD0] =	vst v1  }
0x7f: {  	[tilespmem:s22+$0xC0] =	vst v1  }
0x80: {  	[tilespmem:s22+$0xB0] =	vst v1  }
0x81: {  	[tilespmem:s22+$0xA0] =	vst v1  }
0x82: {  	[tilespmem:s22+$0x90] =	vst v1  }
0x83: {  	[tilespmem:s22+$0x80] =	vst v1  }
0x84: {  	[tilespmem:s22+$0x70] =	vst v1  }
0x85: {  	[tilespmem:s22+$0x60] =	vst v1  }
0x86: {  	[tilespmem:s22+$0x50] =	vst v1  }
0x87: {  	[tilespmem:s22+$0x40] =	vst v1  }
0x88: {  	[tilespmem:s22+$0x30] =	vst v1  }
0x89: {  	[tilespmem:s22+$0x20] =	vst v1  }
0x8a: {  	[tilespmem:s22+$0x10] =	vst v1  }
0x8b: {  	[tilespmem:s22+$0x0] =	vst v1  }
0x8c: {  	[tilespmem:s22+$0xFFFFFFF0] =	vst v1  }
0x8d: {  	[tilespmem:s22+$0xFFFFFFE0] =	vst v1  }
0x8e: {  	[tilespmem:s22+$0xFFFFFFD0] =	vst v1  }
0x8f: {  	[tilespmem:s22+$0xFFFFFFC0] =	vst v1  }
0x90: {  	[tilespmem:s22+$0xFFFFFFB0] =	vst v1  }
0x91: {  	[tilespmem:s22+$0xFFFFFFA0] =	vst v1  }
0x92: {  	[tilespmem:s22+$0xFFFFFF90] =	vst v1  }
0x93: {  	[tilespmem:s22+$0xFFFFFF80] =	vst v1  }
0x94: {  	[tilespmem:s22+$0xFFFFFF70] =	vst v1  }
0x95: {  	[tilespmem:s22+$0xFFFFFF60] =	vst v1  }
0x96: {  	[tilespmem:s22+$0xFFFFFF50] =	vst v1  }
0x97: {  	[tilespmem:s22+$0xFFFFFF40] =	vst v1  }
0x98: {  	[tilespmem:s22+$0xFFFFFF30] =	vst v1  }
0x99: {  	s23 =	simm.s32 $0x0;
	[tilespmem:s22+$0xFFFFFF20] =	vst v1  }
.LBB2_4:
0x9a: {  	s23 =	sadd.s32 $0x4, s23;
	[tilespmem:s22+$0xFFFFFF10] =	vst v1;
	s22 =	sadd.s32 $0x200, s22  }
0x9b: {  	[tilespmem:s22+$0xFFFFFF00] =	vst v1;
	p0 =	slt.u32 s23, $0x3C  }
0x9c: {  	[tilespmem:s22+$0xF0] =	vst v1  }
0x9d: {  	[tilespmem:s22+$0xE0] =	vst v1  }
0x9e: {  	[tilespmem:s22+$0xD0] =	vst v1  }
0x9f: {  	[tilespmem:s22+$0xC0] =	vst v1  }
0xa0: {  	[tilespmem:s22+$0xB0] =	vst v1  }
0xa1: {  	[tilespmem:s22+$0xA0] =	vst v1  }
0xa2: {  	[tilespmem:s22+$0x90] =	vst v1  }
0xa3: {  	[tilespmem:s22+$0x80] =	vst v1  }
0xa4: {  	[tilespmem:s22+$0x70] =	vst v1  }
0xa5: {  	[tilespmem:s22+$0x60] =	vst v1  }
0xa6: {  	[tilespmem:s22+$0x50] =	vst v1  }
0xa7: {  	[tilespmem:s22+$0x40] =	vst v1  }
0xa8: {  	[tilespmem:s22+$0x30] =	vst v1  }
0xa9: {  	[tilespmem:s22+$0x20] =	vst v1  }
0xaa: {  	[tilespmem:s22+$0x10] =	vst v1  }
0xab: {  	[tilespmem:s22+$0x0] =	vst v1  }
0xac: {  	[tilespmem:s22+$0xFFFFFFF0] =	vst v1  }
0xad: {  	[tilespmem:s22+$0xFFFFFFE0] =	vst v1  }
0xae: {  	[tilespmem:s22+$0xFFFFFFD0] =	vst v1  }
0xaf: {  	[tilespmem:s22+$0xFFFFFFC0] =	vst v1  }
0xb0: {  	[tilespmem:s22+$0xFFFFFFB0] =	vst v1  }
0xb1: {  	[tilespmem:s22+$0xFFFFFFA0] =	vst v1  }
0xb2: {  	[tilespmem:s22+$0xFFFFFF90] =	vst v1  }
0xb3: {  	[tilespmem:s22+$0xFFFFFF80] =	vst v1  }
0xb4: {  	[tilespmem:s22+$0xFFFFFF70] =	vst v1  }
.Ltmp1:
0xb5: {  	[tilespmem:s22+$0xFFFFFF60] =	vst v1;
	(pc) =	sbr.rel @p0 .LBB2_4-.Ltmp1, $4  }
0xb6: {  	[tilespmem:s22+$0xFFFFFF50] =	vst v1  }
0xb7: {  	[tilespmem:s22+$0xFFFFFF40] =	vst v1  }
0xb8: {  	[tilespmem:s22+$0xFFFFFF30] =	vst v1  }
0xb9: {  	[tilespmem:s22+$0xFFFFFF20] =	vst v1  }
0xba: {  	[tilespmem:s22+$0xFFFFFF10] =	vst v1  }
0xbb: {  	s30 =	simm.s32 $0x0;
	[bflag:$0x0] =	sbarrier.arrive $0xFFFF  }
0xbc: {  	[tilespmem:s30], [sflag:$0x2] =	stream.linear.gather [hbm4b:s14+s30], $0x2780, $0x38;
	[tilespmem:$0x18380] =	vst v63  }
0xbd: {  	_ =	swait.ge [sflag:s18], $0x2780  }
0xbe: {  	[sflag:s18] =	ssyncset.done $0x0  }
0xbf: {  	s31 =	simm.s32 $0x0;
	[sflag:s18] =	ssyncadd.s32 $0xFFFFD880  }
0xc0: {  	[spmem:s2] =	stream.indirect.scatter.add.f32 [tilespmem:s17], [sflag:$0x1], $0x80, s31, s19, $0xb8;
	[tilespmem:$0x18380] =	vst v63  }
0xc1: {  	_ =	swait.ge [sflag:s20], $0x2000  }
0xc2: {  	s22 =	simm.s32 $0x100;
	[sflag:s20] =	ssyncset.done $0x0  }
.LBB2_6:
0xc3: {  	s23 =	sshra.s32 s22, $0x2;
	[sflag:s20] =	ssyncadd.s32 $0xFFFFE000;
	p0 =	sne.s32 s22, $0x9D00  }
0xc4: {  	[spmem:s2] =	stream.indirect.scatter.add.f32 [tilespmem:s17], [sflag:$0x1], $0x80, s23, s19, $0xb8;
	[tilespmem:$0x18380] =	vst v63  }
.Ltmp2:
0xc5: {  	_ = 	snop;
	(pc) =	sbr.rel @p0 .LBB2_6-.Ltmp2, $4  }
0xc6: {  	_ = 	snop  }
0xc7: {  	s22 =	sadd.s32 $0x100, s22  }
0xc8: {  	_ =	swait.ge [sflag:s20], $0x2000  }
0xc9: {  	[sflag:s20] =	ssyncset.done $0x0  }
0xca: {  	s3 =	sadd.s32 $0x1, s3  }
0xcb: {  	[sflag:s20] =	ssyncadd.s32 $0xFFFFE000;
	p0 =	sne.s32 s3, s16  }
.Ltmp3:
0xcc: {  	s22 =	sshrl.u32 s4, $0x3;
	[bflag:$0x0] =	sbarrier.arrive $0xFFFF;
	(pc) =	sbr.rel @p0 .LBB2_1-.Ltmp3, $4  }
0xcd: {  	[hbm:s15], [sflag:s21] =	dma.local [spmem:s22], $0x2780  }
0xce: {  	_ =	swait.ge [sflag:s18], $0x2780  }
0xcf: {  	[sflag:s18] =	ssyncset.done $0x0  }
0xd0: {  	[sflag:s18] =	ssyncadd.s32 $0xFFFFD880  }
0xd1: {  	_ =	sfence.sel $0x180000  }
0xd2: {  	[bflag:$0x0] =	sbarrier.arrive $0xFFFF  }
0xd3: {  	p0 =	sne.s32 s1, $0x0;
	_ =	strace $0x9000004A  }
0xd4: {  	s0 =	sadd.s32 @!p0 $0x100000, s0;
	[bflag:$0x2] =	sbarrier.arrive $0xFFFF  }
0xd5: {  	[sflag:s0] =	ssyncadd.tile.s32 @!p0 $0x1;
	_ =	shalt  }
.Lfunc_end2:
_tile_overlayer_lowered:
.L_overlay_start_2:
0xd6: {  	(tag) =	ssettag $0x2  }
0xd7: {  	s0 =	rddreg [dreg:$0x0];
	s2 =	stileid.u32  }
0xd8: {  	s1 =	rddreg [dreg:$0x1];
	p0 =	sne.s32 s2, $0x0  }
0xd9: {  	s3 =	rddreg [dreg:$0x2];
	[bflag:$0x3] =	sbarrier.arrive $0xFFFF;
	s2 =	simm.s32 @!p0 $0x1C02  }
0xda: {  	[timem:s3], [sflag:s2] =	dma.local @!p0 [hbm:s0], s1  }
0xdb: {  	s0 =	simm.s32 @!p0 $0x2  }
0xdc: {  	_ =	swait.ge @!p0 [sflag:s0], s1  }
0xdd: {  	s1 =	ssub.s32 @!p0 $0x0, s1;
	[sflag:s0] =	ssyncset.done @!p0 $0x0  }
0xde: {  	[sflag:s0] =	ssyncadd.s32 @!p0 s1  }
0xdf: {  	[bflag:$0x3] =	sbarrier.arrive $0xFFFF  }
0xe0: {  	_ =	shalt  }

// kernel: kernel.15.cloned.1.call-start
scs
__scs_entry_jumppad:
0x0: {  	(pc) =	sbr.rel $0x88, $3  }
0x1: {  	(tag) =	ssettag $0x0;
	lr =	simm.s32 $0x1  }
0x2: {  	[smem:$0x3F7E] =	sst lr;
	_ =	strace $0xD0000000  }
0x3: {  	_ = 	snop  }
0x4: {  	_ = 	snop  }
0x5: {  	_ = 	snop  }
0x6: {  	_ = 	snop  }
0x7: {  	_ = 	snop  }
__scs_overlays_trampoline_lowered:
0x8: {  	[smem:$0x3F8D] =	sst s0  }
0x9: {  	[smem:$0x3F8E] =	sst s1  }
0xa: {  	[smem:$0x3F8F] =	sst s2  }
0xb: {  	[smem:$0x3F90] =	sst s3  }
0xc: {  	[smem:$0x3F91] =	sst s4  }
0xd: {  	[smem:$0x3F92] =	sst s5  }
0xe: {  	[smem:$0x3F93] =	sst s6  }
0xf: {  	[smem:$0x3F94] =	sst s7  }
0x10: {  	[smem:$0x3F95] =	sst s8  }
0x11: {  	[smem:$0x3F96] =	sst s9;
	s0 =	simm.s32 @!p0 $0x0  }
0x12: {  	s1 =	sld [smem:$0x3F7C];
	s0 =	simm.s32 @p0 $0x1  }
0x13: {  	[smem:$0x3F97] =	sst s0;
	s0 =	simm.s32 @!p1 $0x0  }
0x14: {  	s2 =	sld [smem:$0x3F7B];
	s0 =	simm.s32 @p1 $0x1  }
0x15: {  	[smem:$0x3F98] =	sst s0;
	s0 =	simm.s32 @!p2 $0x0  }
0x16: {  	s3 =	sld [smem:$0x3FDB];
	s0 =	simm.s32 @p2 $0x1  }
0x17: {  	s4 =	simm.s32 $0x1BF5;
	[smem:$0x3F9A] =	sst s0  }
0x18: {  	s0 =	sld [smem:$0x3F7D];
	_ =	swait.ge [sflag:s4], $0x0  }
0x19: {  	s7 =	sld [smem:$0x3F7E]  }
0x1a: {  	s8 =	sadd.s32 $0xFFFFE003, lr  }
0x1b: {  	s9 =	sadd.s32 $0xFFFFFEF7, lr;
	s5 =	simm.s32 $0xFFFFFFFF;
	p2 =	slt.u32 s8, $0xFFFFF086  }
0x1c: {  	p1 =	slt.u32 s9, $0xF7A;
	s5 =	simm.s32 @!p2 $0x0  }
0x1d: {  	s5 =	simm.s32 @p1 $0x1;
	p0 =	seq.s32 s7, s2  }
0x1e: {  	s7 =	smul.u32 @!p0 $0xF7A, s2;
	p2 =	seq.s32 @!p0 s5, $0x0  }
0x1f: {  	s9 =	smul.u32 $0xF7A, s1;
	s8 =	simm.s32 @!p0 $0x1BF5;
	p2 =	por !p2, p0  }
0x20: {  	[sflag:s8] =	ssyncset.s32 @!p0 $0xFFFFF086;
	s6 =	sadd.s32 @!p0 s3, s7;
	s7 =	simm.s32 @!p0 $0x108  }
0x21: {  	s3 =	sadd.s32 s3, s9;
	s6 =	sadd.s32 @!p0 $0x88, s6;
	s7 =	simm.s32 @p2 $0x1082  }
0x22: {  	[simem:s7], [sflag:s8] =	dma.local @!p0 [hbm:s6], $0xF7A  }
0x23: {  	s9 =	sor.u32 $0xD0000000, s2;
	s6 =	simm.s32 $0x108;
	_ =	swait.ge @!p0 [sflag:s8], $0x0  }
0x24: {  	s3 =	sadd.s32 $0x88, s3;
	s6 =	simm.s32 @!p1 $0x1082;
	[sflag:s4] =	ssyncset.s32 $0xFFFFF086  }
0x25: {  	[simem:s6], [sflag:s4] =	dma.local [hbm:s3], $0xF7A  }
0x26: {  	[smem:$0x3F7E] =	sst s1;
	(tag) =	ssettag s2;
	_ =	strace s9  }
0x27: {  	s1 =	sld [smem:$0x3F8E]  }
0x28: {  	s2 =	sld [smem:$0x3F8F]  }
0x29: {  	s4 =	sld [smem:$0x3F91]  }
0x2a: {  	p0 =	seq.s32 s5, $0x0;
	s5 =	sld [smem:$0x3F92]  }
0x2b: {  	s6 =	sld [smem:$0x3F93]  }
0x2c: {  	s7 =	sld [smem:$0x3F94]  }
0x2d: {  	s3 =	simm.s32 $0x108;
	s8 =	sld [smem:$0x3F95]  }
0x2e: {  	s3 =	simm.s32 @!p0 $0x1082;
	s9 =	sld [smem:$0x3F96]  }
0x2f: {  	lr =	sadd.s32 s0, s3;
	s0 =	sld [smem:$0x3F8D]  }
0x30: {  	s3 =	sld [smem:$0x3F90]  }
0x31: {  	[smem:$0x3F99] =	sst s10  }
0x32: {  	s10 =	sld [smem:$0x3F97];
	_ =	sdelay $0x3  }
0x33: {  	p0 =	seq.s32 s10, $0x1;
	s10 =	sld [smem:$0x3F99];
	_ =	sdelay $0x3  }
0x34: {  	[smem:$0x3F99] =	sst s10  }
0x35: {  	s10 =	sld [smem:$0x3F98];
	_ =	sdelay $0x3  }
0x36: {  	p1 =	seq.s32 s10, $0x1;
	s10 =	sld [smem:$0x3F99];
	_ =	sdelay $0x3  }
0x37: {  	[smem:$0x3F99] =	sst s10  }
0x38: {  	s10 =	sld [smem:$0x3F9A]  }
0x39: {  	_ = 	snop;
	(pc) =	sbr.ind lr, $3  }
0x3a: {  	_ = 	snop  }
0x3b: {  	_ = 	snop  }
0x3c: {  	p2 =	seq.s32 s10, $0x1;
	s10 =	sld [smem:$0x3F99]  }
0x3d: {  	_ =	shalt  }
0x3e: {  	_ =	shalt  }
0x3f: {  	_ =	shalt  }
0x40: {  	_ =	shalt  }
0x41: {  	_ =	shalt  }
0x42: {  	_ =	shalt  }
0x43: {  	_ =	shalt  }
0x44: {  	_ =	shalt  }
0x45: {  	_ =	shalt  }
0x46: {  	_ =	shalt  }
0x47: {  	_ =	shalt  }
0x48: {  	_ =	shalt  }
0x49: {  	_ =	shalt  }
0x4a: {  	_ =	shalt  }
0x4b: {  	_ =	shalt  }
0x4c: {  	_ =	shalt  }
0x4d: {  	_ =	shalt  }
0x4e: {  	_ =	shalt  }
0x4f: {  	_ =	shalt  }
0x50: {  	_ =	shalt  }
0x51: {  	_ =	shalt  }
0x52: {  	_ =	shalt  }
0x53: {  	_ =	shalt  }
0x54: {  	_ =	shalt  }
0x55: {  	_ =	shalt  }
0x56: {  	_ =	shalt  }
0x57: {  	_ =	shalt  }
0x58: {  	_ =	shalt  }
0x59: {  	_ =	shalt  }
0x5a: {  	_ =	shalt  }
0x5b: {  	_ =	shalt  }
0x5c: {  	_ =	shalt  }
0x5d: {  	_ =	shalt  }
0x5e: {  	_ =	shalt  }
0x5f: {  	_ =	shalt  }
0x60: {  	_ =	shalt  }
0x61: {  	_ =	shalt  }
0x62: {  	_ =	shalt  }
0x63: {  	_ =	shalt  }
0x64: {  	_ =	shalt  }
0x65: {  	_ =	shalt  }
0x66: {  	_ =	shalt  }
0x67: {  	_ =	shalt  }
0x68: {  	_ =	shalt  }
0x69: {  	_ =	shalt  }
0x6a: {  	_ =	shalt  }
0x6b: {  	_ =	shalt  }
0x6c: {  	_ =	shalt  }
0x6d: {  	_ =	shalt  }
0x6e: {  	_ =	shalt  }
0x6f: {  	_ =	shalt  }
0x70: {  	_ =	shalt  }
0x71: {  	_ =	shalt  }
0x72: {  	_ =	shalt  }
0x73: {  	_ =	shalt  }
0x74: {  	_ =	shalt  }
0x75: {  	_ =	shalt  }
0x76: {  	_ =	shalt  }
0x77: {  	_ =	shalt  }
0x78: {  	_ =	shalt  }
0x79: {  	_ =	shalt  }
0x7a: {  	_ =	shalt  }
0x7b: {  	_ =	shalt  }
0x7c: {  	_ =	shalt  }
0x7d: {  	_ =	shalt  }
0x7e: {  	_ =	shalt  }
0x7f: {  	_ =	shalt  }
0x80: {  	_ =	shalt  }
0x81: {  	_ =	shalt  }
0x82: {  	_ =	shalt  }
0x83: {  	_ =	shalt  }
0x84: {  	_ =	shalt  }
0x85: {  	_ =	shalt  }
0x86: {  	_ =	shalt  }
0x87: {  	_ =	shalt  }
.Lfunc_end0:
.L_simem_size_0:
called_computation.1_lowered:
.L_overlay_start_0:
0x88: {  	s2 =	sld [smem:$0x3FD9]  }
0x89: {  	s3 =	sld [smem:$0x3FFE];
	_ =	sdelay $0x1  }
0x8a: {  	s1 =	srdreg.scid  }
0x8b: {  	s0 =	sand.u32 $0x1, s1  }
0x8c: {  	s17 =	sshll.u32 s0, $0xA;
	s2 =	sadd.s32 s3, s2  }
0x8d: {  	s2 =	sadd.s32 s2, s17  }
0x8e: {  	[smem:$0x3FA5] =	sst s2  }
0x8f: {  	_ = 	snop  }
0x90: {  	s2 =	sld [smem:$0x3FD0];
	(tm) =	ssettm $0x1  }
0x91: {  	s18 =	sld [smem:$0x3FFB];
	_ =	sdelay $0x3  }
0x92: {  	_ =	strace s18  }
0x93: {  	s3 =	sld [smem:$0x3FFC];
	_ =	sdelay $0x3  }
0x94: {  	_ =	strace s3  }
0x95: {  	s3 =	sld [smem:$0x3FFD];
	_ =	sdelay $0x3  }
0x96: {  	_ =	strace s3  }
0x97: {  	_ =	strace $0x8FFFFFFF  }
0x98: {  	s19 =	sld [smem:$0x3FDB];
	_ =	sdelay $0x1  }
0x99: {  	s4 =	simm.s32 $_scs_section_size  }
0x9a: {  	s5 =	simm.s32 $_size__tile_overlayer_lowered;
	s6 =	simm.s32 $_tile_overlayer_lowered  }
0x9b: {  	s22 =	simm.s32 $0x1BFF;
	s21 =	sshll.u32 s6, $0x1;
	s3 =	sadd.s32 s4, s19  }
0x9c: {  	s7 =	simm.s32 $0x0;
	s20 =	sshll.u32 s5, $0x1;
	s5 =	sadd.s32 s21, s3  }
0x9d: {  	[timem:s7], [sflag:s22] =	dma.local [hbm:s5], s20  }
0x9e: {  	_ =	swait.ge [sflag:s22], s20  }
0x9f: {  	s4 =	ssub.s32 $0x0, s20;
	[sflag:s22] =	ssyncset.done $0x0  }
0xa0: {  	[sflag:s22] =	ssyncadd.s32 s4;
	_ =	sdelay $0x1  }
0xa1: {  	s23 =	simm.s32 $0x1B8B  }
0xa2: {  	_ =	swait.ge [sflag:s23], $0x1  }
0xa3: {  	[sflag:s23] =	ssyncset.done $0x0  }
0xa4: {  	s25 =	simm.s32 $0x1B8E;
	s24 =	sld [smem:$0x3FFE];
	[sflag:s23] =	ssyncadd.s32 $0xFFFFFFFF  }
0xa5: {  	s26 =	simm.s32 $execute0_lowered;
	[smem:$0x3FD2] =	sst s25  }
0xa6: {  	s5 =	sshll.u32 s26, $0x1;
	_ =	strace $0x80000046;
	[dreg:$0x1] =	wrdreg $0xFFFFFFFF  }
0xa7: {  	s28 =	simm.s32 $_size_execute0_lowered;
	s3 =	sadd.s32 s3, s5;
	[dreg:$0x0] =	wrdreg $0x0  }
0xa8: {  	s5 =	sshll.u32 s28, $0x1;
	[dreg:$0x2] =	wrdreg s3  }
0xa9: {  	[dreg:$0x3] =	wrdreg s5  }
0xaa: {  	[dreg:$0x4] =	wrdreg $0xC0  }
0xab: {  	_ =	task [dreg:s7], $0x5FFFF  }
0xac: {  	[dreg:$0x1] =	wrdreg $0xFFFFFFFF  }
0xad: {  	[dreg:$0x0] =	wrdreg $0x60  }
0xae: {  	[dreg:$0x2] =	wrdreg s2  }
0xaf: {  	[dreg:$0x3] =	wrdreg s24  }
0xb0: {  	[dreg:$0x4] =	wrdreg $0xA8800  }
0xb1: {  	[dreg:$0x5] =	wrdreg $0xA  }
0xb2: {  	_ =	task.clear_ibuf [dreg:s7], $0x6FFFF;
	_ =	strace $0x90000046  }
0xb3: {  	s29 =	simm.s32 $0xA;
	_ =	strace $0x80000048  }
0xb4: {  	_ =	swait.ge [sflag:s29], $0x1  }
0xb5: {  	[sflag:s29] =	ssyncadd.s32 $0xFFFFFFFF  }
0xb6: {  	_ =	strace $0x90000048  }
0xb7: {  	_ =	sfence  }
0xb8: {  	s30 =	sld [smem:$0x0];
	_ =	sdelay $0x2  }
0xb9: {  	s31 =	sshll.u32 s1, $0xD;
	s1 =	sshrl.u32 s1, $0x2  }
0xba: {  	s3 =	sand.u32 $0x4000, s31;
	s1 =	sadd.s32 s1, s30  }
0xbb: {  	s0 =	sor.u32 s3, s0;
	s1 =	sshll.u32 s1, $0x11  }
0xbc: {  	s0 =	sor.u32 s1, s0  }
0xbd: {  	s0 =	sadd.s32 $0x8F2B, s0  }
0xbe: {  	[sflag:s0] =	ssyncadd.remote.s32 $0x1  }
0xbf: {  	_ =	sfence.sel $0xFFFF  }
0xc0: {  	[dreg:$0x0] =	wrdreg $0xFFFFFFFF;
	(pc) =	sbr.abs _section_cstart, $3  }
0xc1: {  	[dreg:$0x1] =	wrdreg $0xFFFFFFFF  }
0xc2: {  	_ =	task.clear_ibuf [dreg:s7], $0x2FFFF;
	_ =	strace $0x9FFFFFFF  }
0xc3: {  	(tm) =	ssettm $0x7FFFFFFF  }
tec
execute0_lowered:
.L_overlay_start_1:
0x0: {  	(tag) =	ssettag $0x1  }
0x1: {  	s1 =	rddreg [dreg:$0x0]  }
0x2: {  	s0 =	srdreg.scid;
	s9 =	rddreg [dreg:$0x1]  }
0x3: {  	s14 =	stileid.u32;
	s3 =	rddreg [dreg:$0x2];
	s5 =	simm.s32 $0x0  }
0x4: {  	s29 =	simm.s32 $0x1;
	s30 =	simm.s32 $0x2800;
	s11 =	smul.u32 $0x13C00, s14  }
0x5: {  	s31 =	simm.s32 $0x4880;
	s0 =	sand.u32 $0x1, s0;
	s13 =	smul.u32 $0x4F000, s14  }
0x6: {  	s28 =	simm.s32 $0x2;
	[smem:$0x7FF] =	sst s5;
	s8 =	smul.u32 $0x13C000, s0  }
0x7: {  	s6 =	sadd.s32 $0x4E9A00, s9;
	s7 =	sadd.s32 $0x9ED600, s9;
	s2 =	sshll.u32 s0, $0x4  }
0x8: {  	_ =	strace $0x80000047;
	s16 =	sshrl.u32 s13, $0x2;
	s8 =	sadd.s32 s11, s8  }
0x9: {  	s0 =	ssub.s32 $0x2, s0;
	s11 =	sshrl.u32 s8, $0x3;
	s8 =	sadd.s32 s16, s3  }
0xa: {  	s2 =	sor.u32 s14, s2;
	s17 =	sshrl.u32 s0, $0x1;
	s18 =	sadd.s32 $0x2000, s8  }
0xb: {  	s14 =	smul.u32 $0x278, s14;
	s19 =	sadd.s32 $0x4000, s8;
	[dreg:$0x4] =	wrdreg s18  }
0xc: {  	s4 =	smul.u32 $0x2780, s2;
	s20 =	sadd.s32 $0x6000, s8;
	[dreg:$0x5] =	wrdreg s19  }
0xd: {  	s0 =	ssub.s32 s0, s17;
	s22 =	sadd.s32 $0x8000, s8;
	[dreg:$0x6] =	wrdreg s20  }
0xe: {  	s2 =	smul.u32 $0x27800, s2;
	s23 =	sadd.s32 $0xA000, s8;
	[dreg:$0x7] =	wrdreg s22  }
0xf: {  	s21 =	smin.u32 s14, $0x2500;
	s24 =	sadd.s32 $0xC000, s8;
	[dreg:$0x8] =	wrdreg s23  }
0x10: {  	s10 =	sshrl.u32 s4, $0x3;
	s25 =	sadd.s32 $0xE000, s8;
	[dreg:$0x9] =	wrdreg s24  }
0x11: {  	s26 =	sadd.s32 $0x10000, s8;
	s12 =	sadd.s32 s10, s9;
	[dreg:$0xa] =	wrdreg s25  }
0x12: {  	s9 =	sadd.s32 s11, s9;
	s11 =	sshll.u32 s21, $0x7;
	[dreg:$0xb] =	wrdreg s26  }
0x13: {  	s19 =	sadd.s32 s6, s10;
	s20 =	sadd.s32 s7, s2;
	s22 =	smax.u32 s0, $0x1  }
0x14: {  	s23 =	simm.s32 $0x2880;
	s24 =	simm.s32 $0x5;
	s25 =	simm.s32 $0x2780  }
0x15: {  	s26 =	simm.s32 $0x40;
	s2 =	simm.s32 $0x8880;
	s0 =	simm.s32 $0x3  }
0x16: {  	s10 =	simm.s32 $0x0;
	s11 =	sadd.s32 s11, s3;
	s18 =	sadd.s32 $0x4F3800, s12  }
0x17: {  	v0 =	vimm.f32 $0.0e+00;
	s21 =	sadd.s32 $0x7D000, s9;
	s9 =	simm.s32 $0x4;
	s17 =	sadd.s32 $0x12000, s11  }
.LBB2_1:
0x18: {  	s11 =	simm.s32 $0x2980  }
0x19: {  	[tilespmem:s11+$0xFFFFFF00] =	vst v0  }
0x1a: {  	[tilespmem:s11+$0xF0] =	vst v0  }
0x1b: {  	[tilespmem:s11+$0xE0] =	vst v0  }
0x1c: {  	[tilespmem:s11+$0xD0] =	vst v0  }
0x1d: {  	[tilespmem:s11+$0xC0] =	vst v0  }
0x1e: {  	[tilespmem:s11+$0xB0] =	vst v0  }
0x1f: {  	[tilespmem:s11+$0xA0] =	vst v0  }
0x20: {  	[tilespmem:s11+$0x90] =	vst v0  }
0x21: {  	[tilespmem:s11+$0x80] =	vst v0  }
0x22: {  	[tilespmem:s11+$0x70] =	vst v0  }
0x23: {  	[tilespmem:s11+$0x60] =	vst v0  }
0x24: {  	[tilespmem:s11+$0x50] =	vst v0  }
0x25: {  	[tilespmem:s11+$0x40] =	vst v0  }
0x26: {  	[tilespmem:s11+$0x30] =	vst v0  }
0x27: {  	[tilespmem:s11+$0x20] =	vst v0  }
0x28: {  	[tilespmem:s11+$0x10] =	vst v0  }
0x29: {  	[tilespmem:s11+$0x0] =	vst v0  }
0x2a: {  	[tilespmem:s11+$0xFFFFFFF0] =	vst v0  }
0x2b: {  	[tilespmem:s11+$0xFFFFFFE0] =	vst v0  }
0x2c: {  	[tilespmem:s11+$0xFFFFFFD0] =	vst v0  }
0x2d: {  	[tilespmem:s11+$0xFFFFFFC0] =	vst v0  }
0x2e: {  	[tilespmem:s11+$0xFFFFFFB0] =	vst v0  }
0x2f: {  	[tilespmem:s11+$0xFFFFFFA0] =	vst v0  }
0x30: {  	[tilespmem:s11+$0xFFFFFF90] =	vst v0  }
0x31: {  	[tilespmem:s11+$0xFFFFFF80] =	vst v0  }
0x32: {  	[tilespmem:s11+$0xFFFFFF70] =	vst v0  }
0x33: {  	[tilespmem:s11+$0xFFFFFF60] =	vst v0  }
0x34: {  	[tilespmem:s11+$0xFFFFFF50] =	vst v0  }
0x35: {  	[tilespmem:s11+$0xFFFFFF40] =	vst v0  }
0x36: {  	[tilespmem:s11+$0xFFFFFF30] =	vst v0  }
0x37: {  	s12 =	simm.s32 $0x0;
	[tilespmem:s11+$0xFFFFFF20] =	vst v0  }
.LBB2_2:
0x38: {  	s12 =	sadd.s32 $0x4, s12;
	[tilespmem:s11+$0xFFFFFF10] =	vst v0;
	s11 =	sadd.s32 $0x200, s11  }
0x39: {  	[tilespmem:s11+$0xFFFFFF00] =	vst v0;
	p0 =	slt.u32 s12, $0x3C  }
0x3a: {  	[tilespmem:s11+$0xF0] =	vst v0  }
0x3b: {  	[tilespmem:s11+$0xE0] =	vst v0  }
0x3c: {  	[tilespmem:s11+$0xD0] =	vst v0  }
0x3d: {  	[tilespmem:s11+$0xC0] =	vst v0  }
0x3e: {  	[tilespmem:s11+$0xB0] =	vst v0  }
0x3f: {  	[tilespmem:s11+$0xA0] =	vst v0  }
0x40: {  	[tilespmem:s11+$0x90] =	vst v0  }
0x41: {  	[tilespmem:s11+$0x80] =	vst v0  }
0x42: {  	[tilespmem:s11+$0x70] =	vst v0  }
0x43: {  	[tilespmem:s11+$0x60] =	vst v0  }
0x44: {  	[tilespmem:s11+$0x50] =	vst v0  }
0x45: {  	[tilespmem:s11+$0x40] =	vst v0  }
0x46: {  	[tilespmem:s11+$0x30] =	vst v0  }
0x47: {  	[tilespmem:s11+$0x20] =	vst v0  }
0x48: {  	[tilespmem:s11+$0x10] =	vst v0  }
0x49: {  	[tilespmem:s11+$0x0] =	vst v0  }
0x4a: {  	[tilespmem:s11+$0xFFFFFFF0] =	vst v0  }
0x4b: {  	[tilespmem:s11+$0xFFFFFFE0] =	vst v0  }
0x4c: {  	[tilespmem:s11+$0xFFFFFFD0] =	vst v0  }
0x4d: {  	[tilespmem:s11+$0xFFFFFFC0] =	vst v0  }
0x4e: {  	[tilespmem:s11+$0xFFFFFFB0] =	vst v0  }
0x4f: {  	[tilespmem:s11+$0xFFFFFFA0] =	vst v0  }
0x50: {  	[tilespmem:s11+$0xFFFFFF90] =	vst v0  }
0x51: {  	[tilespmem:s11+$0xFFFFFF80] =	vst v0  }
0x52: {  	[tilespmem:s11+$0xFFFFFF70] =	vst v0  }
.Ltmp0:
0x53: {  	[tilespmem:s11+$0xFFFFFF60] =	vst v0;
	(pc) =	sbr.rel @p0 .LBB2_2-.Ltmp0, $4  }
0x54: {  	[tilespmem:s11+$0xFFFFFF50] =	vst v0  }
0x55: {  	[tilespmem:s11+$0xFFFFFF40] =	vst v0  }
0x56: {  	[tilespmem:s11+$0xFFFFFF30] =	vst v0  }
0x57: {  	[tilespmem:s11+$0xFFFFFF20] =	vst v0  }
0x58: {  	[tilespmem:s11+$0xFFFFFF10] =	vst v0  }
0x59: {  	[spmem:s8] =	stream.linear.scatter [tilespmem:s23], [sflag:$0x5], $0x2000, $0x38;
	[tilespmem:$0x1E480] =	vst v63  }
0x5a: {  	_ =	swait.ge [sflag:s24], $0x2000  }
0x5b: {  	[sflag:s24] =	ssyncset.done $0x0  }
0x5c: {  	s14 =	rddreg [dreg:$0x4];
	[sflag:s24] =	ssyncadd.s32 $0xFFFFE000  }
0x5d: {  	[spmem:s14] =	stream.linear.scatter [tilespmem:s23], [sflag:$0x5], $0x2000, $0x38;
	[tilespmem:$0x1E480] =	vst v63  }
0x5e: {  	_ =	swait.ge [sflag:s24], $0x2000  }
0x5f: {  	[sflag:s24] =	ssyncset.done $0x0  }
0x60: {  	s15 =	rddreg [dreg:$0x5];
	[sflag:s24] =	ssyncadd.s32 $0xFFFFE000  }
0x61: {  	[spmem:s15] =	stream.linear.scatter [tilespmem:s23], [sflag:$0x5], $0x2000, $0x38;
	[tilespmem:$0x1E480] =	vst v63  }
0x62: {  	_ =	swait.ge [sflag:s24], $0x2000  }
0x63: {  	[sflag:s24] =	ssyncset.done $0x0  }
0x64: {  	s16 =	rddreg [dreg:$0x6];
	[sflag:s24] =	ssyncadd.s32 $0xFFFFE000  }
0x65: {  	[spmem:s16] =	stream.linear.scatter [tilespmem:s23], [sflag:$0x5], $0x2000, $0x38;
	[tilespmem:$0x1E480] =	vst v63  }
0x66: {  	_ =	swait.ge [sflag:s24], $0x2000  }
0x67: {  	[sflag:s24] =	ssyncset.done $0x0  }
0x68: {  	s12 =	rddreg [dreg:$0x7];
	[sflag:s24] =	ssyncadd.s32 $0xFFFFE000  }
0x69: {  	[spmem:s12] =	stream.linear.scatter [tilespmem:s23], [sflag:$0x5], $0x2000, $0x38;
	[tilespmem:$0x1E480] =	vst v63  }
0x6a: {  	_ =	swait.ge [sflag:s24], $0x2000  }
0x6b: {  	[sflag:s24] =	ssyncset.done $0x0  }
0x6c: {  	s13 =	rddreg [dreg:$0x8];
	[sflag:s24] =	ssyncadd.s32 $0xFFFFE000  }
0x6d: {  	[spmem:s13] =	stream.linear.scatter [tilespmem:s23], [sflag:$0x5], $0x2000, $0x38;
	[tilespmem:$0x1E480] =	vst v63  }
0x6e: {  	_ =	swait.ge [sflag:s24], $0x2000  }
0x6f: {  	[sflag:s24] =	ssyncset.done $0x0  }
0x70: {  	s14 =	rddreg [dreg:$0x9];
	[sflag:s24] =	ssyncadd.s32 $0xFFFFE000  }
0x71: {  	[spmem:s14] =	stream.linear.scatter [tilespmem:s23], [sflag:$0x5], $0x2000, $0x38;
	[tilespmem:$0x1E480] =	vst v63  }
0x72: {  	_ =	swait.ge [sflag:s24], $0x2000  }
0x73: {  	[sflag:s24] =	ssyncset.done $0x0  }
0x74: {  	s15 =	rddreg [dreg:$0xa];
	[sflag:s24] =	ssyncadd.s32 $0xFFFFE000  }
0x75: {  	[spmem:s15] =	stream.linear.scatter [tilespmem:s23], [sflag:$0x5], $0x2000, $0x38;
	[tilespmem:$0x1E480] =	vst v63  }
0x76: {  	_ =	swait.ge [sflag:s24], $0x2000  }
0x77: {  	[sflag:s24] =	ssyncset.done $0x0  }
0x78: {  	s16 =	rddreg [dreg:$0xb];
	[sflag:s24] =	ssyncadd.s32 $0xFFFFE000  }
0x79: {  	[spmem:s16] =	stream.linear.scatter [tilespmem:s23], [sflag:$0x5], $0x2000, $0x38;
	[tilespmem:$0x1E480] =	vst v63  }
0x7a: {  	_ =	swait.ge [sflag:s24], $0x2000  }
0x7b: {  	[sflag:s24] =	ssyncset.done $0x0  }
0x7c: {  	[sflag:s24] =	ssyncadd.s32 $0xFFFFE000  }
0x7d: {  	[spmem:s17] =	stream.linear.scatter [tilespmem:s23], [sflag:$0x5], $0x2000, $0x38;
	[tilespmem:$0x1E480] =	vst v63  }
0x7e: {  	_ =	swait.ge [sflag:s24], $0x2000  }
0x7f: {  	[sflag:s24] =	ssyncset.done $0x0  }
0x80: {  	[sflag:s24] =	ssyncadd.s32 $0xFFFFE000  }
0x81: {  	s11 =	simm.s32 $0x0;
	[bflag:$0x0] =	sbarrier.arrive $0xFFFF  }
0x82: {  	[tilespmem:s11], [sflag:$0x5] =	stream.linear.gather [hbm4b:s18+s11], $0x2780, $0x38;
	[tilespmem:$0x1E480] =	vst v63  }
0x83: {  	_ =	swait.ge [sflag:s24], $0x2780  }
0x84: {  	[sflag:s24] =	ssyncset.done $0x0  }
0x85: {  	[sflag:s24] =	ssyncadd.s32 $0xFFFFD880  }
0x86: {  	[tilespmem:s25], [sflag:$0x1] =	stream.linear.gather [hbm4b:s19+s11], $0x40, $0x38;
	[tilespmem:$0x1E480] =	vst v63  }
0x87: {  	_ = 	snop  }
0x88: {  	[tilespmem:s23], [sflag:$0x1] =	stream.indirect.gather [hbm4b:s1+s26], $0x80, s11, s26, $0xb8;
	[tilespmem:$0x1E480] =	vst v63  }
0x89: {  	s12 =	simm.s32 $0x6880  }
0x8a: {  	[tilespmem:s12], [sflag:$0x1] =	stream.linear.gather [hbm4b:s20+s11], $0x2000, $0x38;
	[tilespmem:$0x1E480] =	vst v63  }
.LBB2_4:
0x8b: {  	_ =	swait.ge [sflag:s29], $0x40  }
0x8c: {  	[sflag:s29] =	ssyncset.done $0x0  }
0x8d: {  	[sflag:s29] =	ssyncadd.s32 $0xFFFFFFC0  }
0x8e: {  	_ =	swait.ge [sflag:s29], $0x2000  }
0x8f: {  	[sflag:s29] =	ssyncset.done $0x0  }
0x90: {  	[sflag:s29] =	ssyncadd.s32 $0xFFFFE000  }
0x91: {  	_ =	swait.ge [sflag:s29], $0x2000  }
0x92: {  	p0 =	seq.s32 s11, $0x0;
	s12 =	sshll.u32 s11, $0x7;
	[sflag:s29] =	ssyncset.done $0x0  }
0x93: {  	s13 =	simm.s32 @!p0 $0x4;
	s14 =	sor.u32 $0x40, s12;
	[sflag:s29] =	ssyncadd.s32 $0xFFFFE000  }
0x94: {  	s15 =	sadd.s32 s4, s14;
	_ =	swait.ge @!p0 [sflag:s13], $0x2000  }
0x95: {  	s16 =	sshrl.u32 s15, $0x3;
	[sflag:s13] =	ssyncset.done @!p0 $0x0  }
0x96: {  	s16 =	sadd.s32 s6, s16;
	[sflag:s13] =	ssyncadd.s32 @!p0 $0xFFFFE000  }
0x97: {  	[tilespmem:s30], [sflag:$0x2] =	stream.linear.gather [hbm4b:s16+s5], $0x40, $0x38;
	[tilespmem:$0x1E480] =	vst v63  }
0x98: {  	s16 =	sshll.u32 s15, $0x4  }
0x99: {  	[tilespmem:s31], [sflag:$0x2] =	stream.indirect.gather [hbm4b:s1+s26], $0x80, s14, s26, $0xb8;
	[tilespmem:$0x1E480] =	vst v63  }
0x9a: {  	s13 =	sadd.s32 s7, s16  }
0x9b: {  	[tilespmem:s2], [sflag:$0x2] =	stream.linear.gather [hbm4b:s13+s5], $0x2000, $0x38;
	[tilespmem:$0x1E480] =	vst v63  }
0x9c: {  	s13 =	simm.s32 $0x2980  }
0x9d: {  	s14 =	simm.s32 $0x6980;
	v1 =	vld [tilespmem:s13+$0x80]  }
0x9e: {  	v2 =	vld [tilespmem:s14+$0x80]  }
0x9f: {  	v3 =	vld [tilespmem:s13+$0xFFFFFF80]  }
0xa0: {  	v4 =	vld [tilespmem:s14+$0xFFFFFF80]  }
0xa1: {  	v5 =	vld [tilespmem:s13+$0x0]  }
0xa2: {  	v6 =	vld [tilespmem:s14+$0x0]  }
0xa3: {  	v7 =	vld [tilespmem:s13+$0xFFFFFF00];
	v1 =	vmul.f32 v2, v1  }
0xa4: {  	v2 =	vld [tilespmem:s14+$0xFFFFFF00]  }
0xa5: {  	[tilespmem:s13+$0x80] =	vst v1;
	v1 =	vld [tilespmem:s13+$0x90]  }
0xa6: {  	v3 =	vmul.f32 v4, v3;
	v4 =	vld [tilespmem:s14+$0x90]  }
0xa7: {  	v8 =	vld [tilespmem:s13+$0xFFFFFF10]  }
0xa8: {  	[tilespmem:s13+$0xFFFFFF80] =	vst v3;
	v3 =	vmul.f32 v6, v5;
	v5 =	vld [tilespmem:s13+$0xFFFFFF90]  }
0xa9: {  	v6 =	vld [tilespmem:s14+$0xFFFFFF90];
	v2 =	vmul.f32 v2, v7  }
0xaa: {  	[tilespmem:s13+$0x0] =	vst v3;
	v3 =	vld [tilespmem:s13+$0x10]  }
0xab: {  	v7 =	vld [tilespmem:s14+$0x10];
	[tilespmem:s13+$0xFFFFFF00] =	vst v2;
	v1 =	vmul.f32 v4, v1  }
0xac: {  	v2 =	vld [tilespmem:s14+$0xFFFFFF10]  }
0xad: {  	[tilespmem:s13+$0x90] =	vst v1;
	v1 =	vld [tilespmem:s13+$0xA0]  }
0xae: {  	v4 =	vmul.f32 v6, v5;
	v5 =	vld [tilespmem:s14+$0xA0]  }
0xaf: {  	v6 =	vld [tilespmem:s13+$0xFFFFFF20]  }
0xb0: {  	[tilespmem:s13+$0xFFFFFF90] =	vst v4;
	v3 =	vmul.f32 v7, v3;
	v4 =	vld [tilespmem:s13+$0xFFFFFFA0]  }
0xb1: {  	v7 =	vld [tilespmem:s14+$0xFFFFFFA0];
	v2 =	vmul.f32 v2, v8  }
0xb2: {  	[tilespmem:s13+$0x10] =	vst v3;
	v3 =	vld [tilespmem:s13+$0x20]  }
0xb3: {  	v8 =	vld [tilespmem:s14+$0x20];
	[tilespmem:s13+$0xFFFFFF10] =	vst v2;
	v1 =	vmul.f32 v5, v1  }
0xb4: {  	v2 =	vld [tilespmem:s14+$0xFFFFFF20]  }
0xb5: {  	[tilespmem:s13+$0xA0] =	vst v1;
	v1 =	vld [tilespmem:s13+$0xB0]  }
0xb6: {  	v4 =	vmul.f32 v7, v4;
	v5 =	vld [tilespmem:s14+$0xB0]  }
0xb7: {  	v7 =	vld [tilespmem:s13+$0xFFFFFF30]  }
0xb8: {  	[tilespmem:s13+$0xFFFFFFA0] =	vst v4;
	v3 =	vmul.f32 v8, v3;
	v4 =	vld [tilespmem:s13+$0xFFFFFFB0]  }
0xb9: {  	v8 =	vld [tilespmem:s14+$0xFFFFFFB0];
	v2 =	vmul.f32 v2, v6  }
0xba: {  	[tilespmem:s13+$0x20] =	vst v3;
	v3 =	vld [tilespmem:s13+$0x30]  }
0xbb: {  	v6 =	vld [tilespmem:s14+$0x30];
	[tilespmem:s13+$0xFFFFFF20] =	vst v2;
	v1 =	vmul.f32 v5, v1  }
0xbc: {  	v2 =	vld [tilespmem:s14+$0xFFFFFF30]  }
0xbd: {  	[tilespmem:s13+$0xB0] =	vst v1;
	v1 =	vld [tilespmem:s13+$0xC0]  }
0xbe: {  	v4 =	vmul.f32 v8, v4;
	v5 =	vld [tilespmem:s14+$0xC0]  }
0xbf: {  	v8 =	vld [tilespmem:s13+$0xFFFFFF40]  }
0xc0: {  	[tilespmem:s13+$0xFFFFFFB0] =	vst v4;
	v3 =	vmul.f32 v6, v3;
	v4 =	vld [tilespmem:s13+$0xFFFFFFC0]  }
0xc1: {  	v6 =	vld [tilespmem:s14+$0xFFFFFFC0];
	v2 =	vmul.f32 v2, v7  }
0xc2: {  	[tilespmem:s13+$0x30] =	vst v3;
	v3 =	vld [tilespmem:s13+$0x40]  }
0xc3: {  	v7 =	vld [tilespmem:s14+$0x40];
	[tilespmem:s13+$0xFFFFFF30] =	vst v2;
	v1 =	vmul.f32 v5, v1  }
0xc4: {  	v2 =	vld [tilespmem:s14+$0xFFFFFF40]  }
0xc5: {  	[tilespmem:s13+$0xC0] =	vst v1;
	v1 =	vld [tilespmem:s13+$0xD0]  }
0xc6: {  	v4 =	vmul.f32 v6, v4;
	v5 =	vld [tilespmem:s14+$0xD0]  }
0xc7: {  	v6 =	vld [tilespmem:s13+$0xFFFFFF50]  }
0xc8: {  	[tilespmem:s13+$0xFFFFFFC0] =	vst v4;
	v3 =	vmul.f32 v7, v3;
	v4 =	vld [tilespmem:s13+$0xFFFFFFD0]  }
0xc9: {  	v7 =	vld [tilespmem:s14+$0xFFFFFFD0];
	v2 =	vmul.f32 v2, v8  }
0xca: {  	[tilespmem:s13+$0x40] =	vst v3;
	v3 =	vld [tilespmem:s13+$0x50]  }
0xcb: {  	v8 =	vld [tilespmem:s14+$0x50];
	[tilespmem:s13+$0xFFFFFF40] =	vst v2;
	v1 =	vmul.f32 v5, v1  }
0xcc: {  	v2 =	vld [tilespmem:s14+$0xFFFFFF50]  }
0xcd: {  	[tilespmem:s13+$0xD0] =	vst v1;
	v1 =	vld [tilespmem:s13+$0xE0]  }
0xce: {  	v4 =	vmul.f32 v7, v4;
	v5 =	vld [tilespmem:s14+$0xE0]  }
0xcf: {  	v7 =	vld [tilespmem:s13+$0xFFFFFF60]  }
0xd0: {  	[tilespmem:s13+$0xFFFFFFD0] =	vst v4;
	v3 =	vmul.f32 v8, v3;
	v4 =	vld [tilespmem:s13+$0xFFFFFFE0]  }
0xd1: {  	v8 =	vld [tilespmem:s14+$0xFFFFFFE0];
	v2 =	vmul.f32 v2, v6  }
0xd2: {  	[tilespmem:s13+$0x50] =	vst v3;
	v3 =	vld [tilespmem:s13+$0x60]  }
0xd3: {  	v6 =	vld [tilespmem:s14+$0x60];
	[tilespmem:s13+$0xFFFFFF50] =	vst v2;
	v1 =	vmul.f32 v5, v1  }
0xd4: {  	v5 =	vld [tilespmem:s14+$0xFFFFFF60]  }
0xd5: {  	v9 =	vld [tilespmem:s13+$0xF0];
	[tilespmem:s13+$0xE0] =	vst v1  }
0xd6: {  	v2 =	vmul.f32 v8, v4;
	v8 =	vld [tilespmem:s14+$0xF0]  }
0xd7: {  	v1 =	vld [tilespmem:s13+$0xFFFFFF70]  }
0xd8: {  	[tilespmem:s13+$0xFFFFFFE0] =	vst v2;
	v3 =	vmul.f32 v6, v3;
	v2 =	vld [tilespmem:s13+$0xFFFFFFF0]  }
0xd9: {  	v4 =	vld [tilespmem:s14+$0xFFFFFFF0];
	v5 =	vmul.f32 v5, v7  }
0xda: {  	[tilespmem:s13+$0x60] =	vst v3;
	v3 =	vld [tilespmem:s13+$0x70]  }
0xdb: {  	[tilespmem:s13+$0xFFFFFF60] =	vst v5;
	v5 =	vld [tilespmem:s14+$0x70];
	v7 =	vmul.f32 v8, v9  }
0xdc: {  	s15 =	simm.s32 $0x0;
	s16 =	simm.s32 $0x2B80;
	v6 =	vld [tilespmem:s14+$0xFFFFFF70]  }
.LBB2_5:
0xdd: {  	v8 =	vld [tilespmem:s16+$0x80];
	[tilespmem:s13+$0xF0] =	vst v7;
	s14 =	sadd.s32 $0x200, s14  }
0xde: {  	s15 =	sadd.s32 $0x4, s15;
	v7 =	vld [tilespmem:s14+$0x80];
	v2 =	vmul.f32 v4, v2  }
0xdf: {  	p0 =	slt.u32 s15, $0x3C;
	v4 =	vld [tilespmem:s14+$0xFFFFFF00]  }
0xe0: {  	v9 =	vld [tilespmem:s16+$0xFFFFFF80];
	[tilespmem:s13+$0xFFFFFFF0] =	vst v2;
	v2 =	vmul.f32 v5, v3  }
0xe1: {  	v3 =	vld [tilespmem:s14+$0xFFFFFF80];
	v1 =	vmul.f32 v6, v1  }
0xe2: {  	v5 =	vld [tilespmem:s16+$0x0];
	[tilespmem:s13+$0x70] =	vst v2  }
0xe3: {  	v2 =	vld [tilespmem:s14+$0x0];
	v6 =	vmul.f32 v7, v8;
	[tilespmem:s13+$0xFFFFFF70] =	vst v1;
	s13 =	smov.u32 s16  }
0xe4: {  	v1 =	vld [tilespmem:s16+$0xFFFFFF00]  }
0xe5: {  	[tilespmem:s16+$0x80] =	vst v6;
	v6 =	vld [tilespmem:s16+$0x90]  }
0xe6: {  	v3 =	vmul.f32 v3, v9;
	v7 =	vld [tilespmem:s14+$0x90]  }
0xe7: {  	v8 =	vld [tilespmem:s16+$0xFFFFFF10]  }
0xe8: {  	[tilespmem:s16+$0xFFFFFF80] =	vst v3;
	v3 =	vld [tilespmem:s16+$0xFFFFFF90];
	v2 =	vmul.f32 v2, v5  }
0xe9: {  	v1 =	vmul.f32 v4, v1;
	v4 =	vld [tilespmem:s14+$0xFFFFFF90]  }
0xea: {  	[tilespmem:s16+$0x0] =	vst v2;
	v2 =	vld [tilespmem:s16+$0x10]  }
0xeb: {  	[tilespmem:s16+$0xFFFFFF00] =	vst v1;
	v1 =	vld [tilespmem:s14+$0x10];
	v5 =	vmul.f32 v7, v6  }
0xec: {  	v6 =	vld [tilespmem:s14+$0xFFFFFF10]  }
0xed: {  	[tilespmem:s16+$0x90] =	vst v5;
	v5 =	vld [tilespmem:s16+$0xA0]  }
0xee: {  	v3 =	vmul.f32 v4, v3;
	v4 =	vld [tilespmem:s14+$0xA0]  }
0xef: {  	v7 =	vld [tilespmem:s16+$0xFFFFFF20]  }
0xf0: {  	[tilespmem:s16+$0xFFFFFF90] =	vst v3;
	v3 =	vld [tilespmem:s16+$0xFFFFFFA0];
	v1 =	vmul.f32 v1, v2  }
0xf1: {  	v2 =	vmul.f32 v6, v8;
	v6 =	vld [tilespmem:s14+$0xFFFFFFA0]  }
0xf2: {  	[tilespmem:s16+$0x10] =	vst v1;
	v1 =	vld [tilespmem:s16+$0x20]  }
0xf3: {  	[tilespmem:s16+$0xFFFFFF10] =	vst v2;
	v2 =	vld [tilespmem:s14+$0x20];
	v4 =	vmul.f32 v4, v5  }
0xf4: {  	v5 =	vld [tilespmem:s14+$0xFFFFFF20]  }
0xf5: {  	[tilespmem:s16+$0xA0] =	vst v4;
	v4 =	vld [tilespmem:s16+$0xB0]  }
0xf6: {  	v3 =	vmul.f32 v6, v3;
	v6 =	vld [tilespmem:s14+$0xB0]  }
0xf7: {  	v8 =	vld [tilespmem:s16+$0xFFFFFF30]  }
0xf8: {  	[tilespmem:s16+$0xFFFFFFA0] =	vst v3;
	v3 =	vld [tilespmem:s16+$0xFFFFFFB0];
	v1 =	vmul.f32 v2, v1  }
0xf9: {  	v2 =	vmul.f32 v5, v7;
	v5 =	vld [tilespmem:s14+$0xFFFFFFB0]  }
0xfa: {  	[tilespmem:s16+$0x20] =	vst v1;
	v1 =	vld [tilespmem:s16+$0x30]  }
0xfb: {  	[tilespmem:s16+$0xFFFFFF20] =	vst v2;
	v2 =	vld [tilespmem:s14+$0x30];
	v4 =	vmul.f32 v6, v4  }
0xfc: {  	v6 =	vld [tilespmem:s14+$0xFFFFFF30]  }
0xfd: {  	[tilespmem:s16+$0xB0] =	vst v4;
	v4 =	vld [tilespmem:s16+$0xC0]  }
0xfe: {  	v3 =	vmul.f32 v5, v3;
	v5 =	vld [tilespmem:s14+$0xC0]  }
0xff: {  	v7 =	vld [tilespmem:s16+$0xFFFFFF40]  }
0x100: {  	[tilespmem:s16+$0xFFFFFFB0] =	vst v3;
	v3 =	vld [tilespmem:s16+$0xFFFFFFC0];
	v1 =	vmul.f32 v2, v1  }
0x101: {  	v2 =	vmul.f32 v6, v8;
	v6 =	vld [tilespmem:s14+$0xFFFFFFC0]  }
0x102: {  	[tilespmem:s16+$0x30] =	vst v1;
	v1 =	vld [tilespmem:s16+$0x40]  }
0x103: {  	[tilespmem:s16+$0xFFFFFF30] =	vst v2;
	v2 =	vld [tilespmem:s14+$0x40];
	v4 =	vmul.f32 v5, v4  }
0x104: {  	v5 =	vld [tilespmem:s14+$0xFFFFFF40]  }
0x105: {  	[tilespmem:s16+$0xC0] =	vst v4;
	v4 =	vld [tilespmem:s16+$0xD0]  }
0x106: {  	v3 =	vmul.f32 v6, v3;
	v6 =	vld [tilespmem:s14+$0xD0]  }
0x107: {  	v8 =	vld [tilespmem:s16+$0xFFFFFF50]  }
0x108: {  	[tilespmem:s16+$0xFFFFFFC0] =	vst v3;
	v3 =	vld [tilespmem:s16+$0xFFFFFFD0];
	v1 =	vmul.f32 v2, v1  }
0x109: {  	v2 =	vmul.f32 v5, v7;
	v5 =	vld [tilespmem:s14+$0xFFFFFFD0]  }
0x10a: {  	[tilespmem:s16+$0x40] =	vst v1;
	v1 =	vld [tilespmem:s16+$0x50]  }
0x10b: {  	[tilespmem:s16+$0xFFFFFF40] =	vst v2;
	v2 =	vld [tilespmem:s14+$0x50];
	v4 =	vmul.f32 v6, v4  }
0x10c: {  	v6 =	vld [tilespmem:s14+$0xFFFFFF50]  }
0x10d: {  	[tilespmem:s16+$0xD0] =	vst v4;
	v4 =	vld [tilespmem:s16+$0xE0]  }
0x10e: {  	v3 =	vmul.f32 v5, v3;
	v5 =	vld [tilespmem:s14+$0xE0]  }
0x10f: {  	v7 =	vld [tilespmem:s16+$0xFFFFFF60]  }
0x110: {  	[tilespmem:s16+$0xFFFFFFD0] =	vst v3;
	v3 =	vld [tilespmem:s16+$0xFFFFFFE0];
	v1 =	vmul.f32 v2, v1  }
0x111: {  	v2 =	vmul.f32 v6, v8;
	v6 =	vld [tilespmem:s14+$0xFFFFFFE0]  }
0x112: {  	[tilespmem:s16+$0x50] =	vst v1;
	v8 =	vld [tilespmem:s16+$0x60]  }
0x113: {  	[tilespmem:s16+$0xFFFFFF50] =	vst v2;
	v9 =	vld [tilespmem:s14+$0x60];
	v1 =	vmul.f32 v5, v4  }
0x114: {  	v4 =	vld [tilespmem:s14+$0xFFFFFF60]  }
0x115: {  	[tilespmem:s16+$0xE0] =	vst v1;
	v10 =	vld [tilespmem:s16+$0xF0]  }
0x116: {  	v2 =	vmul.f32 v6, v3;
	v6 =	vld [tilespmem:s14+$0xF0]  }
0x117: {  	v1 =	vld [tilespmem:s16+$0xFFFFFF70]  }
.Ltmp1:
0x118: {  	[tilespmem:s16+$0xFFFFFFE0] =	vst v2;
	v2 =	vld [tilespmem:s16+$0xFFFFFFF0];
	v3 =	vmul.f32 v9, v8;
	(pc) =	sbr.rel @p0 .LBB2_5-.Ltmp1, $4  }
0x119: {  	v5 =	vmul.f32 v4, v7;
	v4 =	vld [tilespmem:s14+$0xFFFFFFF0]  }
0x11a: {  	[tilespmem:s16+$0x60] =	vst v3;
	v3 =	vld [tilespmem:s16+$0x70]  }
0x11b: {  	[tilespmem:s16+$0xFFFFFF60] =	vst v5;
	v5 =	vld [tilespmem:s14+$0x70];
	v7 =	vmul.f32 v6, v10  }
0x11c: {  	s16 =	sadd.s32 $0x200, s16;
	v6 =	vld [tilespmem:s14+$0xFFFFFF70]  }
0x11d: {  	_ =	sdelay $0x1  }
0x11e: {  	v2 =	vmul.f32 v4, v2  }
0x11f: {  	[tilespmem:s13+$0xF0] =	vst v7;
	v3 =	vmul.f32 v5, v3  }
0x120: {  	[tilespmem:s13+$0xFFFFFFF0] =	vst v2;
	v1 =	vmul.f32 v6, v1  }
0x121: {  	[tilespmem:s13+$0x70] =	vst v3  }
0x122: {  	[tilespmem:s13+$0xFFFFFF70] =	vst v1  }
0x123: {  	[spmem:s3] =	stream.indirect.scatter.add.f32 [tilespmem:s23], [sflag:$0x3], $0x80, s25, s26, $0xb8;
	[tilespmem:$0x1E480] =	vst v63  }
0x124: {  	_ =	swait.ge [sflag:s28], $0x40  }
0x125: {  	[sflag:s28] =	ssyncset.done $0x0  }
0x126: {  	[sflag:s28] =	ssyncadd.s32 $0xFFFFFFC0  }
0x127: {  	_ =	swait.ge [sflag:s28], $0x2000  }
0x128: {  	[sflag:s28] =	ssyncset.done $0x0  }
0x129: {  	[sflag:s28] =	ssyncadd.s32 $0xFFFFE000  }
0x12a: {  	_ =	swait.ge [sflag:s28], $0x2000  }
0x12b: {  	p0 =	sgt.u32 s11, $0x4D;
	[sflag:s28] =	ssyncset.done $0x0  }
0x12c: {  	s12 =	sadd.s32 @!p0 $0x80, s12;
	[sflag:s28] =	ssyncadd.s32 $0xFFFFE000  }
0x12d: {  	s13 =	sadd.s32 @!p0 s4, s12;
	_ =	swait.ge [sflag:s0], $0x2000  }
0x12e: {  	s15 =	simm.s32 @!p0 $0x0;
	s14 =	sshrl.u32 @!p0 s13, $0x3;
	[sflag:s0] =	ssyncset.done $0x0  }
0x12f: {  	s16 =	simm.s32 @!p0 $0x2780;
	s14 =	sadd.s32 @!p0 s6, s14;
	[sflag:s0] =	ssyncadd.s32 $0xFFFFE000  }
0x130: {  	[tilespmem:s16], [sflag:$0x1] =	stream.linear.gather @!p0 [hbm4b:s14+s15], $0x40, $0x38;
	[tilespmem:$0x1E480] =	vst v63  }
0x131: {  	s14 =	simm.s32 @!p0 $0x40;
	s16 =	simm.s32 @!p0 $0x2880  }
0x132: {  	[tilespmem:s16], [sflag:$0x1] =	stream.indirect.gather @!p0 [hbm4b:s1+s14], $0x80, s12, s14, $0xb8;
	[tilespmem:$0x1E480] =	vst v63  }
0x133: {  	s12 =	sshll.u32 @!p0 s13, $0x4  }
0x134: {  	s13 =	simm.s32 @!p0 $0x6880;
	s12 =	sadd.s32 @!p0 s7, s12  }
0x135: {  	[tilespmem:s13], [sflag:$0x1] =	stream.linear.gather @!p0 [hbm4b:s12+s15], $0x2000, $0x38;
	[tilespmem:$0x1E480] =	vst v63  }
0x136: {  	s12 =	simm.s32 $0x4A70  }
0x137: {  	s13 =	simm.s32 $0x8A70;
	v1 =	vld [tilespmem:s12+$0xFFFFFF90]  }
0x138: {  	v2 =	vld [tilespmem:s13+$0xFFFFFF90]  }
0x139: {  	v3 =	vld [tilespmem:s12+$0xFFFFFE90]  }
0x13a: {  	v4 =	vld [tilespmem:s13+$0xFFFFFE90]  }
0x13b: {  	v5 =	vld [tilespmem:s12+$0xFFFFFF10]  }
0x13c: {  	v6 =	vld [tilespmem:s13+$0xFFFFFF10]  }
0x13d: {  	v7 =	vld [tilespmem:s12+$0xFFFFFE10];
	v1 =	vmul.f32 v2, v1  }
0x13e: {  	v2 =	vld [tilespmem:s13+$0xFFFFFE10]  }
0x13f: {  	[tilespmem:s12+$0xFFFFFF90] =	vst v1;
	v1 =	vld [tilespmem:s12+$0xFFFFFFA0]  }
0x140: {  	v3 =	vmul.f32 v4, v3;
	v4 =	vld [tilespmem:s13+$0xFFFFFFA0]  }
0x141: {  	v8 =	vld [tilespmem:s12+$0xFFFFFE20]  }
0x142: {  	[tilespmem:s12+$0xFFFFFE90] =	vst v3;
	v3 =	vmul.f32 v6, v5;
	v5 =	vld [tilespmem:s12+$0xFFFFFEA0]  }
0x143: {  	v6 =	vld [tilespmem:s13+$0xFFFFFEA0];
	v2 =	vmul.f32 v2, v7  }
0x144: {  	[tilespmem:s12+$0xFFFFFF10] =	vst v3;
	v3 =	vld [tilespmem:s12+$0xFFFFFF20]  }
0x145: {  	v7 =	vld [tilespmem:s13+$0xFFFFFF20];
	[tilespmem:s12+$0xFFFFFE10] =	vst v2;
	v1 =	vmul.f32 v4, v1  }
0x146: {  	v2 =	vld [tilespmem:s13+$0xFFFFFE20]  }
0x147: {  	[tilespmem:s12+$0xFFFFFFA0] =	vst v1;
	v1 =	vld [tilespmem:s12+$0xFFFFFFB0]  }
0x148: {  	v4 =	vmul.f32 v6, v5;
	v5 =	vld [tilespmem:s13+$0xFFFFFFB0]  }
0x149: {  	v6 =	vld [tilespmem:s12+$0xFFFFFE30]  }
0x14a: {  	[tilespmem:s12+$0xFFFFFEA0] =	vst v4;
	v3 =	vmul.f32 v7, v3;
	v4 =	vld [tilespmem:s12+$0xFFFFFEB0]  }
0x14b: {  	v7 =	vld [tilespmem:s13+$0xFFFFFEB0];
	v2 =	vmul.f32 v2, v8  }
0x14c: {  	[tilespmem:s12+$0xFFFFFF20] =	vst v3;
	v3 =	vld [tilespmem:s12+$0xFFFFFF30]  }
0x14d: {  	v8 =	vld [tilespmem:s13+$0xFFFFFF30];
	[tilespmem:s12+$0xFFFFFE20] =	vst v2;
	v1 =	vmul.f32 v5, v1  }
0x14e: {  	v2 =	vld [tilespmem:s13+$0xFFFFFE30]  }
0x14f: {  	[tilespmem:s12+$0xFFFFFFB0] =	vst v1;
	v1 =	vld [tilespmem:s12+$0xFFFFFFC0]  }
0x150: {  	v4 =	vmul.f32 v7, v4;
	v5 =	vld [tilespmem:s13+$0xFFFFFFC0]  }
0x151: {  	v7 =	vld [tilespmem:s12+$0xFFFFFE40]  }
0x152: {  	[tilespmem:s12+$0xFFFFFEB0] =	vst v4;
	v3 =	vmul.f32 v8, v3;
	v4 =	vld [tilespmem:s12+$0xFFFFFEC0]  }
0x153: {  	v8 =	vld [tilespmem:s13+$0xFFFFFEC0];
	v2 =	vmul.f32 v2, v6  }
0x154: {  	[tilespmem:s12+$0xFFFFFF30] =	vst v3;
	v3 =	vld [tilespmem:s12+$0xFFFFFF40]  }
0x155: {  	v6 =	vld [tilespmem:s13+$0xFFFFFF40];
	[tilespmem:s12+$0xFFFFFE30] =	vst v2;
	v1 =	vmul.f32 v5, v1  }
0x156: {  	v2 =	vld [tilespmem:s13+$0xFFFFFE40]  }
0x157: {  	[tilespmem:s12+$0xFFFFFFC0] =	vst v1;
	v1 =	vld [tilespmem:s12+$0xFFFFFFD0]  }
0x158: {  	v4 =	vmul.f32 v8, v4;
	v5 =	vld [tilespmem:s13+$0xFFFFFFD0]  }
0x159: {  	v8 =	vld [tilespmem:s12+$0xFFFFFE50]  }
0x15a: {  	[tilespmem:s12+$0xFFFFFEC0] =	vst v4;
	v3 =	vmul.f32 v6, v3;
	v4 =	vld [tilespmem:s12+$0xFFFFFED0]  }
0x15b: {  	v6 =	vld [tilespmem:s13+$0xFFFFFED0];
	v2 =	vmul.f32 v2, v7  }
0x15c: {  	[tilespmem:s12+$0xFFFFFF40] =	vst v3;
	v3 =	vld [tilespmem:s12+$0xFFFFFF50]  }
0x15d: {  	v7 =	vld [tilespmem:s13+$0xFFFFFF50];
	[tilespmem:s12+$0xFFFFFE40] =	vst v2;
	v1 =	vmul.f32 v5, v1  }
0x15e: {  	v2 =	vld [tilespmem:s13+$0xFFFFFE50]  }
0x15f: {  	[tilespmem:s12+$0xFFFFFFD0] =	vst v1;
	v1 =	vld [tilespmem:s12+$0xFFFFFFE0]  }
0x160: {  	v4 =	vmul.f32 v6, v4;
	v5 =	vld [tilespmem:s13+$0xFFFFFFE0]  }
0x161: {  	v6 =	vld [tilespmem:s12+$0xFFFFFE60]  }
0x162: {  	[tilespmem:s12+$0xFFFFFED0] =	vst v4;
	v3 =	vmul.f32 v7, v3;
	v4 =	vld [tilespmem:s12+$0xFFFFFEE0]  }
0x163: {  	v7 =	vld [tilespmem:s13+$0xFFFFFEE0];
	v2 =	vmul.f32 v2, v8  }
0x164: {  	[tilespmem:s12+$0xFFFFFF50] =	vst v3;
	v3 =	vld [tilespmem:s12+$0xFFFFFF60]  }
0x165: {  	v8 =	vld [tilespmem:s13+$0xFFFFFF60];
	[tilespmem:s12+$0xFFFFFE50] =	vst v2;
	v1 =	vmul.f32 v5, v1  }
0x166: {  	v2 =	vld [tilespmem:s13+$0xFFFFFE60]  }
0x167: {  	[tilespmem:s12+$0xFFFFFFE0] =	vst v1;
	v1 =	vld [tilespmem:s12+$0xFFFFFFF0]  }
0x168: {  	v4 =	vmul.f32 v7, v4;
	v5 =	vld [tilespmem:s13+$0xFFFFFFF0]  }
0x169: {  	v7 =	vld [tilespmem:s12+$0xFFFFFE70]  }
0x16a: {  	[tilespmem:s12+$0xFFFFFEE0] =	vst v4;
	v3 =	vmul.f32 v8, v3;
	v4 =	vld [tilespmem:s12+$0xFFFFFEF0]  }
0x16b: {  	v8 =	vld [tilespmem:s13+$0xFFFFFEF0];
	v2 =	vmul.f32 v2, v6  }
0x16c: {  	[tilespmem:s12+$0xFFFFFF60] =	vst v3;
	v3 =	vld [tilespmem:s12+$0xFFFFFF70]  }
0x16d: {  	v6 =	vld [tilespmem:s13+$0xFFFFFF70];
	[tilespmem:s12+$0xFFFFFE60] =	vst v2;
	v1 =	vmul.f32 v5, v1  }
0x16e: {  	v5 =	vld [tilespmem:s13+$0xFFFFFE70]  }
0x16f: {  	v9 =	vld [tilespmem:s12+$0x0];
	[tilespmem:s12+$0xFFFFFFF0] =	vst v1  }
0x170: {  	v2 =	vmul.f32 v8, v4;
	v8 =	vld [tilespmem:s13+$0x0]  }
0x171: {  	v1 =	vld [tilespmem:s12+$0xFFFFFE80]  }
0x172: {  	[tilespmem:s12+$0xFFFFFEF0] =	vst v2;
	v3 =	vmul.f32 v6, v3;
	v2 =	vld [tilespmem:s12+$0xFFFFFF00]  }
0x173: {  	v4 =	vld [tilespmem:s13+$0xFFFFFF00];
	v5 =	vmul.f32 v5, v7  }
0x174: {  	[tilespmem:s12+$0xFFFFFF70] =	vst v3;
	v3 =	vld [tilespmem:s12+$0xFFFFFF80]  }
0x175: {  	[tilespmem:s12+$0xFFFFFE70] =	vst v5;
	v5 =	vld [tilespmem:s13+$0xFFFFFF80];
	v7 =	vmul.f32 v8, v9  }
0x176: {  	s14 =	simm.s32 $0x0;
	s15 =	simm.s32 $0x4C70;
	v6 =	vld [tilespmem:s13+$0xFFFFFE80]  }
.LBB2_7:
0x177: {  	v8 =	vld [tilespmem:s15+$0xFFFFFF90];
	[tilespmem:s12+$0x0] =	vst v7;
	s13 =	sadd.s32 $0x200, s13  }
0x178: {  	s14 =	sadd.s32 $0x4, s14;
	v7 =	vld [tilespmem:s13+$0xFFFFFF90];
	v2 =	vmul.f32 v4, v2  }
0x179: {  	p0 =	slt.u32 s14, $0x3C;
	v4 =	vld [tilespmem:s13+$0xFFFFFE10]  }
0x17a: {  	v9 =	vld [tilespmem:s15+$0xFFFFFE90];
	[tilespmem:s12+$0xFFFFFF00] =	vst v2;
	v2 =	vmul.f32 v5, v3  }
0x17b: {  	v3 =	vld [tilespmem:s13+$0xFFFFFE90];
	v1 =	vmul.f32 v6, v1  }
0x17c: {  	v5 =	vld [tilespmem:s15+$0xFFFFFF10];
	[tilespmem:s12+$0xFFFFFF80] =	vst v2  }
0x17d: {  	v2 =	vld [tilespmem:s13+$0xFFFFFF10];
	v6 =	vmul.f32 v7, v8;
	[tilespmem:s12+$0xFFFFFE80] =	vst v1;
	s12 =	smov.u32 s15  }
0x17e: {  	v1 =	vld [tilespmem:s15+$0xFFFFFE10]  }
0x17f: {  	[tilespmem:s15+$0xFFFFFF90] =	vst v6;
	v6 =	vld [tilespmem:s15+$0xFFFFFFA0]  }
0x180: {  	v3 =	vmul.f32 v3, v9;
	v7 =	vld [tilespmem:s13+$0xFFFFFFA0]  }
0x181: {  	v8 =	vld [tilespmem:s15+$0xFFFFFE20]  }
0x182: {  	[tilespmem:s15+$0xFFFFFE90] =	vst v3;
	v3 =	vld [tilespmem:s15+$0xFFFFFEA0];
	v2 =	vmul.f32 v2, v5  }
0x183: {  	v1 =	vmul.f32 v4, v1;
	v4 =	vld [tilespmem:s13+$0xFFFFFEA0]  }
0x184: {  	[tilespmem:s15+$0xFFFFFF10] =	vst v2;
	v2 =	vld [tilespmem:s15+$0xFFFFFF20]  }
0x185: {  	[tilespmem:s15+$0xFFFFFE10] =	vst v1;
	v1 =	vld [tilespmem:s13+$0xFFFFFF20];
	v5 =	vmul.f32 v7, v6  }
0x186: {  	v6 =	vld [tilespmem:s13+$0xFFFFFE20]  }
0x187: {  	[tilespmem:s15+$0xFFFFFFA0] =	vst v5;
	v5 =	vld [tilespmem:s15+$0xFFFFFFB0]  }
0x188: {  	v3 =	vmul.f32 v4, v3;
	v4 =	vld [tilespmem:s13+$0xFFFFFFB0]  }
0x189: {  	v7 =	vld [tilespmem:s15+$0xFFFFFE30]  }
0x18a: {  	[tilespmem:s15+$0xFFFFFEA0] =	vst v3;
	v3 =	vld [tilespmem:s15+$0xFFFFFEB0];
	v1 =	vmul.f32 v1, v2  }
0x18b: {  	v2 =	vmul.f32 v6, v8;
	v6 =	vld [tilespmem:s13+$0xFFFFFEB0]  }
0x18c: {  	[tilespmem:s15+$0xFFFFFF20] =	vst v1;
	v1 =	vld [tilespmem:s15+$0xFFFFFF30]  }
0x18d: {  	[tilespmem:s15+$0xFFFFFE20] =	vst v2;
	v2 =	vld [tilespmem:s13+$0xFFFFFF30];
	v4 =	vmul.f32 v4, v5  }
0x18e: {  	v5 =	vld [tilespmem:s13+$0xFFFFFE30]  }
0x18f: {  	[tilespmem:s15+$0xFFFFFFB0] =	vst v4;
	v4 =	vld [tilespmem:s15+$0xFFFFFFC0]  }
0x190: {  	v3 =	vmul.f32 v6, v3;
	v6 =	vld [tilespmem:s13+$0xFFFFFFC0]  }
0x191: {  	v8 =	vld [tilespmem:s15+$0xFFFFFE40]  }
0x192: {  	[tilespmem:s15+$0xFFFFFEB0] =	vst v3;
	v3 =	vld [tilespmem:s15+$0xFFFFFEC0];
	v1 =	vmul.f32 v2, v1  }
0x193: {  	v2 =	vmul.f32 v5, v7;
	v5 =	vld [tilespmem:s13+$0xFFFFFEC0]  }
0x194: {  	[tilespmem:s15+$0xFFFFFF30] =	vst v1;
	v1 =	vld [tilespmem:s15+$0xFFFFFF40]  }
0x195: {  	[tilespmem:s15+$0xFFFFFE30] =	vst v2;
	v2 =	vld [tilespmem:s13+$0xFFFFFF40];
	v4 =	vmul.f32 v6, v4  }
0x196: {  	v6 =	vld [tilespmem:s13+$0xFFFFFE40]  }
0x197: {  	[tilespmem:s15+$0xFFFFFFC0] =	vst v4;
	v4 =	vld [tilespmem:s15+$0xFFFFFFD0]  }
0x198: {  	v3 =	vmul.f32 v5, v3;
	v5 =	vld [tilespmem:s13+$0xFFFFFFD0]  }
0x199: {  	v7 =	vld [tilespmem:s15+$0xFFFFFE50]  }
0x19a: {  	[tilespmem:s15+$0xFFFFFEC0] =	vst v3;
	v3 =	vld [tilespmem:s15+$0xFFFFFED0];
	v1 =	vmul.f32 v2, v1  }
0x19b: {  	v2 =	vmul.f32 v6, v8;
	v6 =	vld [tilespmem:s13+$0xFFFFFED0]  }
0x19c: {  	[tilespmem:s15+$0xFFFFFF40] =	vst v1;
	v1 =	vld [tilespmem:s15+$0xFFFFFF50]  }
0x19d: {  	[tilespmem:s15+$0xFFFFFE40] =	vst v2;
	v2 =	vld [tilespmem:s13+$0xFFFFFF50];
	v4 =	vmul.f32 v5, v4  }
0x19e: {  	v5 =	vld [tilespmem:s13+$0xFFFFFE50]  }
0x19f: {  	[tilespmem:s15+$0xFFFFFFD0] =	vst v4;
	v4 =	vld [tilespmem:s15+$0xFFFFFFE0]  }
0x1a0: {  	v3 =	vmul.f32 v6, v3;
	v6 =	vld [tilespmem:s13+$0xFFFFFFE0]  }
0x1a1: {  	v8 =	vld [tilespmem:s15+$0xFFFFFE60]  }
0x1a2: {  	[tilespmem:s15+$0xFFFFFED0] =	vst v3;
	v3 =	vld [tilespmem:s15+$0xFFFFFEE0];
	v1 =	vmul.f32 v2, v1  }
0x1a3: {  	v2 =	vmul.f32 v5, v7;
	v5 =	vld [tilespmem:s13+$0xFFFFFEE0]  }
0x1a4: {  	[tilespmem:s15+$0xFFFFFF50] =	vst v1;
	v1 =	vld [tilespmem:s15+$0xFFFFFF60]  }
0x1a5: {  	[tilespmem:s15+$0xFFFFFE50] =	vst v2;
	v2 =	vld [tilespmem:s13+$0xFFFFFF60];
	v4 =	vmul.f32 v6, v4  }
0x1a6: {  	v6 =	vld [tilespmem:s13+$0xFFFFFE60]  }
0x1a7: {  	[tilespmem:s15+$0xFFFFFFE0] =	vst v4;
	v4 =	vld [tilespmem:s15+$0xFFFFFFF0]  }
0x1a8: {  	v3 =	vmul.f32 v5, v3;
	v5 =	vld [tilespmem:s13+$0xFFFFFFF0]  }
0x1a9: {  	v7 =	vld [tilespmem:s15+$0xFFFFFE70]  }
0x1aa: {  	[tilespmem:s15+$0xFFFFFEE0] =	vst v3;
	v3 =	vld [tilespmem:s15+$0xFFFFFEF0];
	v1 =	vmul.f32 v2, v1  }
0x1ab: {  	v2 =	vmul.f32 v6, v8;
	v6 =	vld [tilespmem:s13+$0xFFFFFEF0]  }
0x1ac: {  	[tilespmem:s15+$0xFFFFFF60] =	vst v1;
	v8 =	vld [tilespmem:s15+$0xFFFFFF70]  }
0x1ad: {  	[tilespmem:s15+$0xFFFFFE60] =	vst v2;
	v9 =	vld [tilespmem:s13+$0xFFFFFF70];
	v1 =	vmul.f32 v5, v4  }
0x1ae: {  	v4 =	vld [tilespmem:s13+$0xFFFFFE70]  }
0x1af: {  	[tilespmem:s15+$0xFFFFFFF0] =	vst v1;
	v10 =	vld [tilespmem:s15+$0x0]  }
0x1b0: {  	v2 =	vmul.f32 v6, v3;
	v6 =	vld [tilespmem:s13+$0x0]  }
0x1b1: {  	v1 =	vld [tilespmem:s15+$0xFFFFFE80]  }
.Ltmp2:
0x1b2: {  	[tilespmem:s15+$0xFFFFFEF0] =	vst v2;
	v2 =	vld [tilespmem:s15+$0xFFFFFF00];
	v3 =	vmul.f32 v9, v8;
	(pc) =	sbr.rel @p0 .LBB2_7-.Ltmp2, $4  }
0x1b3: {  	v5 =	vmul.f32 v4, v7;
	v4 =	vld [tilespmem:s13+$0xFFFFFF00]  }
0x1b4: {  	[tilespmem:s15+$0xFFFFFF70] =	vst v3;
	v3 =	vld [tilespmem:s15+$0xFFFFFF80]  }
0x1b5: {  	[tilespmem:s15+$0xFFFFFE70] =	vst v5;
	v5 =	vld [tilespmem:s13+$0xFFFFFF80];
	v7 =	vmul.f32 v6, v10  }
0x1b6: {  	s15 =	sadd.s32 $0x200, s15;
	v6 =	vld [tilespmem:s13+$0xFFFFFE80]  }
0x1b7: {  	_ = 	snop  }
0x1b8: {  	s11 =	sadd.s32 $0x1, s11  }
0x1b9: {  	v2 =	vmul.f32 v4, v2;
	p0 =	sne.s32 s11, $0x4F  }
.Ltmp3:
0x1ba: {  	[tilespmem:s12+$0x0] =	vst v7;
	v3 =	vmul.f32 v5, v3;
	(pc) =	sbr.rel @p0 .LBB2_4-.Ltmp3, $4  }
0x1bb: {  	[tilespmem:s12+$0xFFFFFF00] =	vst v2;
	v1 =	vmul.f32 v6, v1  }
0x1bc: {  	[tilespmem:s12+$0xFFFFFF80] =	vst v3  }
0x1bd: {  	[tilespmem:s12+$0xFFFFFE80] =	vst v1  }
0x1be: {  	[spmem:s3] =	stream.indirect.scatter.add.f32 [tilespmem:s31], [sflag:$0x4], $0x80, s30, s26, $0xb8;
	[tilespmem:$0x1E480] =	vst v63  }
0x1bf: {  	_ =	swait.ge [sflag:s9], $0x2000;
	s11 =	stileid.u32  }
0x1c0: {  	s12 =	sshrl.u32 s8, $0x3;
	s10 =	sadd.s32 $0x1, s10;
	[sflag:s9] =	ssyncset.done $0x0  }
0x1c1: {  	s11 =	sshll.u32 s11, $0x6;
	p0 =	sne.s32 s10, s22;
	[sflag:s9] =	ssyncadd.s32 $0xFFFFE000  }
.Ltmp4:
0x1c2: {  	s11 =	sor.u32 $0x1C05, s11;
	[bflag:$0x0] =	sbarrier.arrive $0xFFFF;
	(pc) =	sbr.rel @p0 .LBB2_1-.Ltmp4, $4  }
0x1c3: {  	[hbm:s21], [sflag:s11] =	dma.local [spmem:s12], $0x2780  }
0x1c4: {  	_ =	swait.ge [sflag:s24], $0x2780  }
0x1c5: {  	[sflag:s24] =	ssyncset.done $0x0  }
0x1c6: {  	[sflag:s24] =	ssyncadd.s32 $0xFFFFD880  }
0x1c7: {  	_ =	sfence.sel $0x180000  }
0x1c8: {  	[bflag:$0x0] =	sbarrier.arrive $0xFFFF  }
0x1c9: {  	_ =	strace $0x90000047  }
0x1ca: {  	s0 =	stileid.u32;
	[bflag:$0x2] =	sbarrier.arrive $0xFFFF  }
0x1cb: {  	p0 =	sne.s32 s0, $0x0;
	s0 =	rddreg [dreg:$0x3]  }
0x1cc: {  	s0 =	sadd.s32 @!p0 $0x100000, s0  }
0x1cd: {  	[sflag:s0] =	ssyncadd.tile.s32 @!p0 $0x1;
	_ =	shalt  }
.Lfunc_end2:
_tile_overlayer_lowered:
.L_overlay_start_2:
0x1ce: {  	(tag) =	ssettag $0x2  }
0x1cf: {  	s0 =	rddreg [dreg:$0x0];
	s2 =	stileid.u32  }
0x1d0: {  	s1 =	rddreg [dreg:$0x1];
	p0 =	sne.s32 s2, $0x0  }
0x1d1: {  	s3 =	rddreg [dreg:$0x2];
	[bflag:$0x3] =	sbarrier.arrive $0xFFFF;
	s2 =	simm.s32 @!p0 $0x1C05  }
0x1d2: {  	[timem:s3], [sflag:s2] =	dma.local @!p0 [hbm:s0], s1  }
0x1d3: {  	s0 =	simm.s32 @!p0 $0x5  }
0x1d4: {  	_ =	swait.ge @!p0 [sflag:s0], s1  }
0x1d5: {  	s1 =	ssub.s32 @!p0 $0x0, s1;
	[sflag:s0] =	ssyncset.done @!p0 $0x0  }
0x1d6: {  	[sflag:s0] =	ssyncadd.s32 @!p0 s1  }
0x1d7: {  	[bflag:$0x3] =	sbarrier.arrive $0xFFFF  }
0x1d8: {  	_ =	shalt  }

// kernel: kernel.18.cloned.1.call-start
scs
__scs_entry_jumppad:
0x0: {  	(pc) =	sbr.rel $0x88, $3  }
0x1: {  	(tag) =	ssettag $0x0;
	lr =	simm.s32 $0x1  }
0x2: {  	[smem:$0x3F7E] =	sst lr;
	_ =	strace $0xD0000000  }
0x3: {  	_ = 	snop  }
0x4: {  	_ = 	snop  }
0x5: {  	_ = 	snop  }
0x6: {  	_ = 	snop  }
0x7: {  	_ = 	snop  }
__scs_overlays_trampoline_lowered:
0x8: {  	[smem:$0x3F8D] =	sst s0  }
0x9: {  	[smem:$0x3F8E] =	sst s1  }
0xa: {  	[smem:$0x3F8F] =	sst s2  }
0xb: {  	[smem:$0x3F90] =	sst s3  }
0xc: {  	[smem:$0x3F91] =	sst s4  }
0xd: {  	[smem:$0x3F92] =	sst s5  }
0xe: {  	[smem:$0x3F93] =	sst s6  }
0xf: {  	[smem:$0x3F94] =	sst s7  }
0x10: {  	[smem:$0x3F95] =	sst s8  }
0x11: {  	[smem:$0x3F96] =	sst s9;
	s0 =	simm.s32 @!p0 $0x0  }
0x12: {  	s1 =	sld [smem:$0x3F7C];
	s0 =	simm.s32 @p0 $0x1  }
0x13: {  	[smem:$0x3F97] =	sst s0;
	s0 =	simm.s32 @!p1 $0x0  }
0x14: {  	s2 =	sld [smem:$0x3F7B];
	s0 =	simm.s32 @p1 $0x1  }
0x15: {  	[smem:$0x3F98] =	sst s0;
	s0 =	simm.s32 @!p2 $0x0  }
0x16: {  	s3 =	sld [smem:$0x3FDB];
	s0 =	simm.s32 @p2 $0x1  }
0x17: {  	s4 =	simm.s32 $0x1BF5;
	[smem:$0x3F9A] =	sst s0  }
0x18: {  	s0 =	sld [smem:$0x3F7D];
	_ =	swait.ge [sflag:s4], $0x0  }
0x19: {  	s7 =	sld [smem:$0x3F7E]  }
0x1a: {  	s8 =	sadd.s32 $0xFFFFE003, lr  }
0x1b: {  	s9 =	sadd.s32 $0xFFFFFEF7, lr;
	s5 =	simm.s32 $0xFFFFFFFF;
	p2 =	slt.u32 s8, $0xFFFFF086  }
0x1c: {  	p1 =	slt.u32 s9, $0xF7A;
	s5 =	simm.s32 @!p2 $0x0  }
0x1d: {  	s5 =	simm.s32 @p1 $0x1;
	p0 =	seq.s32 s7, s2  }
0x1e: {  	s7 =	smul.u32 @!p0 $0xF7A, s2;
	p2 =	seq.s32 @!p0 s5, $0x0  }
0x1f: {  	s9 =	smul.u32 $0xF7A, s1;
	s8 =	simm.s32 @!p0 $0x1BF5;
	p2 =	por !p2, p0  }
0x20: {  	[sflag:s8] =	ssyncset.s32 @!p0 $0xFFFFF086;
	s6 =	sadd.s32 @!p0 s3, s7;
	s7 =	simm.s32 @!p0 $0x108  }
0x21: {  	s3 =	sadd.s32 s3, s9;
	s6 =	sadd.s32 @!p0 $0x88, s6;
	s7 =	simm.s32 @p2 $0x1082  }
0x22: {  	[simem:s7], [sflag:s8] =	dma.local @!p0 [hbm:s6], $0xF7A  }
0x23: {  	s9 =	sor.u32 $0xD0000000, s2;
	s6 =	simm.s32 $0x108;
	_ =	swait.ge @!p0 [sflag:s8], $0x0  }
0x24: {  	s3 =	sadd.s32 $0x88, s3;
	s6 =	simm.s32 @!p1 $0x1082;
	[sflag:s4] =	ssyncset.s32 $0xFFFFF086  }
0x25: {  	[simem:s6], [sflag:s4] =	dma.local [hbm:s3], $0xF7A  }
0x26: {  	[smem:$0x3F7E] =	sst s1;
	(tag) =	ssettag s2;
	_ =	strace s9  }
0x27: {  	s1 =	sld [smem:$0x3F8E]  }
0x28: {  	s2 =	sld [smem:$0x3F8F]  }
0x29: {  	s4 =	sld [smem:$0x3F91]  }
0x2a: {  	p0 =	seq.s32 s5, $0x0;
	s5 =	sld [smem:$0x3F92]  }
0x2b: {  	s6 =	sld [smem:$0x3F93]  }
0x2c: {  	s7 =	sld [smem:$0x3F94]  }
0x2d: {  	s3 =	simm.s32 $0x108;
	s8 =	sld [smem:$0x3F95]  }
0x2e: {  	s3 =	simm.s32 @!p0 $0x1082;
	s9 =	sld [smem:$0x3F96]  }
0x2f: {  	lr =	sadd.s32 s0, s3;
	s0 =	sld [smem:$0x3F8D]  }
0x30: {  	s3 =	sld [smem:$0x3F90]  }
0x31: {  	[smem:$0x3F99] =	sst s10  }
0x32: {  	s10 =	sld [smem:$0x3F97];
	_ =	sdelay $0x3  }
0x33: {  	p0 =	seq.s32 s10, $0x1;
	s10 =	sld [smem:$0x3F99];
	_ =	sdelay $0x3  }
0x34: {  	[smem:$0x3F99] =	sst s10  }
0x35: {  	s10 =	sld [smem:$0x3F98];
	_ =	sdelay $0x3  }
0x36: {  	p1 =	seq.s32 s10, $0x1;
	s10 =	sld [smem:$0x3F99];
	_ =	sdelay $0x3  }
0x37: {  	[smem:$0x3F99] =	sst s10  }
0x38: {  	s10 =	sld [smem:$0x3F9A]  }
0x39: {  	_ = 	snop;
	(pc) =	sbr.ind lr, $3  }
0x3a: {  	_ = 	snop  }
0x3b: {  	_ = 	snop  }
0x3c: {  	p2 =	seq.s32 s10, $0x1;
	s10 =	sld [smem:$0x3F99]  }
0x3d: {  	_ =	shalt  }
0x3e: {  	_ =	shalt  }
0x3f: {  	_ =	shalt  }
0x40: {  	_ =	shalt  }
0x41: {  	_ =	shalt  }
0x42: {  	_ =	shalt  }
0x43: {  	_ =	shalt  }
0x44: {  	_ =	shalt  }
0x45: {  	_ =	shalt  }
0x46: {  	_ =	shalt  }
0x47: {  	_ =	shalt  }
0x48: {  	_ =	shalt  }
0x49: {  	_ =	shalt  }
0x4a: {  	_ =	shalt  }
0x4b: {  	_ =	shalt  }
0x4c: {  	_ =	shalt  }
0x4d: {  	_ =	shalt  }
0x4e: {  	_ =	shalt  }
0x4f: {  	_ =	shalt  }
0x50: {  	_ =	shalt  }
0x51: {  	_ =	shalt  }
0x52: {  	_ =	shalt  }
0x53: {  	_ =	shalt  }
0x54: {  	_ =	shalt  }
0x55: {  	_ =	shalt  }
0x56: {  	_ =	shalt  }
0x57: {  	_ =	shalt  }
0x58: {  	_ =	shalt  }
0x59: {  	_ =	shalt  }
0x5a: {  	_ =	shalt  }
0x5b: {  	_ =	shalt  }
0x5c: {  	_ =	shalt  }
0x5d: {  	_ =	shalt  }
0x5e: {  	_ =	shalt  }
0x5f: {  	_ =	shalt  }
0x60: {  	_ =	shalt  }
0x61: {  	_ =	shalt  }
0x62: {  	_ =	shalt  }
0x63: {  	_ =	shalt  }
0x64: {  	_ =	shalt  }
0x65: {  	_ =	shalt  }
0x66: {  	_ =	shalt  }
0x67: {  	_ =	shalt  }
0x68: {  	_ =	shalt  }
0x69: {  	_ =	shalt  }
0x6a: {  	_ =	shalt  }
0x6b: {  	_ =	shalt  }
0x6c: {  	_ =	shalt  }
0x6d: {  	_ =	shalt  }
0x6e: {  	_ =	shalt  }
0x6f: {  	_ =	shalt  }
0x70: {  	_ =	shalt  }
0x71: {  	_ =	shalt  }
0x72: {  	_ =	shalt  }
0x73: {  	_ =	shalt  }
0x74: {  	_ =	shalt  }
0x75: {  	_ =	shalt  }
0x76: {  	_ =	shalt  }
0x77: {  	_ =	shalt  }
0x78: {  	_ =	shalt  }
0x79: {  	_ =	shalt  }
0x7a: {  	_ =	shalt  }
0x7b: {  	_ =	shalt  }
0x7c: {  	_ =	shalt  }
0x7d: {  	_ =	shalt  }
0x7e: {  	_ =	shalt  }
0x7f: {  	_ =	shalt  }
0x80: {  	_ =	shalt  }
0x81: {  	_ =	shalt  }
0x82: {  	_ =	shalt  }
0x83: {  	_ =	shalt  }
0x84: {  	_ =	shalt  }
0x85: {  	_ =	shalt  }
0x86: {  	_ =	shalt  }
0x87: {  	_ =	shalt  }
.Lfunc_end0:
.L_simem_size_0:
called_computation.2_lowered:
.L_overlay_start_0:
0x88: {  	s2 =	sld [smem:$0x3FD9]  }
0x89: {  	s3 =	sld [smem:$0x3FFE];
	_ =	sdelay $0x1  }
0x8a: {  	s1 =	srdreg.scid  }
0x8b: {  	s0 =	sand.u32 $0x1, s1  }
0x8c: {  	s17 =	sshll.u32 s0, $0xA;
	s2 =	sadd.s32 s3, s2  }
0x8d: {  	s2 =	sadd.s32 s2, s17  }
0x8e: {  	[smem:$0x3FA5] =	sst s2  }
0x8f: {  	_ = 	snop  }
0x90: {  	s2 =	sld [smem:$0x3FD0];
	(tm) =	ssettm $0x1  }
0x91: {  	s18 =	sld [smem:$0x3FFB];
	_ =	sdelay $0x3  }
0x92: {  	_ =	strace s18  }
0x93: {  	s3 =	sld [smem:$0x3FFC];
	_ =	sdelay $0x3  }
0x94: {  	_ =	strace s3  }
0x95: {  	s3 =	sld [smem:$0x3FFD];
	_ =	sdelay $0x3  }
0x96: {  	_ =	strace s3  }
0x97: {  	_ =	strace $0x8FFFFFFF  }
0x98: {  	s19 =	sld [smem:$0x3FDB];
	_ =	sdelay $0x1  }
0x99: {  	s4 =	simm.s32 $_scs_section_size  }
0x9a: {  	s5 =	simm.s32 $_size__tile_overlayer_lowered;
	s6 =	simm.s32 $_tile_overlayer_lowered  }
0x9b: {  	s22 =	simm.s32 $0x1BFF;
	s21 =	sshll.u32 s6, $0x1;
	s3 =	sadd.s32 s4, s19  }
0x9c: {  	s7 =	simm.s32 $0x0;
	s20 =	sshll.u32 s5, $0x1;
	s5 =	sadd.s32 s21, s3  }
0x9d: {  	[timem:s7], [sflag:s22] =	dma.local [hbm:s5], s20  }
0x9e: {  	_ =	swait.ge [sflag:s22], s20  }
0x9f: {  	s4 =	ssub.s32 $0x0, s20;
	[sflag:s22] =	ssyncset.done $0x0  }
0xa0: {  	[sflag:s22] =	ssyncadd.s32 s4;
	_ =	sdelay $0x1  }
0xa1: {  	s23 =	simm.s32 $0x1B8B  }
0xa2: {  	_ =	swait.ge [sflag:s23], $0x1  }
0xa3: {  	[sflag:s23] =	ssyncset.done $0x0  }
0xa4: {  	s25 =	simm.s32 $0x1B8E;
	s24 =	sld [smem:$0x3FFE];
	[sflag:s23] =	ssyncadd.s32 $0xFFFFFFFF  }
0xa5: {  	s26 =	simm.s32 $execute0_lowered;
	[smem:$0x3FD2] =	sst s25  }
0xa6: {  	s5 =	sshll.u32 s26, $0x1;
	_ =	strace $0x8000004C;
	[dreg:$0x1] =	wrdreg $0xFFFFFFFF  }
0xa7: {  	s28 =	simm.s32 $_size_execute0_lowered;
	s3 =	sadd.s32 s3, s5;
	[dreg:$0x0] =	wrdreg $0x0  }
0xa8: {  	s5 =	sshll.u32 s28, $0x1;
	[dreg:$0x2] =	wrdreg s3  }
0xa9: {  	[dreg:$0x3] =	wrdreg s5  }
0xaa: {  	[dreg:$0x4] =	wrdreg $0xC0  }
0xab: {  	_ =	task [dreg:s7], $0x5FFFF  }
0xac: {  	[dreg:$0x1] =	wrdreg $0xFFFFFFFF  }
0xad: {  	[dreg:$0x0] =	wrdreg $0x60  }
0xae: {  	[dreg:$0x2] =	wrdreg s2  }
0xaf: {  	[dreg:$0x3] =	wrdreg s24  }
0xb0: {  	[dreg:$0x4] =	wrdreg $0xA8800  }
0xb1: {  	[dreg:$0x5] =	wrdreg $0x9  }
0xb2: {  	_ =	task.clear_ibuf [dreg:s7], $0x6FFFF;
	_ =	strace $0x9000004C  }
0xb3: {  	s29 =	simm.s32 $0x9;
	_ =	strace $0x8000004E  }
0xb4: {  	_ =	swait.ge [sflag:s29], $0x1  }
0xb5: {  	[sflag:s29] =	ssyncadd.s32 $0xFFFFFFFF  }
0xb6: {  	_ =	strace $0x9000004E  }
0xb7: {  	_ =	sfence  }
0xb8: {  	s30 =	sld [smem:$0x0];
	_ =	sdelay $0x2  }
0xb9: {  	s31 =	sshll.u32 s1, $0xD;
	s1 =	sshrl.u32 s1, $0x2  }
0xba: {  	s3 =	sand.u32 $0x4000, s31;
	s1 =	sadd.s32 s1, s30  }
0xbb: {  	s0 =	sor.u32 s3, s0;
	s1 =	sshll.u32 s1, $0x11  }
0xbc: {  	s0 =	sor.u32 s1, s0  }
0xbd: {  	s0 =	sadd.s32 $0x8F2B, s0  }
0xbe: {  	[sflag:s0] =	ssyncadd.remote.s32 $0x1  }
0xbf: {  	_ =	sfence.sel $0xFFFF  }
0xc0: {  	[dreg:$0x0] =	wrdreg $0xFFFFFFFF;
	(pc) =	sbr.abs _section_cstart, $3  }
0xc1: {  	[dreg:$0x1] =	wrdreg $0xFFFFFFFF  }
0xc2: {  	_ =	task.clear_ibuf [dreg:s7], $0x2FFFF;
	_ =	strace $0x9FFFFFFF  }
0xc3: {  	(tm) =	ssettm $0x7FFFFFFF  }
tec
execute0_lowered:
.L_overlay_start_1:
0x0: {  	(tag) =	ssettag $0x1  }
0x1: {  	s1 =	rddreg [dreg:$0x0]  }
0x2: {  	s0 =	srdreg.scid;
	s9 =	rddreg [dreg:$0x1]  }
0x3: {  	s14 =	stileid.u32;
	s3 =	rddreg [dreg:$0x2];
	s5 =	simm.s32 $0x0  }
0x4: {  	s29 =	simm.s32 $0x1;
	s30 =	simm.s32 $0x2800;
	s11 =	smul.u32 $0x13C00, s14  }
0x5: {  	s31 =	simm.s32 $0x4880;
	s0 =	sand.u32 $0x1, s0;
	s13 =	smul.u32 $0x4F000, s14  }
0x6: {  	s28 =	simm.s32 $0x2;
	[smem:$0x7FF] =	sst s5;
	s8 =	smul.u32 $0x13C000, s0  }
0x7: {  	s6 =	sadd.s32 $0x4E9A00, s9;
	s7 =	sadd.s32 $0xEDD600, s9;
	s2 =	sshll.u32 s0, $0x4  }
0x8: {  	_ =	strace $0x8000004D;
	s16 =	sshrl.u32 s13, $0x2;
	s8 =	sadd.s32 s11, s8  }
0x9: {  	s0 =	ssub.s32 $0x2, s0;
	s11 =	sshrl.u32 s8, $0x3;
	s8 =	sadd.s32 s16, s3  }
0xa: {  	s2 =	sor.u32 s14, s2;
	s17 =	sshrl.u32 s0, $0x1;
	s18 =	sadd.s32 $0x2000, s8  }
0xb: {  	s14 =	smul.u32 $0x278, s14;
	s19 =	sadd.s32 $0x4000, s8;
	[dreg:$0x4] =	wrdreg s18  }
0xc: {  	s4 =	smul.u32 $0x2780, s2;
	s20 =	sadd.s32 $0x6000, s8;
	[dreg:$0x5] =	wrdreg s19  }
0xd: {  	s0 =	ssub.s32 s0, s17;
	s22 =	sadd.s32 $0x8000, s8;
	[dreg:$0x6] =	wrdreg s20  }
0xe: {  	s2 =	smul.u32 $0x27800, s2;
	s23 =	sadd.s32 $0xA000, s8;
	[dreg:$0x7] =	wrdreg s22  }
0xf: {  	s21 =	smin.u32 s14, $0x2500;
	s24 =	sadd.s32 $0xC000, s8;
	[dreg:$0x8] =	wrdreg s23  }
0x10: {  	s10 =	sshrl.u32 s4, $0x3;
	s25 =	sadd.s32 $0xE000, s8;
	[dreg:$0x9] =	wrdreg s24  }
0x11: {  	s26 =	sadd.s32 $0x10000, s8;
	s12 =	sadd.s32 s10, s9;
	[dreg:$0xa] =	wrdreg s25  }
0x12: {  	s9 =	sadd.s32 s11, s9;
	s11 =	sshll.u32 s21, $0x7;
	[dreg:$0xb] =	wrdreg s26  }
0x13: {  	s19 =	sadd.s32 s6, s10;
	s20 =	sadd.s32 s7, s2;
	s22 =	smax.u32 s0, $0x1  }
0x14: {  	s23 =	simm.s32 $0x2880;
	s24 =	simm.s32 $0x5;
	s25 =	simm.s32 $0x2780  }
0x15: {  	s26 =	simm.s32 $0x40;
	s2 =	simm.s32 $0x8880;
	s0 =	simm.s32 $0x3  }
0x16: {  	s10 =	simm.s32 $0x0;
	s11 =	sadd.s32 s11, s3;
	s18 =	sadd.s32 $0x4F3800, s12  }
0x17: {  	v0 =	vimm.f32 $0.0e+00;
	s21 =	sadd.s32 $0x7D000, s9;
	s9 =	simm.s32 $0x4;
	s17 =	sadd.s32 $0x12000, s11  }
.LBB2_1:
0x18: {  	s11 =	simm.s32 $0x2980  }
0x19: {  	[tilespmem:s11+$0xFFFFFF00] =	vst v0  }
0x1a: {  	[tilespmem:s11+$0xF0] =	vst v0  }
0x1b: {  	[tilespmem:s11+$0xE0] =	vst v0  }
0x1c: {  	[tilespmem:s11+$0xD0] =	vst v0  }
0x1d: {  	[tilespmem:s11+$0xC0] =	vst v0  }
0x1e: {  	[tilespmem:s11+$0xB0] =	vst v0  }
0x1f: {  	[tilespmem:s11+$0xA0] =	vst v0  }
0x20: {  	[tilespmem:s11+$0x90] =	vst v0  }
0x21: {  	[tilespmem:s11+$0x80] =	vst v0  }
0x22: {  	[tilespmem:s11+$0x70] =	vst v0  }
0x23: {  	[tilespmem:s11+$0x60] =	vst v0  }
0x24: {  	[tilespmem:s11+$0x50] =	vst v0  }
0x25: {  	[tilespmem:s11+$0x40] =	vst v0  }
0x26: {  	[tilespmem:s11+$0x30] =	vst v0  }
0x27: {  	[tilespmem:s11+$0x20] =	vst v0  }
0x28: {  	[tilespmem:s11+$0x10] =	vst v0  }
0x29: {  	[tilespmem:s11+$0x0] =	vst v0  }
0x2a: {  	[tilespmem:s11+$0xFFFFFFF0] =	vst v0  }
0x2b: {  	[tilespmem:s11+$0xFFFFFFE0] =	vst v0  }
0x2c: {  	[tilespmem:s11+$0xFFFFFFD0] =	vst v0  }
0x2d: {  	[tilespmem:s11+$0xFFFFFFC0] =	vst v0  }
0x2e: {  	[tilespmem:s11+$0xFFFFFFB0] =	vst v0  }
0x2f: {  	[tilespmem:s11+$0xFFFFFFA0] =	vst v0  }
0x30: {  	[tilespmem:s11+$0xFFFFFF90] =	vst v0  }
0x31: {  	[tilespmem:s11+$0xFFFFFF80] =	vst v0  }
0x32: {  	[tilespmem:s11+$0xFFFFFF70] =	vst v0  }
0x33: {  	[tilespmem:s11+$0xFFFFFF60] =	vst v0  }
0x34: {  	[tilespmem:s11+$0xFFFFFF50] =	vst v0  }
0x35: {  	[tilespmem:s11+$0xFFFFFF40] =	vst v0  }
0x36: {  	[tilespmem:s11+$0xFFFFFF30] =	vst v0  }
0x37: {  	s12 =	simm.s32 $0x0;
	[tilespmem:s11+$0xFFFFFF20] =	vst v0  }
.LBB2_2:
0x38: {  	s12 =	sadd.s32 $0x4, s12;
	[tilespmem:s11+$0xFFFFFF10] =	vst v0;
	s11 =	sadd.s32 $0x200, s11  }
0x39: {  	[tilespmem:s11+$0xFFFFFF00] =	vst v0;
	p0 =	slt.u32 s12, $0x3C  }
0x3a: {  	[tilespmem:s11+$0xF0] =	vst v0  }
0x3b: {  	[tilespmem:s11+$0xE0] =	vst v0  }
0x3c: {  	[tilespmem:s11+$0xD0] =	vst v0  }
0x3d: {  	[tilespmem:s11+$0xC0] =	vst v0  }
0x3e: {  	[tilespmem:s11+$0xB0] =	vst v0  }
0x3f: {  	[tilespmem:s11+$0xA0] =	vst v0  }
0x40: {  	[tilespmem:s11+$0x90] =	vst v0  }
0x41: {  	[tilespmem:s11+$0x80] =	vst v0  }
0x42: {  	[tilespmem:s11+$0x70] =	vst v0  }
0x43: {  	[tilespmem:s11+$0x60] =	vst v0  }
0x44: {  	[tilespmem:s11+$0x50] =	vst v0  }
0x45: {  	[tilespmem:s11+$0x40] =	vst v0  }
0x46: {  	[tilespmem:s11+$0x30] =	vst v0  }
0x47: {  	[tilespmem:s11+$0x20] =	vst v0  }
0x48: {  	[tilespmem:s11+$0x10] =	vst v0  }
0x49: {  	[tilespmem:s11+$0x0] =	vst v0  }
0x4a: {  	[tilespmem:s11+$0xFFFFFFF0] =	vst v0  }
0x4b: {  	[tilespmem:s11+$0xFFFFFFE0] =	vst v0  }
0x4c: {  	[tilespmem:s11+$0xFFFFFFD0] =	vst v0  }
0x4d: {  	[tilespmem:s11+$0xFFFFFFC0] =	vst v0  }
0x4e: {  	[tilespmem:s11+$0xFFFFFFB0] =	vst v0  }
0x4f: {  	[tilespmem:s11+$0xFFFFFFA0] =	vst v0  }
0x50: {  	[tilespmem:s11+$0xFFFFFF90] =	vst v0  }
0x51: {  	[tilespmem:s11+$0xFFFFFF80] =	vst v0  }
0x52: {  	[tilespmem:s11+$0xFFFFFF70] =	vst v0  }
.Ltmp0:
0x53: {  	[tilespmem:s11+$0xFFFFFF60] =	vst v0;
	(pc) =	sbr.rel @p0 .LBB2_2-.Ltmp0, $4  }
0x54: {  	[tilespmem:s11+$0xFFFFFF50] =	vst v0  }
0x55: {  	[tilespmem:s11+$0xFFFFFF40] =	vst v0  }
0x56: {  	[tilespmem:s11+$0xFFFFFF30] =	vst v0  }
0x57: {  	[tilespmem:s11+$0xFFFFFF20] =	vst v0  }
0x58: {  	[tilespmem:s11+$0xFFFFFF10] =	vst v0  }
0x59: {  	[spmem:s8] =	stream.linear.scatter [tilespmem:s23], [sflag:$0x5], $0x2000, $0x38;
	[tilespmem:$0x1E480] =	vst v63  }
0x5a: {  	_ =	swait.ge [sflag:s24], $0x2000  }
0x5b: {  	[sflag:s24] =	ssyncset.done $0x0  }
0x5c: {  	s14 =	rddreg [dreg:$0x4];
	[sflag:s24] =	ssyncadd.s32 $0xFFFFE000  }
0x5d: {  	[spmem:s14] =	stream.linear.scatter [tilespmem:s23], [sflag:$0x5], $0x2000, $0x38;
	[tilespmem:$0x1E480] =	vst v63  }
0x5e: {  	_ =	swait.ge [sflag:s24], $0x2000  }
0x5f: {  	[sflag:s24] =	ssyncset.done $0x0  }
0x60: {  	s15 =	rddreg [dreg:$0x5];
	[sflag:s24] =	ssyncadd.s32 $0xFFFFE000  }
0x61: {  	[spmem:s15] =	stream.linear.scatter [tilespmem:s23], [sflag:$0x5], $0x2000, $0x38;
	[tilespmem:$0x1E480] =	vst v63  }
0x62: {  	_ =	swait.ge [sflag:s24], $0x2000  }
0x63: {  	[sflag:s24] =	ssyncset.done $0x0  }
0x64: {  	s16 =	rddreg [dreg:$0x6];
	[sflag:s24] =	ssyncadd.s32 $0xFFFFE000  }
0x65: {  	[spmem:s16] =	stream.linear.scatter [tilespmem:s23], [sflag:$0x5], $0x2000, $0x38;
	[tilespmem:$0x1E480] =	vst v63  }
0x66: {  	_ =	swait.ge [sflag:s24], $0x2000  }
0x67: {  	[sflag:s24] =	ssyncset.done $0x0  }
0x68: {  	s12 =	rddreg [dreg:$0x7];
	[sflag:s24] =	ssyncadd.s32 $0xFFFFE000  }
0x69: {  	[spmem:s12] =	stream.linear.scatter [tilespmem:s23], [sflag:$0x5], $0x2000, $0x38;
	[tilespmem:$0x1E480] =	vst v63  }
0x6a: {  	_ =	swait.ge [sflag:s24], $0x2000  }
0x6b: {  	[sflag:s24] =	ssyncset.done $0x0  }
0x6c: {  	s13 =	rddreg [dreg:$0x8];
	[sflag:s24] =	ssyncadd.s32 $0xFFFFE000  }
0x6d: {  	[spmem:s13] =	stream.linear.scatter [tilespmem:s23], [sflag:$0x5], $0x2000, $0x38;
	[tilespmem:$0x1E480] =	vst v63  }
0x6e: {  	_ =	swait.ge [sflag:s24], $0x2000  }
0x6f: {  	[sflag:s24] =	ssyncset.done $0x0  }
0x70: {  	s14 =	rddreg [dreg:$0x9];
	[sflag:s24] =	ssyncadd.s32 $0xFFFFE000  }
0x71: {  	[spmem:s14] =	stream.linear.scatter [tilespmem:s23], [sflag:$0x5], $0x2000, $0x38;
	[tilespmem:$0x1E480] =	vst v63  }
0x72: {  	_ =	swait.ge [sflag:s24], $0x2000  }
0x73: {  	[sflag:s24] =	ssyncset.done $0x0  }
0x74: {  	s15 =	rddreg [dreg:$0xa];
	[sflag:s24] =	ssyncadd.s32 $0xFFFFE000  }
0x75: {  	[spmem:s15] =	stream.linear.scatter [tilespmem:s23], [sflag:$0x5], $0x2000, $0x38;
	[tilespmem:$0x1E480] =	vst v63  }
0x76: {  	_ =	swait.ge [sflag:s24], $0x2000  }
0x77: {  	[sflag:s24] =	ssyncset.done $0x0  }
0x78: {  	s16 =	rddreg [dreg:$0xb];
	[sflag:s24] =	ssyncadd.s32 $0xFFFFE000  }
0x79: {  	[spmem:s16] =	stream.linear.scatter [tilespmem:s23], [sflag:$0x5], $0x2000, $0x38;
	[tilespmem:$0x1E480] =	vst v63  }
0x7a: {  	_ =	swait.ge [sflag:s24], $0x2000  }
0x7b: {  	[sflag:s24] =	ssyncset.done $0x0  }
0x7c: {  	[sflag:s24] =	ssyncadd.s32 $0xFFFFE000  }
0x7d: {  	[spmem:s17] =	stream.linear.scatter [tilespmem:s23], [sflag:$0x5], $0x2000, $0x38;
	[tilespmem:$0x1E480] =	vst v63  }
0x7e: {  	_ =	swait.ge [sflag:s24], $0x2000  }
0x7f: {  	[sflag:s24] =	ssyncset.done $0x0  }
0x80: {  	[sflag:s24] =	ssyncadd.s32 $0xFFFFE000  }
0x81: {  	s11 =	simm.s32 $0x0;
	[bflag:$0x0] =	sbarrier.arrive $0xFFFF  }
0x82: {  	[tilespmem:s11], [sflag:$0x5] =	stream.linear.gather [hbm4b:s18+s11], $0x2780, $0x38;
	[tilespmem:$0x1E480] =	vst v63  }
0x83: {  	_ =	swait.ge [sflag:s24], $0x2780  }
0x84: {  	[sflag:s24] =	ssyncset.done $0x0  }
0x85: {  	[sflag:s24] =	ssyncadd.s32 $0xFFFFD880  }
0x86: {  	[tilespmem:s25], [sflag:$0x1] =	stream.linear.gather [hbm4b:s19+s11], $0x40, $0x38;
	[tilespmem:$0x1E480] =	vst v63  }
0x87: {  	_ = 	snop  }
0x88: {  	[tilespmem:s23], [sflag:$0x1] =	stream.indirect.gather [hbm4b:s1+s26], $0x80, s11, s26, $0xb8;
	[tilespmem:$0x1E480] =	vst v63  }
0x89: {  	s12 =	simm.s32 $0x6880  }
0x8a: {  	[tilespmem:s12], [sflag:$0x1] =	stream.linear.gather [hbm4b:s20+s11], $0x2000, $0x38;
	[tilespmem:$0x1E480] =	vst v63  }
.LBB2_4:
0x8b: {  	_ =	swait.ge [sflag:s29], $0x40  }
0x8c: {  	[sflag:s29] =	ssyncset.done $0x0  }
0x8d: {  	[sflag:s29] =	ssyncadd.s32 $0xFFFFFFC0  }
0x8e: {  	_ =	swait.ge [sflag:s29], $0x2000  }
0x8f: {  	[sflag:s29] =	ssyncset.done $0x0  }
0x90: {  	[sflag:s29] =	ssyncadd.s32 $0xFFFFE000  }
0x91: {  	_ =	swait.ge [sflag:s29], $0x2000  }
0x92: {  	p0 =	seq.s32 s11, $0x0;
	s12 =	sshll.u32 s11, $0x7;
	[sflag:s29] =	ssyncset.done $0x0  }
0x93: {  	s13 =	simm.s32 @!p0 $0x4;
	s14 =	sor.u32 $0x40, s12;
	[sflag:s29] =	ssyncadd.s32 $0xFFFFE000  }
0x94: {  	s15 =	sadd.s32 s4, s14;
	_ =	swait.ge @!p0 [sflag:s13], $0x2000  }
0x95: {  	s16 =	sshrl.u32 s15, $0x3;
	[sflag:s13] =	ssyncset.done @!p0 $0x0  }
0x96: {  	s16 =	sadd.s32 s6, s16;
	[sflag:s13] =	ssyncadd.s32 @!p0 $0xFFFFE000  }
0x97: {  	[tilespmem:s30], [sflag:$0x2] =	stream.linear.gather [hbm4b:s16+s5], $0x40, $0x38;
	[tilespmem:$0x1E480] =	vst v63  }
0x98: {  	s16 =	sshll.u32 s15, $0x4  }
0x99: {  	[tilespmem:s31], [sflag:$0x2] =	stream.indirect.gather [hbm4b:s1+s26], $0x80, s14, s26, $0xb8;
	[tilespmem:$0x1E480] =	vst v63  }
0x9a: {  	s13 =	sadd.s32 s7, s16  }
0x9b: {  	[tilespmem:s2], [sflag:$0x2] =	stream.linear.gather [hbm4b:s13+s5], $0x2000, $0x38;
	[tilespmem:$0x1E480] =	vst v63  }
0x9c: {  	s13 =	simm.s32 $0x2980  }
0x9d: {  	s14 =	simm.s32 $0x6980;
	v1 =	vld [tilespmem:s13+$0x80]  }
0x9e: {  	v2 =	vld [tilespmem:s14+$0x80]  }
0x9f: {  	v3 =	vld [tilespmem:s13+$0xFFFFFF80]  }
0xa0: {  	v4 =	vld [tilespmem:s14+$0xFFFFFF80]  }
0xa1: {  	v5 =	vld [tilespmem:s13+$0x0]  }
0xa2: {  	v6 =	vld [tilespmem:s14+$0x0]  }
0xa3: {  	v7 =	vld [tilespmem:s13+$0xFFFFFF00];
	v1 =	vmul.f32 v2, v1  }
0xa4: {  	v2 =	vld [tilespmem:s14+$0xFFFFFF00]  }
0xa5: {  	[tilespmem:s13+$0x80] =	vst v1;
	v1 =	vld [tilespmem:s13+$0x90]  }
0xa6: {  	v3 =	vmul.f32 v4, v3;
	v4 =	vld [tilespmem:s14+$0x90]  }
0xa7: {  	v8 =	vld [tilespmem:s13+$0xFFFFFF10]  }
0xa8: {  	[tilespmem:s13+$0xFFFFFF80] =	vst v3;
	v3 =	vmul.f32 v6, v5;
	v5 =	vld [tilespmem:s13+$0xFFFFFF90]  }
0xa9: {  	v6 =	vld [tilespmem:s14+$0xFFFFFF90];
	v2 =	vmul.f32 v2, v7  }
0xaa: {  	[tilespmem:s13+$0x0] =	vst v3;
	v3 =	vld [tilespmem:s13+$0x10]  }
0xab: {  	v7 =	vld [tilespmem:s14+$0x10];
	[tilespmem:s13+$0xFFFFFF00] =	vst v2;
	v1 =	vmul.f32 v4, v1  }
0xac: {  	v2 =	vld [tilespmem:s14+$0xFFFFFF10]  }
0xad: {  	[tilespmem:s13+$0x90] =	vst v1;
	v1 =	vld [tilespmem:s13+$0xA0]  }
0xae: {  	v4 =	vmul.f32 v6, v5;
	v5 =	vld [tilespmem:s14+$0xA0]  }
0xaf: {  	v6 =	vld [tilespmem:s13+$0xFFFFFF20]  }
0xb0: {  	[tilespmem:s13+$0xFFFFFF90] =	vst v4;
	v3 =	vmul.f32 v7, v3;
	v4 =	vld [tilespmem:s13+$0xFFFFFFA0]  }
0xb1: {  	v7 =	vld [tilespmem:s14+$0xFFFFFFA0];
	v2 =	vmul.f32 v2, v8  }
0xb2: {  	[tilespmem:s13+$0x10] =	vst v3;
	v3 =	vld [tilespmem:s13+$0x20]  }
0xb3: {  	v8 =	vld [tilespmem:s14+$0x20];
	[tilespmem:s13+$0xFFFFFF10] =	vst v2;
	v1 =	vmul.f32 v5, v1  }
0xb4: {  	v2 =	vld [tilespmem:s14+$0xFFFFFF20]  }
0xb5: {  	[tilespmem:s13+$0xA0] =	vst v1;
	v1 =	vld [tilespmem:s13+$0xB0]  }
0xb6: {  	v4 =	vmul.f32 v7, v4;
	v5 =	vld [tilespmem:s14+$0xB0]  }
0xb7: {  	v7 =	vld [tilespmem:s13+$0xFFFFFF30]  }
0xb8: {  	[tilespmem:s13+$0xFFFFFFA0] =	vst v4;
	v3 =	vmul.f32 v8, v3;
	v4 =	vld [tilespmem:s13+$0xFFFFFFB0]  }
0xb9: {  	v8 =	vld [tilespmem:s14+$0xFFFFFFB0];
	v2 =	vmul.f32 v2, v6  }
0xba: {  	[tilespmem:s13+$0x20] =	vst v3;
	v3 =	vld [tilespmem:s13+$0x30]  }
0xbb: {  	v6 =	vld [tilespmem:s14+$0x30];
	[tilespmem:s13+$0xFFFFFF20] =	vst v2;
	v1 =	vmul.f32 v5, v1  }
0xbc: {  	v2 =	vld [tilespmem:s14+$0xFFFFFF30]  }
0xbd: {  	[tilespmem:s13+$0xB0] =	vst v1;
	v1 =	vld [tilespmem:s13+$0xC0]  }
0xbe: {  	v4 =	vmul.f32 v8, v4;
	v5 =	vld [tilespmem:s14+$0xC0]  }
0xbf: {  	v8 =	vld [tilespmem:s13+$0xFFFFFF40]  }
0xc0: {  	[tilespmem:s13+$0xFFFFFFB0] =	vst v4;
	v3 =	vmul.f32 v6, v3;
	v4 =	vld [tilespmem:s13+$0xFFFFFFC0]  }
0xc1: {  	v6 =	vld [tilespmem:s14+$0xFFFFFFC0];
	v2 =	vmul.f32 v2, v7  }
0xc2: {  	[tilespmem:s13+$0x30] =	vst v3;
	v3 =	vld [tilespmem:s13+$0x40]  }
0xc3: {  	v7 =	vld [tilespmem:s14+$0x40];
	[tilespmem:s13+$0xFFFFFF30] =	vst v2;
	v1 =	vmul.f32 v5, v1  }
0xc4: {  	v2 =	vld [tilespmem:s14+$0xFFFFFF40]  }
0xc5: {  	[tilespmem:s13+$0xC0] =	vst v1;
	v1 =	vld [tilespmem:s13+$0xD0]  }
0xc6: {  	v4 =	vmul.f32 v6, v4;
	v5 =	vld [tilespmem:s14+$0xD0]  }
0xc7: {  	v6 =	vld [tilespmem:s13+$0xFFFFFF50]  }
0xc8: {  	[tilespmem:s13+$0xFFFFFFC0] =	vst v4;
	v3 =	vmul.f32 v7, v3;
	v4 =	vld [tilespmem:s13+$0xFFFFFFD0]  }
0xc9: {  	v7 =	vld [tilespmem:s14+$0xFFFFFFD0];
	v2 =	vmul.f32 v2, v8  }
0xca: {  	[tilespmem:s13+$0x40] =	vst v3;
	v3 =	vld [tilespmem:s13+$0x50]  }
0xcb: {  	v8 =	vld [tilespmem:s14+$0x50];
	[tilespmem:s13+$0xFFFFFF40] =	vst v2;
	v1 =	vmul.f32 v5, v1  }
0xcc: {  	v2 =	vld [tilespmem:s14+$0xFFFFFF50]  }
0xcd: {  	[tilespmem:s13+$0xD0] =	vst v1;
	v1 =	vld [tilespmem:s13+$0xE0]  }
0xce: {  	v4 =	vmul.f32 v7, v4;
	v5 =	vld [tilespmem:s14+$0xE0]  }
0xcf: {  	v7 =	vld [tilespmem:s13+$0xFFFFFF60]  }
0xd0: {  	[tilespmem:s13+$0xFFFFFFD0] =	vst v4;
	v3 =	vmul.f32 v8, v3;
	v4 =	vld [tilespmem:s13+$0xFFFFFFE0]  }
0xd1: {  	v8 =	vld [tilespmem:s14+$0xFFFFFFE0];
	v2 =	vmul.f32 v2, v6  }
0xd2: {  	[tilespmem:s13+$0x50] =	vst v3;
	v3 =	vld [tilespmem:s13+$0x60]  }
0xd3: {  	v6 =	vld [tilespmem:s14+$0x60];
	[tilespmem:s13+$0xFFFFFF50] =	vst v2;
	v1 =	vmul.f32 v5, v1  }
0xd4: {  	v5 =	vld [tilespmem:s14+$0xFFFFFF60]  }
0xd5: {  	v9 =	vld [tilespmem:s13+$0xF0];
	[tilespmem:s13+$0xE0] =	vst v1  }
0xd6: {  	v2 =	vmul.f32 v8, v4;
	v8 =	vld [tilespmem:s14+$0xF0]  }
0xd7: {  	v1 =	vld [tilespmem:s13+$0xFFFFFF70]  }
0xd8: {  	[tilespmem:s13+$0xFFFFFFE0] =	vst v2;
	v3 =	vmul.f32 v6, v3;
	v2 =	vld [tilespmem:s13+$0xFFFFFFF0]  }
0xd9: {  	v4 =	vld [tilespmem:s14+$0xFFFFFFF0];
	v5 =	vmul.f32 v5, v7  }
0xda: {  	[tilespmem:s13+$0x60] =	vst v3;
	v3 =	vld [tilespmem:s13+$0x70]  }
0xdb: {  	[tilespmem:s13+$0xFFFFFF60] =	vst v5;
	v5 =	vld [tilespmem:s14+$0x70];
	v7 =	vmul.f32 v8, v9  }
0xdc: {  	s15 =	simm.s32 $0x0;
	s16 =	simm.s32 $0x2B80;
	v6 =	vld [tilespmem:s14+$0xFFFFFF70]  }
.LBB2_5:
0xdd: {  	v8 =	vld [tilespmem:s16+$0x80];
	[tilespmem:s13+$0xF0] =	vst v7;
	s14 =	sadd.s32 $0x200, s14  }
0xde: {  	s15 =	sadd.s32 $0x4, s15;
	v7 =	vld [tilespmem:s14+$0x80];
	v2 =	vmul.f32 v4, v2  }
0xdf: {  	p0 =	slt.u32 s15, $0x3C;
	v4 =	vld [tilespmem:s14+$0xFFFFFF00]  }
0xe0: {  	v9 =	vld [tilespmem:s16+$0xFFFFFF80];
	[tilespmem:s13+$0xFFFFFFF0] =	vst v2;
	v2 =	vmul.f32 v5, v3  }
0xe1: {  	v3 =	vld [tilespmem:s14+$0xFFFFFF80];
	v1 =	vmul.f32 v6, v1  }
0xe2: {  	v5 =	vld [tilespmem:s16+$0x0];
	[tilespmem:s13+$0x70] =	vst v2  }
0xe3: {  	v2 =	vld [tilespmem:s14+$0x0];
	v6 =	vmul.f32 v7, v8;
	[tilespmem:s13+$0xFFFFFF70] =	vst v1;
	s13 =	smov.u32 s16  }
0xe4: {  	v1 =	vld [tilespmem:s16+$0xFFFFFF00]  }
0xe5: {  	[tilespmem:s16+$0x80] =	vst v6;
	v6 =	vld [tilespmem:s16+$0x90]  }
0xe6: {  	v3 =	vmul.f32 v3, v9;
	v7 =	vld [tilespmem:s14+$0x90]  }
0xe7: {  	v8 =	vld [tilespmem:s16+$0xFFFFFF10]  }
0xe8: {  	[tilespmem:s16+$0xFFFFFF80] =	vst v3;
	v3 =	vld [tilespmem:s16+$0xFFFFFF90];
	v2 =	vmul.f32 v2, v5  }
0xe9: {  	v1 =	vmul.f32 v4, v1;
	v4 =	vld [tilespmem:s14+$0xFFFFFF90]  }
0xea: {  	[tilespmem:s16+$0x0] =	vst v2;
	v2 =	vld [tilespmem:s16+$0x10]  }
0xeb: {  	[tilespmem:s16+$0xFFFFFF00] =	vst v1;
	v1 =	vld [tilespmem:s14+$0x10];
	v5 =	vmul.f32 v7, v6  }
0xec: {  	v6 =	vld [tilespmem:s14+$0xFFFFFF10]  }
0xed: {  	[tilespmem:s16+$0x90] =	vst v5;
	v5 =	vld [tilespmem:s16+$0xA0]  }
0xee: {  	v3 =	vmul.f32 v4, v3;
	v4 =	vld [tilespmem:s14+$0xA0]  }
0xef: {  	v7 =	vld [tilespmem:s16+$0xFFFFFF20]  }
0xf0: {  	[tilespmem:s16+$0xFFFFFF90] =	vst v3;
	v3 =	vld [tilespmem:s16+$0xFFFFFFA0];
	v1 =	vmul.f32 v1, v2  }
0xf1: {  	v2 =	vmul.f32 v6, v8;
	v6 =	vld [tilespmem:s14+$0xFFFFFFA0]  }
0xf2: {  	[tilespmem:s16+$0x10] =	vst v1;
	v1 =	vld [tilespmem:s16+$0x20]  }
0xf3: {  	[tilespmem:s16+$0xFFFFFF10] =	vst v2;
	v2 =	vld [tilespmem:s14+$0x20];
	v4 =	vmul.f32 v4, v5  }
0xf4: {  	v5 =	vld [tilespmem:s14+$0xFFFFFF20]  }
0xf5: {  	[tilespmem:s16+$0xA0] =	vst v4;
	v4 =	vld [tilespmem:s16+$0xB0]  }
0xf6: {  	v3 =	vmul.f32 v6, v3;
	v6 =	vld [tilespmem:s14+$0xB0]  }
0xf7: {  	v8 =	vld [tilespmem:s16+$0xFFFFFF30]  }
0xf8: {  	[tilespmem:s16+$0xFFFFFFA0] =	vst v3;
	v3 =	vld [tilespmem:s16+$0xFFFFFFB0];
	v1 =	vmul.f32 v2, v1  }
0xf9: {  	v2 =	vmul.f32 v5, v7;
	v5 =	vld [tilespmem:s14+$0xFFFFFFB0]  }
0xfa: {  	[tilespmem:s16+$0x20] =	vst v1;
	v1 =	vld [tilespmem:s16+$0x30]  }
0xfb: {  	[tilespmem:s16+$0xFFFFFF20] =	vst v2;
	v2 =	vld [tilespmem:s14+$0x30];
	v4 =	vmul.f32 v6, v4  }
0xfc: {  	v6 =	vld [tilespmem:s14+$0xFFFFFF30]  }
0xfd: {  	[tilespmem:s16+$0xB0] =	vst v4;
	v4 =	vld [tilespmem:s16+$0xC0]  }
0xfe: {  	v3 =	vmul.f32 v5, v3;
	v5 =	vld [tilespmem:s14+$0xC0]  }
0xff: {  	v7 =	vld [tilespmem:s16+$0xFFFFFF40]  }
0x100: {  	[tilespmem:s16+$0xFFFFFFB0] =	vst v3;
	v3 =	vld [tilespmem:s16+$0xFFFFFFC0];
	v1 =	vmul.f32 v2, v1  }
0x101: {  	v2 =	vmul.f32 v6, v8;
	v6 =	vld [tilespmem:s14+$0xFFFFFFC0]  }
0x102: {  	[tilespmem:s16+$0x30] =	vst v1;
	v1 =	vld [tilespmem:s16+$0x40]  }
0x103: {  	[tilespmem:s16+$0xFFFFFF30] =	vst v2;
	v2 =	vld [tilespmem:s14+$0x40];
	v4 =	vmul.f32 v5, v4  }
0x104: {  	v5 =	vld [tilespmem:s14+$0xFFFFFF40]  }
0x105: {  	[tilespmem:s16+$0xC0] =	vst v4;
	v4 =	vld [tilespmem:s16+$0xD0]  }
0x106: {  	v3 =	vmul.f32 v6, v3;
	v6 =	vld [tilespmem:s14+$0xD0]  }
0x107: {  	v8 =	vld [tilespmem:s16+$0xFFFFFF50]  }
0x108: {  	[tilespmem:s16+$0xFFFFFFC0] =	vst v3;
	v3 =	vld [tilespmem:s16+$0xFFFFFFD0];
	v1 =	vmul.f32 v2, v1  }
0x109: {  	v2 =	vmul.f32 v5, v7;
	v5 =	vld [tilespmem:s14+$0xFFFFFFD0]  }
0x10a: {  	[tilespmem:s16+$0x40] =	vst v1;
	v1 =	vld [tilespmem:s16+$0x50]  }
0x10b: {  	[tilespmem:s16+$0xFFFFFF40] =	vst v2;
	v2 =	vld [tilespmem:s14+$0x50];
	v4 =	vmul.f32 v6, v4  }
0x10c: {  	v6 =	vld [tilespmem:s14+$0xFFFFFF50]  }
0x10d: {  	[tilespmem:s16+$0xD0] =	vst v4;
	v4 =	vld [tilespmem:s16+$0xE0]  }
0x10e: {  	v3 =	vmul.f32 v5, v3;
	v5 =	vld [tilespmem:s14+$0xE0]  }
0x10f: {  	v7 =	vld [tilespmem:s16+$0xFFFFFF60]  }
0x110: {  	[tilespmem:s16+$0xFFFFFFD0] =	vst v3;
	v3 =	vld [tilespmem:s16+$0xFFFFFFE0];
	v1 =	vmul.f32 v2, v1  }
0x111: {  	v2 =	vmul.f32 v6, v8;
	v6 =	vld [tilespmem:s14+$0xFFFFFFE0]  }
0x112: {  	[tilespmem:s16+$0x50] =	vst v1;
	v8 =	vld [tilespmem:s16+$0x60]  }
0x113: {  	[tilespmem:s16+$0xFFFFFF50] =	vst v2;
	v9 =	vld [tilespmem:s14+$0x60];
	v1 =	vmul.f32 v5, v4  }
0x114: {  	v4 =	vld [tilespmem:s14+$0xFFFFFF60]  }
0x115: {  	[tilespmem:s16+$0xE0] =	vst v1;
	v10 =	vld [tilespmem:s16+$0xF0]  }
0x116: {  	v2 =	vmul.f32 v6, v3;
	v6 =	vld [tilespmem:s14+$0xF0]  }
0x117: {  	v1 =	vld [tilespmem:s16+$0xFFFFFF70]  }
.Ltmp1:
0x118: {  	[tilespmem:s16+$0xFFFFFFE0] =	vst v2;
	v2 =	vld [tilespmem:s16+$0xFFFFFFF0];
	v3 =	vmul.f32 v9, v8;
	(pc) =	sbr.rel @p0 .LBB2_5-.Ltmp1, $4  }
0x119: {  	v5 =	vmul.f32 v4, v7;
	v4 =	vld [tilespmem:s14+$0xFFFFFFF0]  }
0x11a: {  	[tilespmem:s16+$0x60] =	vst v3;
	v3 =	vld [tilespmem:s16+$0x70]  }
0x11b: {  	[tilespmem:s16+$0xFFFFFF60] =	vst v5;
	v5 =	vld [tilespmem:s14+$0x70];
	v7 =	vmul.f32 v6, v10  }
0x11c: {  	s16 =	sadd.s32 $0x200, s16;
	v6 =	vld [tilespmem:s14+$0xFFFFFF70]  }
0x11d: {  	_ =	sdelay $0x1  }
0x11e: {  	v2 =	vmul.f32 v4, v2  }
0x11f: {  	[tilespmem:s13+$0xF0] =	vst v7;
	v3 =	vmul.f32 v5, v3  }
0x120: {  	[tilespmem:s13+$0xFFFFFFF0] =	vst v2;
	v1 =	vmul.f32 v6, v1  }
0x121: {  	[tilespmem:s13+$0x70] =	vst v3  }
0x122: {  	[tilespmem:s13+$0xFFFFFF70] =	vst v1  }
0x123: {  	[spmem:s3] =	stream.indirect.scatter.add.f32 [tilespmem:s23], [sflag:$0x3], $0x80, s25, s26, $0xb8;
	[tilespmem:$0x1E480] =	vst v63  }
0x124: {  	_ =	swait.ge [sflag:s28], $0x40  }
0x125: {  	[sflag:s28] =	ssyncset.done $0x0  }
0x126: {  	[sflag:s28] =	ssyncadd.s32 $0xFFFFFFC0  }
0x127: {  	_ =	swait.ge [sflag:s28], $0x2000  }
0x128: {  	[sflag:s28] =	ssyncset.done $0x0  }
0x129: {  	[sflag:s28] =	ssyncadd.s32 $0xFFFFE000  }
0x12a: {  	_ =	swait.ge [sflag:s28], $0x2000  }
0x12b: {  	p0 =	sgt.u32 s11, $0x4D;
	[sflag:s28] =	ssyncset.done $0x0  }
0x12c: {  	s12 =	sadd.s32 @!p0 $0x80, s12;
	[sflag:s28] =	ssyncadd.s32 $0xFFFFE000  }
0x12d: {  	s13 =	sadd.s32 @!p0 s4, s12;
	_ =	swait.ge [sflag:s0], $0x2000  }
0x12e: {  	s15 =	simm.s32 @!p0 $0x0;
	s14 =	sshrl.u32 @!p0 s13, $0x3;
	[sflag:s0] =	ssyncset.done $0x0  }
0x12f: {  	s16 =	simm.s32 @!p0 $0x2780;
	s14 =	sadd.s32 @!p0 s6, s14;
	[sflag:s0] =	ssyncadd.s32 $0xFFFFE000  }
0x130: {  	[tilespmem:s16], [sflag:$0x1] =	stream.linear.gather @!p0 [hbm4b:s14+s15], $0x40, $0x38;
	[tilespmem:$0x1E480] =	vst v63  }
0x131: {  	s14 =	simm.s32 @!p0 $0x40;
	s16 =	simm.s32 @!p0 $0x2880  }
0x132: {  	[tilespmem:s16], [sflag:$0x1] =	stream.indirect.gather @!p0 [hbm4b:s1+s14], $0x80, s12, s14, $0xb8;
	[tilespmem:$0x1E480] =	vst v63  }
0x133: {  	s12 =	sshll.u32 @!p0 s13, $0x4  }
0x134: {  	s13 =	simm.s32 @!p0 $0x6880;
	s12 =	sadd.s32 @!p0 s7, s12  }
0x135: {  	[tilespmem:s13], [sflag:$0x1] =	stream.linear.gather @!p0 [hbm4b:s12+s15], $0x2000, $0x38;
	[tilespmem:$0x1E480] =	vst v63  }
0x136: {  	s12 =	simm.s32 $0x4A70  }
0x137: {  	s13 =	simm.s32 $0x8A70;
	v1 =	vld [tilespmem:s12+$0xFFFFFF90]  }
0x138: {  	v2 =	vld [tilespmem:s13+$0xFFFFFF90]  }
0x139: {  	v3 =	vld [tilespmem:s12+$0xFFFFFE90]  }
0x13a: {  	v4 =	vld [tilespmem:s13+$0xFFFFFE90]  }
0x13b: {  	v5 =	vld [tilespmem:s12+$0xFFFFFF10]  }
0x13c: {  	v6 =	vld [tilespmem:s13+$0xFFFFFF10]  }
0x13d: {  	v7 =	vld [tilespmem:s12+$0xFFFFFE10];
	v1 =	vmul.f32 v2, v1  }
0x13e: {  	v2 =	vld [tilespmem:s13+$0xFFFFFE10]  }
0x13f: {  	[tilespmem:s12+$0xFFFFFF90] =	vst v1;
	v1 =	vld [tilespmem:s12+$0xFFFFFFA0]  }
0x140: {  	v3 =	vmul.f32 v4, v3;
	v4 =	vld [tilespmem:s13+$0xFFFFFFA0]  }
0x141: {  	v8 =	vld [tilespmem:s12+$0xFFFFFE20]  }
0x142: {  	[tilespmem:s12+$0xFFFFFE90] =	vst v3;
	v3 =	vmul.f32 v6, v5;
	v5 =	vld [tilespmem:s12+$0xFFFFFEA0]  }
0x143: {  	v6 =	vld [tilespmem:s13+$0xFFFFFEA0];
	v2 =	vmul.f32 v2, v7  }
0x144: {  	[tilespmem:s12+$0xFFFFFF10] =	vst v3;
	v3 =	vld [tilespmem:s12+$0xFFFFFF20]  }
0x145: {  	v7 =	vld [tilespmem:s13+$0xFFFFFF20];
	[tilespmem:s12+$0xFFFFFE10] =	vst v2;
	v1 =	vmul.f32 v4, v1  }
0x146: {  	v2 =	vld [tilespmem:s13+$0xFFFFFE20]  }
0x147: {  	[tilespmem:s12+$0xFFFFFFA0] =	vst v1;
	v1 =	vld [tilespmem:s12+$0xFFFFFFB0]  }
0x148: {  	v4 =	vmul.f32 v6, v5;
	v5 =	vld [tilespmem:s13+$0xFFFFFFB0]  }
0x149: {  	v6 =	vld [tilespmem:s12+$0xFFFFFE30]  }
0x14a: {  	[tilespmem:s12+$0xFFFFFEA0] =	vst v4;
	v3 =	vmul.f32 v7, v3;
	v4 =	vld [tilespmem:s12+$0xFFFFFEB0]  }
0x14b: {  	v7 =	vld [tilespmem:s13+$0xFFFFFEB0];
	v2 =	vmul.f32 v2, v8  }
0x14c: {  	[tilespmem:s12+$0xFFFFFF20] =	vst v3;
	v3 =	vld [tilespmem:s12+$0xFFFFFF30]  }
0x14d: {  	v8 =	vld [tilespmem:s13+$0xFFFFFF30];
	[tilespmem:s12+$0xFFFFFE20] =	vst v2;
	v1 =	vmul.f32 v5, v1  }
0x14e: {  	v2 =	vld [tilespmem:s13+$0xFFFFFE30]  }
0x14f: {  	[tilespmem:s12+$0xFFFFFFB0] =	vst v1;
	v1 =	vld [tilespmem:s12+$0xFFFFFFC0]  }
0x150: {  	v4 =	vmul.f32 v7, v4;
	v5 =	vld [tilespmem:s13+$0xFFFFFFC0]  }
0x151: {  	v7 =	vld [tilespmem:s12+$0xFFFFFE40]  }
0x152: {  	[tilespmem:s12+$0xFFFFFEB0] =	vst v4;
	v3 =	vmul.f32 v8, v3;
	v4 =	vld [tilespmem:s12+$0xFFFFFEC0]  }
0x153: {  	v8 =	vld [tilespmem:s13+$0xFFFFFEC0];
	v2 =	vmul.f32 v2, v6  }
0x154: {  	[tilespmem:s12+$0xFFFFFF30] =	vst v3;
	v3 =	vld [tilespmem:s12+$0xFFFFFF40]  }
0x155: {  	v6 =	vld [tilespmem:s13+$0xFFFFFF40];
	[tilespmem:s12+$0xFFFFFE30] =	vst v2;
	v1 =	vmul.f32 v5, v1  }
0x156: {  	v2 =	vld [tilespmem:s13+$0xFFFFFE40]  }
0x157: {  	[tilespmem:s12+$0xFFFFFFC0] =	vst v1;
	v1 =	vld [tilespmem:s12+$0xFFFFFFD0]  }
0x158: {  	v4 =	vmul.f32 v8, v4;
	v5 =	vld [tilespmem:s13+$0xFFFFFFD0]  }
0x159: {  	v8 =	vld [tilespmem:s12+$0xFFFFFE50]  }
0x15a: {  	[tilespmem:s12+$0xFFFFFEC0] =	vst v4;
	v3 =	vmul.f32 v6, v3;
	v4 =	vld [tilespmem:s12+$0xFFFFFED0]  }
0x15b: {  	v6 =	vld [tilespmem:s13+$0xFFFFFED0];
	v2 =	vmul.f32 v2, v7  }
0x15c: {  	[tilespmem:s12+$0xFFFFFF40] =	vst v3;
	v3 =	vld [tilespmem:s12+$0xFFFFFF50]  }
0x15d: {  	v7 =	vld [tilespmem:s13+$0xFFFFFF50];
	[tilespmem:s12+$0xFFFFFE40] =	vst v2;
	v1 =	vmul.f32 v5, v1  }
0x15e: {  	v2 =	vld [tilespmem:s13+$0xFFFFFE50]  }
0x15f: {  	[tilespmem:s12+$0xFFFFFFD0] =	vst v1;
	v1 =	vld [tilespmem:s12+$0xFFFFFFE0]  }
0x160: {  	v4 =	vmul.f32 v6, v4;
	v5 =	vld [tilespmem:s13+$0xFFFFFFE0]  }
0x161: {  	v6 =	vld [tilespmem:s12+$0xFFFFFE60]  }
0x162: {  	[tilespmem:s12+$0xFFFFFED0] =	vst v4;
	v3 =	vmul.f32 v7, v3;
	v4 =	vld [tilespmem:s12+$0xFFFFFEE0]  }
0x163: {  	v7 =	vld [tilespmem:s13+$0xFFFFFEE0];
	v2 =	vmul.f32 v2, v8  }
0x164: {  	[tilespmem:s12+$0xFFFFFF50] =	vst v3;
	v3 =	vld [tilespmem:s12+$0xFFFFFF60]  }
0x165: {  	v8 =	vld [tilespmem:s13+$0xFFFFFF60];
	[tilespmem:s12+$0xFFFFFE50] =	vst v2;
	v1 =	vmul.f32 v5, v1  }
0x166: {  	v2 =	vld [tilespmem:s13+$0xFFFFFE60]  }
0x167: {  	[tilespmem:s12+$0xFFFFFFE0] =	vst v1;
	v1 =	vld [tilespmem:s12+$0xFFFFFFF0]  }
0x168: {  	v4 =	vmul.f32 v7, v4;
	v5 =	vld [tilespmem:s13+$0xFFFFFFF0]  }
0x169: {  	v7 =	vld [tilespmem:s12+$0xFFFFFE70]  }
0x16a: {  	[tilespmem:s12+$0xFFFFFEE0] =	vst v4;
	v3 =	vmul.f32 v8, v3;
	v4 =	vld [tilespmem:s12+$0xFFFFFEF0]  }
0x16b: {  	v8 =	vld [tilespmem:s13+$0xFFFFFEF0];
	v2 =	vmul.f32 v2, v6  }
0x16c: {  	[tilespmem:s12+$0xFFFFFF60] =	vst v3;
	v3 =	vld [tilespmem:s12+$0xFFFFFF70]  }
0x16d: {  	v6 =	vld [tilespmem:s13+$0xFFFFFF70];
	[tilespmem:s12+$0xFFFFFE60] =	vst v2;
	v1 =	vmul.f32 v5, v1  }
0x16e: {  	v5 =	vld [tilespmem:s13+$0xFFFFFE70]  }
0x16f: {  	v9 =	vld [tilespmem:s12+$0x0];
	[tilespmem:s12+$0xFFFFFFF0] =	vst v1  }
0x170: {  	v2 =	vmul.f32 v8, v4;
	v8 =	vld [tilespmem:s13+$0x0]  }
0x171: {  	v1 =	vld [tilespmem:s12+$0xFFFFFE80]  }
0x172: {  	[tilespmem:s12+$0xFFFFFEF0] =	vst v2;
	v3 =	vmul.f32 v6, v3;
	v2 =	vld [tilespmem:s12+$0xFFFFFF00]  }
0x173: {  	v4 =	vld [tilespmem:s13+$0xFFFFFF00];
	v5 =	vmul.f32 v5, v7  }
0x174: {  	[tilespmem:s12+$0xFFFFFF70] =	vst v3;
	v3 =	vld [tilespmem:s12+$0xFFFFFF80]  }
0x175: {  	[tilespmem:s12+$0xFFFFFE70] =	vst v5;
	v5 =	vld [tilespmem:s13+$0xFFFFFF80];
	v7 =	vmul.f32 v8, v9  }
0x176: {  	s14 =	simm.s32 $0x0;
	s15 =	simm.s32 $0x4C70;
	v6 =	vld [tilespmem:s13+$0xFFFFFE80]  }
.LBB2_7:
0x177: {  	v8 =	vld [tilespmem:s15+$0xFFFFFF90];
	[tilespmem:s12+$0x0] =	vst v7;
	s13 =	sadd.s32 $0x200, s13  }
0x178: {  	s14 =	sadd.s32 $0x4, s14;
	v7 =	vld [tilespmem:s13+$0xFFFFFF90];
	v2 =	vmul.f32 v4, v2  }
0x179: {  	p0 =	slt.u32 s14, $0x3C;
	v4 =	vld [tilespmem:s13+$0xFFFFFE10]  }
0x17a: {  	v9 =	vld [tilespmem:s15+$0xFFFFFE90];
	[tilespmem:s12+$0xFFFFFF00] =	vst v2;
	v2 =	vmul.f32 v5, v3  }
0x17b: {  	v3 =	vld [tilespmem:s13+$0xFFFFFE90];
	v1 =	vmul.f32 v6, v1  }
0x17c: {  	v5 =	vld [tilespmem:s15+$0xFFFFFF10];
	[tilespmem:s12+$0xFFFFFF80] =	vst v2  }
0x17d: {  	v2 =	vld [tilespmem:s13+$0xFFFFFF10];
	v6 =	vmul.f32 v7, v8;
	[tilespmem:s12+$0xFFFFFE80] =	vst v1;
	s12 =	smov.u32 s15  }
0x17e: {  	v1 =	vld [tilespmem:s15+$0xFFFFFE10]  }
0x17f: {  	[tilespmem:s15+$0xFFFFFF90] =	vst v6;
	v6 =	vld [tilespmem:s15+$0xFFFFFFA0]  }
0x180: {  	v3 =	vmul.f32 v3, v9;
	v7 =	vld [tilespmem:s13+$0xFFFFFFA0]  }
0x181: {  	v8 =	vld [tilespmem:s15+$0xFFFFFE20]  }
0x182: {  	[tilespmem:s15+$0xFFFFFE90] =	vst v3;
	v3 =	vld [tilespmem:s15+$0xFFFFFEA0];
	v2 =	vmul.f32 v2, v5  }
0x183: {  	v1 =	vmul.f32 v4, v1;
	v4 =	vld [tilespmem:s13+$0xFFFFFEA0]  }
0x184: {  	[tilespmem:s15+$0xFFFFFF10] =	vst v2;
	v2 =	vld [tilespmem:s15+$0xFFFFFF20]  }
0x185: {  	[tilespmem:s15+$0xFFFFFE10] =	vst v1;
	v1 =	vld [tilespmem:s13+$0xFFFFFF20];
	v5 =	vmul.f32 v7, v6  }
0x186: {  	v6 =	vld [tilespmem:s13+$0xFFFFFE20]  }
0x187: {  	[tilespmem:s15+$0xFFFFFFA0] =	vst v5;
	v5 =	vld [tilespmem:s15+$0xFFFFFFB0]  }
0x188: {  	v3 =	vmul.f32 v4, v3;
	v4 =	vld [tilespmem:s13+$0xFFFFFFB0]  }
0x189: {  	v7 =	vld [tilespmem:s15+$0xFFFFFE30]  }
0x18a: {  	[tilespmem:s15+$0xFFFFFEA0] =	vst v3;
	v3 =	vld [tilespmem:s15+$0xFFFFFEB0];
	v1 =	vmul.f32 v1, v2  }
0x18b: {  	v2 =	vmul.f32 v6, v8;
	v6 =	vld [tilespmem:s13+$0xFFFFFEB0]  }
0x18c: {  	[tilespmem:s15+$0xFFFFFF20] =	vst v1;
	v1 =	vld [tilespmem:s15+$0xFFFFFF30]  }
0x18d: {  	[tilespmem:s15+$0xFFFFFE20] =	vst v2;
	v2 =	vld [tilespmem:s13+$0xFFFFFF30];
	v4 =	vmul.f32 v4, v5  }
0x18e: {  	v5 =	vld [tilespmem:s13+$0xFFFFFE30]  }
0x18f: {  	[tilespmem:s15+$0xFFFFFFB0] =	vst v4;
	v4 =	vld [tilespmem:s15+$0xFFFFFFC0]  }
0x190: {  	v3 =	vmul.f32 v6, v3;
	v6 =	vld [tilespmem:s13+$0xFFFFFFC0]  }
0x191: {  	v8 =	vld [tilespmem:s15+$0xFFFFFE40]  }
0x192: {  	[tilespmem:s15+$0xFFFFFEB0] =	vst v3;
	v3 =	vld [tilespmem:s15+$0xFFFFFEC0];
	v1 =	vmul.f32 v2, v1  }
0x193: {  	v2 =	vmul.f32 v5, v7;
	v5 =	vld [tilespmem:s13+$0xFFFFFEC0]  }
0x194: {  	[tilespmem:s15+$0xFFFFFF30] =	vst v1;
	v1 =	vld [tilespmem:s15+$0xFFFFFF40]  }
0x195: {  	[tilespmem:s15+$0xFFFFFE30] =	vst v2;
	v2 =	vld [tilespmem:s13+$0xFFFFFF40];
	v4 =	vmul.f32 v6, v4  }
0x196: {  	v6 =	vld [tilespmem:s13+$0xFFFFFE40]  }
0x197: {  	[tilespmem:s15+$0xFFFFFFC0] =	vst v4;
	v4 =	vld [tilespmem:s15+$0xFFFFFFD0]  }
0x198: {  	v3 =	vmul.f32 v5, v3;
	v5 =	vld [tilespmem:s13+$0xFFFFFFD0]  }
0x199: {  	v7 =	vld [tilespmem:s15+$0xFFFFFE50]  }
0x19a: {  	[tilespmem:s15+$0xFFFFFEC0] =	vst v3;
	v3 =	vld [tilespmem:s15+$0xFFFFFED0];
	v1 =	vmul.f32 v2, v1  }
0x19b: {  	v2 =	vmul.f32 v6, v8;
	v6 =	vld [tilespmem:s13+$0xFFFFFED0]  }
0x19c: {  	[tilespmem:s15+$0xFFFFFF40] =	vst v1;
	v1 =	vld [tilespmem:s15+$0xFFFFFF50]  }
0x19d: {  	[tilespmem:s15+$0xFFFFFE40] =	vst v2;
	v2 =	vld [tilespmem:s13+$0xFFFFFF50];
	v4 =	vmul.f32 v5, v4  }
0x19e: {  	v5 =	vld [tilespmem:s13+$0xFFFFFE50]  }
0x19f: {  	[tilespmem:s15+$0xFFFFFFD0] =	vst v4;
	v4 =	vld [tilespmem:s15+$0xFFFFFFE0]  }
0x1a0: {  	v3 =	vmul.f32 v6, v3;
	v6 =	vld [tilespmem:s13+$0xFFFFFFE0]  }
0x1a1: {  	v8 =	vld [tilespmem:s15+$0xFFFFFE60]  }
0x1a2: {  	[tilespmem:s15+$0xFFFFFED0] =	vst v3;
	v3 =	vld [tilespmem:s15+$0xFFFFFEE0];
	v1 =	vmul.f32 v2, v1  }
0x1a3: {  	v2 =	vmul.f32 v5, v7;
	v5 =	vld [tilespmem:s13+$0xFFFFFEE0]  }
0x1a4: {  	[tilespmem:s15+$0xFFFFFF50] =	vst v1;
	v1 =	vld [tilespmem:s15+$0xFFFFFF60]  }
0x1a5: {  	[tilespmem:s15+$0xFFFFFE50] =	vst v2;
	v2 =	vld [tilespmem:s13+$0xFFFFFF60];
	v4 =	vmul.f32 v6, v4  }
0x1a6: {  	v6 =	vld [tilespmem:s13+$0xFFFFFE60]  }
0x1a7: {  	[tilespmem:s15+$0xFFFFFFE0] =	vst v4;
	v4 =	vld [tilespmem:s15+$0xFFFFFFF0]  }
0x1a8: {  	v3 =	vmul.f32 v5, v3;
	v5 =	vld [tilespmem:s13+$0xFFFFFFF0]  }
0x1a9: {  	v7 =	vld [tilespmem:s15+$0xFFFFFE70]  }
0x1aa: {  	[tilespmem:s15+$0xFFFFFEE0] =	vst v3;
	v3 =	vld [tilespmem:s15+$0xFFFFFEF0];
	v1 =	vmul.f32 v2, v1  }
0x1ab: {  	v2 =	vmul.f32 v6, v8;
	v6 =	vld [tilespmem:s13+$0xFFFFFEF0]  }
0x1ac: {  	[tilespmem:s15+$0xFFFFFF60] =	vst v1;
	v8 =	vld [tilespmem:s15+$0xFFFFFF70]  }
0x1ad: {  	[tilespmem:s15+$0xFFFFFE60] =	vst v2;
	v9 =	vld [tilespmem:s13+$0xFFFFFF70];
	v1 =	vmul.f32 v5, v4  }
0x1ae: {  	v4 =	vld [tilespmem:s13+$0xFFFFFE70]  }
0x1af: {  	[tilespmem:s15+$0xFFFFFFF0] =	vst v1;
	v10 =	vld [tilespmem:s15+$0x0]  }
0x1b0: {  	v2 =	vmul.f32 v6, v3;
	v6 =	vld [tilespmem:s13+$0x0]  }
0x1b1: {  	v1 =	vld [tilespmem:s15+$0xFFFFFE80]  }
.Ltmp2:
0x1b2: {  	[tilespmem:s15+$0xFFFFFEF0] =	vst v2;
	v2 =	vld [tilespmem:s15+$0xFFFFFF00];
	v3 =	vmul.f32 v9, v8;
	(pc) =	sbr.rel @p0 .LBB2_7-.Ltmp2, $4  }
0x1b3: {  	v5 =	vmul.f32 v4, v7;
	v4 =	vld [tilespmem:s13+$0xFFFFFF00]  }
0x1b4: {  	[tilespmem:s15+$0xFFFFFF70] =	vst v3;
	v3 =	vld [tilespmem:s15+$0xFFFFFF80]  }
0x1b5: {  	[tilespmem:s15+$0xFFFFFE70] =	vst v5;
	v5 =	vld [tilespmem:s13+$0xFFFFFF80];
	v7 =	vmul.f32 v6, v10  }
0x1b6: {  	s15 =	sadd.s32 $0x200, s15;
	v6 =	vld [tilespmem:s13+$0xFFFFFE80]  }
0x1b7: {  	_ = 	snop  }
0x1b8: {  	s11 =	sadd.s32 $0x1, s11  }
0x1b9: {  	v2 =	vmul.f32 v4, v2;
	p0 =	sne.s32 s11, $0x4F  }
.Ltmp3:
0x1ba: {  	[tilespmem:s12+$0x0] =	vst v7;
	v3 =	vmul.f32 v5, v3;
	(pc) =	sbr.rel @p0 .LBB2_4-.Ltmp3, $4  }
0x1bb: {  	[tilespmem:s12+$0xFFFFFF00] =	vst v2;
	v1 =	vmul.f32 v6, v1  }
0x1bc: {  	[tilespmem:s12+$0xFFFFFF80] =	vst v3  }
0x1bd: {  	[tilespmem:s12+$0xFFFFFE80] =	vst v1  }
0x1be: {  	[spmem:s3] =	stream.indirect.scatter.add.f32 [tilespmem:s31], [sflag:$0x4], $0x80, s30, s26, $0xb8;
	[tilespmem:$0x1E480] =	vst v63  }
0x1bf: {  	_ =	swait.ge [sflag:s9], $0x2000;
	s11 =	stileid.u32  }
0x1c0: {  	s12 =	sshrl.u32 s8, $0x3;
	s10 =	sadd.s32 $0x1, s10;
	[sflag:s9] =	ssyncset.done $0x0  }
0x1c1: {  	s11 =	sshll.u32 s11, $0x6;
	p0 =	sne.s32 s10, s22;
	[sflag:s9] =	ssyncadd.s32 $0xFFFFE000  }
.Ltmp4:
0x1c2: {  	s11 =	sor.u32 $0x1C05, s11;
	[bflag:$0x0] =	sbarrier.arrive $0xFFFF;
	(pc) =	sbr.rel @p0 .LBB2_1-.Ltmp4, $4  }
0x1c3: {  	[hbm:s21], [sflag:s11] =	dma.local [spmem:s12], $0x2780  }
0x1c4: {  	_ =	swait.ge [sflag:s24], $0x2780  }
0x1c5: {  	[sflag:s24] =	ssyncset.done $0x0  }
0x1c6: {  	[sflag:s24] =	ssyncadd.s32 $0xFFFFD880  }
0x1c7: {  	_ =	sfence.sel $0x180000  }
0x1c8: {  	[bflag:$0x0] =	sbarrier.arrive $0xFFFF  }
0x1c9: {  	_ =	strace $0x9000004D  }
0x1ca: {  	s0 =	stileid.u32;
	[bflag:$0x2] =	sbarrier.arrive $0xFFFF  }
0x1cb: {  	p0 =	sne.s32 s0, $0x0;
	s0 =	rddreg [dreg:$0x3]  }
0x1cc: {  	s0 =	sadd.s32 @!p0 $0x100000, s0  }
0x1cd: {  	[sflag:s0] =	ssyncadd.tile.s32 @!p0 $0x1;
	_ =	shalt  }
.Lfunc_end2:
_tile_overlayer_lowered:
.L_overlay_start_2:
0x1ce: {  	(tag) =	ssettag $0x2  }
0x1cf: {  	s0 =	rddreg [dreg:$0x0];
	s2 =	stileid.u32  }
0x1d0: {  	s1 =	rddreg [dreg:$0x1];
	p0 =	sne.s32 s2, $0x0  }
0x1d1: {  	s3 =	rddreg [dreg:$0x2];
	[bflag:$0x3] =	sbarrier.arrive $0xFFFF;
	s2 =	simm.s32 @!p0 $0x1C05  }
0x1d2: {  	[timem:s3], [sflag:s2] =	dma.local @!p0 [hbm:s0], s1  }
0x1d3: {  	s0 =	simm.s32 @!p0 $0x5  }
0x1d4: {  	_ =	swait.ge @!p0 [sflag:s0], s1  }
0x1d5: {  	s1 =	ssub.s32 @!p0 $0x0, s1;
	[sflag:s0] =	ssyncset.done @!p0 $0x0  }
0x1d6: {  	[sflag:s0] =	ssyncadd.s32 @!p0 s1  }
0x1d7: {  	[bflag:$0x3] =	sbarrier.arrive $0xFFFF  }
0x1d8: {  	_ =	shalt  }

</sc_bundles>
